<compile_context>
chip_gen: v7x
topology: tpu7x:2x2x1
jax: 0.10.2.dev20260603
libtpu: 0.0.44.dev20260713+nightly
codegen_flags: <defaults>
</compile_context>

<pallas_src>
import functools

import jax
import jax.numpy as jnp
import numpy as np
from jax import lax
from jax.experimental import pallas as pl
from jax.experimental.pallas import tpu as pltpu
from jax.experimental.pallas import tpu_sc as plsc

N = 10000
E = 320000
H = 8
D = 16
HD = H * D
FW = HD + 2 * H

NC = 2
NS = 16
NW = NC * NS
EPW = E // NW
CHUNK = 80
NCHUNK = EPW // CHUNK
OUT_RPT = (N // NS) // 8 * 8

_sel = np.zeros((HD, 2 * H), dtype=np.float32)
for _j in range(2 * H):
    _sel[(_j % H) * D:((_j % H) + 1) * D, _j] = 1.0
SEL = _sel

_rex = np.zeros((2 * H, HD), dtype=np.float32)
for _h in range(H):
    _rex[_h, _h * D:(_h + 1) * D] = 1.0
REX = _rex


def _elu(x):
    return jnp.where(x > 0, x, jnp.exp(jnp.minimum(x, 0.0)) - 1.0)



BN = 1000
NB = N // BN

_full = lambda *shape: pl.BlockSpec(shape, lambda i: (0,) * len(shape))


def _dot(a, b):
    return jnp.dot(a, b, preferred_element_type=jnp.float32,
                   precision=lax.Precision.HIGHEST)


def _tc_pre_body(h_ref, w_ref, al_ref, ar_ref, sel_ref, fu_ref, td_ref):
    ft = _dot(h_ref[...], w_ref[...])
    sel = sel_ref[...]
    fu_ref[:, :HD] = ft
    fu_ref[:, HD:] = _dot(ft * al_ref[...], sel)
    td_ref[...] = _dot(ft * ar_ref[...], sel)


def _tc_pre(h, w_fc, al, ar):
    return pl.pallas_call(
        _tc_pre_body,
        grid=(NB,),
        in_specs=[
            pl.BlockSpec((BN, HD), lambda i: (i, 0)),
            _full(HD, HD),
            _full(1, HD),
            _full(1, HD),
            _full(HD, 2 * H),
        ],
        out_specs=[
            pl.BlockSpec((BN, FW), lambda i: (i, 0)),
            pl.BlockSpec((BN, 2 * H), lambda i: (i, 0)),
        ],
        out_shape=[
            jax.ShapeDtypeStruct((N, FW), jnp.float32),
            jax.ShapeDtypeStruct((N, 2 * H), jnp.float32),
        ],
    )(h, w_fc, al, ar, SEL)


def _normalize(cp_ref, rex_ref):
    acc = cp_ref[0, :, :HD] + cp_ref[1, :, :HD]
    s12 = cp_ref[0, :, HD:] + cp_ref[1, :, HD:]
    sbig = _dot(s12, rex_ref[...])
    return _elu(jnp.where(sbig > 0, acc / sbig, 0.0))


def _tc_mid_body(cp_ref, rex_ref, w_ref, al_ref, ar_ref, sel_ref,
                 fu_ref, td_ref):
    h = _normalize(cp_ref, rex_ref)
    ft = _dot(h, w_ref[...])
    sel = sel_ref[...]
    fu_ref[:, :HD] = ft
    fu_ref[:, HD:] = _dot(ft * al_ref[...], sel)
    td_ref[...] = _dot(ft * ar_ref[...], sel)


def _tc_mid(comb, w_fc, al, ar):
    return pl.pallas_call(
        _tc_mid_body,
        grid=(NB,),
        in_specs=[
            pl.BlockSpec((2, BN, FW), lambda i: (0, i, 0)),
            _full(2 * H, HD),
            _full(HD, HD),
            _full(1, HD),
            _full(1, HD),
            _full(HD, 2 * H),
        ],
        out_specs=[
            pl.BlockSpec((BN, FW), lambda i: (i, 0)),
            pl.BlockSpec((BN, 2 * H), lambda i: (i, 0)),
        ],
        out_shape=[
            jax.ShapeDtypeStruct((N, FW), jnp.float32),
            jax.ShapeDtypeStruct((N, 2 * H), jnp.float32),
        ],
    )(comb, REX, w_fc, al, ar, SEL)


def _tc_post_body(cp_ref, rex_ref, w1_ref, b1_ref, w2_ref, b2_ref,
                  w3_ref, b3_ref, out_ref, hg_ref):
    i = pl.program_id(0)
    h = _normalize(cp_ref, rex_ref)
    part = jnp.sum(h, axis=0, keepdims=True)

    @pl.when(i == 0)
    def _init():
        hg_ref[...] = part

    @pl.when(i > 0)
    def _accum():
        hg_ref[...] = hg_ref[...] + part

    @pl.when(i == NB - 1)
    def _mlp():
        hg = hg_ref[...] * (1.0 / N)
        t = jnp.maximum(_dot(hg, w1_ref[...]) + b1_ref[...], 0.0)
        t = jnp.maximum(_dot(t, w2_ref[...]) + b2_ref[...], 0.0)
        out_ref[...] = _dot(t, w3_ref[...]) + b3_ref[...]


def _tc_post(comb, w1, b1, w2, b2, w3, b3):
    return pl.pallas_call(
        _tc_post_body,
        grid=(NB,),
        in_specs=[
            pl.BlockSpec((2, BN, FW), lambda i: (0, i, 0)),
            _full(2 * H, HD),
            _full(HD, 64),
            _full(1, 64),
            _full(64, 64),
            _full(1, 64),
            _full(64, 2),
            _full(1, 2),
        ],
        out_specs=pl.BlockSpec((1, 2), lambda i: (0, 0)),
        out_shape=jax.ShapeDtypeStruct((1, 2), jnp.float32),
        scratch_shapes=[pltpu.VMEM((1, HD), jnp.float32)],
    )(comb, REX, w1, b1, w2, b2, w3, b3)



def _sc_edge_body(src_ref, dst_ref, fu_ref, td_ref,
                  comb_ref,
                  idx_s0, idx_d0, idx_s1, idx_d1, sidx0, sidx1,
                  fa0, fa1, a12d0, a12d1,
                  comb_sh, sem0, sem1, isem0, isem1, ssem0, ssem1):
    c = lax.axis_index("c")
    s = lax.axis_index("s")
    wid = c * NS + s
    base = wid * EPW

    def load_idx(j, idx_s, idx_d):
        off = base + j * CHUNK
        pltpu.sync_copy(src_ref.at[pl.ds(off, CHUNK)], idx_s)
        pltpu.sync_copy(dst_ref.at[pl.ds(off, CHUNK)], idx_d)

    def load_idx_async(j, idx_s, idx_d, isem):
        off = base + jnp.minimum(j, NCHUNK - 1) * CHUNK
        pltpu.async_copy(src_ref.at[pl.ds(off, CHUNK)], idx_s, isem)
        pltpu.async_copy(dst_ref.at[pl.ds(off, CHUNK)], idx_d, isem)

    def wait_idx(idx_s, idx_d, isem):
        pltpu.make_async_copy(src_ref.at[pl.ds(base, CHUNK)], idx_s,
                              isem).wait()
        pltpu.make_async_copy(dst_ref.at[pl.ds(base, CHUNK)], idx_d,
                              isem).wait()

    def issue(idx_s, idx_d, fa, a12d, sem):
        pltpu.async_copy(fu_ref.at[idx_s], fa, sem)
        pltpu.async_copy(td_ref.at[idx_d], a12d, sem)

    def drain(idx_s, idx_d, fa, a12d, sem):
        pltpu.make_async_copy(fu_ref.at[idx_s], fa, sem).wait()
        pltpu.make_async_copy(td_ref.at[idx_d], a12d, sem).wait()

    def compute(fa, a12d):
        @plsc.parallel_loop(0, CHUNK, step=1, unroll=4)
        def edge_body(e):
            t = fa[e, pl.ds(HD, 2 * H)] + a12d[e, :]
            w = jnp.exp(jnp.maximum(t, t * 0.2))
            fa[e, pl.ds(HD, 2 * H)] = w
            for h in range(H):
                wh = w[h]
                fa[e, pl.ds(h * D, D)] = fa[e, pl.ds(h * D, D)] * wh

    def scatter_async(idx_d, sidx, fa, ssem):
        for k in range(CHUNK // 16):
            sidx[pl.ds(k * 16, 16)] = idx_d[pl.ds(k * 16, 16)]
        pltpu.async_copy(fa, comb_sh.at[sidx], ssem, add=True)

    def wait_scatter(sidx, fa, ssem):
        pltpu.make_async_copy(fa, comb_sh.at[sidx], ssem).wait()

    buf0 = (idx_s0, idx_d0, fa0, a12d0, sem0)
    buf1 = (idx_s1, idx_d1, fa1, a12d1, sem1)

    load_idx(0, idx_s0, idx_d0)
    issue(*buf0)
    load_idx_async(1, idx_s1, idx_d1, isem1)

    zvec = jnp.zeros((D,), jnp.float32)

    @plsc.parallel_loop(0, CHUNK, step=1, unroll=4)
    def zero_body(i):
        for j in range(FW // D):
            fa1[i, pl.ds(j * D, D)] = zvec

    r0 = s * OUT_RPT
    nfull = OUT_RPT // CHUNK
    rem = OUT_RPT - nfull * CHUNK
    for j in range(nfull):
        pltpu.sync_copy(fa1, comb_sh.at[pl.ds(r0 + j * CHUNK, CHUNK)])
    pltpu.sync_copy(fa1.at[pl.ds(0, rem)],
                    comb_sh.at[pl.ds(r0 + nfull * CHUNK, rem)])

    @pl.when(s == NS - 1)
    def _zero_tail():
        t0 = NS * OUT_RPT
        pltpu.sync_copy(fa1.at[pl.ds(0, N - t0)], comb_sh.at[pl.ds(t0, N - t0)])

    plsc.subcore_barrier()

    for k in range(CHUNK // 16):
        sidx1[pl.ds(k * 16, 16)] = idx_d0[pl.ds(k * 16, 16)]
    pltpu.async_copy(fa1, comb_sh.at[sidx1], ssem1, add=True)

    def pair_body(i, _):
        j0 = 2 * i
        drain(*buf0)
        wait_idx(idx_s1, idx_d1, isem1)
        wait_scatter(sidx1, fa1, ssem1)
        issue(*buf1)
        compute(fa0, a12d0)
        scatter_async(idx_d0, sidx0, fa0, ssem0)
        load_idx_async(j0 + 2, idx_s0, idx_d0, isem0)
        drain(*buf1)
        wait_idx(idx_s0, idx_d0, isem0)
        wait_scatter(sidx0, fa0, ssem0)
        issue(*buf0)
        compute(fa1, a12d1)
        scatter_async(idx_d1, sidx1, fa1, ssem1)
        load_idx_async(j0 + 3, idx_s1, idx_d1, isem1)
        return 0

    lax.fori_loop(0, (NCHUNK - 1) // 2, pair_body, 0)
    drain(*buf0)
    wait_idx(idx_s1, idx_d1, isem1)
    wait_scatter(sidx1, fa1, ssem1)
    compute(fa0, a12d0)
    pltpu.sync_copy(fa0, comb_sh.at[idx_d0], add=True)
    plsc.subcore_barrier()

    pltpu.sync_copy(comb_sh.at[pl.ds(r0, OUT_RPT)],
                    comb_ref.at[c, pl.ds(r0, OUT_RPT)])

    @pl.when(s == NS - 1)
    def _copy_tail():
        t0 = NS * OUT_RPT
        pltpu.sync_copy(comb_sh.at[pl.ds(t0, N - t0)],
                        comb_ref.at[c, pl.ds(t0, N - t0)])


_sc_edge = pl.kernel(
    _sc_edge_body,
    out_type=jax.ShapeDtypeStruct((NC, N, FW), jnp.float32),
    mesh=plsc.VectorSubcoreMesh(core_axis_name="c", subcore_axis_name="s"),
    compiler_params=pltpu.CompilerParams(use_tc_tiling_on_sc=False),
    scratch_types=[
        pltpu.VMEM((CHUNK,), jnp.int32),
        pltpu.VMEM((CHUNK,), jnp.int32),
        pltpu.VMEM((CHUNK,), jnp.int32),
        pltpu.VMEM((CHUNK,), jnp.int32),
        pltpu.VMEM((CHUNK,), jnp.int32),
        pltpu.VMEM((CHUNK,), jnp.int32),
        pltpu.VMEM((CHUNK, FW), jnp.float32),
        pltpu.VMEM((CHUNK, FW), jnp.float32),
        pltpu.VMEM((CHUNK, 2 * H), jnp.float32),
        pltpu.VMEM((CHUNK, 2 * H), jnp.float32),
        pltpu.VMEM_SHARED((N, FW), jnp.float32),
        pltpu.SemaphoreType.DMA,
        pltpu.SemaphoreType.DMA,
        pltpu.SemaphoreType.DMA,
        pltpu.SemaphoreType.DMA,
        pltpu.SemaphoreType.DMA,
        pltpu.SemaphoreType.DMA,
    ],
)



def kernel(x, edge_index, W_fc1, attn_l1, attn_r1, W_fc2, attn_l2, attn_r2,
           W1, b1, W2, b2, W3, b3):
    src = edge_index[0]
    dst = edge_index[1]
    al1 = attn_l1.reshape(1, HD)
    ar1 = attn_r1.reshape(1, HD)
    al2 = attn_l2.reshape(1, HD)
    ar2 = attn_r2.reshape(1, HD)

    fu1, td1 = _tc_pre(x, W_fc1, al1, ar1)
    comb1 = _sc_edge(src, dst, fu1, td1)
    fu2, td2 = _tc_mid(comb1, W_fc2, al2, ar2)
    comb2 = _sc_edge(src, dst, fu2, td2)
    return _tc_post(comb2, W1, b1.reshape(1, -1), W2, b2.reshape(1, -1),
                    W3, b3.reshape(1, -1))

# --- scband reference (transcript-rebuilt; emitter-appended) ---
"""Pipeline reference for scband-gatclassifier-19688130085111 (READ-ONLY COPY).

The authoritative reference and input builder live on the scoring server;
editing this copy changes nothing except your own understanding.
"""

import jax, jax.numpy as jnp
import numpy as np

N = 10000
E = 320000
IN_DIM = 128
H = 8
D = 16
HD = H * D  # 128, must equal tail MLP input


def setup_inputs(seed: int = 0) -> dict:
    key = jax.random.key(seed)
    ks = jax.random.split(key, 16)
    x = jax.random.normal(ks[0], (N, IN_DIM), dtype=jnp.float32)
    edge_index = jax.random.randint(ks[1], (2, E), 0, N, dtype=jnp.int32)
    # GAT layer 1 params
    W_fc1 = jax.random.normal(ks[2], (IN_DIM, HD), dtype=jnp.float32) * 0.05
    attn_l1 = jax.random.normal(ks[3], (H, D), dtype=jnp.float32) * 0.05
    attn_r1 = jax.random.normal(ks[4], (H, D), dtype=jnp.float32) * 0.05
    # GAT layer 2 params (input dim = HD)
    W_fc2 = jax.random.normal(ks[5], (HD, HD), dtype=jnp.float32) * 0.05
    attn_l2 = jax.random.normal(ks[6], (H, D), dtype=jnp.float32) * 0.05
    attn_r2 = jax.random.normal(ks[7], (H, D), dtype=jnp.float32) * 0.05
    # tail MLP(128, 64, 2)
    W1 = jax.random.normal(ks[8], (HD, 64), dtype=jnp.float32) * 0.05
    b1 = jnp.zeros((64,), dtype=jnp.float32)
    W2 = jax.random.normal(ks[9], (64, 64), dtype=jnp.float32) * 0.05
    b2 = jnp.zeros((64,), dtype=jnp.float32)
    W3 = jax.random.normal(ks[10], (64, 2), dtype=jnp.float32) * 0.05
    b3 = jnp.zeros((2,), dtype=jnp.float32)
    return {"x": x, "edge_index": edge_index,
            "W_fc1": W_fc1, "attn_l1": attn_l1, "attn_r1": attn_r1,
            "W_fc2": W_fc2, "attn_l2": attn_l2, "attn_r2": attn_r2,
            "W1": W1, "b1": b1, "W2": W2, "b2": b2, "W3": W3, "b3": b3}


def _gat_layer(h, src, dst, W_fc, attn_l, attn_r):
    n = h.shape[0]
    ft = (h @ W_fc).reshape(n, H, D)                       # fc, reshape to heads
    a1 = jnp.einsum('nhd,hd->nh', ft, attn_l)[:, :, None]  # bmm(head_ft, attn_l)
    a2 = jnp.einsum('nhd,hd->nh', ft, attn_r)[:, :, None]
    # edge attention: leaky_relu(src.a1 + dst.a2)
    a = jax.nn.leaky_relu(a1[src] + a2[dst], negative_slope=0.2)  # (E, H, 1)
    # edge softmax over incoming edges of each dst node
    m = jax.ops.segment_max(a, dst, num_segments=n)
    m = jnp.where(jnp.isfinite(m), m, 0.0)
    m = jax.lax.stop_gradient(m)
    e = jnp.exp(a - m[dst])
    s = jax.ops.segment_sum(e, dst, num_segments=n)
    attn = e / s[dst]                                       # (E, H, 1)
    # message passing: src_mul_edge('ft','a_drop') then sum to dst
    msg = ft[src] * attn                                    # (E, H, D)
    out = jax.ops.segment_sum(msg, dst, num_segments=n)     # (N, H, D)
    out = out.reshape(n, HD)
    return jax.nn.elu(out)                                  # agg_activation=F.elu


def reference(x, edge_index, W_fc1, attn_l1, attn_r1, W_fc2, attn_l2, attn_r2,
              W1, b1, W2, b2, W3, b3):
    src, dst = edge_index[0], edge_index[1]
    h = _gat_layer(x, src, dst, W_fc1, attn_l1, attn_r1)
    h = _gat_layer(h, src, dst, W_fc2, attn_l2, attn_r2)
    # dgl.mean_nodes over a single (batched-as-one) graph -> (1, 128)
    hg = jnp.mean(h, axis=0, keepdims=True)
    # tail MLP(128, 64, 2)
    t = jax.nn.relu(hg @ W1 + b1)
    t = jax.nn.relu(t @ W2 + b2)
    t = t @ W3 + b3
    return t

if __name__ == "__main__":
    import jax
    _d = setup_inputs()
    print(jax.jit(kernel)(*tuple(_d.values())))

</pallas_src>

<mosaic_0001>
#map = affine_map<(d0, d1) -> (0)>
#map1 = affine_map<(d0, d1) -> (0, 0)>
#map2 = affine_map<(d0, d1) -> (0, 0, 0)>
module attributes {stable_mosaic.version = 14 : i64} {
  func.func @_sc_edge_body(%arg0: i32, %arg1: i32, %arg2: memref<320000xi32, #tpu.memory_space<hbm>>, %arg3: memref<320000xi32, #tpu.memory_space<hbm>>, %arg4: memref<10000x144xf32, #tpu.memory_space<hbm>>, %arg5: memref<10000x16xf32, #tpu.memory_space<hbm>>, %arg6: memref<2x10000x144xf32, #tpu.memory_space<hbm>>, %arg7: memref<80xi32, #tpu.memory_space<vmem>>, %arg8: memref<80xi32, #tpu.memory_space<vmem>>, %arg9: memref<80xi32, #tpu.memory_space<vmem>>, %arg10: memref<80xi32, #tpu.memory_space<vmem>>, %arg11: memref<80xi32, #tpu.memory_space<vmem>>, %arg12: memref<80xi32, #tpu.memory_space<vmem>>, %arg13: memref<80x144xf32, #tpu.memory_space<vmem>>, %arg14: memref<80x144xf32, #tpu.memory_space<vmem>>, %arg15: memref<80x16xf32, #tpu.memory_space<vmem>>, %arg16: memref<80x16xf32, #tpu.memory_space<vmem>>, %arg17: memref<10000x144xf32, #tpu.memory_space<vmem_shared>>, %arg18: memref<!tpu.dma_semaphore, #tpu.memory_space<semaphore_mem>>, %arg19: memref<!tpu.dma_semaphore, #tpu.memory_space<semaphore_mem>>, %arg20: memref<!tpu.dma_semaphore, #tpu.memory_space<semaphore_mem>>, %arg21: memref<!tpu.dma_semaphore, #tpu.memory_space<semaphore_mem>>, %arg22: memref<!tpu.dma_semaphore, #tpu.memory_space<semaphore_mem>>, %arg23: memref<!tpu.dma_semaphore, #tpu.memory_space<semaphore_mem>>) attributes {dimension_semantics = [#tpu.dimension_semantics<core_parallel>, #tpu.dimension_semantics<subcore_parallel>], iteration_bounds = array<i64: 2, 16>, scalar_prefetch = 0 : i64, scratch_operands = 17 : i64, tpu.core_type = #tpu.core_type<sc_vector_subcore>, window_params = [{transform_indices = #map}, {transform_indices = #map}, {transform_indices = #map1}, {transform_indices = #map1}, {transform_indices = #map2}]} {
    %mul3A = arith.constant 16 : i32
    %mul3A_0 = arith.muli %arg0, %mul3A : i32
    %add3A = arith.addi %mul3A_0, %arg1 : i32
    %mul3A_1 = arith.constant 10000 : i32
    %mul3A_2 = arith.muli %add3A, %mul3A_1 : i32
    %add3A_3 = arith.constant 0 : i32
    %add3A_4 = arith.addi %mul3A_2, %add3A_3 : i32
    "tpu.region"() ({
      %run_scoped3A = tpu.sem_alloc : memref<!tpu.dma_semaphore, #tpu.memory_space<semaphore_mem>>
      %dma_start3A_105 = tpu.memref_slice %arg2[%add3A_4] : memref<320000xi32, #tpu.memory_space<hbm>> -> memref<80xi32, #tpu.memory_space<hbm>>
      %dma_start3A_106 = tpu.memref_slice %arg2[%add3A_4] : memref<320000xi32, #tpu.memory_space<hbm>> -> memref<80xi32, #tpu.memory_space<hbm>>
      tpu.enqueue_dma source(%dma_start3A_106 : memref<80xi32, #tpu.memory_space<hbm>>) target(%arg7 : memref<80xi32, #tpu.memory_space<vmem>>) target_semaphore(%run_scoped3A : memref<!tpu.dma_semaphore, #tpu.memory_space<semaphore_mem>>)
      %dma_wait3A_107 = tpu.memref_slice %arg2[%add3A_4] : memref<320000xi32, #tpu.memory_space<hbm>> -> memref<80xi32, #tpu.memory_space<hbm>>
      %dma_wait3A_108 = tpu.memref_slice %arg2[%add3A_4] : memref<320000xi32, #tpu.memory_space<hbm>> -> memref<80xi32, #tpu.memory_space<hbm>>
      tpu.wait_dma2 semaphore(%run_scoped3A : memref<!tpu.dma_semaphore, #tpu.memory_space<semaphore_mem>>) src(%dma_wait3A_108 : memref<80xi32, #tpu.memory_space<hbm>>) dst(%arg7 : memref<80xi32, #tpu.memory_space<vmem>>)
      tpu.yield
    }) : () -> ()
    "tpu.region"() ({
      %run_scoped3A = tpu.sem_alloc : memref<!tpu.dma_semaphore, #tpu.memory_space<semaphore_mem>>
      %dma_start3A_105 = tpu.memref_slice %arg3[%add3A_4] : memref<320000xi32, #tpu.memory_space<hbm>> -> memref<80xi32, #tpu.memory_space<hbm>>
      %dma_start3A_106 = tpu.memref_slice %arg3[%add3A_4] : memref<320000xi32, #tpu.memory_space<hbm>> -> memref<80xi32, #tpu.memory_space<hbm>>
      tpu.enqueue_dma source(%dma_start3A_106 : memref<80xi32, #tpu.memory_space<hbm>>) target(%arg8 : memref<80xi32, #tpu.memory_space<vmem>>) target_semaphore(%run_scoped3A : memref<!tpu.dma_semaphore, #tpu.memory_space<semaphore_mem>>)
      %dma_wait3A_107 = tpu.memref_slice %arg3[%add3A_4] : memref<320000xi32, #tpu.memory_space<hbm>> -> memref<80xi32, #tpu.memory_space<hbm>>
      %dma_wait3A_108 = tpu.memref_slice %arg3[%add3A_4] : memref<320000xi32, #tpu.memory_space<hbm>> -> memref<80xi32, #tpu.memory_space<hbm>>
      tpu.wait_dma2 semaphore(%run_scoped3A : memref<!tpu.dma_semaphore, #tpu.memory_space<semaphore_mem>>) src(%dma_wait3A_108 : memref<80xi32, #tpu.memory_space<hbm>>) dst(%arg8 : memref<80xi32, #tpu.memory_space<vmem>>)
      tpu.yield
    }) : () -> ()
    %dma_start3A = arith.constant 0 : i32
    %dma_start3A_5 = arith.constant 0 : i32
    %dma_start3A_6 = tpu.memref_slice %arg4[%dma_start3A, %dma_start3A_5] : memref<10000x144xf32, #tpu.memory_space<hbm>> -> memref<10000x144xf32, #tpu.memory_space<hbm>>
    tpu.enqueue_indirect_dma source(%dma_start3A_6 : memref<10000x144xf32, #tpu.memory_space<hbm>>) target(%arg13 : memref<80x144xf32, #tpu.memory_space<vmem>>) offsets(%arg7 : memref<80xi32, #tpu.memory_space<vmem>>) semaphore(%arg18 : memref<!tpu.dma_semaphore, #tpu.memory_space<semaphore_mem>>)
    %dma_start3A_7 = arith.constant 0 : i32
    %dma_start3A_8 = arith.constant 0 : i32
    %dma_start3A_9 = tpu.memref_slice %arg5[%dma_start3A_7, %dma_start3A_8] : memref<10000x16xf32, #tpu.memory_space<hbm>> -> memref<10000x16xf32, #tpu.memory_space<hbm>>
    tpu.enqueue_indirect_dma source(%dma_start3A_9 : memref<10000x16xf32, #tpu.memory_space<hbm>>) target(%arg15 : memref<80x16xf32, #tpu.memory_space<vmem>>) offsets(%arg8 : memref<80xi32, #tpu.memory_space<vmem>>) semaphore(%arg18 : memref<!tpu.dma_semaphore, #tpu.memory_space<semaphore_mem>>)
    %min3A = arith.constant 1 : i32
    %min3A_10 = arith.constant 124 : i32
    %min3A_11 = arith.minsi %min3A, %min3A_10 : i32
    %mul3A_12 = arith.constant 80 : i32
    %mul3A_13 = arith.muli %min3A_11, %mul3A_12 : i32
    %add3A_14 = arith.addi %mul3A_2, %mul3A_13 : i32
    %dma_start3A_15 = tpu.memref_slice %arg2[%add3A_14] : memref<320000xi32, #tpu.memory_space<hbm>> -> memref<80xi32, #tpu.memory_space<hbm>>
    %dma_start3A_16 = tpu.memref_slice %arg2[%add3A_14] : memref<320000xi32, #tpu.memory_space<hbm>> -> memref<80xi32, #tpu.memory_space<hbm>>
    tpu.enqueue_dma source(%dma_start3A_16 : memref<80xi32, #tpu.memory_space<hbm>>) target(%arg9 : memref<80xi32, #tpu.memory_space<vmem>>) target_semaphore(%arg21 : memref<!tpu.dma_semaphore, #tpu.memory_space<semaphore_mem>>)
    %dma_start3A_17 = tpu.memref_slice %arg3[%add3A_14] : memref<320000xi32, #tpu.memory_space<hbm>> -> memref<80xi32, #tpu.memory_space<hbm>>
    %dma_start3A_18 = tpu.memref_slice %arg3[%add3A_14] : memref<320000xi32, #tpu.memory_space<hbm>> -> memref<80xi32, #tpu.memory_space<hbm>>
    tpu.enqueue_dma source(%dma_start3A_18 : memref<80xi32, #tpu.memory_space<hbm>>) target(%arg10 : memref<80xi32, #tpu.memory_space<vmem>>) target_semaphore(%arg21 : memref<!tpu.dma_semaphore, #tpu.memory_space<semaphore_mem>>)
    %broadcast_in_dim3A = arith.constant 0.000000e+00 : f32
    %broadcast_in_dim3A_19 = vector.broadcast %broadcast_in_dim3A : f32 to vector<16xf32>
    %parallel_loop3A = arith.constant 0 : i32
    %parallel_loop3A_20 = arith.constant 80 : i32
    %parallel_loop3A_21 = arith.constant 1 : i32
    scf.for %parallel_loop3A_105 = %parallel_loop3A to %parallel_loop3A_20 step %parallel_loop3A_21  : i32 {
      %parallel_loop3A_106 = arith.index_cast %parallel_loop3A_105 : i32 to index
      %parallel_loop3A_107 = arith.constant 0 : index
      %parallel_loop3A_108 = tpu.vector_load %arg14[%parallel_loop3A_106, %parallel_loop3A_107] {strides = array<i32>} : memref<80x144xf32, #tpu.memory_space<vmem>>, vector<1x16xf32>,
      %parallel_loop3A_109 = vector.shape_cast %parallel_loop3A_108 : vector<1x16xf32> to vector<16xf32>
      %parallel_loop3A_110 = vector.shape_cast %broadcast_in_dim3A_19 : vector<16xf32> to vector<1x16xf32>
      tpu.vector_store %arg14[%parallel_loop3A_106, %parallel_loop3A_107], %parallel_loop3A_110 {strides = array<i32>} : memref<80x144xf32, #tpu.memory_space<vmem>>, vector<1x16xf32>,
      %parallel_loop3A_111 = arith.index_cast %parallel_loop3A_105 : i32 to index
      %parallel_loop3A_112 = arith.constant 16 : index
      %parallel_loop3A_113 = tpu.vector_load %arg14[%parallel_loop3A_111, %parallel_loop3A_112] {strides = array<i32>} : memref<80x144xf32, #tpu.memory_space<vmem>>, vector<1x16xf32>,
      %parallel_loop3A_114 = vector.shape_cast %parallel_loop3A_113 : vector<1x16xf32> to vector<16xf32>
      %parallel_loop3A_115 = vector.shape_cast %broadcast_in_dim3A_19 : vector<16xf32> to vector<1x16xf32>
      tpu.vector_store %arg14[%parallel_loop3A_111, %parallel_loop3A_112], %parallel_loop3A_115 {strides = array<i32>} : memref<80x144xf32, #tpu.memory_space<vmem>>, vector<1x16xf32>,
      %parallel_loop3A_116 = arith.index_cast %parallel_loop3A_105 : i32 to index
      %parallel_loop3A_117 = arith.constant 32 : index
      %parallel_loop3A_118 = tpu.vector_load %arg14[%parallel_loop3A_116, %parallel_loop3A_117] {strides = array<i32>} : memref<80x144xf32, #tpu.memory_space<vmem>>, vector<1x16xf32>,
      %parallel_loop3A_119 = vector.shape_cast %parallel_loop3A_118 : vector<1x16xf32> to vector<16xf32>
      %parallel_loop3A_120 = vector.shape_cast %broadcast_in_dim3A_19 : vector<16xf32> to vector<1x16xf32>
      tpu.vector_store %arg14[%parallel_loop3A_116, %parallel_loop3A_117], %parallel_loop3A_120 {strides = array<i32>} : memref<80x144xf32, #tpu.memory_space<vmem>>, vector<1x16xf32>,
      %parallel_loop3A_121 = arith.index_cast %parallel_loop3A_105 : i32 to index
      %parallel_loop3A_122 = arith.constant 48 : index
      %parallel_loop3A_123 = tpu.vector_load %arg14[%parallel_loop3A_121, %parallel_loop3A_122] {strides = array<i32>} : memref<80x144xf32, #tpu.memory_space<vmem>>, vector<1x16xf32>,
      %parallel_loop3A_124 = vector.shape_cast %parallel_loop3A_123 : vector<1x16xf32> to vector<16xf32>
      %parallel_loop3A_125 = vector.shape_cast %broadcast_in_dim3A_19 : vector<16xf32> to vector<1x16xf32>
      tpu.vector_store %arg14[%parallel_loop3A_121, %parallel_loop3A_122], %parallel_loop3A_125 {strides = array<i32>} : memref<80x144xf32, #tpu.memory_space<vmem>>, vector<1x16xf32>,
      %parallel_loop3A_126 = arith.index_cast %parallel_loop3A_105 : i32 to index
      %parallel_loop3A_127 = arith.constant 64 : index
      %parallel_loop3A_128 = tpu.vector_load %arg14[%parallel_loop3A_126, %parallel_loop3A_127] {strides = array<i32>} : memref<80x144xf32, #tpu.memory_space<vmem>>, vector<1x16xf32>,
      %parallel_loop3A_129 = vector.shape_cast %parallel_loop3A_128 : vector<1x16xf32> to vector<16xf32>
      %parallel_loop3A_130 = vector.shape_cast %broadcast_in_dim3A_19 : vector<16xf32> to vector<1x16xf32>
      tpu.vector_store %arg14[%parallel_loop3A_126, %parallel_loop3A_127], %parallel_loop3A_130 {strides = array<i32>} : memref<80x144xf32, #tpu.memory_space<vmem>>, vector<1x16xf32>,
      %parallel_loop3A_131 = arith.index_cast %parallel_loop3A_105 : i32 to index
      %parallel_loop3A_132 = arith.constant 80 : index
      %parallel_loop3A_133 = tpu.vector_load %arg14[%parallel_loop3A_131, %parallel_loop3A_132] {strides = array<i32>} : memref<80x144xf32, #tpu.memory_space<vmem>>, vector<1x16xf32>,
      %parallel_loop3A_134 = vector.shape_cast %parallel_loop3A_133 : vector<1x16xf32> to vector<16xf32>
      %parallel_loop3A_135 = vector.shape_cast %broadcast_in_dim3A_19 : vector<16xf32> to vector<1x16xf32>
      tpu.vector_store %arg14[%parallel_loop3A_131, %parallel_loop3A_132], %parallel_loop3A_135 {strides = array<i32>} : memref<80x144xf32, #tpu.memory_space<vmem>>, vector<1x16xf32>,
      %parallel_loop3A_136 = arith.index_cast %parallel_loop3A_105 : i32 to index
      %parallel_loop3A_137 = arith.constant 96 : index
      %parallel_loop3A_138 = tpu.vector_load %arg14[%parallel_loop3A_136, %parallel_loop3A_137] {strides = array<i32>} : memref<80x144xf32, #tpu.memory_space<vmem>>, vector<1x16xf32>,
      %parallel_loop3A_139 = vector.shape_cast %parallel_loop3A_138 : vector<1x16xf32> to vector<16xf32>
      %parallel_loop3A_140 = vector.shape_cast %broadcast_in_dim3A_19 : vector<16xf32> to vector<1x16xf32>
      tpu.vector_store %arg14[%parallel_loop3A_136, %parallel_loop3A_137], %parallel_loop3A_140 {strides = array<i32>} : memref<80x144xf32, #tpu.memory_space<vmem>>, vector<1x16xf32>,
      %parallel_loop3A_141 = arith.index_cast %parallel_loop3A_105 : i32 to index
      %parallel_loop3A_142 = arith.constant 112 : index
      %parallel_loop3A_143 = tpu.vector_load %arg14[%parallel_loop3A_141, %parallel_loop3A_142] {strides = array<i32>} : memref<80x144xf32, #tpu.memory_space<vmem>>, vector<1x16xf32>,
      %parallel_loop3A_144 = vector.shape_cast %parallel_loop3A_143 : vector<1x16xf32> to vector<16xf32>
      %parallel_loop3A_145 = vector.shape_cast %broadcast_in_dim3A_19 : vector<16xf32> to vector<1x16xf32>
      tpu.vector_store %arg14[%parallel_loop3A_141, %parallel_loop3A_142], %parallel_loop3A_145 {strides = array<i32>} : memref<80x144xf32, #tpu.memory_space<vmem>>, vector<1x16xf32>,
      %parallel_loop3A_146 = arith.index_cast %parallel_loop3A_105 : i32 to index
      %parallel_loop3A_147 = arith.constant 128 : index
      %parallel_loop3A_148 = tpu.vector_load %arg14[%parallel_loop3A_146, %parallel_loop3A_147] {strides = array<i32>} : memref<80x144xf32, #tpu.memory_space<vmem>>, vector<1x16xf32>,
      %parallel_loop3A_149 = vector.shape_cast %parallel_loop3A_148 : vector<1x16xf32> to vector<16xf32>
      %parallel_loop3A_150 = vector.shape_cast %broadcast_in_dim3A_19 : vector<16xf32> to vector<1x16xf32>
      tpu.vector_store %arg14[%parallel_loop3A_146, %parallel_loop3A_147], %parallel_loop3A_150 {strides = array<i32>} : memref<80x144xf32, #tpu.memory_space<vmem>>, vector<1x16xf32>,
    } {sc.loop_unroll_factor = 4 : i64, sc.parallel_access}
    %mul3A_22 = arith.constant 624 : i32
    %mul3A_23 = arith.muli %arg1, %mul3A_22 : i32
    %add3A_24 = arith.constant 0 : i32
    %add3A_25 = arith.addi %mul3A_23, %add3A_24 : i32
    "tpu.region"() ({
      %run_scoped3A = tpu.sem_alloc : memref<!tpu.dma_semaphore, #tpu.memory_space<semaphore_mem>>
      %dma_start3A_105 = arith.constant 0 : i32
      %dma_start3A_106 = tpu.memref_slice %arg17[%add3A_25, %dma_start3A_105] : memref<10000x144xf32, #tpu.memory_space<vmem_shared>> -> memref<80x144xf32, #tpu.memory_space<vmem_shared>>
      %dma_start3A_107 = arith.constant 0 : i32
      %dma_start3A_108 = tpu.memref_slice %arg17[%add3A_25, %dma_start3A_107] : memref<10000x144xf32, #tpu.memory_space<vmem_shared>> -> memref<80x144xf32, #tpu.memory_space<vmem_shared>>
      tpu.enqueue_dma source(%arg14 : memref<80x144xf32, #tpu.memory_space<vmem>>) target(%dma_start3A_108 : memref<80x144xf32, #tpu.memory_space<vmem_shared>>) target_semaphore(%run_scoped3A : memref<!tpu.dma_semaphore, #tpu.memory_space<semaphore_mem>>)
      %dma_wait3A_109 = arith.constant 0 : i32
      %dma_wait3A_110 = tpu.memref_slice %arg17[%add3A_25, %dma_wait3A_109] : memref<10000x144xf32, #tpu.memory_space<vmem_shared>> -> memref<80x144xf32, #tpu.memory_space<vmem_shared>>
      %dma_wait3A_111 = arith.constant 0 : i32
      %dma_wait3A_112 = tpu.memref_slice %arg17[%add3A_25, %dma_wait3A_111] : memref<10000x144xf32, #tpu.memory_space<vmem_shared>> -> memref<80x144xf32, #tpu.memory_space<vmem_shared>>
      tpu.wait_dma2 semaphore(%run_scoped3A : memref<!tpu.dma_semaphore, #tpu.memory_space<semaphore_mem>>) src(%arg14 : memref<80x144xf32, #tpu.memory_space<vmem>>) dst(%dma_wait3A_112 : memref<80x144xf32, #tpu.memory_space<vmem_shared>>)
      tpu.yield
    }) : () -> ()
    %add3A_26 = arith.constant 80 : i32
    %add3A_27 = arith.addi %mul3A_23, %add3A_26 : i32
    "tpu.region"() ({
      %run_scoped3A = tpu.sem_alloc : memref<!tpu.dma_semaphore, #tpu.memory_space<semaphore_mem>>
      %dma_start3A_105 = arith.constant 0 : i32
      %dma_start3A_106 = tpu.memref_slice %arg17[%add3A_27, %dma_start3A_105] : memref<10000x144xf32, #tpu.memory_space<vmem_shared>> -> memref<80x144xf32, #tpu.memory_space<vmem_shared>>
      %dma_start3A_107 = arith.constant 0 : i32
      %dma_start3A_108 = tpu.memref_slice %arg17[%add3A_27, %dma_start3A_107] : memref<10000x144xf32, #tpu.memory_space<vmem_shared>> -> memref<80x144xf32, #tpu.memory_space<vmem_shared>>
      tpu.enqueue_dma source(%arg14 : memref<80x144xf32, #tpu.memory_space<vmem>>) target(%dma_start3A_108 : memref<80x144xf32, #tpu.memory_space<vmem_shared>>) target_semaphore(%run_scoped3A : memref<!tpu.dma_semaphore, #tpu.memory_space<semaphore_mem>>)
      %dma_wait3A_109 = arith.constant 0 : i32
      %dma_wait3A_110 = tpu.memref_slice %arg17[%add3A_27, %dma_wait3A_109] : memref<10000x144xf32, #tpu.memory_space<vmem_shared>> -> memref<80x144xf32, #tpu.memory_space<vmem_shared>>
      %dma_wait3A_111 = arith.constant 0 : i32
      %dma_wait3A_112 = tpu.memref_slice %arg17[%add3A_27, %dma_wait3A_111] : memref<10000x144xf32, #tpu.memory_space<vmem_shared>> -> memref<80x144xf32, #tpu.memory_space<vmem_shared>>
      tpu.wait_dma2 semaphore(%run_scoped3A : memref<!tpu.dma_semaphore, #tpu.memory_space<semaphore_mem>>) src(%arg14 : memref<80x144xf32, #tpu.memory_space<vmem>>) dst(%dma_wait3A_112 : memref<80x144xf32, #tpu.memory_space<vmem_shared>>)
      tpu.yield
    }) : () -> ()
    %add3A_28 = arith.constant 160 : i32
    %add3A_29 = arith.addi %mul3A_23, %add3A_28 : i32
    "tpu.region"() ({
      %run_scoped3A = tpu.sem_alloc : memref<!tpu.dma_semaphore, #tpu.memory_space<semaphore_mem>>
      %dma_start3A_105 = arith.constant 0 : i32
      %dma_start3A_106 = tpu.memref_slice %arg17[%add3A_29, %dma_start3A_105] : memref<10000x144xf32, #tpu.memory_space<vmem_shared>> -> memref<80x144xf32, #tpu.memory_space<vmem_shared>>
      %dma_start3A_107 = arith.constant 0 : i32
      %dma_start3A_108 = tpu.memref_slice %arg17[%add3A_29, %dma_start3A_107] : memref<10000x144xf32, #tpu.memory_space<vmem_shared>> -> memref<80x144xf32, #tpu.memory_space<vmem_shared>>
      tpu.enqueue_dma source(%arg14 : memref<80x144xf32, #tpu.memory_space<vmem>>) target(%dma_start3A_108 : memref<80x144xf32, #tpu.memory_space<vmem_shared>>) target_semaphore(%run_scoped3A : memref<!tpu.dma_semaphore, #tpu.memory_space<semaphore_mem>>)
      %dma_wait3A_109 = arith.constant 0 : i32
      %dma_wait3A_110 = tpu.memref_slice %arg17[%add3A_29, %dma_wait3A_109] : memref<10000x144xf32, #tpu.memory_space<vmem_shared>> -> memref<80x144xf32, #tpu.memory_space<vmem_shared>>
      %dma_wait3A_111 = arith.constant 0 : i32
      %dma_wait3A_112 = tpu.memref_slice %arg17[%add3A_29, %dma_wait3A_111] : memref<10000x144xf32, #tpu.memory_space<vmem_shared>> -> memref<80x144xf32, #tpu.memory_space<vmem_shared>>
      tpu.wait_dma2 semaphore(%run_scoped3A : memref<!tpu.dma_semaphore, #tpu.memory_space<semaphore_mem>>) src(%arg14 : memref<80x144xf32, #tpu.memory_space<vmem>>) dst(%dma_wait3A_112 : memref<80x144xf32, #tpu.memory_space<vmem_shared>>)
      tpu.yield
    }) : () -> ()
    %add3A_30 = arith.constant 240 : i32
    %add3A_31 = arith.addi %mul3A_23, %add3A_30 : i32
    "tpu.region"() ({
      %run_scoped3A = tpu.sem_alloc : memref<!tpu.dma_semaphore, #tpu.memory_space<semaphore_mem>>
      %dma_start3A_105 = arith.constant 0 : i32
      %dma_start3A_106 = tpu.memref_slice %arg17[%add3A_31, %dma_start3A_105] : memref<10000x144xf32, #tpu.memory_space<vmem_shared>> -> memref<80x144xf32, #tpu.memory_space<vmem_shared>>
      %dma_start3A_107 = arith.constant 0 : i32
      %dma_start3A_108 = tpu.memref_slice %arg17[%add3A_31, %dma_start3A_107] : memref<10000x144xf32, #tpu.memory_space<vmem_shared>> -> memref<80x144xf32, #tpu.memory_space<vmem_shared>>
      tpu.enqueue_dma source(%arg14 : memref<80x144xf32, #tpu.memory_space<vmem>>) target(%dma_start3A_108 : memref<80x144xf32, #tpu.memory_space<vmem_shared>>) target_semaphore(%run_scoped3A : memref<!tpu.dma_semaphore, #tpu.memory_space<semaphore_mem>>)
      %dma_wait3A_109 = arith.constant 0 : i32
      %dma_wait3A_110 = tpu.memref_slice %arg17[%add3A_31, %dma_wait3A_109] : memref<10000x144xf32, #tpu.memory_space<vmem_shared>> -> memref<80x144xf32, #tpu.memory_space<vmem_shared>>
      %dma_wait3A_111 = arith.constant 0 : i32
      %dma_wait3A_112 = tpu.memref_slice %arg17[%add3A_31, %dma_wait3A_111] : memref<10000x144xf32, #tpu.memory_space<vmem_shared>> -> memref<80x144xf32, #tpu.memory_space<vmem_shared>>
      tpu.wait_dma2 semaphore(%run_scoped3A : memref<!tpu.dma_semaphore, #tpu.memory_space<semaphore_mem>>) src(%arg14 : memref<80x144xf32, #tpu.memory_space<vmem>>) dst(%dma_wait3A_112 : memref<80x144xf32, #tpu.memory_space<vmem_shared>>)
      tpu.yield
    }) : () -> ()
    %add3A_32 = arith.constant 320 : i32
    %add3A_33 = arith.addi %mul3A_23, %add3A_32 : i32
    "tpu.region"() ({
      %run_scoped3A = tpu.sem_alloc : memref<!tpu.dma_semaphore, #tpu.memory_space<semaphore_mem>>
      %dma_start3A_105 = arith.constant 0 : i32
      %dma_start3A_106 = tpu.memref_slice %arg17[%add3A_33, %dma_start3A_105] : memref<10000x144xf32, #tpu.memory_space<vmem_shared>> -> memref<80x144xf32, #tpu.memory_space<vmem_shared>>
      %dma_start3A_107 = arith.constant 0 : i32
      %dma_start3A_108 = tpu.memref_slice %arg17[%add3A_33, %dma_start3A_107] : memref<10000x144xf32, #tpu.memory_space<vmem_shared>> -> memref<80x144xf32, #tpu.memory_space<vmem_shared>>
      tpu.enqueue_dma source(%arg14 : memref<80x144xf32, #tpu.memory_space<vmem>>) target(%dma_start3A_108 : memref<80x144xf32, #tpu.memory_space<vmem_shared>>) target_semaphore(%run_scoped3A : memref<!tpu.dma_semaphore, #tpu.memory_space<semaphore_mem>>)
      %dma_wait3A_109 = arith.constant 0 : i32
      %dma_wait3A_110 = tpu.memref_slice %arg17[%add3A_33, %dma_wait3A_109] : memref<10000x144xf32, #tpu.memory_space<vmem_shared>> -> memref<80x144xf32, #tpu.memory_space<vmem_shared>>
      %dma_wait3A_111 = arith.constant 0 : i32
      %dma_wait3A_112 = tpu.memref_slice %arg17[%add3A_33, %dma_wait3A_111] : memref<10000x144xf32, #tpu.memory_space<vmem_shared>> -> memref<80x144xf32, #tpu.memory_space<vmem_shared>>
      tpu.wait_dma2 semaphore(%run_scoped3A : memref<!tpu.dma_semaphore, #tpu.memory_space<semaphore_mem>>) src(%arg14 : memref<80x144xf32, #tpu.memory_space<vmem>>) dst(%dma_wait3A_112 : memref<80x144xf32, #tpu.memory_space<vmem_shared>>)
      tpu.yield
    }) : () -> ()
    %add3A_34 = arith.constant 400 : i32
    %add3A_35 = arith.addi %mul3A_23, %add3A_34 : i32
    "tpu.region"() ({
      %run_scoped3A = tpu.sem_alloc : memref<!tpu.dma_semaphore, #tpu.memory_space<semaphore_mem>>
      %dma_start3A_105 = arith.constant 0 : i32
      %dma_start3A_106 = tpu.memref_slice %arg17[%add3A_35, %dma_start3A_105] : memref<10000x144xf32, #tpu.memory_space<vmem_shared>> -> memref<80x144xf32, #tpu.memory_space<vmem_shared>>
      %dma_start3A_107 = arith.constant 0 : i32
      %dma_start3A_108 = tpu.memref_slice %arg17[%add3A_35, %dma_start3A_107] : memref<10000x144xf32, #tpu.memory_space<vmem_shared>> -> memref<80x144xf32, #tpu.memory_space<vmem_shared>>
      tpu.enqueue_dma source(%arg14 : memref<80x144xf32, #tpu.memory_space<vmem>>) target(%dma_start3A_108 : memref<80x144xf32, #tpu.memory_space<vmem_shared>>) target_semaphore(%run_scoped3A : memref<!tpu.dma_semaphore, #tpu.memory_space<semaphore_mem>>)
      %dma_wait3A_109 = arith.constant 0 : i32
      %dma_wait3A_110 = tpu.memref_slice %arg17[%add3A_35, %dma_wait3A_109] : memref<10000x144xf32, #tpu.memory_space<vmem_shared>> -> memref<80x144xf32, #tpu.memory_space<vmem_shared>>
      %dma_wait3A_111 = arith.constant 0 : i32
      %dma_wait3A_112 = tpu.memref_slice %arg17[%add3A_35, %dma_wait3A_111] : memref<10000x144xf32, #tpu.memory_space<vmem_shared>> -> memref<80x144xf32, #tpu.memory_space<vmem_shared>>
      tpu.wait_dma2 semaphore(%run_scoped3A : memref<!tpu.dma_semaphore, #tpu.memory_space<semaphore_mem>>) src(%arg14 : memref<80x144xf32, #tpu.memory_space<vmem>>) dst(%dma_wait3A_112 : memref<80x144xf32, #tpu.memory_space<vmem_shared>>)
      tpu.yield
    }) : () -> ()
    %add3A_36 = arith.constant 480 : i32
    %add3A_37 = arith.addi %mul3A_23, %add3A_36 : i32
    "tpu.region"() ({
      %run_scoped3A = tpu.sem_alloc : memref<!tpu.dma_semaphore, #tpu.memory_space<semaphore_mem>>
      %dma_start3A_105 = arith.constant 0 : i32
      %dma_start3A_106 = tpu.memref_slice %arg17[%add3A_37, %dma_start3A_105] : memref<10000x144xf32, #tpu.memory_space<vmem_shared>> -> memref<80x144xf32, #tpu.memory_space<vmem_shared>>
      %dma_start3A_107 = arith.constant 0 : i32
      %dma_start3A_108 = tpu.memref_slice %arg17[%add3A_37, %dma_start3A_107] : memref<10000x144xf32, #tpu.memory_space<vmem_shared>> -> memref<80x144xf32, #tpu.memory_space<vmem_shared>>
      tpu.enqueue_dma source(%arg14 : memref<80x144xf32, #tpu.memory_space<vmem>>) target(%dma_start3A_108 : memref<80x144xf32, #tpu.memory_space<vmem_shared>>) target_semaphore(%run_scoped3A : memref<!tpu.dma_semaphore, #tpu.memory_space<semaphore_mem>>)
      %dma_wait3A_109 = arith.constant 0 : i32
      %dma_wait3A_110 = tpu.memref_slice %arg17[%add3A_37, %dma_wait3A_109] : memref<10000x144xf32, #tpu.memory_space<vmem_shared>> -> memref<80x144xf32, #tpu.memory_space<vmem_shared>>
      %dma_wait3A_111 = arith.constant 0 : i32
      %dma_wait3A_112 = tpu.memref_slice %arg17[%add3A_37, %dma_wait3A_111] : memref<10000x144xf32, #tpu.memory_space<vmem_shared>> -> memref<80x144xf32, #tpu.memory_space<vmem_shared>>
      tpu.wait_dma2 semaphore(%run_scoped3A : memref<!tpu.dma_semaphore, #tpu.memory_space<semaphore_mem>>) src(%arg14 : memref<80x144xf32, #tpu.memory_space<vmem>>) dst(%dma_wait3A_112 : memref<80x144xf32, #tpu.memory_space<vmem_shared>>)
      tpu.yield
    }) : () -> ()
    %add3A_38 = arith.constant 560 : i32
    %add3A_39 = arith.addi %mul3A_23, %add3A_38 : i32
    "tpu.region"() ({
      %run_scoped3A = tpu.sem_alloc : memref<!tpu.dma_semaphore, #tpu.memory_space<semaphore_mem>>
      %dma_start3A_105 = arith.constant 0 : i32
      %dma_start3A_106 = arith.constant 0 : i32
      %dma_start3A_107 = tpu.memref_slice %arg14[%dma_start3A_105, %dma_start3A_106] : memref<80x144xf32, #tpu.memory_space<vmem>> -> memref<64x144xf32, #tpu.memory_space<vmem>>
      %dma_start3A_108 = arith.constant 0 : i32
      %dma_start3A_109 = tpu.memref_slice %arg17[%add3A_39, %dma_start3A_108] : memref<10000x144xf32, #tpu.memory_space<vmem_shared>> -> memref<64x144xf32, #tpu.memory_space<vmem_shared>>
      %dma_start3A_110 = arith.constant 0 : i32
      %dma_start3A_111 = tpu.memref_slice %arg17[%add3A_39, %dma_start3A_110] : memref<10000x144xf32, #tpu.memory_space<vmem_shared>> -> memref<64x144xf32, #tpu.memory_space<vmem_shared>>
      %dma_start3A_112 = arith.constant 0 : i32
      %dma_start3A_113 = arith.constant 0 : i32
      %dma_start3A_114 = tpu.memref_slice %arg14[%dma_start3A_112, %dma_start3A_113] : memref<80x144xf32, #tpu.memory_space<vmem>> -> memref<64x144xf32, #tpu.memory_space<vmem>>
      tpu.enqueue_dma source(%dma_start3A_114 : memref<64x144xf32, #tpu.memory_space<vmem>>) target(%dma_start3A_111 : memref<64x144xf32, #tpu.memory_space<vmem_shared>>) target_semaphore(%run_scoped3A : memref<!tpu.dma_semaphore, #tpu.memory_space<semaphore_mem>>)
      %dma_wait3A_115 = arith.constant 0 : i32
      %dma_wait3A_116 = arith.constant 0 : i32
      %dma_wait3A_117 = tpu.memref_slice %arg14[%dma_wait3A_115, %dma_wait3A_116] : memref<80x144xf32, #tpu.memory_space<vmem>> -> memref<64x144xf32, #tpu.memory_space<vmem>>
      %dma_wait3A_118 = arith.constant 0 : i32
      %dma_wait3A_119 = tpu.memref_slice %arg17[%add3A_39, %dma_wait3A_118] : memref<10000x144xf32, #tpu.memory_space<vmem_shared>> -> memref<64x144xf32, #tpu.memory_space<vmem_shared>>
      %dma_wait3A_120 = arith.constant 0 : i32
      %dma_wait3A_121 = tpu.memref_slice %arg17[%add3A_39, %dma_wait3A_120] : memref<10000x144xf32, #tpu.memory_space<vmem_shared>> -> memref<64x144xf32, #tpu.memory_space<vmem_shared>>
      %dma_wait3A_122 = arith.constant 0 : i32
      %dma_wait3A_123 = arith.constant 0 : i32
      %dma_wait3A_124 = tpu.memref_slice %arg14[%dma_wait3A_122, %dma_wait3A_123] : memref<80x144xf32, #tpu.memory_space<vmem>> -> memref<64x144xf32, #tpu.memory_space<vmem>>
      tpu.wait_dma2 semaphore(%run_scoped3A : memref<!tpu.dma_semaphore, #tpu.memory_space<semaphore_mem>>) src(%dma_wait3A_124 : memref<64x144xf32, #tpu.memory_space<vmem>>) dst(%dma_wait3A_121 : memref<64x144xf32, #tpu.memory_space<vmem_shared>>)
      tpu.yield
    }) : () -> ()
    %eq3A = arith.constant 15 : i32
    %eq3A_40 = arith.cmpi eq, %arg1, %eq3A : i32
    %convert_element_type3A = arith.extui %eq3A_40 : i1 to i32
    %cond3A = arith.constant 0 : i32
    %cond3A_41 = arith.cmpi ne, %convert_element_type3A, %cond3A : i32
    scf.if %cond3A_41 {
      "tpu.region"() ({
        %run_scoped3A = tpu.sem_alloc : memref<!tpu.dma_semaphore, #tpu.memory_space<semaphore_mem>>
        %dma_start3A_105 = arith.constant 0 : i32
        %dma_start3A_106 = arith.constant 0 : i32
        %dma_start3A_107 = tpu.memref_slice %arg14[%dma_start3A_105, %dma_start3A_106] : memref<80x144xf32, #tpu.memory_space<vmem>> -> memref<16x144xf32, #tpu.memory_space<vmem>>
        %dma_start3A_108 = arith.constant 9984 : i32
        %dma_start3A_109 = arith.constant 0 : i32
        %dma_start3A_110 = tpu.memref_slice %arg17[%dma_start3A_108, %dma_start3A_109] : memref<10000x144xf32, #tpu.memory_space<vmem_shared>> -> memref<16x144xf32, #tpu.memory_space<vmem_shared>>
        %dma_start3A_111 = arith.constant 9984 : i32
        %dma_start3A_112 = arith.constant 0 : i32
        %dma_start3A_113 = tpu.memref_slice %arg17[%dma_start3A_111, %dma_start3A_112] : memref<10000x144xf32, #tpu.memory_space<vmem_shared>> -> memref<16x144xf32, #tpu.memory_space<vmem_shared>>
        %dma_start3A_114 = arith.constant 0 : i32
        %dma_start3A_115 = arith.constant 0 : i32
        %dma_start3A_116 = tpu.memref_slice %arg14[%dma_start3A_114, %dma_start3A_115] : memref<80x144xf32, #tpu.memory_space<vmem>> -> memref<16x144xf32, #tpu.memory_space<vmem>>
        tpu.enqueue_dma source(%dma_start3A_116 : memref<16x144xf32, #tpu.memory_space<vmem>>) target(%dma_start3A_113 : memref<16x144xf32, #tpu.memory_space<vmem_shared>>) target_semaphore(%run_scoped3A : memref<!tpu.dma_semaphore, #tpu.memory_space<semaphore_mem>>)
        %dma_wait3A_117 = arith.constant 0 : i32
        %dma_wait3A_118 = arith.constant 0 : i32
        %dma_wait3A_119 = tpu.memref_slice %arg14[%dma_wait3A_117, %dma_wait3A_118] : memref<80x144xf32, #tpu.memory_space<vmem>> -> memref<16x144xf32, #tpu.memory_space<vmem>>
        %dma_wait3A_120 = arith.constant 9984 : i32
        %dma_wait3A_121 = arith.constant 0 : i32
        %dma_wait3A_122 = tpu.memref_slice %arg17[%dma_wait3A_120, %dma_wait3A_121] : memref<10000x144xf32, #tpu.memory_space<vmem_shared>> -> memref<16x144xf32, #tpu.memory_space<vmem_shared>>
        %dma_wait3A_123 = arith.constant 9984 : i32
        %dma_wait3A_124 = arith.constant 0 : i32
        %dma_wait3A_125 = tpu.memref_slice %arg17[%dma_wait3A_123, %dma_wait3A_124] : memref<10000x144xf32, #tpu.memory_space<vmem_shared>> -> memref<16x144xf32, #tpu.memory_space<vmem_shared>>
        %dma_wait3A_126 = arith.constant 0 : i32
        %dma_wait3A_127 = arith.constant 0 : i32
        %dma_wait3A_128 = tpu.memref_slice %arg14[%dma_wait3A_126, %dma_wait3A_127] : memref<80x144xf32, #tpu.memory_space<vmem>> -> memref<16x144xf32, #tpu.memory_space<vmem>>
        tpu.wait_dma2 semaphore(%run_scoped3A : memref<!tpu.dma_semaphore, #tpu.memory_space<semaphore_mem>>) src(%dma_wait3A_128 : memref<16x144xf32, #tpu.memory_space<vmem>>) dst(%dma_wait3A_125 : memref<16x144xf32, #tpu.memory_space<vmem_shared>>)
        tpu.yield
      }) : () -> ()
    } else {
    }
    %barrier3A = arith.constant 0 : index
    tpu.barrier barrier_id(%barrier3A)
    %get3A = arith.constant 0 : index
    %get3A_42 = tpu.vector_load %arg8[%get3A] {strides = array<i32>} : memref<80xi32, #tpu.memory_space<vmem>>, vector<16xi32>,
    %get3A_43 = vector.shape_cast %get3A_42 : vector<16xi32> to vector<16xi32>
    %swap3A = arith.constant 0 : index
    %swap3A_44 = tpu.vector_load %arg12[%swap3A] {strides = array<i32>} : memref<80xi32, #tpu.memory_space<vmem>>, vector<16xi32>,
    %swap3A_45 = vector.shape_cast %swap3A_44 : vector<16xi32> to vector<16xi32>
    %swap3A_46 = vector.shape_cast %get3A_43 : vector<16xi32> to vector<16xi32>
    tpu.vector_store %arg12[%swap3A], %swap3A_46 {strides = array<i32>} : memref<80xi32, #tpu.memory_space<vmem>>, vector<16xi32>,
    %get3A_47 = arith.constant 16 : index
    %get3A_48 = tpu.vector_load %arg8[%get3A_47] {strides = array<i32>} : memref<80xi32, #tpu.memory_space<vmem>>, vector<16xi32>,
    %get3A_49 = vector.shape_cast %get3A_48 : vector<16xi32> to vector<16xi32>
    %swap3A_50 = arith.constant 16 : index
    %swap3A_51 = tpu.vector_load %arg12[%swap3A_50] {strides = array<i32>} : memref<80xi32, #tpu.memory_space<vmem>>, vector<16xi32>,
    %swap3A_52 = vector.shape_cast %swap3A_51 : vector<16xi32> to vector<16xi32>
    %swap3A_53 = vector.shape_cast %get3A_49 : vector<16xi32> to vector<16xi32>
    tpu.vector_store %arg12[%swap3A_50], %swap3A_53 {strides = array<i32>} : memref<80xi32, #tpu.memory_space<vmem>>, vector<16xi32>,
    %get3A_54 = arith.constant 32 : index
    %get3A_55 = tpu.vector_load %arg8[%get3A_54] {strides = array<i32>} : memref<80xi32, #tpu.memory_space<vmem>>, vector<16xi32>,
    %get3A_56 = vector.shape_cast %get3A_55 : vector<16xi32> to vector<16xi32>
    %swap3A_57 = arith.constant 32 : index
    %swap3A_58 = tpu.vector_load %arg12[%swap3A_57] {strides = array<i32>} : memref<80xi32, #tpu.memory_space<vmem>>, vector<16xi32>,
    %swap3A_59 = vector.shape_cast %swap3A_58 : vector<16xi32> to vector<16xi32>
    %swap3A_60 = vector.shape_cast %get3A_56 : vector<16xi32> to vector<16xi32>
    tpu.vector_store %arg12[%swap3A_57], %swap3A_60 {strides = array<i32>} : memref<80xi32, #tpu.memory_space<vmem>>, vector<16xi32>,
    %get3A_61 = arith.constant 48 : index
    %get3A_62 = tpu.vector_load %arg8[%get3A_61] {strides = array<i32>} : memref<80xi32, #tpu.memory_space<vmem>>, vector<16xi32>,
    %get3A_63 = vector.shape_cast %get3A_62 : vector<16xi32> to vector<16xi32>
    %swap3A_64 = arith.constant 48 : index
    %swap3A_65 = tpu.vector_load %arg12[%swap3A_64] {strides = array<i32>} : memref<80xi32, #tpu.memory_space<vmem>>, vector<16xi32>,
    %swap3A_66 = vector.shape_cast %swap3A_65 : vector<16xi32> to vector<16xi32>
    %swap3A_67 = vector.shape_cast %get3A_63 : vector<16xi32> to vector<16xi32>
    tpu.vector_store %arg12[%swap3A_64], %swap3A_67 {strides = array<i32>} : memref<80xi32, #tpu.memory_space<vmem>>, vector<16xi32>,
    %get3A_68 = arith.constant 64 : index
    %get3A_69 = tpu.vector_load %arg8[%get3A_68] {strides = array<i32>} : memref<80xi32, #tpu.memory_space<vmem>>, vector<16xi32>,
    %get3A_70 = vector.shape_cast %get3A_69 : vector<16xi32> to vector<16xi32>
    %swap3A_71 = arith.constant 64 : index
    %swap3A_72 = tpu.vector_load %arg12[%swap3A_71] {strides = array<i32>} : memref<80xi32, #tpu.memory_space<vmem>>, vector<16xi32>,
    %swap3A_73 = vector.shape_cast %swap3A_72 : vector<16xi32> to vector<16xi32>
    %swap3A_74 = vector.shape_cast %get3A_70 : vector<16xi32> to vector<16xi32>
    tpu.vector_store %arg12[%swap3A_71], %swap3A_74 {strides = array<i32>} : memref<80xi32, #tpu.memory_space<vmem>>, vector<16xi32>,
    %dma_start3A_75 = arith.constant 0 : i32
    %dma_start3A_76 = arith.constant 0 : i32
    %dma_start3A_77 = tpu.memref_slice %arg17[%dma_start3A_75, %dma_start3A_76] : memref<10000x144xf32, #tpu.memory_space<vmem_shared>> -> memref<10000x144xf32, #tpu.memory_space<vmem_shared>>
    tpu.enqueue_indirect_dma source(%arg14 : memref<80x144xf32, #tpu.memory_space<vmem>>) target(%dma_start3A_77 : memref<10000x144xf32, #tpu.memory_space<vmem_shared>>) offsets(%arg12 : memref<80xi32, #tpu.memory_space<vmem>>) semaphore(%arg23 : memref<!tpu.dma_semaphore, #tpu.memory_space<semaphore_mem>>) {add = true}
    %scan3A = arith.constant 0 : i32
    %scan3A_78 = arith.constant 0 : i32
    %scan3A_79 = arith.constant 62 : i32
    %scan3A_80 = arith.addi %scan3A_78, %scan3A_79 : i32
    %scan3A_81 = arith.constant 1 : i32
    %scan3A_82 = scf.for %scan3A_105 = %scan3A_78 to %scan3A_80 step %scan3A_81 iter_args(%scan3A_106 = %scan3A) -> (i32)  : i32 {
      %mul3A_107 = arith.constant 2 : i32
      %mul3A_108 = arith.muli %mul3A_107, %scan3A_105 : i32
      %dma_wait3A_109 = arith.constant 0 : i32
      %dma_wait3A_110 = arith.constant 0 : i32
      %dma_wait3A_111 = tpu.memref_slice %arg4[%dma_wait3A_109, %dma_wait3A_110] : memref<10000x144xf32, #tpu.memory_space<hbm>> -> memref<10000x144xf32, #tpu.memory_space<hbm>>
      tpu.wait_indirect_dma semaphore(%arg18 : memref<!tpu.dma_semaphore, #tpu.memory_space<semaphore_mem>>) src(%dma_wait3A_111 : memref<10000x144xf32, #tpu.memory_space<hbm>>) dst(%arg13 : memref<80x144xf32, #tpu.memory_space<vmem>>)
      %dma_wait3A_112 = arith.constant 0 : i32
      %dma_wait3A_113 = arith.constant 0 : i32
      %dma_wait3A_114 = tpu.memref_slice %arg5[%dma_wait3A_112, %dma_wait3A_113] : memref<10000x16xf32, #tpu.memory_space<hbm>> -> memref<10000x16xf32, #tpu.memory_space<hbm>>
      tpu.wait_indirect_dma semaphore(%arg18 : memref<!tpu.dma_semaphore, #tpu.memory_space<semaphore_mem>>) src(%dma_wait3A_114 : memref<10000x16xf32, #tpu.memory_space<hbm>>) dst(%arg15 : memref<80x16xf32, #tpu.memory_space<vmem>>)
      %dma_wait3A_115 = tpu.memref_slice %arg2[%mul3A_2] : memref<320000xi32, #tpu.memory_space<hbm>> -> memref<80xi32, #tpu.memory_space<hbm>>
      %dma_wait3A_116 = tpu.memref_slice %arg2[%mul3A_2] : memref<320000xi32, #tpu.memory_space<hbm>> -> memref<80xi32, #tpu.memory_space<hbm>>
      tpu.wait_dma2 semaphore(%arg21 : memref<!tpu.dma_semaphore, #tpu.memory_space<semaphore_mem>>) src(%dma_wait3A_116 : memref<80xi32, #tpu.memory_space<hbm>>) dst(%arg9 : memref<80xi32, #tpu.memory_space<vmem>>)
      %dma_wait3A_117 = tpu.memref_slice %arg3[%mul3A_2] : memref<320000xi32, #tpu.memory_space<hbm>> -> memref<80xi32, #tpu.memory_space<hbm>>
      %dma_wait3A_118 = tpu.memref_slice %arg3[%mul3A_2] : memref<320000xi32, #tpu.memory_space<hbm>> -> memref<80xi32, #tpu.memory_space<hbm>>
      tpu.wait_dma2 semaphore(%arg21 : memref<!tpu.dma_semaphore, #tpu.memory_space<semaphore_mem>>) src(%dma_wait3A_118 : memref<80xi32, #tpu.memory_space<hbm>>) dst(%arg10 : memref<80xi32, #tpu.memory_space<vmem>>)
      %dma_wait3A_119 = arith.constant 0 : i32
      %dma_wait3A_120 = arith.constant 0 : i32
      %dma_wait3A_121 = tpu.memref_slice %arg17[%dma_wait3A_119, %dma_wait3A_120] : memref<10000x144xf32, #tpu.memory_space<vmem_shared>> -> memref<10000x144xf32, #tpu.memory_space<vmem_shared>>
      tpu.wait_indirect_dma semaphore(%arg23 : memref<!tpu.dma_semaphore, #tpu.memory_space<semaphore_mem>>) src(%arg14 : memref<80x144xf32, #tpu.memory_space<vmem>>) dst(%dma_wait3A_121 : memref<10000x144xf32, #tpu.memory_space<vmem_shared>>)
      %dma_start3A_122 = arith.constant 0 : i32
      %dma_start3A_123 = arith.constant 0 : i32
      %dma_start3A_124 = tpu.memref_slice %arg4[%dma_start3A_122, %dma_start3A_123] : memref<10000x144xf32, #tpu.memory_space<hbm>> -> memref<10000x144xf32, #tpu.memory_space<hbm>>
      tpu.enqueue_indirect_dma source(%dma_start3A_124 : memref<10000x144xf32, #tpu.memory_space<hbm>>) target(%arg14 : memref<80x144xf32, #tpu.memory_space<vmem>>) offsets(%arg9 : memref<80xi32, #tpu.memory_space<vmem>>) semaphore(%arg19 : memref<!tpu.dma_semaphore, #tpu.memory_space<semaphore_mem>>)
      %dma_start3A_125 = arith.constant 0 : i32
      %dma_start3A_126 = arith.constant 0 : i32
      %dma_start3A_127 = tpu.memref_slice %arg5[%dma_start3A_125, %dma_start3A_126] : memref<10000x16xf32, #tpu.memory_space<hbm>> -> memref<10000x16xf32, #tpu.memory_space<hbm>>
      tpu.enqueue_indirect_dma source(%dma_start3A_127 : memref<10000x16xf32, #tpu.memory_space<hbm>>) target(%arg16 : memref<80x16xf32, #tpu.memory_space<vmem>>) offsets(%arg10 : memref<80xi32, #tpu.memory_space<vmem>>) semaphore(%arg19 : memref<!tpu.dma_semaphore, #tpu.memory_space<semaphore_mem>>)
      %parallel_loop3A_128 = arith.constant 0 : i32
      %parallel_loop3A_129 = arith.constant 80 : i32
      %parallel_loop3A_130 = arith.constant 1 : i32
      scf.for %parallel_loop3A_252 = %parallel_loop3A_128 to %parallel_loop3A_129 step %parallel_loop3A_130  : i32 {
        %parallel_loop3A_253 = arith.index_cast %parallel_loop3A_252 : i32 to index
        %parallel_loop3A_254 = arith.constant 128 : index
        %parallel_loop3A_255 = tpu.vector_load %arg13[%parallel_loop3A_253, %parallel_loop3A_254] {strides = array<i32>} : memref<80x144xf32, #tpu.memory_space<vmem>>, vector<1x16xf32>,
        %parallel_loop3A_256 = vector.shape_cast %parallel_loop3A_255 : vector<1x16xf32> to vector<16xf32>
        %parallel_loop3A_257 = arith.index_cast %parallel_loop3A_252 : i32 to index
        %parallel_loop3A_258 = arith.constant 0 : index
        %parallel_loop3A_259 = tpu.vector_load %arg15[%parallel_loop3A_257, %parallel_loop3A_258] {strides = array<i32>} : memref<80x16xf32, #tpu.memory_space<vmem>>, vector<1x16xf32>,
        %parallel_loop3A_260 = vector.shape_cast %parallel_loop3A_259 : vector<1x16xf32> to vector<16xf32>
        %parallel_loop3A_261 = arith.addf %parallel_loop3A_256, %parallel_loop3A_260 : vector<16xf32>
        %parallel_loop3A_262 = arith.constant 2.000000e-01 : f32
        %parallel_loop3A_263 = vector.broadcast %parallel_loop3A_262 : f32 to vector<16xf32>
        %parallel_loop3A_264 = arith.mulf %parallel_loop3A_261, %parallel_loop3A_263 : vector<16xf32>
        %parallel_loop3A_265 = arith.maximumf %parallel_loop3A_261, %parallel_loop3A_264 : vector<16xf32>
        %parallel_loop3A_266 = math.exp %parallel_loop3A_265 : vector<16xf32>
        %parallel_loop3A_267 = arith.index_cast %parallel_loop3A_252 : i32 to index
        %parallel_loop3A_268 = arith.constant 128 : index
        %parallel_loop3A_269 = tpu.vector_load %arg13[%parallel_loop3A_267, %parallel_loop3A_268] {strides = array<i32>} : memref<80x144xf32, #tpu.memory_space<vmem>>, vector<1x16xf32>,
        %parallel_loop3A_270 = vector.shape_cast %parallel_loop3A_269 : vector<1x16xf32> to vector<16xf32>
        %parallel_loop3A_271 = vector.shape_cast %parallel_loop3A_266 : vector<16xf32> to vector<1x16xf32>
        tpu.vector_store %arg13[%parallel_loop3A_267, %parallel_loop3A_268], %parallel_loop3A_271 {strides = array<i32>} : memref<80x144xf32, #tpu.memory_space<vmem>>, vector<1x16xf32>,
        %parallel_loop3A_272 = vector.extract_strided_slice %parallel_loop3A_266 {offsets = [0], sizes = [1], strides = [1]} : vector<16xf32> to vector<1xf32>
        %parallel_loop3A_273 = vector.extract %parallel_loop3A_272[0] : f32 from vector<1xf32>
        %parallel_loop3A_274 = arith.index_cast %parallel_loop3A_252 : i32 to index
        %parallel_loop3A_275 = arith.constant 0 : index
        %parallel_loop3A_276 = tpu.vector_load %arg13[%parallel_loop3A_274, %parallel_loop3A_275] {strides = array<i32>} : memref<80x144xf32, #tpu.memory_space<vmem>>, vector<1x16xf32>,
        %parallel_loop3A_277 = vector.shape_cast %parallel_loop3A_276 : vector<1x16xf32> to vector<16xf32>
        %parallel_loop3A_278 = vector.broadcast %parallel_loop3A_273 : f32 to vector<16xf32>
        %parallel_loop3A_279 = arith.mulf %parallel_loop3A_277, %parallel_loop3A_278 : vector<16xf32>
        %parallel_loop3A_280 = arith.index_cast %parallel_loop3A_252 : i32 to index
        %parallel_loop3A_281 = arith.constant 0 : index
        %parallel_loop3A_282 = tpu.vector_load %arg13[%parallel_loop3A_280, %parallel_loop3A_281] {strides = array<i32>} : memref<80x144xf32, #tpu.memory_space<vmem>>, vector<1x16xf32>,
        %parallel_loop3A_283 = vector.shape_cast %parallel_loop3A_282 : vector<1x16xf32> to vector<16xf32>
        %parallel_loop3A_284 = vector.shape_cast %parallel_loop3A_279 : vector<16xf32> to vector<1x16xf32>
        tpu.vector_store %arg13[%parallel_loop3A_280, %parallel_loop3A_281], %parallel_loop3A_284 {strides = array<i32>} : memref<80x144xf32, #tpu.memory_space<vmem>>, vector<1x16xf32>,
        %parallel_loop3A_285 = vector.extract_strided_slice %parallel_loop3A_266 {offsets = [1], sizes = [1], strides = [1]} : vector<16xf32> to vector<1xf32>
        %parallel_loop3A_286 = vector.extract %parallel_loop3A_285[0] : f32 from vector<1xf32>
        %parallel_loop3A_287 = arith.index_cast %parallel_loop3A_252 : i32 to index
        %parallel_loop3A_288 = arith.constant 16 : index
        %parallel_loop3A_289 = tpu.vector_load %arg13[%parallel_loop3A_287, %parallel_loop3A_288] {strides = array<i32>} : memref<80x144xf32, #tpu.memory_space<vmem>>, vector<1x16xf32>,
        %parallel_loop3A_290 = vector.shape_cast %parallel_loop3A_289 : vector<1x16xf32> to vector<16xf32>
        %parallel_loop3A_291 = vector.broadcast %parallel_loop3A_286 : f32 to vector<16xf32>
        %parallel_loop3A_292 = arith.mulf %parallel_loop3A_290, %parallel_loop3A_291 : vector<16xf32>
        %parallel_loop3A_293 = arith.index_cast %parallel_loop3A_252 : i32 to index
        %parallel_loop3A_294 = arith.constant 16 : index
        %parallel_loop3A_295 = tpu.vector_load %arg13[%parallel_loop3A_293, %parallel_loop3A_294] {strides = array<i32>} : memref<80x144xf32, #tpu.memory_space<vmem>>, vector<1x16xf32>,
        %parallel_loop3A_296 = vector.shape_cast %parallel_loop3A_295 : vector<1x16xf32> to vector<16xf32>
        %parallel_loop3A_297 = vector.shape_cast %parallel_loop3A_292 : vector<16xf32> to vector<1x16xf32>
        tpu.vector_store %arg13[%parallel_loop3A_293, %parallel_loop3A_294], %parallel_loop3A_297 {strides = array<i32>} : memref<80x144xf32, #tpu.memory_space<vmem>>, vector<1x16xf32>,
        %parallel_loop3A_298 = vector.extract_strided_slice %parallel_loop3A_266 {offsets = [2], sizes = [1], strides = [1]} : vector<16xf32> to vector<1xf32>
        %parallel_loop3A_299 = vector.extract %parallel_loop3A_298[0] : f32 from vector<1xf32>
        %parallel_loop3A_300 = arith.index_cast %parallel_loop3A_252 : i32 to index
        %parallel_loop3A_301 = arith.constant 32 : index
        %parallel_loop3A_302 = tpu.vector_load %arg13[%parallel_loop3A_300, %parallel_loop3A_301] {strides = array<i32>} : memref<80x144xf32, #tpu.memory_space<vmem>>, vector<1x16xf32>,
        %parallel_loop3A_303 = vector.shape_cast %parallel_loop3A_302 : vector<1x16xf32> to vector<16xf32>
        %parallel_loop3A_304 = vector.broadcast %parallel_loop3A_299 : f32 to vector<16xf32>
        %parallel_loop3A_305 = arith.mulf %parallel_loop3A_303, %parallel_loop3A_304 : vector<16xf32>
        %parallel_loop3A_306 = arith.index_cast %parallel_loop3A_252 : i32 to index
        %parallel_loop3A_307 = arith.constant 32 : index
        %parallel_loop3A_308 = tpu.vector_load %arg13[%parallel_loop3A_306, %parallel_loop3A_307] {strides = array<i32>} : memref<80x144xf32, #tpu.memory_space<vmem>>, vector<1x16xf32>,
        %parallel_loop3A_309 = vector.shape_cast %parallel_loop3A_308 : vector<1x16xf32> to vector<16xf32>
        %parallel_loop3A_310 = vector.shape_cast %parallel_loop3A_305 : vector<16xf32> to vector<1x16xf32>
        tpu.vector_store %arg13[%parallel_loop3A_306, %parallel_loop3A_307], %parallel_loop3A_310 {strides = array<i32>} : memref<80x144xf32, #tpu.memory_space<vmem>>, vector<1x16xf32>,
        %parallel_loop3A_311 = vector.extract_strided_slice %parallel_loop3A_266 {offsets = [3], sizes = [1], strides = [1]} : vector<16xf32> to vector<1xf32>
        %parallel_loop3A_312 = vector.extract %parallel_loop3A_311[0] : f32 from vector<1xf32>
        %parallel_loop3A_313 = arith.index_cast %parallel_loop3A_252 : i32 to index
        %parallel_loop3A_314 = arith.constant 48 : index
        %parallel_loop3A_315 = tpu.vector_load %arg13[%parallel_loop3A_313, %parallel_loop3A_314] {strides = array<i32>} : memref<80x144xf32, #tpu.memory_space<vmem>>, vector<1x16xf32>,
        %parallel_loop3A_316 = vector.shape_cast %parallel_loop3A_315 : vector<1x16xf32> to vector<16xf32>
        %parallel_loop3A_317 = vector.broadcast %parallel_loop3A_312 : f32 to vector<16xf32>
        %parallel_loop3A_318 = arith.mulf %parallel_loop3A_316, %parallel_loop3A_317 : vector<16xf32>
        %parallel_loop3A_319 = arith.index_cast %parallel_loop3A_252 : i32 to index
        %parallel_loop3A_320 = arith.constant 48 : index
        %parallel_loop3A_321 = tpu.vector_load %arg13[%parallel_loop3A_319, %parallel_loop3A_320] {strides = array<i32>} : memref<80x144xf32, #tpu.memory_space<vmem>>, vector<1x16xf32>,
        %parallel_loop3A_322 = vector.shape_cast %parallel_loop3A_321 : vector<1x16xf32> to vector<16xf32>
        %parallel_loop3A_323 = vector.shape_cast %parallel_loop3A_318 : vector<16xf32> to vector<1x16xf32>
        tpu.vector_store %arg13[%parallel_loop3A_319, %parallel_loop3A_320], %parallel_loop3A_323 {strides = array<i32>} : memref<80x144xf32, #tpu.memory_space<vmem>>, vector<1x16xf32>,
        %parallel_loop3A_324 = vector.extract_strided_slice %parallel_loop3A_266 {offsets = [4], sizes = [1], strides = [1]} : vector<16xf32> to vector<1xf32>
        %parallel_loop3A_325 = vector.extract %parallel_loop3A_324[0] : f32 from vector<1xf32>
        %parallel_loop3A_326 = arith.index_cast %parallel_loop3A_252 : i32 to index
        %parallel_loop3A_327 = arith.constant 64 : index
        %parallel_loop3A_328 = tpu.vector_load %arg13[%parallel_loop3A_326, %parallel_loop3A_327] {strides = array<i32>} : memref<80x144xf32, #tpu.memory_space<vmem>>, vector<1x16xf32>,
        %parallel_loop3A_329 = vector.shape_cast %parallel_loop3A_328 : vector<1x16xf32> to vector<16xf32>
        %parallel_loop3A_330 = vector.broadcast %parallel_loop3A_325 : f32 to vector<16xf32>
        %parallel_loop3A_331 = arith.mulf %parallel_loop3A_329, %parallel_loop3A_330 : vector<16xf32>
        %parallel_loop3A_332 = arith.index_cast %parallel_loop3A_252 : i32 to index
        %parallel_loop3A_333 = arith.constant 64 : index
        %parallel_loop3A_334 = tpu.vector_load %arg13[%parallel_loop3A_332, %parallel_loop3A_333] {strides = array<i32>} : memref<80x144xf32, #tpu.memory_space<vmem>>, vector<1x16xf32>,
        %parallel_loop3A_335 = vector.shape_cast %parallel_loop3A_334 : vector<1x16xf32> to vector<16xf32>
        %parallel_loop3A_336 = vector.shape_cast %parallel_loop3A_331 : vector<16xf32> to vector<1x16xf32>
        tpu.vector_store %arg13[%parallel_loop3A_332, %parallel_loop3A_333], %parallel_loop3A_336 {strides = array<i32>} : memref<80x144xf32, #tpu.memory_space<vmem>>, vector<1x16xf32>,
        %parallel_loop3A_337 = vector.extract_strided_slice %parallel_loop3A_266 {offsets = [5], sizes = [1], strides = [1]} : vector<16xf32> to vector<1xf32>
        %parallel_loop3A_338 = vector.extract %parallel_loop3A_337[0] : f32 from vector<1xf32>
        %parallel_loop3A_339 = arith.index_cast %parallel_loop3A_252 : i32 to index
        %parallel_loop3A_340 = arith.constant 80 : index
        %parallel_loop3A_341 = tpu.vector_load %arg13[%parallel_loop3A_339, %parallel_loop3A_340] {strides = array<i32>} : memref<80x144xf32, #tpu.memory_space<vmem>>, vector<1x16xf32>,
        %parallel_loop3A_342 = vector.shape_cast %parallel_loop3A_341 : vector<1x16xf32> to vector<16xf32>
        %parallel_loop3A_343 = vector.broadcast %parallel_loop3A_338 : f32 to vector<16xf32>
        %parallel_loop3A_344 = arith.mulf %parallel_loop3A_342, %parallel_loop3A_343 : vector<16xf32>
        %parallel_loop3A_345 = arith.index_cast %parallel_loop3A_252 : i32 to index
        %parallel_loop3A_346 = arith.constant 80 : index
        %parallel_loop3A_347 = tpu.vector_load %arg13[%parallel_loop3A_345, %parallel_loop3A_346] {strides = array<i32>} : memref<80x144xf32, #tpu.memory_space<vmem>>, vector<1x16xf32>,
        %parallel_loop3A_348 = vector.shape_cast %parallel_loop3A_347 : vector<1x16xf32> to vector<16xf32>
        %parallel_loop3A_349 = vector.shape_cast %parallel_loop3A_344 : vector<16xf32> to vector<1x16xf32>
        tpu.vector_store %arg13[%parallel_loop3A_345, %parallel_loop3A_346], %parallel_loop3A_349 {strides = array<i32>} : memref<80x144xf32, #tpu.memory_space<vmem>>, vector<1x16xf32>,
        %parallel_loop3A_350 = vector.extract_strided_slice %parallel_loop3A_266 {offsets = [6], sizes = [1], strides = [1]} : vector<16xf32> to vector<1xf32>
        %parallel_loop3A_351 = vector.extract %parallel_loop3A_350[0] : f32 from vector<1xf32>
        %parallel_loop3A_352 = arith.index_cast %parallel_loop3A_252 : i32 to index
        %parallel_loop3A_353 = arith.constant 96 : index
        %parallel_loop3A_354 = tpu.vector_load %arg13[%parallel_loop3A_352, %parallel_loop3A_353] {strides = array<i32>} : memref<80x144xf32, #tpu.memory_space<vmem>>, vector<1x16xf32>,
        %parallel_loop3A_355 = vector.shape_cast %parallel_loop3A_354 : vector<1x16xf32> to vector<16xf32>
        %parallel_loop3A_356 = vector.broadcast %parallel_loop3A_351 : f32 to vector<16xf32>
        %parallel_loop3A_357 = arith.mulf %parallel_loop3A_355, %parallel_loop3A_356 : vector<16xf32>
        %parallel_loop3A_358 = arith.index_cast %parallel_loop3A_252 : i32 to index
        %parallel_loop3A_359 = arith.constant 96 : index
        %parallel_loop3A_360 = tpu.vector_load %arg13[%parallel_loop3A_358, %parallel_loop3A_359] {strides = array<i32>} : memref<80x144xf32, #tpu.memory_space<vmem>>, vector<1x16xf32>,
        %parallel_loop3A_361 = vector.shape_cast %parallel_loop3A_360 : vector<1x16xf32> to vector<16xf32>
        %parallel_loop3A_362 = vector.shape_cast %parallel_loop3A_357 : vector<16xf32> to vector<1x16xf32>
        tpu.vector_store %arg13[%parallel_loop3A_358, %parallel_loop3A_359], %parallel_loop3A_362 {strides = array<i32>} : memref<80x144xf32, #tpu.memory_space<vmem>>, vector<1x16xf32>,
        %parallel_loop3A_363 = vector.extract_strided_slice %parallel_loop3A_266 {offsets = [7], sizes = [1], strides = [1]} : vector<16xf32> to vector<1xf32>
        %parallel_loop3A_364 = vector.extract %parallel_loop3A_363[0] : f32 from vector<1xf32>
        %parallel_loop3A_365 = arith.index_cast %parallel_loop3A_252 : i32 to index
        %parallel_loop3A_366 = arith.constant 112 : index
        %parallel_loop3A_367 = tpu.vector_load %arg13[%parallel_loop3A_365, %parallel_loop3A_366] {strides = array<i32>} : memref<80x144xf32, #tpu.memory_space<vmem>>, vector<1x16xf32>,
        %parallel_loop3A_368 = vector.shape_cast %parallel_loop3A_367 : vector<1x16xf32> to vector<16xf32>
        %parallel_loop3A_369 = vector.broadcast %parallel_loop3A_364 : f32 to vector<16xf32>
        %parallel_loop3A_370 = arith.mulf %parallel_loop3A_368, %parallel_loop3A_369 : vector<16xf32>
        %parallel_loop3A_371 = arith.index_cast %parallel_loop3A_252 : i32 to index
        %parallel_loop3A_372 = arith.constant 112 : index
        %parallel_loop3A_373 = tpu.vector_load %arg13[%parallel_loop3A_371, %parallel_loop3A_372] {strides = array<i32>} : memref<80x144xf32, #tpu.memory_space<vmem>>, vector<1x16xf32>,
        %parallel_loop3A_374 = vector.shape_cast %parallel_loop3A_373 : vector<1x16xf32> to vector<16xf32>
        %parallel_loop3A_375 = vector.shape_cast %parallel_loop3A_370 : vector<16xf32> to vector<1x16xf32>
        tpu.vector_store %arg13[%parallel_loop3A_371, %parallel_loop3A_372], %parallel_loop3A_375 {strides = array<i32>} : memref<80x144xf32, #tpu.memory_space<vmem>>, vector<1x16xf32>,
      } {sc.loop_unroll_factor = 4 : i64, sc.parallel_access}
      %get3A_131 = arith.constant 0 : index
      %get3A_132 = tpu.vector_load %arg8[%get3A_131] {strides = array<i32>} : memref<80xi32, #tpu.memory_space<vmem>>, vector<16xi32>,
      %get3A_133 = vector.shape_cast %get3A_132 : vector<16xi32> to vector<16xi32>
      %swap3A_134 = arith.constant 0 : index
      %swap3A_135 = tpu.vector_load %arg11[%swap3A_134] {strides = array<i32>} : memref<80xi32, #tpu.memory_space<vmem>>, vector<16xi32>,
      %swap3A_136 = vector.shape_cast %swap3A_135 : vector<16xi32> to vector<16xi32>
      %swap3A_137 = vector.shape_cast %get3A_133 : vector<16xi32> to vector<16xi32>
      tpu.vector_store %arg11[%swap3A_134], %swap3A_137 {strides = array<i32>} : memref<80xi32, #tpu.memory_space<vmem>>, vector<16xi32>,
      %get3A_138 = arith.constant 16 : index
      %get3A_139 = tpu.vector_load %arg8[%get3A_138] {strides = array<i32>} : memref<80xi32, #tpu.memory_space<vmem>>, vector<16xi32>,
      %get3A_140 = vector.shape_cast %get3A_139 : vector<16xi32> to vector<16xi32>
      %swap3A_141 = arith.constant 16 : index
      %swap3A_142 = tpu.vector_load %arg11[%swap3A_141] {strides = array<i32>} : memref<80xi32, #tpu.memory_space<vmem>>, vector<16xi32>,
      %swap3A_143 = vector.shape_cast %swap3A_142 : vector<16xi32> to vector<16xi32>
      %swap3A_144 = vector.shape_cast %get3A_140 : vector<16xi32> to vector<16xi32>
      tpu.vector_store %arg11[%swap3A_141], %swap3A_144 {strides = array<i32>} : memref<80xi32, #tpu.memory_space<vmem>>, vector<16xi32>,
      %get3A_145 = arith.constant 32 : index
      %get3A_146 = tpu.vector_load %arg8[%get3A_145] {strides = array<i32>} : memref<80xi32, #tpu.memory_space<vmem>>, vector<16xi32>,
      %get3A_147 = vector.shape_cast %get3A_146 : vector<16xi32> to vector<16xi32>
      %swap3A_148 = arith.constant 32 : index
      %swap3A_149 = tpu.vector_load %arg11[%swap3A_148] {strides = array<i32>} : memref<80xi32, #tpu.memory_space<vmem>>, vector<16xi32>,
      %swap3A_150 = vector.shape_cast %swap3A_149 : vector<16xi32> to vector<16xi32>
      %swap3A_151 = vector.shape_cast %get3A_147 : vector<16xi32> to vector<16xi32>
      tpu.vector_store %arg11[%swap3A_148], %swap3A_151 {strides = array<i32>} : memref<80xi32, #tpu.memory_space<vmem>>, vector<16xi32>,
      %get3A_152 = arith.constant 48 : index
      %get3A_153 = tpu.vector_load %arg8[%get3A_152] {strides = array<i32>} : memref<80xi32, #tpu.memory_space<vmem>>, vector<16xi32>,
      %get3A_154 = vector.shape_cast %get3A_153 : vector<16xi32> to vector<16xi32>
      %swap3A_155 = arith.constant 48 : index
      %swap3A_156 = tpu.vector_load %arg11[%swap3A_155] {strides = array<i32>} : memref<80xi32, #tpu.memory_space<vmem>>, vector<16xi32>,
      %swap3A_157 = vector.shape_cast %swap3A_156 : vector<16xi32> to vector<16xi32>
      %swap3A_158 = vector.shape_cast %get3A_154 : vector<16xi32> to vector<16xi32>
      tpu.vector_store %arg11[%swap3A_155], %swap3A_158 {strides = array<i32>} : memref<80xi32, #tpu.memory_space<vmem>>, vector<16xi32>,
      %get3A_159 = arith.constant 64 : index
      %get3A_160 = tpu.vector_load %arg8[%get3A_159] {strides = array<i32>} : memref<80xi32, #tpu.memory_space<vmem>>, vector<16xi32>,
      %get3A_161 = vector.shape_cast %get3A_160 : vector<16xi32> to vector<16xi32>
      %swap3A_162 = arith.constant 64 : index
      %swap3A_163 = tpu.vector_load %arg11[%swap3A_162] {strides = array<i32>} : memref<80xi32, #tpu.memory_space<vmem>>, vector<16xi32>,
      %swap3A_164 = vector.shape_cast %swap3A_163 : vector<16xi32> to vector<16xi32>
      %swap3A_165 = vector.shape_cast %get3A_161 : vector<16xi32> to vector<16xi32>
      tpu.vector_store %arg11[%swap3A_162], %swap3A_165 {strides = array<i32>} : memref<80xi32, #tpu.memory_space<vmem>>, vector<16xi32>,
      %dma_start3A_166 = arith.constant 0 : i32
      %dma_start3A_167 = arith.constant 0 : i32
      %dma_start3A_168 = tpu.memref_slice %arg17[%dma_start3A_166, %dma_start3A_167] : memref<10000x144xf32, #tpu.memory_space<vmem_shared>> -> memref<10000x144xf32, #tpu.memory_space<vmem_shared>>
      tpu.enqueue_indirect_dma source(%arg13 : memref<80x144xf32, #tpu.memory_space<vmem>>) target(%dma_start3A_168 : memref<10000x144xf32, #tpu.memory_space<vmem_shared>>) offsets(%arg11 : memref<80xi32, #tpu.memory_space<vmem>>) semaphore(%arg22 : memref<!tpu.dma_semaphore, #tpu.memory_space<semaphore_mem>>) {add = true}
      %add3A_169 = arith.constant 2 : i32
      %add3A_170 = arith.addi %mul3A_108, %add3A_169 : i32
      %min3A_171 = arith.constant 124 : i32
      %min3A_172 = arith.minsi %add3A_170, %min3A_171 : i32
      %mul3A_173 = arith.constant 80 : i32
      %mul3A_174 = arith.muli %min3A_172, %mul3A_173 : i32
      %add3A_175 = arith.addi %mul3A_2, %mul3A_174 : i32
      %dma_start3A_176 = tpu.memref_slice %arg2[%add3A_175] : memref<320000xi32, #tpu.memory_space<hbm>> -> memref<80xi32, #tpu.memory_space<hbm>>
      %dma_start3A_177 = tpu.memref_slice %arg2[%add3A_175] : memref<320000xi32, #tpu.memory_space<hbm>> -> memref<80xi32, #tpu.memory_space<hbm>>
      tpu.enqueue_dma source(%dma_start3A_177 : memref<80xi32, #tpu.memory_space<hbm>>) target(%arg7 : memref<80xi32, #tpu.memory_space<vmem>>) target_semaphore(%arg20 : memref<!tpu.dma_semaphore, #tpu.memory_space<semaphore_mem>>)
      %dma_start3A_178 = tpu.memref_slice %arg3[%add3A_175] : memref<320000xi32, #tpu.memory_space<hbm>> -> memref<80xi32, #tpu.memory_space<hbm>>
      %dma_start3A_179 = tpu.memref_slice %arg3[%add3A_175] : memref<320000xi32, #tpu.memory_space<hbm>> -> memref<80xi32, #tpu.memory_space<hbm>>
      tpu.enqueue_dma source(%dma_start3A_179 : memref<80xi32, #tpu.memory_space<hbm>>) target(%arg8 : memref<80xi32, #tpu.memory_space<vmem>>) target_semaphore(%arg20 : memref<!tpu.dma_semaphore, #tpu.memory_space<semaphore_mem>>)
      %dma_wait3A_180 = arith.constant 0 : i32
      %dma_wait3A_181 = arith.constant 0 : i32
      %dma_wait3A_182 = tpu.memref_slice %arg4[%dma_wait3A_180, %dma_wait3A_181] : memref<10000x144xf32, #tpu.memory_space<hbm>> -> memref<10000x144xf32, #tpu.memory_space<hbm>>
      tpu.wait_indirect_dma semaphore(%arg19 : memref<!tpu.dma_semaphore, #tpu.memory_space<semaphore_mem>>) src(%dma_wait3A_182 : memref<10000x144xf32, #tpu.memory_space<hbm>>) dst(%arg14 : memref<80x144xf32, #tpu.memory_space<vmem>>)
      %dma_wait3A_183 = arith.constant 0 : i32
      %dma_wait3A_184 = arith.constant 0 : i32
      %dma_wait3A_185 = tpu.memref_slice %arg5[%dma_wait3A_183, %dma_wait3A_184] : memref<10000x16xf32, #tpu.memory_space<hbm>> -> memref<10000x16xf32, #tpu.memory_space<hbm>>
      tpu.wait_indirect_dma semaphore(%arg19 : memref<!tpu.dma_semaphore, #tpu.memory_space<semaphore_mem>>) src(%dma_wait3A_185 : memref<10000x16xf32, #tpu.memory_space<hbm>>) dst(%arg16 : memref<80x16xf32, #tpu.memory_space<vmem>>)
      %dma_wait3A_186 = tpu.memref_slice %arg2[%mul3A_2] : memref<320000xi32, #tpu.memory_space<hbm>> -> memref<80xi32, #tpu.memory_space<hbm>>
      %dma_wait3A_187 = tpu.memref_slice %arg2[%mul3A_2] : memref<320000xi32, #tpu.memory_space<hbm>> -> memref<80xi32, #tpu.memory_space<hbm>>
      tpu.wait_dma2 semaphore(%arg20 : memref<!tpu.dma_semaphore, #tpu.memory_space<semaphore_mem>>) src(%dma_wait3A_187 : memref<80xi32, #tpu.memory_space<hbm>>) dst(%arg7 : memref<80xi32, #tpu.memory_space<vmem>>)
      %dma_wait3A_188 = tpu.memref_slice %arg3[%mul3A_2] : memref<320000xi32, #tpu.memory_space<hbm>> -> memref<80xi32, #tpu.memory_space<hbm>>
      %dma_wait3A_189 = tpu.memref_slice %arg3[%mul3A_2] : memref<320000xi32, #tpu.memory_space<hbm>> -> memref<80xi32, #tpu.memory_space<hbm>>
      tpu.wait_dma2 semaphore(%arg20 : memref<!tpu.dma_semaphore, #tpu.memory_space<semaphore_mem>>) src(%dma_wait3A_189 : memref<80xi32, #tpu.memory_space<hbm>>) dst(%arg8 : memref<80xi32, #tpu.memory_space<vmem>>)
      %dma_wait3A_190 = arith.constant 0 : i32
      %dma_wait3A_191 = arith.constant 0 : i32
      %dma_wait3A_192 = tpu.memref_slice %arg17[%dma_wait3A_190, %dma_wait3A_191] : memref<10000x144xf32, #tpu.memory_space<vmem_shared>> -> memref<10000x144xf32, #tpu.memory_space<vmem_shared>>
      tpu.wait_indirect_dma semaphore(%arg22 : memref<!tpu.dma_semaphore, #tpu.memory_space<semaphore_mem>>) src(%arg13 : memref<80x144xf32, #tpu.memory_space<vmem>>) dst(%dma_wait3A_192 : memref<10000x144xf32, #tpu.memory_space<vmem_shared>>)
      %dma_start3A_193 = arith.constant 0 : i32
      %dma_start3A_194 = arith.constant 0 : i32
      %dma_start3A_195 = tpu.memref_slice %arg4[%dma_start3A_193, %dma_start3A_194] : memref<10000x144xf32, #tpu.memory_space<hbm>> -> memref<10000x144xf32, #tpu.memory_space<hbm>>
      tpu.enqueue_indirect_dma source(%dma_start3A_195 : memref<10000x144xf32, #tpu.memory_space<hbm>>) target(%arg13 : memref<80x144xf32, #tpu.memory_space<vmem>>) offsets(%arg7 : memref<80xi32, #tpu.memory_space<vmem>>) semaphore(%arg18 : memref<!tpu.dma_semaphore, #tpu.memory_space<semaphore_mem>>)
      %dma_start3A_196 = arith.constant 0 : i32
      %dma_start3A_197 = arith.constant 0 : i32
      %dma_start3A_198 = tpu.memref_slice %arg5[%dma_start3A_196, %dma_start3A_197] : memref<10000x16xf32, #tpu.memory_space<hbm>> -> memref<10000x16xf32, #tpu.memory_space<hbm>>
      tpu.enqueue_indirect_dma source(%dma_start3A_198 : memref<10000x16xf32, #tpu.memory_space<hbm>>) target(%arg15 : memref<80x16xf32, #tpu.memory_space<vmem>>) offsets(%arg8 : memref<80xi32, #tpu.memory_space<vmem>>) semaphore(%arg18 : memref<!tpu.dma_semaphore, #tpu.memory_space<semaphore_mem>>)
      %parallel_loop3A_199 = arith.constant 0 : i32
      %parallel_loop3A_200 = arith.constant 80 : i32
      %parallel_loop3A_201 = arith.constant 1 : i32
      scf.for %parallel_loop3A_252 = %parallel_loop3A_199 to %parallel_loop3A_200 step %parallel_loop3A_201  : i32 {
        %parallel_loop3A_253 = arith.index_cast %parallel_loop3A_252 : i32 to index
        %parallel_loop3A_254 = arith.constant 128 : index
        %parallel_loop3A_255 = tpu.vector_load %arg14[%parallel_loop3A_253, %parallel_loop3A_254] {strides = array<i32>} : memref<80x144xf32, #tpu.memory_space<vmem>>, vector<1x16xf32>,
        %parallel_loop3A_256 = vector.shape_cast %parallel_loop3A_255 : vector<1x16xf32> to vector<16xf32>
        %parallel_loop3A_257 = arith.index_cast %parallel_loop3A_252 : i32 to index
        %parallel_loop3A_258 = arith.constant 0 : index
        %parallel_loop3A_259 = tpu.vector_load %arg16[%parallel_loop3A_257, %parallel_loop3A_258] {strides = array<i32>} : memref<80x16xf32, #tpu.memory_space<vmem>>, vector<1x16xf32>,
        %parallel_loop3A_260 = vector.shape_cast %parallel_loop3A_259 : vector<1x16xf32> to vector<16xf32>
        %parallel_loop3A_261 = arith.addf %parallel_loop3A_256, %parallel_loop3A_260 : vector<16xf32>
        %parallel_loop3A_262 = arith.constant 2.000000e-01 : f32
        %parallel_loop3A_263 = vector.broadcast %parallel_loop3A_262 : f32 to vector<16xf32>
        %parallel_loop3A_264 = arith.mulf %parallel_loop3A_261, %parallel_loop3A_263 : vector<16xf32>
        %parallel_loop3A_265 = arith.maximumf %parallel_loop3A_261, %parallel_loop3A_264 : vector<16xf32>
        %parallel_loop3A_266 = math.exp %parallel_loop3A_265 : vector<16xf32>
        %parallel_loop3A_267 = arith.index_cast %parallel_loop3A_252 : i32 to index
        %parallel_loop3A_268 = arith.constant 128 : index
        %parallel_loop3A_269 = tpu.vector_load %arg14[%parallel_loop3A_267, %parallel_loop3A_268] {strides = array<i32>} : memref<80x144xf32, #tpu.memory_space<vmem>>, vector<1x16xf32>,
        %parallel_loop3A_270 = vector.shape_cast %parallel_loop3A_269 : vector<1x16xf32> to vector<16xf32>
        %parallel_loop3A_271 = vector.shape_cast %parallel_loop3A_266 : vector<16xf32> to vector<1x16xf32>
        tpu.vector_store %arg14[%parallel_loop3A_267, %parallel_loop3A_268], %parallel_loop3A_271 {strides = array<i32>} : memref<80x144xf32, #tpu.memory_space<vmem>>, vector<1x16xf32>,
        %parallel_loop3A_272 = vector.extract_strided_slice %parallel_loop3A_266 {offsets = [0], sizes = [1], strides = [1]} : vector<16xf32> to vector<1xf32>
        %parallel_loop3A_273 = vector.extract %parallel_loop3A_272[0] : f32 from vector<1xf32>
        %parallel_loop3A_274 = arith.index_cast %parallel_loop3A_252 : i32 to index
        %parallel_loop3A_275 = arith.constant 0 : index
        %parallel_loop3A_276 = tpu.vector_load %arg14[%parallel_loop3A_274, %parallel_loop3A_275] {strides = array<i32>} : memref<80x144xf32, #tpu.memory_space<vmem>>, vector<1x16xf32>,
        %parallel_loop3A_277 = vector.shape_cast %parallel_loop3A_276 : vector<1x16xf32> to vector<16xf32>
        %parallel_loop3A_278 = vector.broadcast %parallel_loop3A_273 : f32 to vector<16xf32>
        %parallel_loop3A_279 = arith.mulf %parallel_loop3A_277, %parallel_loop3A_278 : vector<16xf32>
        %parallel_loop3A_280 = arith.index_cast %parallel_loop3A_252 : i32 to index
        %parallel_loop3A_281 = arith.constant 0 : index
        %parallel_loop3A_282 = tpu.vector_load %arg14[%parallel_loop3A_280, %parallel_loop3A_281] {strides = array<i32>} : memref<80x144xf32, #tpu.memory_space<vmem>>, vector<1x16xf32>,
        %parallel_loop3A_283 = vector.shape_cast %parallel_loop3A_282 : vector<1x16xf32> to vector<16xf32>
        %parallel_loop3A_284 = vector.shape_cast %parallel_loop3A_279 : vector<16xf32> to vector<1x16xf32>
        tpu.vector_store %arg14[%parallel_loop3A_280, %parallel_loop3A_281], %parallel_loop3A_284 {strides = array<i32>} : memref<80x144xf32, #tpu.memory_space<vmem>>, vector<1x16xf32>,
        %parallel_loop3A_285 = vector.extract_strided_slice %parallel_loop3A_266 {offsets = [1], sizes = [1], strides = [1]} : vector<16xf32> to vector<1xf32>
        %parallel_loop3A_286 = vector.extract %parallel_loop3A_285[0] : f32 from vector<1xf32>
        %parallel_loop3A_287 = arith.index_cast %parallel_loop3A_252 : i32 to index
        %parallel_loop3A_288 = arith.constant 16 : index
        %parallel_loop3A_289 = tpu.vector_load %arg14[%parallel_loop3A_287, %parallel_loop3A_288] {strides = array<i32>} : memref<80x144xf32, #tpu.memory_space<vmem>>, vector<1x16xf32>,
        %parallel_loop3A_290 = vector.shape_cast %parallel_loop3A_289 : vector<1x16xf32> to vector<16xf32>
        %parallel_loop3A_291 = vector.broadcast %parallel_loop3A_286 : f32 to vector<16xf32>
        %parallel_loop3A_292 = arith.mulf %parallel_loop3A_290, %parallel_loop3A_291 : vector<16xf32>
        %parallel_loop3A_293 = arith.index_cast %parallel_loop3A_252 : i32 to index
        %parallel_loop3A_294 = arith.constant 16 : index
        %parallel_loop3A_295 = tpu.vector_load %arg14[%parallel_loop3A_293, %parallel_loop3A_294] {strides = array<i32>} : memref<80x144xf32, #tpu.memory_space<vmem>>, vector<1x16xf32>,
        %parallel_loop3A_296 = vector.shape_cast %parallel_loop3A_295 : vector<1x16xf32> to vector<16xf32>
        %parallel_loop3A_297 = vector.shape_cast %parallel_loop3A_292 : vector<16xf32> to vector<1x16xf32>
        tpu.vector_store %arg14[%parallel_loop3A_293, %parallel_loop3A_294], %parallel_loop3A_297 {strides = array<i32>} : memref<80x144xf32, #tpu.memory_space<vmem>>, vector<1x16xf32>,
        %parallel_loop3A_298 = vector.extract_strided_slice %parallel_loop3A_266 {offsets = [2], sizes = [1], strides = [1]} : vector<16xf32> to vector<1xf32>
        %parallel_loop3A_299 = vector.extract %parallel_loop3A_298[0] : f32 from vector<1xf32>
        %parallel_loop3A_300 = arith.index_cast %parallel_loop3A_252 : i32 to index
        %parallel_loop3A_301 = arith.constant 32 : index
        %parallel_loop3A_302 = tpu.vector_load %arg14[%parallel_loop3A_300, %parallel_loop3A_301] {strides = array<i32>} : memref<80x144xf32, #tpu.memory_space<vmem>>, vector<1x16xf32>,
        %parallel_loop3A_303 = vector.shape_cast %parallel_loop3A_302 : vector<1x16xf32> to vector<16xf32>
        %parallel_loop3A_304 = vector.broadcast %parallel_loop3A_299 : f32 to vector<16xf32>
        %parallel_loop3A_305 = arith.mulf %parallel_loop3A_303, %parallel_loop3A_304 : vector<16xf32>
        %parallel_loop3A_306 = arith.index_cast %parallel_loop3A_252 : i32 to index
        %parallel_loop3A_307 = arith.constant 32 : index
        %parallel_loop3A_308 = tpu.vector_load %arg14[%parallel_loop3A_306, %parallel_loop3A_307] {strides = array<i32>} : memref<80x144xf32, #tpu.memory_space<vmem>>, vector<1x16xf32>,
        %parallel_loop3A_309 = vector.shape_cast %parallel_loop3A_308 : vector<1x16xf32> to vector<16xf32>
        %parallel_loop3A_310 = vector.shape_cast %parallel_loop3A_305 : vector<16xf32> to vector<1x16xf32>
        tpu.vector_store %arg14[%parallel_loop3A_306, %parallel_loop3A_307], %parallel_loop3A_310 {strides = array<i32>} : memref<80x144xf32, #tpu.memory_space<vmem>>, vector<1x16xf32>,
        %parallel_loop3A_311 = vector.extract_strided_slice %parallel_loop3A_266 {offsets = [3], sizes = [1], strides = [1]} : vector<16xf32> to vector<1xf32>
        %parallel_loop3A_312 = vector.extract %parallel_loop3A_311[0] : f32 from vector<1xf32>
        %parallel_loop3A_313 = arith.index_cast %parallel_loop3A_252 : i32 to index
        %parallel_loop3A_314 = arith.constant 48 : index
        %parallel_loop3A_315 = tpu.vector_load %arg14[%parallel_loop3A_313, %parallel_loop3A_314] {strides = array<i32>} : memref<80x144xf32, #tpu.memory_space<vmem>>, vector<1x16xf32>,
        %parallel_loop3A_316 = vector.shape_cast %parallel_loop3A_315 : vector<1x16xf32> to vector<16xf32>
        %parallel_loop3A_317 = vector.broadcast %parallel_loop3A_312 : f32 to vector<16xf32>
        %parallel_loop3A_318 = arith.mulf %parallel_loop3A_316, %parallel_loop3A_317 : vector<16xf32>
        %parallel_loop3A_319 = arith.index_cast %parallel_loop3A_252 : i32 to index
        %parallel_loop3A_320 = arith.constant 48 : index
        %parallel_loop3A_321 = tpu.vector_load %arg14[%parallel_loop3A_319, %parallel_loop3A_320] {strides = array<i32>} : memref<80x144xf32, #tpu.memory_space<vmem>>, vector<1x16xf32>,
        %parallel_loop3A_322 = vector.shape_cast %parallel_loop3A_321 : vector<1x16xf32> to vector<16xf32>
        %parallel_loop3A_323 = vector.shape_cast %parallel_loop3A_318 : vector<16xf32> to vector<1x16xf32>
        tpu.vector_store %arg14[%parallel_loop3A_319, %parallel_loop3A_320], %parallel_loop3A_323 {strides = array<i32>} : memref<80x144xf32, #tpu.memory_space<vmem>>, vector<1x16xf32>,
        %parallel_loop3A_324 = vector.extract_strided_slice %parallel_loop3A_266 {offsets = [4], sizes = [1], strides = [1]} : vector<16xf32> to vector<1xf32>
        %parallel_loop3A_325 = vector.extract %parallel_loop3A_324[0] : f32 from vector<1xf32>
        %parallel_loop3A_326 = arith.index_cast %parallel_loop3A_252 : i32 to index
        %parallel_loop3A_327 = arith.constant 64 : index
        %parallel_loop3A_328 = tpu.vector_load %arg14[%parallel_loop3A_326, %parallel_loop3A_327] {strides = array<i32>} : memref<80x144xf32, #tpu.memory_space<vmem>>, vector<1x16xf32>,
        %parallel_loop3A_329 = vector.shape_cast %parallel_loop3A_328 : vector<1x16xf32> to vector<16xf32>
        %parallel_loop3A_330 = vector.broadcast %parallel_loop3A_325 : f32 to vector<16xf32>
        %parallel_loop3A_331 = arith.mulf %parallel_loop3A_329, %parallel_loop3A_330 : vector<16xf32>
        %parallel_loop3A_332 = arith.index_cast %parallel_loop3A_252 : i32 to index
        %parallel_loop3A_333 = arith.constant 64 : index
        %parallel_loop3A_334 = tpu.vector_load %arg14[%parallel_loop3A_332, %parallel_loop3A_333] {strides = array<i32>} : memref<80x144xf32, #tpu.memory_space<vmem>>, vector<1x16xf32>,
        %parallel_loop3A_335 = vector.shape_cast %parallel_loop3A_334 : vector<1x16xf32> to vector<16xf32>
        %parallel_loop3A_336 = vector.shape_cast %parallel_loop3A_331 : vector<16xf32> to vector<1x16xf32>
        tpu.vector_store %arg14[%parallel_loop3A_332, %parallel_loop3A_333], %parallel_loop3A_336 {strides = array<i32>} : memref<80x144xf32, #tpu.memory_space<vmem>>, vector<1x16xf32>,
        %parallel_loop3A_337 = vector.extract_strided_slice %parallel_loop3A_266 {offsets = [5], sizes = [1], strides = [1]} : vector<16xf32> to vector<1xf32>
        %parallel_loop3A_338 = vector.extract %parallel_loop3A_337[0] : f32 from vector<1xf32>
        %parallel_loop3A_339 = arith.index_cast %parallel_loop3A_252 : i32 to index
        %parallel_loop3A_340 = arith.constant 80 : index
        %parallel_loop3A_341 = tpu.vector_load %arg14[%parallel_loop3A_339, %parallel_loop3A_340] {strides = array<i32>} : memref<80x144xf32, #tpu.memory_space<vmem>>, vector<1x16xf32>,
        %parallel_loop3A_342 = vector.shape_cast %parallel_loop3A_341 : vector<1x16xf32> to vector<16xf32>
        %parallel_loop3A_343 = vector.broadcast %parallel_loop3A_338 : f32 to vector<16xf32>
        %parallel_loop3A_344 = arith.mulf %parallel_loop3A_342, %parallel_loop3A_343 : vector<16xf32>
        %parallel_loop3A_345 = arith.index_cast %parallel_loop3A_252 : i32 to index
        %parallel_loop3A_346 = arith.constant 80 : index
        %parallel_loop3A_347 = tpu.vector_load %arg14[%parallel_loop3A_345, %parallel_loop3A_346] {strides = array<i32>} : memref<80x144xf32, #tpu.memory_space<vmem>>, vector<1x16xf32>,
        %parallel_loop3A_348 = vector.shape_cast %parallel_loop3A_347 : vector<1x16xf32> to vector<16xf32>
        %parallel_loop3A_349 = vector.shape_cast %parallel_loop3A_344 : vector<16xf32> to vector<1x16xf32>
        tpu.vector_store %arg14[%parallel_loop3A_345, %parallel_loop3A_346], %parallel_loop3A_349 {strides = array<i32>} : memref<80x144xf32, #tpu.memory_space<vmem>>, vector<1x16xf32>,
        %parallel_loop3A_350 = vector.extract_strided_slice %parallel_loop3A_266 {offsets = [6], sizes = [1], strides = [1]} : vector<16xf32> to vector<1xf32>
        %parallel_loop3A_351 = vector.extract %parallel_loop3A_350[0] : f32 from vector<1xf32>
        %parallel_loop3A_352 = arith.index_cast %parallel_loop3A_252 : i32 to index
        %parallel_loop3A_353 = arith.constant 96 : index
        %parallel_loop3A_354 = tpu.vector_load %arg14[%parallel_loop3A_352, %parallel_loop3A_353] {strides = array<i32>} : memref<80x144xf32, #tpu.memory_space<vmem>>, vector<1x16xf32>,
        %parallel_loop3A_355 = vector.shape_cast %parallel_loop3A_354 : vector<1x16xf32> to vector<16xf32>
        %parallel_loop3A_356 = vector.broadcast %parallel_loop3A_351 : f32 to vector<16xf32>
        %parallel_loop3A_357 = arith.mulf %parallel_loop3A_355, %parallel_loop3A_356 : vector<16xf32>
        %parallel_loop3A_358 = arith.index_cast %parallel_loop3A_252 : i32 to index
        %parallel_loop3A_359 = arith.constant 96 : index
        %parallel_loop3A_360 = tpu.vector_load %arg14[%parallel_loop3A_358, %parallel_loop3A_359] {strides = array<i32>} : memref<80x144xf32, #tpu.memory_space<vmem>>, vector<1x16xf32>,
        %parallel_loop3A_361 = vector.shape_cast %parallel_loop3A_360 : vector<1x16xf32> to vector<16xf32>
        %parallel_loop3A_362 = vector.shape_cast %parallel_loop3A_357 : vector<16xf32> to vector<1x16xf32>
        tpu.vector_store %arg14[%parallel_loop3A_358, %parallel_loop3A_359], %parallel_loop3A_362 {strides = array<i32>} : memref<80x144xf32, #tpu.memory_space<vmem>>, vector<1x16xf32>,
        %parallel_loop3A_363 = vector.extract_strided_slice %parallel_loop3A_266 {offsets = [7], sizes = [1], strides = [1]} : vector<16xf32> to vector<1xf32>
        %parallel_loop3A_364 = vector.extract %parallel_loop3A_363[0] : f32 from vector<1xf32>
        %parallel_loop3A_365 = arith.index_cast %parallel_loop3A_252 : i32 to index
        %parallel_loop3A_366 = arith.constant 112 : index
        %parallel_loop3A_367 = tpu.vector_load %arg14[%parallel_loop3A_365, %parallel_loop3A_366] {strides = array<i32>} : memref<80x144xf32, #tpu.memory_space<vmem>>, vector<1x16xf32>,
        %parallel_loop3A_368 = vector.shape_cast %parallel_loop3A_367 : vector<1x16xf32> to vector<16xf32>
        %parallel_loop3A_369 = vector.broadcast %parallel_loop3A_364 : f32 to vector<16xf32>
        %parallel_loop3A_370 = arith.mulf %parallel_loop3A_368, %parallel_loop3A_369 : vector<16xf32>
        %parallel_loop3A_371 = arith.index_cast %parallel_loop3A_252 : i32 to index
        %parallel_loop3A_372 = arith.constant 112 : index
        %parallel_loop3A_373 = tpu.vector_load %arg14[%parallel_loop3A_371, %parallel_loop3A_372] {strides = array<i32>} : memref<80x144xf32, #tpu.memory_space<vmem>>, vector<1x16xf32>,
        %parallel_loop3A_374 = vector.shape_cast %parallel_loop3A_373 : vector<1x16xf32> to vector<16xf32>
        %parallel_loop3A_375 = vector.shape_cast %parallel_loop3A_370 : vector<16xf32> to vector<1x16xf32>
        tpu.vector_store %arg14[%parallel_loop3A_371, %parallel_loop3A_372], %parallel_loop3A_375 {strides = array<i32>} : memref<80x144xf32, #tpu.memory_space<vmem>>, vector<1x16xf32>,
      } {sc.loop_unroll_factor = 4 : i64, sc.parallel_access}
      %get3A_202 = arith.constant 0 : index
      %get3A_203 = tpu.vector_load %arg10[%get3A_202] {strides = array<i32>} : memref<80xi32, #tpu.memory_space<vmem>>, vector<16xi32>,
      %get3A_204 = vector.shape_cast %get3A_203 : vector<16xi32> to vector<16xi32>
      %swap3A_205 = arith.constant 0 : index
      %swap3A_206 = tpu.vector_load %arg12[%swap3A_205] {strides = array<i32>} : memref<80xi32, #tpu.memory_space<vmem>>, vector<16xi32>,
      %swap3A_207 = vector.shape_cast %swap3A_206 : vector<16xi32> to vector<16xi32>
      %swap3A_208 = vector.shape_cast %get3A_204 : vector<16xi32> to vector<16xi32>
      tpu.vector_store %arg12[%swap3A_205], %swap3A_208 {strides = array<i32>} : memref<80xi32, #tpu.memory_space<vmem>>, vector<16xi32>,
      %get3A_209 = arith.constant 16 : index
      %get3A_210 = tpu.vector_load %arg10[%get3A_209] {strides = array<i32>} : memref<80xi32, #tpu.memory_space<vmem>>, vector<16xi32>,
      %get3A_211 = vector.shape_cast %get3A_210 : vector<16xi32> to vector<16xi32>
      %swap3A_212 = arith.constant 16 : index
      %swap3A_213 = tpu.vector_load %arg12[%swap3A_212] {strides = array<i32>} : memref<80xi32, #tpu.memory_space<vmem>>, vector<16xi32>,
      %swap3A_214 = vector.shape_cast %swap3A_213 : vector<16xi32> to vector<16xi32>
      %swap3A_215 = vector.shape_cast %get3A_211 : vector<16xi32> to vector<16xi32>
      tpu.vector_store %arg12[%swap3A_212], %swap3A_215 {strides = array<i32>} : memref<80xi32, #tpu.memory_space<vmem>>, vector<16xi32>,
      %get3A_216 = arith.constant 32 : index
      %get3A_217 = tpu.vector_load %arg10[%get3A_216] {strides = array<i32>} : memref<80xi32, #tpu.memory_space<vmem>>, vector<16xi32>,
      %get3A_218 = vector.shape_cast %get3A_217 : vector<16xi32> to vector<16xi32>
      %swap3A_219 = arith.constant 32 : index
      %swap3A_220 = tpu.vector_load %arg12[%swap3A_219] {strides = array<i32>} : memref<80xi32, #tpu.memory_space<vmem>>, vector<16xi32>,
      %swap3A_221 = vector.shape_cast %swap3A_220 : vector<16xi32> to vector<16xi32>
      %swap3A_222 = vector.shape_cast %get3A_218 : vector<16xi32> to vector<16xi32>
      tpu.vector_store %arg12[%swap3A_219], %swap3A_222 {strides = array<i32>} : memref<80xi32, #tpu.memory_space<vmem>>, vector<16xi32>,
      %get3A_223 = arith.constant 48 : index
      %get3A_224 = tpu.vector_load %arg10[%get3A_223] {strides = array<i32>} : memref<80xi32, #tpu.memory_space<vmem>>, vector<16xi32>,
      %get3A_225 = vector.shape_cast %get3A_224 : vector<16xi32> to vector<16xi32>
      %swap3A_226 = arith.constant 48 : index
      %swap3A_227 = tpu.vector_load %arg12[%swap3A_226] {strides = array<i32>} : memref<80xi32, #tpu.memory_space<vmem>>, vector<16xi32>,
      %swap3A_228 = vector.shape_cast %swap3A_227 : vector<16xi32> to vector<16xi32>
      %swap3A_229 = vector.shape_cast %get3A_225 : vector<16xi32> to vector<16xi32>
      tpu.vector_store %arg12[%swap3A_226], %swap3A_229 {strides = array<i32>} : memref<80xi32, #tpu.memory_space<vmem>>, vector<16xi32>,
      %get3A_230 = arith.constant 64 : index
      %get3A_231 = tpu.vector_load %arg10[%get3A_230] {strides = array<i32>} : memref<80xi32, #tpu.memory_space<vmem>>, vector<16xi32>,
      %get3A_232 = vector.shape_cast %get3A_231 : vector<16xi32> to vector<16xi32>
      %swap3A_233 = arith.constant 64 : index
      %swap3A_234 = tpu.vector_load %arg12[%swap3A_233] {strides = array<i32>} : memref<80xi32, #tpu.memory_space<vmem>>, vector<16xi32>,
      %swap3A_235 = vector.shape_cast %swap3A_234 : vector<16xi32> to vector<16xi32>
      %swap3A_236 = vector.shape_cast %get3A_232 : vector<16xi32> to vector<16xi32>
      tpu.vector_store %arg12[%swap3A_233], %swap3A_236 {strides = array<i32>} : memref<80xi32, #tpu.memory_space<vmem>>, vector<16xi32>,
      %dma_start3A_237 = arith.constant 0 : i32
      %dma_start3A_238 = arith.constant 0 : i32
      %dma_start3A_239 = tpu.memref_slice %arg17[%dma_start3A_237, %dma_start3A_238] : memref<10000x144xf32, #tpu.memory_space<vmem_shared>> -> memref<10000x144xf32, #tpu.memory_space<vmem_shared>>
      tpu.enqueue_indirect_dma source(%arg14 : memref<80x144xf32, #tpu.memory_space<vmem>>) target(%dma_start3A_239 : memref<10000x144xf32, #tpu.memory_space<vmem_shared>>) offsets(%arg12 : memref<80xi32, #tpu.memory_space<vmem>>) semaphore(%arg23 : memref<!tpu.dma_semaphore, #tpu.memory_space<semaphore_mem>>) {add = true}
      %add3A_240 = arith.constant 3 : i32
      %add3A_241 = arith.addi %mul3A_108, %add3A_240 : i32
      %min3A_242 = arith.constant 124 : i32
      %min3A_243 = arith.minsi %add3A_241, %min3A_242 : i32
      %mul3A_244 = arith.constant 80 : i32
      %mul3A_245 = arith.muli %min3A_243, %mul3A_244 : i32
      %add3A_246 = arith.addi %mul3A_2, %mul3A_245 : i32
      %dma_start3A_247 = tpu.memref_slice %arg2[%add3A_246] : memref<320000xi32, #tpu.memory_space<hbm>> -> memref<80xi32, #tpu.memory_space<hbm>>
      %dma_start3A_248 = tpu.memref_slice %arg2[%add3A_246] : memref<320000xi32, #tpu.memory_space<hbm>> -> memref<80xi32, #tpu.memory_space<hbm>>
      tpu.enqueue_dma source(%dma_start3A_248 : memref<80xi32, #tpu.memory_space<hbm>>) target(%arg9 : memref<80xi32, #tpu.memory_space<vmem>>) target_semaphore(%arg21 : memref<!tpu.dma_semaphore, #tpu.memory_space<semaphore_mem>>)
      %dma_start3A_249 = tpu.memref_slice %arg3[%add3A_246] : memref<320000xi32, #tpu.memory_space<hbm>> -> memref<80xi32, #tpu.memory_space<hbm>>
      %dma_start3A_250 = tpu.memref_slice %arg3[%add3A_246] : memref<320000xi32, #tpu.memory_space<hbm>> -> memref<80xi32, #tpu.memory_space<hbm>>
      tpu.enqueue_dma source(%dma_start3A_250 : memref<80xi32, #tpu.memory_space<hbm>>) target(%arg10 : memref<80xi32, #tpu.memory_space<vmem>>) target_semaphore(%arg21 : memref<!tpu.dma_semaphore, #tpu.memory_space<semaphore_mem>>)
      %scan3A_251 = arith.constant 0 : i32
      scf.yield %scan3A_251 : i32
    }
    %scan3A_83 = arith.constant 62 : i32
    %dma_wait3A = arith.constant 0 : i32
    %dma_wait3A_84 = arith.constant 0 : i32
    %dma_wait3A_85 = tpu.memref_slice %arg4[%dma_wait3A, %dma_wait3A_84] : memref<10000x144xf32, #tpu.memory_space<hbm>> -> memref<10000x144xf32, #tpu.memory_space<hbm>>
    tpu.wait_indirect_dma semaphore(%arg18 : memref<!tpu.dma_semaphore, #tpu.memory_space<semaphore_mem>>) src(%dma_wait3A_85 : memref<10000x144xf32, #tpu.memory_space<hbm>>) dst(%arg13 : memref<80x144xf32, #tpu.memory_space<vmem>>)
    %dma_wait3A_86 = arith.constant 0 : i32
    %dma_wait3A_87 = arith.constant 0 : i32
    %dma_wait3A_88 = tpu.memref_slice %arg5[%dma_wait3A_86, %dma_wait3A_87] : memref<10000x16xf32, #tpu.memory_space<hbm>> -> memref<10000x16xf32, #tpu.memory_space<hbm>>
    tpu.wait_indirect_dma semaphore(%arg18 : memref<!tpu.dma_semaphore, #tpu.memory_space<semaphore_mem>>) src(%dma_wait3A_88 : memref<10000x16xf32, #tpu.memory_space<hbm>>) dst(%arg15 : memref<80x16xf32, #tpu.memory_space<vmem>>)
    %dma_wait3A_89 = tpu.memref_slice %arg2[%mul3A_2] : memref<320000xi32, #tpu.memory_space<hbm>> -> memref<80xi32, #tpu.memory_space<hbm>>
    %dma_wait3A_90 = tpu.memref_slice %arg2[%mul3A_2] : memref<320000xi32, #tpu.memory_space<hbm>> -> memref<80xi32, #tpu.memory_space<hbm>>
    tpu.wait_dma2 semaphore(%arg21 : memref<!tpu.dma_semaphore, #tpu.memory_space<semaphore_mem>>) src(%dma_wait3A_90 : memref<80xi32, #tpu.memory_space<hbm>>) dst(%arg9 : memref<80xi32, #tpu.memory_space<vmem>>)
    %dma_wait3A_91 = tpu.memref_slice %arg3[%mul3A_2] : memref<320000xi32, #tpu.memory_space<hbm>> -> memref<80xi32, #tpu.memory_space<hbm>>
    %dma_wait3A_92 = tpu.memref_slice %arg3[%mul3A_2] : memref<320000xi32, #tpu.memory_space<hbm>> -> memref<80xi32, #tpu.memory_space<hbm>>
    tpu.wait_dma2 semaphore(%arg21 : memref<!tpu.dma_semaphore, #tpu.memory_space<semaphore_mem>>) src(%dma_wait3A_92 : memref<80xi32, #tpu.memory_space<hbm>>) dst(%arg10 : memref<80xi32, #tpu.memory_space<vmem>>)
    %dma_wait3A_93 = arith.constant 0 : i32
    %dma_wait3A_94 = arith.constant 0 : i32
    %dma_wait3A_95 = tpu.memref_slice %arg17[%dma_wait3A_93, %dma_wait3A_94] : memref<10000x144xf32, #tpu.memory_space<vmem_shared>> -> memref<10000x144xf32, #tpu.memory_space<vmem_shared>>
    tpu.wait_indirect_dma semaphore(%arg23 : memref<!tpu.dma_semaphore, #tpu.memory_space<semaphore_mem>>) src(%arg14 : memref<80x144xf32, #tpu.memory_space<vmem>>) dst(%dma_wait3A_95 : memref<10000x144xf32, #tpu.memory_space<vmem_shared>>)
    %parallel_loop3A_96 = arith.constant 0 : i32
    %parallel_loop3A_97 = arith.constant 80 : i32
    %parallel_loop3A_98 = arith.constant 1 : i32
    scf.for %parallel_loop3A_105 = %parallel_loop3A_96 to %parallel_loop3A_97 step %parallel_loop3A_98  : i32 {
      %parallel_loop3A_106 = arith.index_cast %parallel_loop3A_105 : i32 to index
      %parallel_loop3A_107 = arith.constant 128 : index
      %parallel_loop3A_108 = tpu.vector_load %arg13[%parallel_loop3A_106, %parallel_loop3A_107] {strides = array<i32>} : memref<80x144xf32, #tpu.memory_space<vmem>>, vector<1x16xf32>,
      %parallel_loop3A_109 = vector.shape_cast %parallel_loop3A_108 : vector<1x16xf32> to vector<16xf32>
      %parallel_loop3A_110 = arith.index_cast %parallel_loop3A_105 : i32 to index
      %parallel_loop3A_111 = arith.constant 0 : index
      %parallel_loop3A_112 = tpu.vector_load %arg15[%parallel_loop3A_110, %parallel_loop3A_111] {strides = array<i32>} : memref<80x16xf32, #tpu.memory_space<vmem>>, vector<1x16xf32>,
      %parallel_loop3A_113 = vector.shape_cast %parallel_loop3A_112 : vector<1x16xf32> to vector<16xf32>
      %parallel_loop3A_114 = arith.addf %parallel_loop3A_109, %parallel_loop3A_113 : vector<16xf32>
      %parallel_loop3A_115 = arith.constant 2.000000e-01 : f32
      %parallel_loop3A_116 = vector.broadcast %parallel_loop3A_115 : f32 to vector<16xf32>
      %parallel_loop3A_117 = arith.mulf %parallel_loop3A_114, %parallel_loop3A_116 : vector<16xf32>
      %parallel_loop3A_118 = arith.maximumf %parallel_loop3A_114, %parallel_loop3A_117 : vector<16xf32>
      %parallel_loop3A_119 = math.exp %parallel_loop3A_118 : vector<16xf32>
      %parallel_loop3A_120 = arith.index_cast %parallel_loop3A_105 : i32 to index
      %parallel_loop3A_121 = arith.constant 128 : index
      %parallel_loop3A_122 = tpu.vector_load %arg13[%parallel_loop3A_120, %parallel_loop3A_121] {strides = array<i32>} : memref<80x144xf32, #tpu.memory_space<vmem>>, vector<1x16xf32>,
      %parallel_loop3A_123 = vector.shape_cast %parallel_loop3A_122 : vector<1x16xf32> to vector<16xf32>
      %parallel_loop3A_124 = vector.shape_cast %parallel_loop3A_119 : vector<16xf32> to vector<1x16xf32>
      tpu.vector_store %arg13[%parallel_loop3A_120, %parallel_loop3A_121], %parallel_loop3A_124 {strides = array<i32>} : memref<80x144xf32, #tpu.memory_space<vmem>>, vector<1x16xf32>,
      %parallel_loop3A_125 = vector.extract_strided_slice %parallel_loop3A_119 {offsets = [0], sizes = [1], strides = [1]} : vector<16xf32> to vector<1xf32>
      %parallel_loop3A_126 = vector.extract %parallel_loop3A_125[0] : f32 from vector<1xf32>
      %parallel_loop3A_127 = arith.index_cast %parallel_loop3A_105 : i32 to index
      %parallel_loop3A_128 = arith.constant 0 : index
      %parallel_loop3A_129 = tpu.vector_load %arg13[%parallel_loop3A_127, %parallel_loop3A_128] {strides = array<i32>} : memref<80x144xf32, #tpu.memory_space<vmem>>, vector<1x16xf32>,
      %parallel_loop3A_130 = vector.shape_cast %parallel_loop3A_129 : vector<1x16xf32> to vector<16xf32>
      %parallel_loop3A_131 = vector.broadcast %parallel_loop3A_126 : f32 to vector<16xf32>
      %parallel_loop3A_132 = arith.mulf %parallel_loop3A_130, %parallel_loop3A_131 : vector<16xf32>
      %parallel_loop3A_133 = arith.index_cast %parallel_loop3A_105 : i32 to index
      %parallel_loop3A_134 = arith.constant 0 : index
      %parallel_loop3A_135 = tpu.vector_load %arg13[%parallel_loop3A_133, %parallel_loop3A_134] {strides = array<i32>} : memref<80x144xf32, #tpu.memory_space<vmem>>, vector<1x16xf32>,
      %parallel_loop3A_136 = vector.shape_cast %parallel_loop3A_135 : vector<1x16xf32> to vector<16xf32>
      %parallel_loop3A_137 = vector.shape_cast %parallel_loop3A_132 : vector<16xf32> to vector<1x16xf32>
      tpu.vector_store %arg13[%parallel_loop3A_133, %parallel_loop3A_134], %parallel_loop3A_137 {strides = array<i32>} : memref<80x144xf32, #tpu.memory_space<vmem>>, vector<1x16xf32>,
      %parallel_loop3A_138 = vector.extract_strided_slice %parallel_loop3A_119 {offsets = [1], sizes = [1], strides = [1]} : vector<16xf32> to vector<1xf32>
      %parallel_loop3A_139 = vector.extract %parallel_loop3A_138[0] : f32 from vector<1xf32>
      %parallel_loop3A_140 = arith.index_cast %parallel_loop3A_105 : i32 to index
      %parallel_loop3A_141 = arith.constant 16 : index
      %parallel_loop3A_142 = tpu.vector_load %arg13[%parallel_loop3A_140, %parallel_loop3A_141] {strides = array<i32>} : memref<80x144xf32, #tpu.memory_space<vmem>>, vector<1x16xf32>,
      %parallel_loop3A_143 = vector.shape_cast %parallel_loop3A_142 : vector<1x16xf32> to vector<16xf32>
      %parallel_loop3A_144 = vector.broadcast %parallel_loop3A_139 : f32 to vector<16xf32>
      %parallel_loop3A_145 = arith.mulf %parallel_loop3A_143, %parallel_loop3A_144 : vector<16xf32>
      %parallel_loop3A_146 = arith.index_cast %parallel_loop3A_105 : i32 to index
      %parallel_loop3A_147 = arith.constant 16 : index
      %parallel_loop3A_148 = tpu.vector_load %arg13[%parallel_loop3A_146, %parallel_loop3A_147] {strides = array<i32>} : memref<80x144xf32, #tpu.memory_space<vmem>>, vector<1x16xf32>,
      %parallel_loop3A_149 = vector.shape_cast %parallel_loop3A_148 : vector<1x16xf32> to vector<16xf32>
      %parallel_loop3A_150 = vector.shape_cast %parallel_loop3A_145 : vector<16xf32> to vector<1x16xf32>
      tpu.vector_store %arg13[%parallel_loop3A_146, %parallel_loop3A_147], %parallel_loop3A_150 {strides = array<i32>} : memref<80x144xf32, #tpu.memory_space<vmem>>, vector<1x16xf32>,
      %parallel_loop3A_151 = vector.extract_strided_slice %parallel_loop3A_119 {offsets = [2], sizes = [1], strides = [1]} : vector<16xf32> to vector<1xf32>
      %parallel_loop3A_152 = vector.extract %parallel_loop3A_151[0] : f32 from vector<1xf32>
      %parallel_loop3A_153 = arith.index_cast %parallel_loop3A_105 : i32 to index
      %parallel_loop3A_154 = arith.constant 32 : index
      %parallel_loop3A_155 = tpu.vector_load %arg13[%parallel_loop3A_153, %parallel_loop3A_154] {strides = array<i32>} : memref<80x144xf32, #tpu.memory_space<vmem>>, vector<1x16xf32>,
      %parallel_loop3A_156 = vector.shape_cast %parallel_loop3A_155 : vector<1x16xf32> to vector<16xf32>
      %parallel_loop3A_157 = vector.broadcast %parallel_loop3A_152 : f32 to vector<16xf32>
      %parallel_loop3A_158 = arith.mulf %parallel_loop3A_156, %parallel_loop3A_157 : vector<16xf32>
      %parallel_loop3A_159 = arith.index_cast %parallel_loop3A_105 : i32 to index
      %parallel_loop3A_160 = arith.constant 32 : index
      %parallel_loop3A_161 = tpu.vector_load %arg13[%parallel_loop3A_159, %parallel_loop3A_160] {strides = array<i32>} : memref<80x144xf32, #tpu.memory_space<vmem>>, vector<1x16xf32>,
      %parallel_loop3A_162 = vector.shape_cast %parallel_loop3A_161 : vector<1x16xf32> to vector<16xf32>
      %parallel_loop3A_163 = vector.shape_cast %parallel_loop3A_158 : vector<16xf32> to vector<1x16xf32>
      tpu.vector_store %arg13[%parallel_loop3A_159, %parallel_loop3A_160], %parallel_loop3A_163 {strides = array<i32>} : memref<80x144xf32, #tpu.memory_space<vmem>>, vector<1x16xf32>,
      %parallel_loop3A_164 = vector.extract_strided_slice %parallel_loop3A_119 {offsets = [3], sizes = [1], strides = [1]} : vector<16xf32> to vector<1xf32>
      %parallel_loop3A_165 = vector.extract %parallel_loop3A_164[0] : f32 from vector<1xf32>
      %parallel_loop3A_166 = arith.index_cast %parallel_loop3A_105 : i32 to index
      %parallel_loop3A_167 = arith.constant 48 : index
      %parallel_loop3A_168 = tpu.vector_load %arg13[%parallel_loop3A_166, %parallel_loop3A_167] {strides = array<i32>} : memref<80x144xf32, #tpu.memory_space<vmem>>, vector<1x16xf32>,
      %parallel_loop3A_169 = vector.shape_cast %parallel_loop3A_168 : vector<1x16xf32> to vector<16xf32>
      %parallel_loop3A_170 = vector.broadcast %parallel_loop3A_165 : f32 to vector<16xf32>
      %parallel_loop3A_171 = arith.mulf %parallel_loop3A_169, %parallel_loop3A_170 : vector<16xf32>
      %parallel_loop3A_172 = arith.index_cast %parallel_loop3A_105 : i32 to index
      %parallel_loop3A_173 = arith.constant 48 : index
      %parallel_loop3A_174 = tpu.vector_load %arg13[%parallel_loop3A_172, %parallel_loop3A_173] {strides = array<i32>} : memref<80x144xf32, #tpu.memory_space<vmem>>, vector<1x16xf32>,
      %parallel_loop3A_175 = vector.shape_cast %parallel_loop3A_174 : vector<1x16xf32> to vector<16xf32>
      %parallel_loop3A_176 = vector.shape_cast %parallel_loop3A_171 : vector<16xf32> to vector<1x16xf32>
      tpu.vector_store %arg13[%parallel_loop3A_172, %parallel_loop3A_173], %parallel_loop3A_176 {strides = array<i32>} : memref<80x144xf32, #tpu.memory_space<vmem>>, vector<1x16xf32>,
      %parallel_loop3A_177 = vector.extract_strided_slice %parallel_loop3A_119 {offsets = [4], sizes = [1], strides = [1]} : vector<16xf32> to vector<1xf32>
      %parallel_loop3A_178 = vector.extract %parallel_loop3A_177[0] : f32 from vector<1xf32>
      %parallel_loop3A_179 = arith.index_cast %parallel_loop3A_105 : i32 to index
      %parallel_loop3A_180 = arith.constant 64 : index
      %parallel_loop3A_181 = tpu.vector_load %arg13[%parallel_loop3A_179, %parallel_loop3A_180] {strides = array<i32>} : memref<80x144xf32, #tpu.memory_space<vmem>>, vector<1x16xf32>,
      %parallel_loop3A_182 = vector.shape_cast %parallel_loop3A_181 : vector<1x16xf32> to vector<16xf32>
      %parallel_loop3A_183 = vector.broadcast %parallel_loop3A_178 : f32 to vector<16xf32>
      %parallel_loop3A_184 = arith.mulf %parallel_loop3A_182, %parallel_loop3A_183 : vector<16xf32>
      %parallel_loop3A_185 = arith.index_cast %parallel_loop3A_105 : i32 to index
      %parallel_loop3A_186 = arith.constant 64 : index
      %parallel_loop3A_187 = tpu.vector_load %arg13[%parallel_loop3A_185, %parallel_loop3A_186] {strides = array<i32>} : memref<80x144xf32, #tpu.memory_space<vmem>>, vector<1x16xf32>,
      %parallel_loop3A_188 = vector.shape_cast %parallel_loop3A_187 : vector<1x16xf32> to vector<16xf32>
      %parallel_loop3A_189 = vector.shape_cast %parallel_loop3A_184 : vector<16xf32> to vector<1x16xf32>
      tpu.vector_store %arg13[%parallel_loop3A_185, %parallel_loop3A_186], %parallel_loop3A_189 {strides = array<i32>} : memref<80x144xf32, #tpu.memory_space<vmem>>, vector<1x16xf32>,
      %parallel_loop3A_190 = vector.extract_strided_slice %parallel_loop3A_119 {offsets = [5], sizes = [1], strides = [1]} : vector<16xf32> to vector<1xf32>
      %parallel_loop3A_191 = vector.extract %parallel_loop3A_190[0] : f32 from vector<1xf32>
      %parallel_loop3A_192 = arith.index_cast %parallel_loop3A_105 : i32 to index
      %parallel_loop3A_193 = arith.constant 80 : index
      %parallel_loop3A_194 = tpu.vector_load %arg13[%parallel_loop3A_192, %parallel_loop3A_193] {strides = array<i32>} : memref<80x144xf32, #tpu.memory_space<vmem>>, vector<1x16xf32>,
      %parallel_loop3A_195 = vector.shape_cast %parallel_loop3A_194 : vector<1x16xf32> to vector<16xf32>
      %parallel_loop3A_196 = vector.broadcast %parallel_loop3A_191 : f32 to vector<16xf32>
      %parallel_loop3A_197 = arith.mulf %parallel_loop3A_195, %parallel_loop3A_196 : vector<16xf32>
      %parallel_loop3A_198 = arith.index_cast %parallel_loop3A_105 : i32 to index
      %parallel_loop3A_199 = arith.constant 80 : index
      %parallel_loop3A_200 = tpu.vector_load %arg13[%parallel_loop3A_198, %parallel_loop3A_199] {strides = array<i32>} : memref<80x144xf32, #tpu.memory_space<vmem>>, vector<1x16xf32>,
      %parallel_loop3A_201 = vector.shape_cast %parallel_loop3A_200 : vector<1x16xf32> to vector<16xf32>
      %parallel_loop3A_202 = vector.shape_cast %parallel_loop3A_197 : vector<16xf32> to vector<1x16xf32>
      tpu.vector_store %arg13[%parallel_loop3A_198, %parallel_loop3A_199], %parallel_loop3A_202 {strides = array<i32>} : memref<80x144xf32, #tpu.memory_space<vmem>>, vector<1x16xf32>,
      %parallel_loop3A_203 = vector.extract_strided_slice %parallel_loop3A_119 {offsets = [6], sizes = [1], strides = [1]} : vector<16xf32> to vector<1xf32>
      %parallel_loop3A_204 = vector.extract %parallel_loop3A_203[0] : f32 from vector<1xf32>
      %parallel_loop3A_205 = arith.index_cast %parallel_loop3A_105 : i32 to index
      %parallel_loop3A_206 = arith.constant 96 : index
      %parallel_loop3A_207 = tpu.vector_load %arg13[%parallel_loop3A_205, %parallel_loop3A_206] {strides = array<i32>} : memref<80x144xf32, #tpu.memory_space<vmem>>, vector<1x16xf32>,
      %parallel_loop3A_208 = vector.shape_cast %parallel_loop3A_207 : vector<1x16xf32> to vector<16xf32>
      %parallel_loop3A_209 = vector.broadcast %parallel_loop3A_204 : f32 to vector<16xf32>
      %parallel_loop3A_210 = arith.mulf %parallel_loop3A_208, %parallel_loop3A_209 : vector<16xf32>
      %parallel_loop3A_211 = arith.index_cast %parallel_loop3A_105 : i32 to index
      %parallel_loop3A_212 = arith.constant 96 : index
      %parallel_loop3A_213 = tpu.vector_load %arg13[%parallel_loop3A_211, %parallel_loop3A_212] {strides = array<i32>} : memref<80x144xf32, #tpu.memory_space<vmem>>, vector<1x16xf32>,
      %parallel_loop3A_214 = vector.shape_cast %parallel_loop3A_213 : vector<1x16xf32> to vector<16xf32>
      %parallel_loop3A_215 = vector.shape_cast %parallel_loop3A_210 : vector<16xf32> to vector<1x16xf32>
      tpu.vector_store %arg13[%parallel_loop3A_211, %parallel_loop3A_212], %parallel_loop3A_215 {strides = array<i32>} : memref<80x144xf32, #tpu.memory_space<vmem>>, vector<1x16xf32>,
      %parallel_loop3A_216 = vector.extract_strided_slice %parallel_loop3A_119 {offsets = [7], sizes = [1], strides = [1]} : vector<16xf32> to vector<1xf32>
      %parallel_loop3A_217 = vector.extract %parallel_loop3A_216[0] : f32 from vector<1xf32>
      %parallel_loop3A_218 = arith.index_cast %parallel_loop3A_105 : i32 to index
      %parallel_loop3A_219 = arith.constant 112 : index
      %parallel_loop3A_220 = tpu.vector_load %arg13[%parallel_loop3A_218, %parallel_loop3A_219] {strides = array<i32>} : memref<80x144xf32, #tpu.memory_space<vmem>>, vector<1x16xf32>,
      %parallel_loop3A_221 = vector.shape_cast %parallel_loop3A_220 : vector<1x16xf32> to vector<16xf32>
      %parallel_loop3A_222 = vector.broadcast %parallel_loop3A_217 : f32 to vector<16xf32>
      %parallel_loop3A_223 = arith.mulf %parallel_loop3A_221, %parallel_loop3A_222 : vector<16xf32>
      %parallel_loop3A_224 = arith.index_cast %parallel_loop3A_105 : i32 to index
      %parallel_loop3A_225 = arith.constant 112 : index
      %parallel_loop3A_226 = tpu.vector_load %arg13[%parallel_loop3A_224, %parallel_loop3A_225] {strides = array<i32>} : memref<80x144xf32, #tpu.memory_space<vmem>>, vector<1x16xf32>,
      %parallel_loop3A_227 = vector.shape_cast %parallel_loop3A_226 : vector<1x16xf32> to vector<16xf32>
      %parallel_loop3A_228 = vector.shape_cast %parallel_loop3A_223 : vector<16xf32> to vector<1x16xf32>
      tpu.vector_store %arg13[%parallel_loop3A_224, %parallel_loop3A_225], %parallel_loop3A_228 {strides = array<i32>} : memref<80x144xf32, #tpu.memory_space<vmem>>, vector<1x16xf32>,
    } {sc.loop_unroll_factor = 4 : i64, sc.parallel_access}
    "tpu.region"() ({
      %run_scoped3A = tpu.sem_alloc : memref<!tpu.dma_semaphore, #tpu.memory_space<semaphore_mem>>
      %dma_start3A_105 = arith.constant 0 : i32
      %dma_start3A_106 = arith.constant 0 : i32
      %dma_start3A_107 = tpu.memref_slice %arg17[%dma_start3A_105, %dma_start3A_106] : memref<10000x144xf32, #tpu.memory_space<vmem_shared>> -> memref<10000x144xf32, #tpu.memory_space<vmem_shared>>
      tpu.enqueue_indirect_dma source(%arg13 : memref<80x144xf32, #tpu.memory_space<vmem>>) target(%dma_start3A_107 : memref<10000x144xf32, #tpu.memory_space<vmem_shared>>) offsets(%arg8 : memref<80xi32, #tpu.memory_space<vmem>>) semaphore(%run_scoped3A : memref<!tpu.dma_semaphore, #tpu.memory_space<semaphore_mem>>) {add = true}
      %dma_wait3A_108 = arith.constant 0 : i32
      %dma_wait3A_109 = arith.constant 0 : i32
      %dma_wait3A_110 = tpu.memref_slice %arg17[%dma_wait3A_108, %dma_wait3A_109] : memref<10000x144xf32, #tpu.memory_space<vmem_shared>> -> memref<10000x144xf32, #tpu.memory_space<vmem_shared>>
      tpu.wait_indirect_dma semaphore(%run_scoped3A : memref<!tpu.dma_semaphore, #tpu.memory_space<semaphore_mem>>) src(%arg13 : memref<80x144xf32, #tpu.memory_space<vmem>>) dst(%dma_wait3A_110 : memref<10000x144xf32, #tpu.memory_space<vmem_shared>>)
      tpu.yield
    }) : () -> ()
    %barrier3A_99 = arith.constant 0 : index
    tpu.barrier barrier_id(%barrier3A_99)
    "tpu.region"() ({
      %run_scoped3A = tpu.sem_alloc : memref<!tpu.dma_semaphore, #tpu.memory_space<semaphore_mem>>
      %dma_start3A_105 = arith.constant 0 : i32
      %dma_start3A_106 = tpu.memref_slice %arg6[%arg0, %mul3A_23, %dma_start3A_105] : memref<2x10000x144xf32, #tpu.memory_space<hbm>> -> memref<1x624x144xf32, #tpu.memory_space<hbm>>
      %dma_start3A_107 = tpu.memref_squeeze %dma_start3A_106 : memref<1x624x144xf32, #tpu.memory_space<hbm>> -> memref<624x144xf32, #tpu.memory_space<hbm>>
      %dma_start3A_108 = arith.constant 0 : i32
      %dma_start3A_109 = tpu.memref_slice %arg17[%mul3A_23, %dma_start3A_108] : memref<10000x144xf32, #tpu.memory_space<vmem_shared>> -> memref<624x144xf32, #tpu.memory_space<vmem_shared>>
      tpu.enqueue_dma source(%dma_start3A_109 : memref<624x144xf32, #tpu.memory_space<vmem_shared>>) target(%dma_start3A_107 : memref<624x144xf32, #tpu.memory_space<hbm>>) target_semaphore(%run_scoped3A : memref<!tpu.dma_semaphore, #tpu.memory_space<semaphore_mem>>)
      %dma_wait3A_110 = arith.constant 0 : i32
      %dma_wait3A_111 = tpu.memref_slice %arg6[%arg0, %mul3A_23, %dma_wait3A_110] : memref<2x10000x144xf32, #tpu.memory_space<hbm>> -> memref<1x624x144xf32, #tpu.memory_space<hbm>>
      %dma_wait3A_112 = tpu.memref_squeeze %dma_wait3A_111 : memref<1x624x144xf32, #tpu.memory_space<hbm>> -> memref<624x144xf32, #tpu.memory_space<hbm>>
      %dma_wait3A_113 = arith.constant 0 : i32
      %dma_wait3A_114 = tpu.memref_slice %arg17[%mul3A_23, %dma_wait3A_113] : memref<10000x144xf32, #tpu.memory_space<vmem_shared>> -> memref<624x144xf32, #tpu.memory_space<vmem_shared>>
      tpu.wait_dma2 semaphore(%run_scoped3A : memref<!tpu.dma_semaphore, #tpu.memory_space<semaphore_mem>>) src(%dma_wait3A_114 : memref<624x144xf32, #tpu.memory_space<vmem_shared>>) dst(%dma_wait3A_112 : memref<624x144xf32, #tpu.memory_space<hbm>>)
      tpu.yield
    }) : () -> ()
    %eq3A_100 = arith.constant 15 : i32
    %eq3A_101 = arith.cmpi eq, %arg1, %eq3A_100 : i32
    %convert_element_type3A_102 = arith.extui %eq3A_101 : i1 to i32
    %cond3A_103 = arith.constant 0 : i32
    %cond3A_104 = arith.cmpi ne, %convert_element_type3A_102, %cond3A_103 : i32
    scf.if %cond3A_104 {
      "tpu.region"() ({
        %run_scoped3A = tpu.sem_alloc : memref<!tpu.dma_semaphore, #tpu.memory_space<semaphore_mem>>
        %dma_start3A_105 = arith.constant 9984 : i32
        %dma_start3A_106 = arith.constant 0 : i32
        %dma_start3A_107 = tpu.memref_slice %arg6[%arg0, %dma_start3A_105, %dma_start3A_106] : memref<2x10000x144xf32, #tpu.memory_space<hbm>> -> memref<1x16x144xf32, #tpu.memory_space<hbm>>
        %dma_start3A_108 = tpu.memref_squeeze %dma_start3A_107 : memref<1x16x144xf32, #tpu.memory_space<hbm>> -> memref<16x144xf32, #tpu.memory_space<hbm>>
        %dma_start3A_109 = arith.constant 9984 : i32
        %dma_start3A_110 = arith.constant 0 : i32
        %dma_start3A_111 = tpu.memref_slice %arg17[%dma_start3A_109, %dma_start3A_110] : memref<10000x144xf32, #tpu.memory_space<vmem_shared>> -> memref<16x144xf32, #tpu.memory_space<vmem_shared>>
        tpu.enqueue_dma source(%dma_start3A_111 : memref<16x144xf32, #tpu.memory_space<vmem_shared>>) target(%dma_start3A_108 : memref<16x144xf32, #tpu.memory_space<hbm>>) target_semaphore(%run_scoped3A : memref<!tpu.dma_semaphore, #tpu.memory_space<semaphore_mem>>)
        %dma_wait3A_112 = arith.constant 9984 : i32
        %dma_wait3A_113 = arith.constant 0 : i32
        %dma_wait3A_114 = tpu.memref_slice %arg6[%arg0, %dma_wait3A_112, %dma_wait3A_113] : memref<2x10000x144xf32, #tpu.memory_space<hbm>> -> memref<1x16x144xf32, #tpu.memory_space<hbm>>
        %dma_wait3A_115 = tpu.memref_squeeze %dma_wait3A_114 : memref<1x16x144xf32, #tpu.memory_space<hbm>> -> memref<16x144xf32, #tpu.memory_space<hbm>>
        %dma_wait3A_116 = arith.constant 9984 : i32
        %dma_wait3A_117 = arith.constant 0 : i32
        %dma_wait3A_118 = tpu.memref_slice %arg17[%dma_wait3A_116, %dma_wait3A_117] : memref<10000x144xf32, #tpu.memory_space<vmem_shared>> -> memref<16x144xf32, #tpu.memory_space<vmem_shared>>
        tpu.wait_dma2 semaphore(%run_scoped3A : memref<!tpu.dma_semaphore, #tpu.memory_space<semaphore_mem>>) src(%dma_wait3A_118 : memref<16x144xf32, #tpu.memory_space<vmem_shared>>) dst(%dma_wait3A_115 : memref<16x144xf32, #tpu.memory_space<hbm>>)
        tpu.yield
      }) : () -> ()
    } else {
    }
    return
  }
}

#map = affine_map<(d0, d1) -> (0)>
#map1 = affine_map<(d0, d1) -> (0, 0)>
#map2 = affine_map<(d0, d1) -> (0, 0, 0)>
module attributes {stable_mosaic.version = 14 : i64} {
  func.func @_sc_edge_body(%arg0: i32, %arg1: i32, %arg2: memref<320000xi32, #tpu.memory_space<hbm>>, %arg3: memref<320000xi32, #tpu.memory_space<hbm>>, %arg4: memref<10000x144xf32, #tpu.memory_space<hbm>>, %arg5: memref<10000x16xf32, #tpu.memory_space<hbm>>, %arg6: memref<2x10000x144xf32, #tpu.memory_space<hbm>>, %arg7: memref<80xi32, #tpu.memory_space<vmem>>, %arg8: memref<80xi32, #tpu.memory_space<vmem>>, %arg9: memref<80xi32, #tpu.memory_space<vmem>>, %arg10: memref<80xi32, #tpu.memory_space<vmem>>, %arg11: memref<80xi32, #tpu.memory_space<vmem>>, %arg12: memref<80xi32, #tpu.memory_space<vmem>>, %arg13: memref<80x144xf32, #tpu.memory_space<vmem>>, %arg14: memref<80x144xf32, #tpu.memory_space<vmem>>, %arg15: memref<80x16xf32, #tpu.memory_space<vmem>>, %arg16: memref<80x16xf32, #tpu.memory_space<vmem>>, %arg17: memref<10000x144xf32, #tpu.memory_space<vmem_shared>>, %arg18: memref<!tpu.dma_semaphore, #tpu.memory_space<semaphore_mem>>, %arg19: memref<!tpu.dma_semaphore, #tpu.memory_space<semaphore_mem>>, %arg20: memref<!tpu.dma_semaphore, #tpu.memory_space<semaphore_mem>>, %arg21: memref<!tpu.dma_semaphore, #tpu.memory_space<semaphore_mem>>, %arg22: memref<!tpu.dma_semaphore, #tpu.memory_space<semaphore_mem>>, %arg23: memref<!tpu.dma_semaphore, #tpu.memory_space<semaphore_mem>>) attributes {dimension_semantics = [#tpu.dimension_semantics<core_parallel>, #tpu.dimension_semantics<subcore_parallel>], iteration_bounds = array<i64: 2, 16>, scalar_prefetch = 0 : i64, scratch_operands = 17 : i64, tpu.core_type = #tpu.core_type<sc_vector_subcore>, window_params = [{transform_indices = #map}, {transform_indices = #map}, {transform_indices = #map1}, {transform_indices = #map1}, {transform_indices = #map2}]} {
    %mul3A = arith.constant 16 : i32
    %mul3A_0 = arith.muli %arg0, %mul3A : i32
    %add3A = arith.addi %mul3A_0, %arg1 : i32
    %mul3A_1 = arith.constant 10000 : i32
    %mul3A_2 = arith.muli %add3A, %mul3A_1 : i32
    %add3A_3 = arith.constant 0 : i32
    %add3A_4 = arith.addi %mul3A_2, %add3A_3 : i32
    "tpu.region"() ({
      %run_scoped3A = tpu.sem_alloc : memref<!tpu.dma_semaphore, #tpu.memory_space<semaphore_mem>>
      %dma_start3A_105 = tpu.memref_slice %arg2[%add3A_4] : memref<320000xi32, #tpu.memory_space<hbm>> -> memref<80xi32, #tpu.memory_space<hbm>>
      %dma_start3A_106 = tpu.memref_slice %arg2[%add3A_4] : memref<320000xi32, #tpu.memory_space<hbm>> -> memref<80xi32, #tpu.memory_space<hbm>>
      tpu.enqueue_dma source(%dma_start3A_106 : memref<80xi32, #tpu.memory_space<hbm>>) target(%arg7 : memref<80xi32, #tpu.memory_space<vmem>>) target_semaphore(%run_scoped3A : memref<!tpu.dma_semaphore, #tpu.memory_space<semaphore_mem>>)
      %dma_wait3A_107 = tpu.memref_slice %arg2[%add3A_4] : memref<320000xi32, #tpu.memory_space<hbm>> -> memref<80xi32, #tpu.memory_space<hbm>>
      %dma_wait3A_108 = tpu.memref_slice %arg2[%add3A_4] : memref<320000xi32, #tpu.memory_space<hbm>> -> memref<80xi32, #tpu.memory_space<hbm>>
      tpu.wait_dma2 semaphore(%run_scoped3A : memref<!tpu.dma_semaphore, #tpu.memory_space<semaphore_mem>>) src(%dma_wait3A_108 : memref<80xi32, #tpu.memory_space<hbm>>) dst(%arg7 : memref<80xi32, #tpu.memory_space<vmem>>)
      tpu.yield
    }) : () -> ()
    "tpu.region"() ({
      %run_scoped3A = tpu.sem_alloc : memref<!tpu.dma_semaphore, #tpu.memory_space<semaphore_mem>>
      %dma_start3A_105 = tpu.memref_slice %arg3[%add3A_4] : memref<320000xi32, #tpu.memory_space<hbm>> -> memref<80xi32, #tpu.memory_space<hbm>>
      %dma_start3A_106 = tpu.memref_slice %arg3[%add3A_4] : memref<320000xi32, #tpu.memory_space<hbm>> -> memref<80xi32, #tpu.memory_space<hbm>>
      tpu.enqueue_dma source(%dma_start3A_106 : memref<80xi32, #tpu.memory_space<hbm>>) target(%arg8 : memref<80xi32, #tpu.memory_space<vmem>>) target_semaphore(%run_scoped3A : memref<!tpu.dma_semaphore, #tpu.memory_space<semaphore_mem>>)
      %dma_wait3A_107 = tpu.memref_slice %arg3[%add3A_4] : memref<320000xi32, #tpu.memory_space<hbm>> -> memref<80xi32, #tpu.memory_space<hbm>>
      %dma_wait3A_108 = tpu.memref_slice %arg3[%add3A_4] : memref<320000xi32, #tpu.memory_space<hbm>> -> memref<80xi32, #tpu.memory_space<hbm>>
      tpu.wait_dma2 semaphore(%run_scoped3A : memref<!tpu.dma_semaphore, #tpu.memory_space<semaphore_mem>>) src(%dma_wait3A_108 : memref<80xi32, #tpu.memory_space<hbm>>) dst(%arg8 : memref<80xi32, #tpu.memory_space<vmem>>)
      tpu.yield
    }) : () -> ()
    %dma_start3A = arith.constant 0 : i32
    %dma_start3A_5 = arith.constant 0 : i32
    %dma_start3A_6 = tpu.memref_slice %arg4[%dma_start3A, %dma_start3A_5] : memref<10000x144xf32, #tpu.memory_space<hbm>> -> memref<10000x144xf32, #tpu.memory_space<hbm>>
    tpu.enqueue_indirect_dma source(%dma_start3A_6 : memref<10000x144xf32, #tpu.memory_space<hbm>>) target(%arg13 : memref<80x144xf32, #tpu.memory_space<vmem>>) offsets(%arg7 : memref<80xi32, #tpu.memory_space<vmem>>) semaphore(%arg18 : memref<!tpu.dma_semaphore, #tpu.memory_space<semaphore_mem>>)
    %dma_start3A_7 = arith.constant 0 : i32
    %dma_start3A_8 = arith.constant 0 : i32
    %dma_start3A_9 = tpu.memref_slice %arg5[%dma_start3A_7, %dma_start3A_8] : memref<10000x16xf32, #tpu.memory_space<hbm>> -> memref<10000x16xf32, #tpu.memory_space<hbm>>
    tpu.enqueue_indirect_dma source(%dma_start3A_9 : memref<10000x16xf32, #tpu.memory_space<hbm>>) target(%arg15 : memref<80x16xf32, #tpu.memory_space<vmem>>) offsets(%arg8 : memref<80xi32, #tpu.memory_space<vmem>>) semaphore(%arg18 : memref<!tpu.dma_semaphore, #tpu.memory_space<semaphore_mem>>)
    %min3A = arith.constant 1 : i32
    %min3A_10 = arith.constant 124 : i32
    %min3A_11 = arith.minsi %min3A, %min3A_10 : i32
    %mul3A_12 = arith.constant 80 : i32
    %mul3A_13 = arith.muli %min3A_11, %mul3A_12 : i32
    %add3A_14 = arith.addi %mul3A_2, %mul3A_13 : i32
    %dma_start3A_15 = tpu.memref_slice %arg2[%add3A_14] : memref<320000xi32, #tpu.memory_space<hbm>> -> memref<80xi32, #tpu.memory_space<hbm>>
    %dma_start3A_16 = tpu.memref_slice %arg2[%add3A_14] : memref<320000xi32, #tpu.memory_space<hbm>> -> memref<80xi32, #tpu.memory_space<hbm>>
    tpu.enqueue_dma source(%dma_start3A_16 : memref<80xi32, #tpu.memory_space<hbm>>) target(%arg9 : memref<80xi32, #tpu.memory_space<vmem>>) target_semaphore(%arg21 : memref<!tpu.dma_semaphore, #tpu.memory_space<semaphore_mem>>)
    %dma_start3A_17 = tpu.memref_slice %arg3[%add3A_14] : memref<320000xi32, #tpu.memory_space<hbm>> -> memref<80xi32, #tpu.memory_space<hbm>>
    %dma_start3A_18 = tpu.memref_slice %arg3[%add3A_14] : memref<320000xi32, #tpu.memory_space<hbm>> -> memref<80xi32, #tpu.memory_space<hbm>>
    tpu.enqueue_dma source(%dma_start3A_18 : memref<80xi32, #tpu.memory_space<hbm>>) target(%arg10 : memref<80xi32, #tpu.memory_space<vmem>>) target_semaphore(%arg21 : memref<!tpu.dma_semaphore, #tpu.memory_space<semaphore_mem>>)
    %broadcast_in_dim3A = arith.constant 0.000000e+00 : f32
    %broadcast_in_dim3A_19 = vector.broadcast %broadcast_in_dim3A : f32 to vector<16xf32>
    %parallel_loop3A = arith.constant 0 : i32
    %parallel_loop3A_20 = arith.constant 80 : i32
    %parallel_loop3A_21 = arith.constant 1 : i32
    scf.for %parallel_loop3A_105 = %parallel_loop3A to %parallel_loop3A_20 step %parallel_loop3A_21  : i32 {
      %parallel_loop3A_106 = arith.index_cast %parallel_loop3A_105 : i32 to index
      %parallel_loop3A_107 = arith.constant 0 : index
      %parallel_loop3A_108 = tpu.vector_load %arg14[%parallel_loop3A_106, %parallel_loop3A_107] {strides = array<i32>} : memref<80x144xf32, #tpu.memory_space<vmem>>, vector<1x16xf32>,
      %parallel_loop3A_109 = vector.shape_cast %parallel_loop3A_108 : vector<1x16xf32> to vector<16xf32>
      %parallel_loop3A_110 = vector.shape_cast %broadcast_in_dim3A_19 : vector<16xf32> to vector<1x16xf32>
      tpu.vector_store %arg14[%parallel_loop3A_106, %parallel_loop3A_107], %parallel_loop3A_110 {strides = array<i32>} : memref<80x144xf32, #tpu.memory_space<vmem>>, vector<1x16xf32>,
      %parallel_loop3A_111 = arith.index_cast %parallel_loop3A_105 : i32 to index
      %parallel_loop3A_112 = arith.constant 16 : index
      %parallel_loop3A_113 = tpu.vector_load %arg14[%parallel_loop3A_111, %parallel_loop3A_112] {strides = array<i32>} : memref<80x144xf32, #tpu.memory_space<vmem>>, vector<1x16xf32>,
      %parallel_loop3A_114 = vector.shape_cast %parallel_loop3A_113 : vector<1x16xf32> to vector<16xf32>
      %parallel_loop3A_115 = vector.shape_cast %broadcast_in_dim3A_19 : vector<16xf32> to vector<1x16xf32>
      tpu.vector_store %arg14[%parallel_loop3A_111, %parallel_loop3A_112], %parallel_loop3A_115 {strides = array<i32>} : memref<80x144xf32, #tpu.memory_space<vmem>>, vector<1x16xf32>,
      %parallel_loop3A_116 = arith.index_cast %parallel_loop3A_105 : i32 to index
      %parallel_loop3A_117 = arith.constant 32 : index
      %parallel_loop3A_118 = tpu.vector_load %arg14[%parallel_loop3A_116, %parallel_loop3A_117] {strides = array<i32>} : memref<80x144xf32, #tpu.memory_space<vmem>>, vector<1x16xf32>,
      %parallel_loop3A_119 = vector.shape_cast %parallel_loop3A_118 : vector<1x16xf32> to vector<16xf32>
      %parallel_loop3A_120 = vector.shape_cast %broadcast_in_dim3A_19 : vector<16xf32> to vector<1x16xf32>
      tpu.vector_store %arg14[%parallel_loop3A_116, %parallel_loop3A_117], %parallel_loop3A_120 {strides = array<i32>} : memref<80x144xf32, #tpu.memory_space<vmem>>, vector<1x16xf32>,
      %parallel_loop3A_121 = arith.index_cast %parallel_loop3A_105 : i32 to index
      %parallel_loop3A_122 = arith.constant 48 : index
      %parallel_loop3A_123 = tpu.vector_load %arg14[%parallel_loop3A_121, %parallel_loop3A_122] {strides = array<i32>} : memref<80x144xf32, #tpu.memory_space<vmem>>, vector<1x16xf32>,
      %parallel_loop3A_124 = vector.shape_cast %parallel_loop3A_123 : vector<1x16xf32> to vector<16xf32>
      %parallel_loop3A_125 = vector.shape_cast %broadcast_in_dim3A_19 : vector<16xf32> to vector<1x16xf32>
      tpu.vector_store %arg14[%parallel_loop3A_121, %parallel_loop3A_122], %parallel_loop3A_125 {strides = array<i32>} : memref<80x144xf32, #tpu.memory_space<vmem>>, vector<1x16xf32>,
      %parallel_loop3A_126 = arith.index_cast %parallel_loop3A_105 : i32 to index
      %parallel_loop3A_127 = arith.constant 64 : index
      %parallel_loop3A_128 = tpu.vector_load %arg14[%parallel_loop3A_126, %parallel_loop3A_127] {strides = array<i32>} : memref<80x144xf32, #tpu.memory_space<vmem>>, vector<1x16xf32>,
      %parallel_loop3A_129 = vector.shape_cast %parallel_loop3A_128 : vector<1x16xf32> to vector<16xf32>
      %parallel_loop3A_130 = vector.shape_cast %broadcast_in_dim3A_19 : vector<16xf32> to vector<1x16xf32>
      tpu.vector_store %arg14[%parallel_loop3A_126, %parallel_loop3A_127], %parallel_loop3A_130 {strides = array<i32>} : memref<80x144xf32, #tpu.memory_space<vmem>>, vector<1x16xf32>,
      %parallel_loop3A_131 = arith.index_cast %parallel_loop3A_105 : i32 to index
      %parallel_loop3A_132 = arith.constant 80 : index
      %parallel_loop3A_133 = tpu.vector_load %arg14[%parallel_loop3A_131, %parallel_loop3A_132] {strides = array<i32>} : memref<80x144xf32, #tpu.memory_space<vmem>>, vector<1x16xf32>,
      %parallel_loop3A_134 = vector.shape_cast %parallel_loop3A_133 : vector<1x16xf32> to vector<16xf32>
      %parallel_loop3A_135 = vector.shape_cast %broadcast_in_dim3A_19 : vector<16xf32> to vector<1x16xf32>
      tpu.vector_store %arg14[%parallel_loop3A_131, %parallel_loop3A_132], %parallel_loop3A_135 {strides = array<i32>} : memref<80x144xf32, #tpu.memory_space<vmem>>, vector<1x16xf32>,
      %parallel_loop3A_136 = arith.index_cast %parallel_loop3A_105 : i32 to index
      %parallel_loop3A_137 = arith.constant 96 : index
      %parallel_loop3A_138 = tpu.vector_load %arg14[%parallel_loop3A_136, %parallel_loop3A_137] {strides = array<i32>} : memref<80x144xf32, #tpu.memory_space<vmem>>, vector<1x16xf32>,
      %parallel_loop3A_139 = vector.shape_cast %parallel_loop3A_138 : vector<1x16xf32> to vector<16xf32>
      %parallel_loop3A_140 = vector.shape_cast %broadcast_in_dim3A_19 : vector<16xf32> to vector<1x16xf32>
      tpu.vector_store %arg14[%parallel_loop3A_136, %parallel_loop3A_137], %parallel_loop3A_140 {strides = array<i32>} : memref<80x144xf32, #tpu.memory_space<vmem>>, vector<1x16xf32>,
      %parallel_loop3A_141 = arith.index_cast %parallel_loop3A_105 : i32 to index
      %parallel_loop3A_142 = arith.constant 112 : index
      %parallel_loop3A_143 = tpu.vector_load %arg14[%parallel_loop3A_141, %parallel_loop3A_142] {strides = array<i32>} : memref<80x144xf32, #tpu.memory_space<vmem>>, vector<1x16xf32>,
      %parallel_loop3A_144 = vector.shape_cast %parallel_loop3A_143 : vector<1x16xf32> to vector<16xf32>
      %parallel_loop3A_145 = vector.shape_cast %broadcast_in_dim3A_19 : vector<16xf32> to vector<1x16xf32>
      tpu.vector_store %arg14[%parallel_loop3A_141, %parallel_loop3A_142], %parallel_loop3A_145 {strides = array<i32>} : memref<80x144xf32, #tpu.memory_space<vmem>>, vector<1x16xf32>,
      %parallel_loop3A_146 = arith.index_cast %parallel_loop3A_105 : i32 to index
      %parallel_loop3A_147 = arith.constant 128 : index
      %parallel_loop3A_148 = tpu.vector_load %arg14[%parallel_loop3A_146, %parallel_loop3A_147] {strides = array<i32>} : memref<80x144xf32, #tpu.memory_space<vmem>>, vector<1x16xf32>,
      %parallel_loop3A_149 = vector.shape_cast %parallel_loop3A_148 : vector<1x16xf32> to vector<16xf32>
      %parallel_loop3A_150 = vector.shape_cast %broadcast_in_dim3A_19 : vector<16xf32> to vector<1x16xf32>
      tpu.vector_store %arg14[%parallel_loop3A_146, %parallel_loop3A_147], %parallel_loop3A_150 {strides = array<i32>} : memref<80x144xf32, #tpu.memory_space<vmem>>, vector<1x16xf32>,
    } {sc.loop_unroll_factor = 4 : i64, sc.parallel_access}
    %mul3A_22 = arith.constant 624 : i32
    %mul3A_23 = arith.muli %arg1, %mul3A_22 : i32
    %add3A_24 = arith.constant 0 : i32
    %add3A_25 = arith.addi %mul3A_23, %add3A_24 : i32
    "tpu.region"() ({
      %run_scoped3A = tpu.sem_alloc : memref<!tpu.dma_semaphore, #tpu.memory_space<semaphore_mem>>
      %dma_start3A_105 = arith.constant 0 : i32
      %dma_start3A_106 = tpu.memref_slice %arg17[%add3A_25, %dma_start3A_105] : memref<10000x144xf32, #tpu.memory_space<vmem_shared>> -> memref<80x144xf32, #tpu.memory_space<vmem_shared>>
      %dma_start3A_107 = arith.constant 0 : i32
      %dma_start3A_108 = tpu.memref_slice %arg17[%add3A_25, %dma_start3A_107] : memref<10000x144xf32, #tpu.memory_space<vmem_shared>> -> memref<80x144xf32, #tpu.memory_space<vmem_shared>>
      tpu.enqueue_dma source(%arg14 : memref<80x144xf32, #tpu.memory_space<vmem>>) target(%dma_start3A_108 : memref<80x144xf32, #tpu.memory_space<vmem_shared>>) target_semaphore(%run_scoped3A : memref<!tpu.dma_semaphore, #tpu.memory_space<semaphore_mem>>)
      %dma_wait3A_109 = arith.constant 0 : i32
      %dma_wait3A_110 = tpu.memref_slice %arg17[%add3A_25, %dma_wait3A_109] : memref<10000x144xf32, #tpu.memory_space<vmem_shared>> -> memref<80x144xf32, #tpu.memory_space<vmem_shared>>
      %dma_wait3A_111 = arith.constant 0 : i32
      %dma_wait3A_112 = tpu.memref_slice %arg17[%add3A_25, %dma_wait3A_111] : memref<10000x144xf32, #tpu.memory_space<vmem_shared>> -> memref<80x144xf32, #tpu.memory_space<vmem_shared>>
      tpu.wait_dma2 semaphore(%run_scoped3A : memref<!tpu.dma_semaphore, #tpu.memory_space<semaphore_mem>>) src(%arg14 : memref<80x144xf32, #tpu.memory_space<vmem>>) dst(%dma_wait3A_112 : memref<80x144xf32, #tpu.memory_space<vmem_shared>>)
      tpu.yield
    }) : () -> ()
    %add3A_26 = arith.constant 80 : i32
    %add3A_27 = arith.addi %mul3A_23, %add3A_26 : i32
    "tpu.region"() ({
      %run_scoped3A = tpu.sem_alloc : memref<!tpu.dma_semaphore, #tpu.memory_space<semaphore_mem>>
      %dma_start3A_105 = arith.constant 0 : i32
      %dma_start3A_106 = tpu.memref_slice %arg17[%add3A_27, %dma_start3A_105] : memref<10000x144xf32, #tpu.memory_space<vmem_shared>> -> memref<80x144xf32, #tpu.memory_space<vmem_shared>>
      %dma_start3A_107 = arith.constant 0 : i32
      %dma_start3A_108 = tpu.memref_slice %arg17[%add3A_27, %dma_start3A_107] : memref<10000x144xf32, #tpu.memory_space<vmem_shared>> -> memref<80x144xf32, #tpu.memory_space<vmem_shared>>
      tpu.enqueue_dma source(%arg14 : memref<80x144xf32, #tpu.memory_space<vmem>>) target(%dma_start3A_108 : memref<80x144xf32, #tpu.memory_space<vmem_shared>>) target_semaphore(%run_scoped3A : memref<!tpu.dma_semaphore, #tpu.memory_space<semaphore_mem>>)
      %dma_wait3A_109 = arith.constant 0 : i32
      %dma_wait3A_110 = tpu.memref_slice %arg17[%add3A_27, %dma_wait3A_109] : memref<10000x144xf32, #tpu.memory_space<vmem_shared>> -> memref<80x144xf32, #tpu.memory_space<vmem_shared>>
      %dma_wait3A_111 = arith.constant 0 : i32
      %dma_wait3A_112 = tpu.memref_slice %arg17[%add3A_27, %dma_wait3A_111] : memref<10000x144xf32, #tpu.memory_space<vmem_shared>> -> memref<80x144xf32, #tpu.memory_space<vmem_shared>>
      tpu.wait_dma2 semaphore(%run_scoped3A : memref<!tpu.dma_semaphore, #tpu.memory_space<semaphore_mem>>) src(%arg14 : memref<80x144xf32, #tpu.memory_space<vmem>>) dst(%dma_wait3A_112 : memref<80x144xf32, #tpu.memory_space<vmem_shared>>)
      tpu.yield
    }) : () -> ()
    %add3A_28 = arith.constant 160 : i32
    %add3A_29 = arith.addi %mul3A_23, %add3A_28 : i32
    "tpu.region"() ({
      %run_scoped3A = tpu.sem_alloc : memref<!tpu.dma_semaphore, #tpu.memory_space<semaphore_mem>>
      %dma_start3A_105 = arith.constant 0 : i32
      %dma_start3A_106 = tpu.memref_slice %arg17[%add3A_29, %dma_start3A_105] : memref<10000x144xf32, #tpu.memory_space<vmem_shared>> -> memref<80x144xf32, #tpu.memory_space<vmem_shared>>
      %dma_start3A_107 = arith.constant 0 : i32
      %dma_start3A_108 = tpu.memref_slice %arg17[%add3A_29, %dma_start3A_107] : memref<10000x144xf32, #tpu.memory_space<vmem_shared>> -> memref<80x144xf32, #tpu.memory_space<vmem_shared>>
      tpu.enqueue_dma source(%arg14 : memref<80x144xf32, #tpu.memory_space<vmem>>) target(%dma_start3A_108 : memref<80x144xf32, #tpu.memory_space<vmem_shared>>) target_semaphore(%run_scoped3A : memref<!tpu.dma_semaphore, #tpu.memory_space<semaphore_mem>>)
      %dma_wait3A_109 = arith.constant 0 : i32
      %dma_wait3A_110 = tpu.memref_slice %arg17[%add3A_29, %dma_wait3A_109] : memref<10000x144xf32, #tpu.memory_space<vmem_shared>> -> memref<80x144xf32, #tpu.memory_space<vmem_shared>>
      %dma_wait3A_111 = arith.constant 0 : i32
      %dma_wait3A_112 = tpu.memref_slice %arg17[%add3A_29, %dma_wait3A_111] : memref<10000x144xf32, #tpu.memory_space<vmem_shared>> -> memref<80x144xf32, #tpu.memory_space<vmem_shared>>
      tpu.wait_dma2 semaphore(%run_scoped3A : memref<!tpu.dma_semaphore, #tpu.memory_space<semaphore_mem>>) src(%arg14 : memref<80x144xf32, #tpu.memory_space<vmem>>) dst(%dma_wait3A_112 : memref<80x144xf32, #tpu.memory_space<vmem_shared>>)
      tpu.yield
    }) : () -> ()
    %add3A_30 = arith.constant 240 : i32
    %add3A_31 = arith.addi %mul3A_23, %add3A_30 : i32
    "tpu.region"() ({
      %run_scoped3A = tpu.sem_alloc : memref<!tpu.dma_semaphore, #tpu.memory_space<semaphore_mem>>
      %dma_start3A_105 = arith.constant 0 : i32
      %dma_start3A_106 = tpu.memref_slice %arg17[%add3A_31, %dma_start3A_105] : memref<10000x144xf32, #tpu.memory_space<vmem_shared>> -> memref<80x144xf32, #tpu.memory_space<vmem_shared>>
      %dma_start3A_107 = arith.constant 0 : i32
      %dma_start3A_108 = tpu.memref_slice %arg17[%add3A_31, %dma_start3A_107] : memref<10000x144xf32, #tpu.memory_space<vmem_shared>> -> memref<80x144xf32, #tpu.memory_space<vmem_shared>>
      tpu.enqueue_dma source(%arg14 : memref<80x144xf32, #tpu.memory_space<vmem>>) target(%dma_start3A_108 : memref<80x144xf32, #tpu.memory_space<vmem_shared>>) target_semaphore(%run_scoped3A : memref<!tpu.dma_semaphore, #tpu.memory_space<semaphore_mem>>)
      %dma_wait3A_109 = arith.constant 0 : i32
      %dma_wait3A_110 = tpu.memref_slice %arg17[%add3A_31, %dma_wait3A_109] : memref<10000x144xf32, #tpu.memory_space<vmem_shared>> -> memref<80x144xf32, #tpu.memory_space<vmem_shared>>
      %dma_wait3A_111 = arith.constant 0 : i32
      %dma_wait3A_112 = tpu.memref_slice %arg17[%add3A_31, %dma_wait3A_111] : memref<10000x144xf32, #tpu.memory_space<vmem_shared>> -> memref<80x144xf32, #tpu.memory_space<vmem_shared>>
      tpu.wait_dma2 semaphore(%run_scoped3A : memref<!tpu.dma_semaphore, #tpu.memory_space<semaphore_mem>>) src(%arg14 : memref<80x144xf32, #tpu.memory_space<vmem>>) dst(%dma_wait3A_112 : memref<80x144xf32, #tpu.memory_space<vmem_shared>>)
      tpu.yield
    }) : () -> ()
    %add3A_32 = arith.constant 320 : i32
    %add3A_33 = arith.addi %mul3A_23, %add3A_32 : i32
    "tpu.region"() ({
      %run_scoped3A = tpu.sem_alloc : memref<!tpu.dma_semaphore, #tpu.memory_space<semaphore_mem>>
      %dma_start3A_105 = arith.constant 0 : i32
      %dma_start3A_106 = tpu.memref_slice %arg17[%add3A_33, %dma_start3A_105] : memref<10000x144xf32, #tpu.memory_space<vmem_shared>> -> memref<80x144xf32, #tpu.memory_space<vmem_shared>>
      %dma_start3A_107 = arith.constant 0 : i32
      %dma_start3A_108 = tpu.memref_slice %arg17[%add3A_33, %dma_start3A_107] : memref<10000x144xf32, #tpu.memory_space<vmem_shared>> -> memref<80x144xf32, #tpu.memory_space<vmem_shared>>
      tpu.enqueue_dma source(%arg14 : memref<80x144xf32, #tpu.memory_space<vmem>>) target(%dma_start3A_108 : memref<80x144xf32, #tpu.memory_space<vmem_shared>>) target_semaphore(%run_scoped3A : memref<!tpu.dma_semaphore, #tpu.memory_space<semaphore_mem>>)
      %dma_wait3A_109 = arith.constant 0 : i32
      %dma_wait3A_110 = tpu.memref_slice %arg17[%add3A_33, %dma_wait3A_109] : memref<10000x144xf32, #tpu.memory_space<vmem_shared>> -> memref<80x144xf32, #tpu.memory_space<vmem_shared>>
      %dma_wait3A_111 = arith.constant 0 : i32
      %dma_wait3A_112 = tpu.memref_slice %arg17[%add3A_33, %dma_wait3A_111] : memref<10000x144xf32, #tpu.memory_space<vmem_shared>> -> memref<80x144xf32, #tpu.memory_space<vmem_shared>>
      tpu.wait_dma2 semaphore(%run_scoped3A : memref<!tpu.dma_semaphore, #tpu.memory_space<semaphore_mem>>) src(%arg14 : memref<80x144xf32, #tpu.memory_space<vmem>>) dst(%dma_wait3A_112 : memref<80x144xf32, #tpu.memory_space<vmem_shared>>)
      tpu.yield
    }) : () -> ()
    %add3A_34 = arith.constant 400 : i32
    %add3A_35 = arith.addi %mul3A_23, %add3A_34 : i32
    "tpu.region"() ({
      %run_scoped3A = tpu.sem_alloc : memref<!tpu.dma_semaphore, #tpu.memory_space<semaphore_mem>>
      %dma_start3A_105 = arith.constant 0 : i32
      %dma_start3A_106 = tpu.memref_slice %arg17[%add3A_35, %dma_start3A_105] : memref<10000x144xf32, #tpu.memory_space<vmem_shared>> -> memref<80x144xf32, #tpu.memory_space<vmem_shared>>
      %dma_start3A_107 = arith.constant 0 : i32
      %dma_start3A_108 = tpu.memref_slice %arg17[%add3A_35, %dma_start3A_107] : memref<10000x144xf32, #tpu.memory_space<vmem_shared>> -> memref<80x144xf32, #tpu.memory_space<vmem_shared>>
      tpu.enqueue_dma source(%arg14 : memref<80x144xf32, #tpu.memory_space<vmem>>) target(%dma_start3A_108 : memref<80x144xf32, #tpu.memory_space<vmem_shared>>) target_semaphore(%run_scoped3A : memref<!tpu.dma_semaphore, #tpu.memory_space<semaphore_mem>>)
      %dma_wait3A_109 = arith.constant 0 : i32
      %dma_wait3A_110 = tpu.memref_slice %arg17[%add3A_35, %dma_wait3A_109] : memref<10000x144xf32, #tpu.memory_space<vmem_shared>> -> memref<80x144xf32, #tpu.memory_space<vmem_shared>>
      %dma_wait3A_111 = arith.constant 0 : i32
      %dma_wait3A_112 = tpu.memref_slice %arg17[%add3A_35, %dma_wait3A_111] : memref<10000x144xf32, #tpu.memory_space<vmem_shared>> -> memref<80x144xf32, #tpu.memory_space<vmem_shared>>
      tpu.wait_dma2 semaphore(%run_scoped3A : memref<!tpu.dma_semaphore, #tpu.memory_space<semaphore_mem>>) src(%arg14 : memref<80x144xf32, #tpu.memory_space<vmem>>) dst(%dma_wait3A_112 : memref<80x144xf32, #tpu.memory_space<vmem_shared>>)
      tpu.yield
    }) : () -> ()
    %add3A_36 = arith.constant 480 : i32
    %add3A_37 = arith.addi %mul3A_23, %add3A_36 : i32
    "tpu.region"() ({
      %run_scoped3A = tpu.sem_alloc : memref<!tpu.dma_semaphore, #tpu.memory_space<semaphore_mem>>
      %dma_start3A_105 = arith.constant 0 : i32
      %dma_start3A_106 = tpu.memref_slice %arg17[%add3A_37, %dma_start3A_105] : memref<10000x144xf32, #tpu.memory_space<vmem_shared>> -> memref<80x144xf32, #tpu.memory_space<vmem_shared>>
      %dma_start3A_107 = arith.constant 0 : i32
      %dma_start3A_108 = tpu.memref_slice %arg17[%add3A_37, %dma_start3A_107] : memref<10000x144xf32, #tpu.memory_space<vmem_shared>> -> memref<80x144xf32, #tpu.memory_space<vmem_shared>>
      tpu.enqueue_dma source(%arg14 : memref<80x144xf32, #tpu.memory_space<vmem>>) target(%dma_start3A_108 : memref<80x144xf32, #tpu.memory_space<vmem_shared>>) target_semaphore(%run_scoped3A : memref<!tpu.dma_semaphore, #tpu.memory_space<semaphore_mem>>)
      %dma_wait3A_109 = arith.constant 0 : i32
      %dma_wait3A_110 = tpu.memref_slice %arg17[%add3A_37, %dma_wait3A_109] : memref<10000x144xf32, #tpu.memory_space<vmem_shared>> -> memref<80x144xf32, #tpu.memory_space<vmem_shared>>
      %dma_wait3A_111 = arith.constant 0 : i32
      %dma_wait3A_112 = tpu.memref_slice %arg17[%add3A_37, %dma_wait3A_111] : memref<10000x144xf32, #tpu.memory_space<vmem_shared>> -> memref<80x144xf32, #tpu.memory_space<vmem_shared>>
      tpu.wait_dma2 semaphore(%run_scoped3A : memref<!tpu.dma_semaphore, #tpu.memory_space<semaphore_mem>>) src(%arg14 : memref<80x144xf32, #tpu.memory_space<vmem>>) dst(%dma_wait3A_112 : memref<80x144xf32, #tpu.memory_space<vmem_shared>>)
      tpu.yield
    }) : () -> ()
    %add3A_38 = arith.constant 560 : i32
    %add3A_39 = arith.addi %mul3A_23, %add3A_38 : i32
    "tpu.region"() ({
      %run_scoped3A = tpu.sem_alloc : memref<!tpu.dma_semaphore, #tpu.memory_space<semaphore_mem>>
      %dma_start3A_105 = arith.constant 0 : i32
      %dma_start3A_106 = arith.constant 0 : i32
      %dma_start3A_107 = tpu.memref_slice %arg14[%dma_start3A_105, %dma_start3A_106] : memref<80x144xf32, #tpu.memory_space<vmem>> -> memref<64x144xf32, #tpu.memory_space<vmem>>
      %dma_start3A_108 = arith.constant 0 : i32
      %dma_start3A_109 = tpu.memref_slice %arg17[%add3A_39, %dma_start3A_108] : memref<10000x144xf32, #tpu.memory_space<vmem_shared>> -> memref<64x144xf32, #tpu.memory_space<vmem_shared>>
      %dma_start3A_110 = arith.constant 0 : i32
      %dma_start3A_111 = tpu.memref_slice %arg17[%add3A_39, %dma_start3A_110] : memref<10000x144xf32, #tpu.memory_space<vmem_shared>> -> memref<64x144xf32, #tpu.memory_space<vmem_shared>>
      %dma_start3A_112 = arith.constant 0 : i32
      %dma_start3A_113 = arith.constant 0 : i32
      %dma_start3A_114 = tpu.memref_slice %arg14[%dma_start3A_112, %dma_start3A_113] : memref<80x144xf32, #tpu.memory_space<vmem>> -> memref<64x144xf32, #tpu.memory_space<vmem>>
      tpu.enqueue_dma source(%dma_start3A_114 : memref<64x144xf32, #tpu.memory_space<vmem>>) target(%dma_start3A_111 : memref<64x144xf32, #tpu.memory_space<vmem_shared>>) target_semaphore(%run_scoped3A : memref<!tpu.dma_semaphore, #tpu.memory_space<semaphore_mem>>)
      %dma_wait3A_115 = arith.constant 0 : i32
      %dma_wait3A_116 = arith.constant 0 : i32
      %dma_wait3A_117 = tpu.memref_slice %arg14[%dma_wait3A_115, %dma_wait3A_116] : memref<80x144xf32, #tpu.memory_space<vmem>> -> memref<64x144xf32, #tpu.memory_space<vmem>>
      %dma_wait3A_118 = arith.constant 0 : i32
      %dma_wait3A_119 = tpu.memref_slice %arg17[%add3A_39, %dma_wait3A_118] : memref<10000x144xf32, #tpu.memory_space<vmem_shared>> -> memref<64x144xf32, #tpu.memory_space<vmem_shared>>
      %dma_wait3A_120 = arith.constant 0 : i32
      %dma_wait3A_121 = tpu.memref_slice %arg17[%add3A_39, %dma_wait3A_120] : memref<10000x144xf32, #tpu.memory_space<vmem_shared>> -> memref<64x144xf32, #tpu.memory_space<vmem_shared>>
      %dma_wait3A_122 = arith.constant 0 : i32
      %dma_wait3A_123 = arith.constant 0 : i32
      %dma_wait3A_124 = tpu.memref_slice %arg14[%dma_wait3A_122, %dma_wait3A_123] : memref<80x144xf32, #tpu.memory_space<vmem>> -> memref<64x144xf32, #tpu.memory_space<vmem>>
      tpu.wait_dma2 semaphore(%run_scoped3A : memref<!tpu.dma_semaphore, #tpu.memory_space<semaphore_mem>>) src(%dma_wait3A_124 : memref<64x144xf32, #tpu.memory_space<vmem>>) dst(%dma_wait3A_121 : memref<64x144xf32, #tpu.memory_space<vmem_shared>>)
      tpu.yield
    }) : () -> ()
    %eq3A = arith.constant 15 : i32
    %eq3A_40 = arith.cmpi eq, %arg1, %eq3A : i32
    %convert_element_type3A = arith.extui %eq3A_40 : i1 to i32
    %cond3A = arith.constant 0 : i32
    %cond3A_41 = arith.cmpi ne, %convert_element_type3A, %cond3A : i32
    scf.if %cond3A_41 {
      "tpu.region"() ({
        %run_scoped3A = tpu.sem_alloc : memref<!tpu.dma_semaphore, #tpu.memory_space<semaphore_mem>>
        %dma_start3A_105 = arith.constant 0 : i32
        %dma_start3A_106 = arith.constant 0 : i32
        %dma_start3A_107 = tpu.memref_slice %arg14[%dma_start3A_105, %dma_start3A_106] : memref<80x144xf32, #tpu.memory_space<vmem>> -> memref<16x144xf32, #tpu.memory_space<vmem>>
        %dma_start3A_108 = arith.constant 9984 : i32
        %dma_start3A_109 = arith.constant 0 : i32
        %dma_start3A_110 = tpu.memref_slice %arg17[%dma_start3A_108, %dma_start3A_109] : memref<10000x144xf32, #tpu.memory_space<vmem_shared>> -> memref<16x144xf32, #tpu.memory_space<vmem_shared>>
        %dma_start3A_111 = arith.constant 9984 : i32
        %dma_start3A_112 = arith.constant 0 : i32
        %dma_start3A_113 = tpu.memref_slice %arg17[%dma_start3A_111, %dma_start3A_112] : memref<10000x144xf32, #tpu.memory_space<vmem_shared>> -> memref<16x144xf32, #tpu.memory_space<vmem_shared>>
        %dma_start3A_114 = arith.constant 0 : i32
        %dma_start3A_115 = arith.constant 0 : i32
        %dma_start3A_116 = tpu.memref_slice %arg14[%dma_start3A_114, %dma_start3A_115] : memref<80x144xf32, #tpu.memory_space<vmem>> -> memref<16x144xf32, #tpu.memory_space<vmem>>
        tpu.enqueue_dma source(%dma_start3A_116 : memref<16x144xf32, #tpu.memory_space<vmem>>) target(%dma_start3A_113 : memref<16x144xf32, #tpu.memory_space<vmem_shared>>) target_semaphore(%run_scoped3A : memref<!tpu.dma_semaphore, #tpu.memory_space<semaphore_mem>>)
        %dma_wait3A_117 = arith.constant 0 : i32
        %dma_wait3A_118 = arith.constant 0 : i32
        %dma_wait3A_119 = tpu.memref_slice %arg14[%dma_wait3A_117, %dma_wait3A_118] : memref<80x144xf32, #tpu.memory_space<vmem>> -> memref<16x144xf32, #tpu.memory_space<vmem>>
        %dma_wait3A_120 = arith.constant 9984 : i32
        %dma_wait3A_121 = arith.constant 0 : i32
        %dma_wait3A_122 = tpu.memref_slice %arg17[%dma_wait3A_120, %dma_wait3A_121] : memref<10000x144xf32, #tpu.memory_space<vmem_shared>> -> memref<16x144xf32, #tpu.memory_space<vmem_shared>>
        %dma_wait3A_123 = arith.constant 9984 : i32
        %dma_wait3A_124 = arith.constant 0 : i32
        %dma_wait3A_125 = tpu.memref_slice %arg17[%dma_wait3A_123, %dma_wait3A_124] : memref<10000x144xf32, #tpu.memory_space<vmem_shared>> -> memref<16x144xf32, #tpu.memory_space<vmem_shared>>
        %dma_wait3A_126 = arith.constant 0 : i32
        %dma_wait3A_127 = arith.constant 0 : i32
        %dma_wait3A_128 = tpu.memref_slice %arg14[%dma_wait3A_126, %dma_wait3A_127] : memref<80x144xf32, #tpu.memory_space<vmem>> -> memref<16x144xf32, #tpu.memory_space<vmem>>
        tpu.wait_dma2 semaphore(%run_scoped3A : memref<!tpu.dma_semaphore, #tpu.memory_space<semaphore_mem>>) src(%dma_wait3A_128 : memref<16x144xf32, #tpu.memory_space<vmem>>) dst(%dma_wait3A_125 : memref<16x144xf32, #tpu.memory_space<vmem_shared>>)
        tpu.yield
      }) : () -> ()
    } else {
    }
    %barrier3A = arith.constant 0 : index
    tpu.barrier barrier_id(%barrier3A)
    %get3A = arith.constant 0 : index
    %get3A_42 = tpu.vector_load %arg8[%get3A] {strides = array<i32>} : memref<80xi32, #tpu.memory_space<vmem>>, vector<16xi32>,
    %get3A_43 = vector.shape_cast %get3A_42 : vector<16xi32> to vector<16xi32>
    %swap3A = arith.constant 0 : index
    %swap3A_44 = tpu.vector_load %arg12[%swap3A] {strides = array<i32>} : memref<80xi32, #tpu.memory_space<vmem>>, vector<16xi32>,
    %swap3A_45 = vector.shape_cast %swap3A_44 : vector<16xi32> to vector<16xi32>
    %swap3A_46 = vector.shape_cast %get3A_43 : vector<16xi32> to vector<16xi32>
    tpu.vector_store %arg12[%swap3A], %swap3A_46 {strides = array<i32>} : memref<80xi32, #tpu.memory_space<vmem>>, vector<16xi32>,
    %get3A_47 = arith.constant 16 : index
    %get3A_48 = tpu.vector_load %arg8[%get3A_47] {strides = array<i32>} : memref<80xi32, #tpu.memory_space<vmem>>, vector<16xi32>,
    %get3A_49 = vector.shape_cast %get3A_48 : vector<16xi32> to vector<16xi32>
    %swap3A_50 = arith.constant 16 : index
    %swap3A_51 = tpu.vector_load %arg12[%swap3A_50] {strides = array<i32>} : memref<80xi32, #tpu.memory_space<vmem>>, vector<16xi32>,
    %swap3A_52 = vector.shape_cast %swap3A_51 : vector<16xi32> to vector<16xi32>
    %swap3A_53 = vector.shape_cast %get3A_49 : vector<16xi32> to vector<16xi32>
    tpu.vector_store %arg12[%swap3A_50], %swap3A_53 {strides = array<i32>} : memref<80xi32, #tpu.memory_space<vmem>>, vector<16xi32>,
    %get3A_54 = arith.constant 32 : index
    %get3A_55 = tpu.vector_load %arg8[%get3A_54] {strides = array<i32>} : memref<80xi32, #tpu.memory_space<vmem>>, vector<16xi32>,
    %get3A_56 = vector.shape_cast %get3A_55 : vector<16xi32> to vector<16xi32>
    %swap3A_57 = arith.constant 32 : index
    %swap3A_58 = tpu.vector_load %arg12[%swap3A_57] {strides = array<i32>} : memref<80xi32, #tpu.memory_space<vmem>>, vector<16xi32>,
    %swap3A_59 = vector.shape_cast %swap3A_58 : vector<16xi32> to vector<16xi32>
    %swap3A_60 = vector.shape_cast %get3A_56 : vector<16xi32> to vector<16xi32>
    tpu.vector_store %arg12[%swap3A_57], %swap3A_60 {strides = array<i32>} : memref<80xi32, #tpu.memory_space<vmem>>, vector<16xi32>,
    %get3A_61 = arith.constant 48 : index
    %get3A_62 = tpu.vector_load %arg8[%get3A_61] {strides = array<i32>} : memref<80xi32, #tpu.memory_space<vmem>>, vector<16xi32>,
    %get3A_63 = vector.shape_cast %get3A_62 : vector<16xi32> to vector<16xi32>
    %swap3A_64 = arith.constant 48 : index
    %swap3A_65 = tpu.vector_load %arg12[%swap3A_64] {strides = array<i32>} : memref<80xi32, #tpu.memory_space<vmem>>, vector<16xi32>,
    %swap3A_66 = vector.shape_cast %swap3A_65 : vector<16xi32> to vector<16xi32>
    %swap3A_67 = vector.shape_cast %get3A_63 : vector<16xi32> to vector<16xi32>
    tpu.vector_store %arg12[%swap3A_64], %swap3A_67 {strides = array<i32>} : memref<80xi32, #tpu.memory_space<vmem>>, vector<16xi32>,
    %get3A_68 = arith.constant 64 : index
    %get3A_69 = tpu.vector_load %arg8[%get3A_68] {strides = array<i32>} : memref<80xi32, #tpu.memory_space<vmem>>, vector<16xi32>,
    %get3A_70 = vector.shape_cast %get3A_69 : vector<16xi32> to vector<16xi32>
    %swap3A_71 = arith.constant 64 : index
    %swap3A_72 = tpu.vector_load %arg12[%swap3A_71] {strides = array<i32>} : memref<80xi32, #tpu.memory_space<vmem>>, vector<16xi32>,
    %swap3A_73 = vector.shape_cast %swap3A_72 : vector<16xi32> to vector<16xi32>
    %swap3A_74 = vector.shape_cast %get3A_70 : vector<16xi32> to vector<16xi32>
    tpu.vector_store %arg12[%swap3A_71], %swap3A_74 {strides = array<i32>} : memref<80xi32, #tpu.memory_space<vmem>>, vector<16xi32>,
    %dma_start3A_75 = arith.constant 0 : i32
    %dma_start3A_76 = arith.constant 0 : i32
    %dma_start3A_77 = tpu.memref_slice %arg17[%dma_start3A_75, %dma_start3A_76] : memref<10000x144xf32, #tpu.memory_space<vmem_shared>> -> memref<10000x144xf32, #tpu.memory_space<vmem_shared>>
    tpu.enqueue_indirect_dma source(%arg14 : memref<80x144xf32, #tpu.memory_space<vmem>>) target(%dma_start3A_77 : memref<10000x144xf32, #tpu.memory_space<vmem_shared>>) offsets(%arg12 : memref<80xi32, #tpu.memory_space<vmem>>) semaphore(%arg23 : memref<!tpu.dma_semaphore, #tpu.memory_space<semaphore_mem>>) {add = true}
    %scan3A = arith.constant 0 : i32
    %scan3A_78 = arith.constant 0 : i32
    %scan3A_79 = arith.constant 62 : i32
    %scan3A_80 = arith.addi %scan3A_78, %scan3A_79 : i32
    %scan3A_81 = arith.constant 1 : i32
    %scan3A_82 = scf.for %scan3A_105 = %scan3A_78 to %scan3A_80 step %scan3A_81 iter_args(%scan3A_106 = %scan3A) -> (i32)  : i32 {
      %mul3A_107 = arith.constant 2 : i32
      %mul3A_108 = arith.muli %mul3A_107, %scan3A_105 : i32
      %dma_wait3A_109 = arith.constant 0 : i32
      %dma_wait3A_110 = arith.constant 0 : i32
      %dma_wait3A_111 = tpu.memref_slice %arg4[%dma_wait3A_109, %dma_wait3A_110] : memref<10000x144xf32, #tpu.memory_space<hbm>> -> memref<10000x144xf32, #tpu.memory_space<hbm>>
      tpu.wait_indirect_dma semaphore(%arg18 : memref<!tpu.dma_semaphore, #tpu.memory_space<semaphore_mem>>) src(%dma_wait3A_111 : memref<10000x144xf32, #tpu.memory_space<hbm>>) dst(%arg13 : memref<80x144xf32, #tpu.memory_space<vmem>>)
      %dma_wait3A_112 = arith.constant 0 : i32
      %dma_wait3A_113 = arith.constant 0 : i32
      %dma_wait3A_114 = tpu.memref_slice %arg5[%dma_wait3A_112, %dma_wait3A_113] : memref<10000x16xf32, #tpu.memory_space<hbm>> -> memref<10000x16xf32, #tpu.memory_space<hbm>>
      tpu.wait_indirect_dma semaphore(%arg18 : memref<!tpu.dma_semaphore, #tpu.memory_space<semaphore_mem>>) src(%dma_wait3A_114 : memref<10000x16xf32, #tpu.memory_space<hbm>>) dst(%arg15 : memref<80x16xf32, #tpu.memory_space<vmem>>)
      %dma_wait3A_115 = tpu.memref_slice %arg2[%mul3A_2] : memref<320000xi32, #tpu.memory_space<hbm>> -> memref<80xi32, #tpu.memory_space<hbm>>
      %dma_wait3A_116 = tpu.memref_slice %arg2[%mul3A_2] : memref<320000xi32, #tpu.memory_space<hbm>> -> memref<80xi32, #tpu.memory_space<hbm>>
      tpu.wait_dma2 semaphore(%arg21 : memref<!tpu.dma_semaphore, #tpu.memory_space<semaphore_mem>>) src(%dma_wait3A_116 : memref<80xi32, #tpu.memory_space<hbm>>) dst(%arg9 : memref<80xi32, #tpu.memory_space<vmem>>)
      %dma_wait3A_117 = tpu.memref_slice %arg3[%mul3A_2] : memref<320000xi32, #tpu.memory_space<hbm>> -> memref<80xi32, #tpu.memory_space<hbm>>
      %dma_wait3A_118 = tpu.memref_slice %arg3[%mul3A_2] : memref<320000xi32, #tpu.memory_space<hbm>> -> memref<80xi32, #tpu.memory_space<hbm>>
      tpu.wait_dma2 semaphore(%arg21 : memref<!tpu.dma_semaphore, #tpu.memory_space<semaphore_mem>>) src(%dma_wait3A_118 : memref<80xi32, #tpu.memory_space<hbm>>) dst(%arg10 : memref<80xi32, #tpu.memory_space<vmem>>)
      %dma_wait3A_119 = arith.constant 0 : i32
      %dma_wait3A_120 = arith.constant 0 : i32
      %dma_wait3A_121 = tpu.memref_slice %arg17[%dma_wait3A_119, %dma_wait3A_120] : memref<10000x144xf32, #tpu.memory_space<vmem_shared>> -> memref<10000x144xf32, #tpu.memory_space<vmem_shared>>
      tpu.wait_indirect_dma semaphore(%arg23 : memref<!tpu.dma_semaphore, #tpu.memory_space<semaphore_mem>>) src(%arg14 : memref<80x144xf32, #tpu.memory_space<vmem>>) dst(%dma_wait3A_121 : memref<10000x144xf32, #tpu.memory_space<vmem_shared>>)
      %dma_start3A_122 = arith.constant 0 : i32
      %dma_start3A_123 = arith.constant 0 : i32
      %dma_start3A_124 = tpu.memref_slice %arg4[%dma_start3A_122, %dma_start3A_123] : memref<10000x144xf32, #tpu.memory_space<hbm>> -> memref<10000x144xf32, #tpu.memory_space<hbm>>
      tpu.enqueue_indirect_dma source(%dma_start3A_124 : memref<10000x144xf32, #tpu.memory_space<hbm>>) target(%arg14 : memref<80x144xf32, #tpu.memory_space<vmem>>) offsets(%arg9 : memref<80xi32, #tpu.memory_space<vmem>>) semaphore(%arg19 : memref<!tpu.dma_semaphore, #tpu.memory_space<semaphore_mem>>)
      %dma_start3A_125 = arith.constant 0 : i32
      %dma_start3A_126 = arith.constant 0 : i32
      %dma_start3A_127 = tpu.memref_slice %arg5[%dma_start3A_125, %dma_start3A_126] : memref<10000x16xf32, #tpu.memory_space<hbm>> -> memref<10000x16xf32, #tpu.memory_space<hbm>>
      tpu.enqueue_indirect_dma source(%dma_start3A_127 : memref<10000x16xf32, #tpu.memory_space<hbm>>) target(%arg16 : memref<80x16xf32, #tpu.memory_space<vmem>>) offsets(%arg10 : memref<80xi32, #tpu.memory_space<vmem>>) semaphore(%arg19 : memref<!tpu.dma_semaphore, #tpu.memory_space<semaphore_mem>>)
      %parallel_loop3A_128 = arith.constant 0 : i32
      %parallel_loop3A_129 = arith.constant 80 : i32
      %parallel_loop3A_130 = arith.constant 1 : i32
      scf.for %parallel_loop3A_252 = %parallel_loop3A_128 to %parallel_loop3A_129 step %parallel_loop3A_130  : i32 {
        %parallel_loop3A_253 = arith.index_cast %parallel_loop3A_252 : i32 to index
        %parallel_loop3A_254 = arith.constant 128 : index
        %parallel_loop3A_255 = tpu.vector_load %arg13[%parallel_loop3A_253, %parallel_loop3A_254] {strides = array<i32>} : memref<80x144xf32, #tpu.memory_space<vmem>>, vector<1x16xf32>,
        %parallel_loop3A_256 = vector.shape_cast %parallel_loop3A_255 : vector<1x16xf32> to vector<16xf32>
        %parallel_loop3A_257 = arith.index_cast %parallel_loop3A_252 : i32 to index
        %parallel_loop3A_258 = arith.constant 0 : index
        %parallel_loop3A_259 = tpu.vector_load %arg15[%parallel_loop3A_257, %parallel_loop3A_258] {strides = array<i32>} : memref<80x16xf32, #tpu.memory_space<vmem>>, vector<1x16xf32>,
        %parallel_loop3A_260 = vector.shape_cast %parallel_loop3A_259 : vector<1x16xf32> to vector<16xf32>
        %parallel_loop3A_261 = arith.addf %parallel_loop3A_256, %parallel_loop3A_260 : vector<16xf32>
        %parallel_loop3A_262 = arith.constant 2.000000e-01 : f32
        %parallel_loop3A_263 = vector.broadcast %parallel_loop3A_262 : f32 to vector<16xf32>
        %parallel_loop3A_264 = arith.mulf %parallel_loop3A_261, %parallel_loop3A_263 : vector<16xf32>
        %parallel_loop3A_265 = arith.maximumf %parallel_loop3A_261, %parallel_loop3A_264 : vector<16xf32>
        %parallel_loop3A_266 = math.exp %parallel_loop3A_265 : vector<16xf32>
        %parallel_loop3A_267 = arith.index_cast %parallel_loop3A_252 : i32 to index
        %parallel_loop3A_268 = arith.constant 128 : index
        %parallel_loop3A_269 = tpu.vector_load %arg13[%parallel_loop3A_267, %parallel_loop3A_268] {strides = array<i32>} : memref<80x144xf32, #tpu.memory_space<vmem>>, vector<1x16xf32>,
        %parallel_loop3A_270 = vector.shape_cast %parallel_loop3A_269 : vector<1x16xf32> to vector<16xf32>
        %parallel_loop3A_271 = vector.shape_cast %parallel_loop3A_266 : vector<16xf32> to vector<1x16xf32>
        tpu.vector_store %arg13[%parallel_loop3A_267, %parallel_loop3A_268], %parallel_loop3A_271 {strides = array<i32>} : memref<80x144xf32, #tpu.memory_space<vmem>>, vector<1x16xf32>,
        %parallel_loop3A_272 = vector.extract_strided_slice %parallel_loop3A_266 {offsets = [0], sizes = [1], strides = [1]} : vector<16xf32> to vector<1xf32>
        %parallel_loop3A_273 = vector.extract %parallel_loop3A_272[0] : f32 from vector<1xf32>
        %parallel_loop3A_274 = arith.index_cast %parallel_loop3A_252 : i32 to index
        %parallel_loop3A_275 = arith.constant 0 : index
        %parallel_loop3A_276 = tpu.vector_load %arg13[%parallel_loop3A_274, %parallel_loop3A_275] {strides = array<i32>} : memref<80x144xf32, #tpu.memory_space<vmem>>, vector<1x16xf32>,
        %parallel_loop3A_277 = vector.shape_cast %parallel_loop3A_276 : vector<1x16xf32> to vector<16xf32>
        %parallel_loop3A_278 = vector.broadcast %parallel_loop3A_273 : f32 to vector<16xf32>
        %parallel_loop3A_279 = arith.mulf %parallel_loop3A_277, %parallel_loop3A_278 : vector<16xf32>
        %parallel_loop3A_280 = arith.index_cast %parallel_loop3A_252 : i32 to index
        %parallel_loop3A_281 = arith.constant 0 : index
        %parallel_loop3A_282 = tpu.vector_load %arg13[%parallel_loop3A_280, %parallel_loop3A_281] {strides = array<i32>} : memref<80x144xf32, #tpu.memory_space<vmem>>, vector<1x16xf32>,
        %parallel_loop3A_283 = vector.shape_cast %parallel_loop3A_282 : vector<1x16xf32> to vector<16xf32>
        %parallel_loop3A_284 = vector.shape_cast %parallel_loop3A_279 : vector<16xf32> to vector<1x16xf32>
        tpu.vector_store %arg13[%parallel_loop3A_280, %parallel_loop3A_281], %parallel_loop3A_284 {strides = array<i32>} : memref<80x144xf32, #tpu.memory_space<vmem>>, vector<1x16xf32>,
        %parallel_loop3A_285 = vector.extract_strided_slice %parallel_loop3A_266 {offsets = [1], sizes = [1], strides = [1]} : vector<16xf32> to vector<1xf32>
        %parallel_loop3A_286 = vector.extract %parallel_loop3A_285[0] : f32 from vector<1xf32>
        %parallel_loop3A_287 = arith.index_cast %parallel_loop3A_252 : i32 to index
        %parallel_loop3A_288 = arith.constant 16 : index
        %parallel_loop3A_289 = tpu.vector_load %arg13[%parallel_loop3A_287, %parallel_loop3A_288] {strides = array<i32>} : memref<80x144xf32, #tpu.memory_space<vmem>>, vector<1x16xf32>,
        %parallel_loop3A_290 = vector.shape_cast %parallel_loop3A_289 : vector<1x16xf32> to vector<16xf32>
        %parallel_loop3A_291 = vector.broadcast %parallel_loop3A_286 : f32 to vector<16xf32>
        %parallel_loop3A_292 = arith.mulf %parallel_loop3A_290, %parallel_loop3A_291 : vector<16xf32>
        %parallel_loop3A_293 = arith.index_cast %parallel_loop3A_252 : i32 to index
        %parallel_loop3A_294 = arith.constant 16 : index
        %parallel_loop3A_295 = tpu.vector_load %arg13[%parallel_loop3A_293, %parallel_loop3A_294] {strides = array<i32>} : memref<80x144xf32, #tpu.memory_space<vmem>>, vector<1x16xf32>,
        %parallel_loop3A_296 = vector.shape_cast %parallel_loop3A_295 : vector<1x16xf32> to vector<16xf32>
        %parallel_loop3A_297 = vector.shape_cast %parallel_loop3A_292 : vector<16xf32> to vector<1x16xf32>
        tpu.vector_store %arg13[%parallel_loop3A_293, %parallel_loop3A_294], %parallel_loop3A_297 {strides = array<i32>} : memref<80x144xf32, #tpu.memory_space<vmem>>, vector<1x16xf32>,
        %parallel_loop3A_298 = vector.extract_strided_slice %parallel_loop3A_266 {offsets = [2], sizes = [1], strides = [1]} : vector<16xf32> to vector<1xf32>
        %parallel_loop3A_299 = vector.extract %parallel_loop3A_298[0] : f32 from vector<1xf32>
        %parallel_loop3A_300 = arith.index_cast %parallel_loop3A_252 : i32 to index
        %parallel_loop3A_301 = arith.constant 32 : index
        %parallel_loop3A_302 = tpu.vector_load %arg13[%parallel_loop3A_300, %parallel_loop3A_301] {strides = array<i32>} : memref<80x144xf32, #tpu.memory_space<vmem>>, vector<1x16xf32>,
        %parallel_loop3A_303 = vector.shape_cast %parallel_loop3A_302 : vector<1x16xf32> to vector<16xf32>
        %parallel_loop3A_304 = vector.broadcast %parallel_loop3A_299 : f32 to vector<16xf32>
        %parallel_loop3A_305 = arith.mulf %parallel_loop3A_303, %parallel_loop3A_304 : vector<16xf32>
        %parallel_loop3A_306 = arith.index_cast %parallel_loop3A_252 : i32 to index
        %parallel_loop3A_307 = arith.constant 32 : index
        %parallel_loop3A_308 = tpu.vector_load %arg13[%parallel_loop3A_306, %parallel_loop3A_307] {strides = array<i32>} : memref<80x144xf32, #tpu.memory_space<vmem>>, vector<1x16xf32>,
        %parallel_loop3A_309 = vector.shape_cast %parallel_loop3A_308 : vector<1x16xf32> to vector<16xf32>
        %parallel_loop3A_310 = vector.shape_cast %parallel_loop3A_305 : vector<16xf32> to vector<1x16xf32>
        tpu.vector_store %arg13[%parallel_loop3A_306, %parallel_loop3A_307], %parallel_loop3A_310 {strides = array<i32>} : memref<80x144xf32, #tpu.memory_space<vmem>>, vector<1x16xf32>,
        %parallel_loop3A_311 = vector.extract_strided_slice %parallel_loop3A_266 {offsets = [3], sizes = [1], strides = [1]} : vector<16xf32> to vector<1xf32>
        %parallel_loop3A_312 = vector.extract %parallel_loop3A_311[0] : f32 from vector<1xf32>
        %parallel_loop3A_313 = arith.index_cast %parallel_loop3A_252 : i32 to index
        %parallel_loop3A_314 = arith.constant 48 : index
        %parallel_loop3A_315 = tpu.vector_load %arg13[%parallel_loop3A_313, %parallel_loop3A_314] {strides = array<i32>} : memref<80x144xf32, #tpu.memory_space<vmem>>, vector<1x16xf32>,
        %parallel_loop3A_316 = vector.shape_cast %parallel_loop3A_315 : vector<1x16xf32> to vector<16xf32>
        %parallel_loop3A_317 = vector.broadcast %parallel_loop3A_312 : f32 to vector<16xf32>
        %parallel_loop3A_318 = arith.mulf %parallel_loop3A_316, %parallel_loop3A_317 : vector<16xf32>
        %parallel_loop3A_319 = arith.index_cast %parallel_loop3A_252 : i32 to index
        %parallel_loop3A_320 = arith.constant 48 : index
        %parallel_loop3A_321 = tpu.vector_load %arg13[%parallel_loop3A_319, %parallel_loop3A_320] {strides = array<i32>} : memref<80x144xf32, #tpu.memory_space<vmem>>, vector<1x16xf32>,
        %parallel_loop3A_322 = vector.shape_cast %parallel_loop3A_321 : vector<1x16xf32> to vector<16xf32>
        %parallel_loop3A_323 = vector.shape_cast %parallel_loop3A_318 : vector<16xf32> to vector<1x16xf32>
        tpu.vector_store %arg13[%parallel_loop3A_319, %parallel_loop3A_320], %parallel_loop3A_323 {strides = array<i32>} : memref<80x144xf32, #tpu.memory_space<vmem>>, vector<1x16xf32>,
        %parallel_loop3A_324 = vector.extract_strided_slice %parallel_loop3A_266 {offsets = [4], sizes = [1], strides = [1]} : vector<16xf32> to vector<1xf32>
        %parallel_loop3A_325 = vector.extract %parallel_loop3A_324[0] : f32 from vector<1xf32>
        %parallel_loop3A_326 = arith.index_cast %parallel_loop3A_252 : i32 to index
        %parallel_loop3A_327 = arith.constant 64 : index
        %parallel_loop3A_328 = tpu.vector_load %arg13[%parallel_loop3A_326, %parallel_loop3A_327] {strides = array<i32>} : memref<80x144xf32, #tpu.memory_space<vmem>>, vector<1x16xf32>,
        %parallel_loop3A_329 = vector.shape_cast %parallel_loop3A_328 : vector<1x16xf32> to vector<16xf32>
        %parallel_loop3A_330 = vector.broadcast %parallel_loop3A_325 : f32 to vector<16xf32>
        %parallel_loop3A_331 = arith.mulf %parallel_loop3A_329, %parallel_loop3A_330 : vector<16xf32>
        %parallel_loop3A_332 = arith.index_cast %parallel_loop3A_252 : i32 to index
        %parallel_loop3A_333 = arith.constant 64 : index
        %parallel_loop3A_334 = tpu.vector_load %arg13[%parallel_loop3A_332, %parallel_loop3A_333] {strides = array<i32>} : memref<80x144xf32, #tpu.memory_space<vmem>>, vector<1x16xf32>,
        %parallel_loop3A_335 = vector.shape_cast %parallel_loop3A_334 : vector<1x16xf32> to vector<16xf32>
        %parallel_loop3A_336 = vector.shape_cast %parallel_loop3A_331 : vector<16xf32> to vector<1x16xf32>
        tpu.vector_store %arg13[%parallel_loop3A_332, %parallel_loop3A_333], %parallel_loop3A_336 {strides = array<i32>} : memref<80x144xf32, #tpu.memory_space<vmem>>, vector<1x16xf32>,
        %parallel_loop3A_337 = vector.extract_strided_slice %parallel_loop3A_266 {offsets = [5], sizes = [1], strides = [1]} : vector<16xf32> to vector<1xf32>
        %parallel_loop3A_338 = vector.extract %parallel_loop3A_337[0] : f32 from vector<1xf32>
        %parallel_loop3A_339 = arith.index_cast %parallel_loop3A_252 : i32 to index
        %parallel_loop3A_340 = arith.constant 80 : index
        %parallel_loop3A_341 = tpu.vector_load %arg13[%parallel_loop3A_339, %parallel_loop3A_340] {strides = array<i32>} : memref<80x144xf32, #tpu.memory_space<vmem>>, vector<1x16xf32>,
        %parallel_loop3A_342 = vector.shape_cast %parallel_loop3A_341 : vector<1x16xf32> to vector<16xf32>
        %parallel_loop3A_343 = vector.broadcast %parallel_loop3A_338 : f32 to vector<16xf32>
        %parallel_loop3A_344 = arith.mulf %parallel_loop3A_342, %parallel_loop3A_343 : vector<16xf32>
        %parallel_loop3A_345 = arith.index_cast %parallel_loop3A_252 : i32 to index
        %parallel_loop3A_346 = arith.constant 80 : index
        %parallel_loop3A_347 = tpu.vector_load %arg13[%parallel_loop3A_345, %parallel_loop3A_346] {strides = array<i32>} : memref<80x144xf32, #tpu.memory_space<vmem>>, vector<1x16xf32>,
        %parallel_loop3A_348 = vector.shape_cast %parallel_loop3A_347 : vector<1x16xf32> to vector<16xf32>
        %parallel_loop3A_349 = vector.shape_cast %parallel_loop3A_344 : vector<16xf32> to vector<1x16xf32>
        tpu.vector_store %arg13[%parallel_loop3A_345, %parallel_loop3A_346], %parallel_loop3A_349 {strides = array<i32>} : memref<80x144xf32, #tpu.memory_space<vmem>>, vector<1x16xf32>,
        %parallel_loop3A_350 = vector.extract_strided_slice %parallel_loop3A_266 {offsets = [6], sizes = [1], strides = [1]} : vector<16xf32> to vector<1xf32>
        %parallel_loop3A_351 = vector.extract %parallel_loop3A_350[0] : f32 from vector<1xf32>
        %parallel_loop3A_352 = arith.index_cast %parallel_loop3A_252 : i32 to index
        %parallel_loop3A_353 = arith.constant 96 : index
        %parallel_loop3A_354 = tpu.vector_load %arg13[%parallel_loop3A_352, %parallel_loop3A_353] {strides = array<i32>} : memref<80x144xf32, #tpu.memory_space<vmem>>, vector<1x16xf32>,
        %parallel_loop3A_355 = vector.shape_cast %parallel_loop3A_354 : vector<1x16xf32> to vector<16xf32>
        %parallel_loop3A_356 = vector.broadcast %parallel_loop3A_351 : f32 to vector<16xf32>
        %parallel_loop3A_357 = arith.mulf %parallel_loop3A_355, %parallel_loop3A_356 : vector<16xf32>
        %parallel_loop3A_358 = arith.index_cast %parallel_loop3A_252 : i32 to index
        %parallel_loop3A_359 = arith.constant 96 : index
        %parallel_loop3A_360 = tpu.vector_load %arg13[%parallel_loop3A_358, %parallel_loop3A_359] {strides = array<i32>} : memref<80x144xf32, #tpu.memory_space<vmem>>, vector<1x16xf32>,
        %parallel_loop3A_361 = vector.shape_cast %parallel_loop3A_360 : vector<1x16xf32> to vector<16xf32>
        %parallel_loop3A_362 = vector.shape_cast %parallel_loop3A_357 : vector<16xf32> to vector<1x16xf32>
        tpu.vector_store %arg13[%parallel_loop3A_358, %parallel_loop3A_359], %parallel_loop3A_362 {strides = array<i32>} : memref<80x144xf32, #tpu.memory_space<vmem>>, vector<1x16xf32>,
        %parallel_loop3A_363 = vector.extract_strided_slice %parallel_loop3A_266 {offsets = [7], sizes = [1], strides = [1]} : vector<16xf32> to vector<1xf32>
        %parallel_loop3A_364 = vector.extract %parallel_loop3A_363[0] : f32 from vector<1xf32>
        %parallel_loop3A_365 = arith.index_cast %parallel_loop3A_252 : i32 to index
        %parallel_loop3A_366 = arith.constant 112 : index
        %parallel_loop3A_367 = tpu.vector_load %arg13[%parallel_loop3A_365, %parallel_loop3A_366] {strides = array<i32>} : memref<80x144xf32, #tpu.memory_space<vmem>>, vector<1x16xf32>,
        %parallel_loop3A_368 = vector.shape_cast %parallel_loop3A_367 : vector<1x16xf32> to vector<16xf32>
        %parallel_loop3A_369 = vector.broadcast %parallel_loop3A_364 : f32 to vector<16xf32>
        %parallel_loop3A_370 = arith.mulf %parallel_loop3A_368, %parallel_loop3A_369 : vector<16xf32>
        %parallel_loop3A_371 = arith.index_cast %parallel_loop3A_252 : i32 to index
        %parallel_loop3A_372 = arith.constant 112 : index
        %parallel_loop3A_373 = tpu.vector_load %arg13[%parallel_loop3A_371, %parallel_loop3A_372] {strides = array<i32>} : memref<80x144xf32, #tpu.memory_space<vmem>>, vector<1x16xf32>,
        %parallel_loop3A_374 = vector.shape_cast %parallel_loop3A_373 : vector<1x16xf32> to vector<16xf32>
        %parallel_loop3A_375 = vector.shape_cast %parallel_loop3A_370 : vector<16xf32> to vector<1x16xf32>
        tpu.vector_store %arg13[%parallel_loop3A_371, %parallel_loop3A_372], %parallel_loop3A_375 {strides = array<i32>} : memref<80x144xf32, #tpu.memory_space<vmem>>, vector<1x16xf32>,
      } {sc.loop_unroll_factor = 4 : i64, sc.parallel_access}
      %get3A_131 = arith.constant 0 : index
      %get3A_132 = tpu.vector_load %arg8[%get3A_131] {strides = array<i32>} : memref<80xi32, #tpu.memory_space<vmem>>, vector<16xi32>,
      %get3A_133 = vector.shape_cast %get3A_132 : vector<16xi32> to vector<16xi32>
      %swap3A_134 = arith.constant 0 : index
      %swap3A_135 = tpu.vector_load %arg11[%swap3A_134] {strides = array<i32>} : memref<80xi32, #tpu.memory_space<vmem>>, vector<16xi32>,
      %swap3A_136 = vector.shape_cast %swap3A_135 : vector<16xi32> to vector<16xi32>
      %swap3A_137 = vector.shape_cast %get3A_133 : vector<16xi32> to vector<16xi32>
      tpu.vector_store %arg11[%swap3A_134], %swap3A_137 {strides = array<i32>} : memref<80xi32, #tpu.memory_space<vmem>>, vector<16xi32>,
      %get3A_138 = arith.constant 16 : index
      %get3A_139 = tpu.vector_load %arg8[%get3A_138] {strides = array<i32>} : memref<80xi32, #tpu.memory_space<vmem>>, vector<16xi32>,
      %get3A_140 = vector.shape_cast %get3A_139 : vector<16xi32> to vector<16xi32>
      %swap3A_141 = arith.constant 16 : index
      %swap3A_142 = tpu.vector_load %arg11[%swap3A_141] {strides = array<i32>} : memref<80xi32, #tpu.memory_space<vmem>>, vector<16xi32>,
      %swap3A_143 = vector.shape_cast %swap3A_142 : vector<16xi32> to vector<16xi32>
      %swap3A_144 = vector.shape_cast %get3A_140 : vector<16xi32> to vector<16xi32>
      tpu.vector_store %arg11[%swap3A_141], %swap3A_144 {strides = array<i32>} : memref<80xi32, #tpu.memory_space<vmem>>, vector<16xi32>,
      %get3A_145 = arith.constant 32 : index
      %get3A_146 = tpu.vector_load %arg8[%get3A_145] {strides = array<i32>} : memref<80xi32, #tpu.memory_space<vmem>>, vector<16xi32>,
      %get3A_147 = vector.shape_cast %get3A_146 : vector<16xi32> to vector<16xi32>
      %swap3A_148 = arith.constant 32 : index
      %swap3A_149 = tpu.vector_load %arg11[%swap3A_148] {strides = array<i32>} : memref<80xi32, #tpu.memory_space<vmem>>, vector<16xi32>,
      %swap3A_150 = vector.shape_cast %swap3A_149 : vector<16xi32> to vector<16xi32>
      %swap3A_151 = vector.shape_cast %get3A_147 : vector<16xi32> to vector<16xi32>
      tpu.vector_store %arg11[%swap3A_148], %swap3A_151 {strides = array<i32>} : memref<80xi32, #tpu.memory_space<vmem>>, vector<16xi32>,
      %get3A_152 = arith.constant 48 : index
      %get3A_153 = tpu.vector_load %arg8[%get3A_152] {strides = array<i32>} : memref<80xi32, #tpu.memory_space<vmem>>, vector<16xi32>,
      %get3A_154 = vector.shape_cast %get3A_153 : vector<16xi32> to vector<16xi32>
      %swap3A_155 = arith.constant 48 : index
      %swap3A_156 = tpu.vector_load %arg11[%swap3A_155] {strides = array<i32>} : memref<80xi32, #tpu.memory_space<vmem>>, vector<16xi32>,
      %swap3A_157 = vector.shape_cast %swap3A_156 : vector<16xi32> to vector<16xi32>
      %swap3A_158 = vector.shape_cast %get3A_154 : vector<16xi32> to vector<16xi32>
      tpu.vector_store %arg11[%swap3A_155], %swap3A_158 {strides = array<i32>} : memref<80xi32, #tpu.memory_space<vmem>>, vector<16xi32>,
      %get3A_159 = arith.constant 64 : index
      %get3A_160 = tpu.vector_load %arg8[%get3A_159] {strides = array<i32>} : memref<80xi32, #tpu.memory_space<vmem>>, vector<16xi32>,
      %get3A_161 = vector.shape_cast %get3A_160 : vector<16xi32> to vector<16xi32>
      %swap3A_162 = arith.constant 64 : index
      %swap3A_163 = tpu.vector_load %arg11[%swap3A_162] {strides = array<i32>} : memref<80xi32, #tpu.memory_space<vmem>>, vector<16xi32>,
      %swap3A_164 = vector.shape_cast %swap3A_163 : vector<16xi32> to vector<16xi32>
      %swap3A_165 = vector.shape_cast %get3A_161 : vector<16xi32> to vector<16xi32>
      tpu.vector_store %arg11[%swap3A_162], %swap3A_165 {strides = array<i32>} : memref<80xi32, #tpu.memory_space<vmem>>, vector<16xi32>,
      %dma_start3A_166 = arith.constant 0 : i32
      %dma_start3A_167 = arith.constant 0 : i32
      %dma_start3A_168 = tpu.memref_slice %arg17[%dma_start3A_166, %dma_start3A_167] : memref<10000x144xf32, #tpu.memory_space<vmem_shared>> -> memref<10000x144xf32, #tpu.memory_space<vmem_shared>>
      tpu.enqueue_indirect_dma source(%arg13 : memref<80x144xf32, #tpu.memory_space<vmem>>) target(%dma_start3A_168 : memref<10000x144xf32, #tpu.memory_space<vmem_shared>>) offsets(%arg11 : memref<80xi32, #tpu.memory_space<vmem>>) semaphore(%arg22 : memref<!tpu.dma_semaphore, #tpu.memory_space<semaphore_mem>>) {add = true}
      %add3A_169 = arith.constant 2 : i32
      %add3A_170 = arith.addi %mul3A_108, %add3A_169 : i32
      %min3A_171 = arith.constant 124 : i32
      %min3A_172 = arith.minsi %add3A_170, %min3A_171 : i32
      %mul3A_173 = arith.constant 80 : i32
      %mul3A_174 = arith.muli %min3A_172, %mul3A_173 : i32
      %add3A_175 = arith.addi %mul3A_2, %mul3A_174 : i32
      %dma_start3A_176 = tpu.memref_slice %arg2[%add3A_175] : memref<320000xi32, #tpu.memory_space<hbm>> -> memref<80xi32, #tpu.memory_space<hbm>>
      %dma_start3A_177 = tpu.memref_slice %arg2[%add3A_175] : memref<320000xi32, #tpu.memory_space<hbm>> -> memref<80xi32, #tpu.memory_space<hbm>>
      tpu.enqueue_dma source(%dma_start3A_177 : memref<80xi32, #tpu.memory_space<hbm>>) target(%arg7 : memref<80xi32, #tpu.memory_space<vmem>>) target_semaphore(%arg20 : memref<!tpu.dma_semaphore, #tpu.memory_space<semaphore_mem>>)
      %dma_start3A_178 = tpu.memref_slice %arg3[%add3A_175] : memref<320000xi32, #tpu.memory_space<hbm>> -> memref<80xi32, #tpu.memory_space<hbm>>
      %dma_start3A_179 = tpu.memref_slice %arg3[%add3A_175] : memref<320000xi32, #tpu.memory_space<hbm>> -> memref<80xi32, #tpu.memory_space<hbm>>
      tpu.enqueue_dma source(%dma_start3A_179 : memref<80xi32, #tpu.memory_space<hbm>>) target(%arg8 : memref<80xi32, #tpu.memory_space<vmem>>) target_semaphore(%arg20 : memref<!tpu.dma_semaphore, #tpu.memory_space<semaphore_mem>>)
      %dma_wait3A_180 = arith.constant 0 : i32
      %dma_wait3A_181 = arith.constant 0 : i32
      %dma_wait3A_182 = tpu.memref_slice %arg4[%dma_wait3A_180, %dma_wait3A_181] : memref<10000x144xf32, #tpu.memory_space<hbm>> -> memref<10000x144xf32, #tpu.memory_space<hbm>>
      tpu.wait_indirect_dma semaphore(%arg19 : memref<!tpu.dma_semaphore, #tpu.memory_space<semaphore_mem>>) src(%dma_wait3A_182 : memref<10000x144xf32, #tpu.memory_space<hbm>>) dst(%arg14 : memref<80x144xf32, #tpu.memory_space<vmem>>)
      %dma_wait3A_183 = arith.constant 0 : i32
      %dma_wait3A_184 = arith.constant 0 : i32
      %dma_wait3A_185 = tpu.memref_slice %arg5[%dma_wait3A_183, %dma_wait3A_184] : memref<10000x16xf32, #tpu.memory_space<hbm>> -> memref<10000x16xf32, #tpu.memory_space<hbm>>
      tpu.wait_indirect_dma semaphore(%arg19 : memref<!tpu.dma_semaphore, #tpu.memory_space<semaphore_mem>>) src(%dma_wait3A_185 : memref<10000x16xf32, #tpu.memory_space<hbm>>) dst(%arg16 : memref<80x16xf32, #tpu.memory_space<vmem>>)
      %dma_wait3A_186 = tpu.memref_slice %arg2[%mul3A_2] : memref<320000xi32, #tpu.memory_space<hbm>> -> memref<80xi32, #tpu.memory_space<hbm>>
      %dma_wait3A_187 = tpu.memref_slice %arg2[%mul3A_2] : memref<320000xi32, #tpu.memory_space<hbm>> -> memref<80xi32, #tpu.memory_space<hbm>>
      tpu.wait_dma2 semaphore(%arg20 : memref<!tpu.dma_semaphore, #tpu.memory_space<semaphore_mem>>) src(%dma_wait3A_187 : memref<80xi32, #tpu.memory_space<hbm>>) dst(%arg7 : memref<80xi32, #tpu.memory_space<vmem>>)
      %dma_wait3A_188 = tpu.memref_slice %arg3[%mul3A_2] : memref<320000xi32, #tpu.memory_space<hbm>> -> memref<80xi32, #tpu.memory_space<hbm>>
      %dma_wait3A_189 = tpu.memref_slice %arg3[%mul3A_2] : memref<320000xi32, #tpu.memory_space<hbm>> -> memref<80xi32, #tpu.memory_space<hbm>>
      tpu.wait_dma2 semaphore(%arg20 : memref<!tpu.dma_semaphore, #tpu.memory_space<semaphore_mem>>) src(%dma_wait3A_189 : memref<80xi32, #tpu.memory_space<hbm>>) dst(%arg8 : memref<80xi32, #tpu.memory_space<vmem>>)
      %dma_wait3A_190 = arith.constant 0 : i32
      %dma_wait3A_191 = arith.constant 0 : i32
      %dma_wait3A_192 = tpu.memref_slice %arg17[%dma_wait3A_190, %dma_wait3A_191] : memref<10000x144xf32, #tpu.memory_space<vmem_shared>> -> memref<10000x144xf32, #tpu.memory_space<vmem_shared>>
      tpu.wait_indirect_dma semaphore(%arg22 : memref<!tpu.dma_semaphore, #tpu.memory_space<semaphore_mem>>) src(%arg13 : memref<80x144xf32, #tpu.memory_space<vmem>>) dst(%dma_wait3A_192 : memref<10000x144xf32, #tpu.memory_space<vmem_shared>>)
      %dma_start3A_193 = arith.constant 0 : i32
      %dma_start3A_194 = arith.constant 0 : i32
      %dma_start3A_195 = tpu.memref_slice %arg4[%dma_start3A_193, %dma_start3A_194] : memref<10000x144xf32, #tpu.memory_space<hbm>> -> memref<10000x144xf32, #tpu.memory_space<hbm>>
      tpu.enqueue_indirect_dma source(%dma_start3A_195 : memref<10000x144xf32, #tpu.memory_space<hbm>>) target(%arg13 : memref<80x144xf32, #tpu.memory_space<vmem>>) offsets(%arg7 : memref<80xi32, #tpu.memory_space<vmem>>) semaphore(%arg18 : memref<!tpu.dma_semaphore, #tpu.memory_space<semaphore_mem>>)
      %dma_start3A_196 = arith.constant 0 : i32
      %dma_start3A_197 = arith.constant 0 : i32
      %dma_start3A_198 = tpu.memref_slice %arg5[%dma_start3A_196, %dma_start3A_197] : memref<10000x16xf32, #tpu.memory_space<hbm>> -> memref<10000x16xf32, #tpu.memory_space<hbm>>
      tpu.enqueue_indirect_dma source(%dma_start3A_198 : memref<10000x16xf32, #tpu.memory_space<hbm>>) target(%arg15 : memref<80x16xf32, #tpu.memory_space<vmem>>) offsets(%arg8 : memref<80xi32, #tpu.memory_space<vmem>>) semaphore(%arg18 : memref<!tpu.dma_semaphore, #tpu.memory_space<semaphore_mem>>)
      %parallel_loop3A_199 = arith.constant 0 : i32
      %parallel_loop3A_200 = arith.constant 80 : i32
      %parallel_loop3A_201 = arith.constant 1 : i32
      scf.for %parallel_loop3A_252 = %parallel_loop3A_199 to %parallel_loop3A_200 step %parallel_loop3A_201  : i32 {
        %parallel_loop3A_253 = arith.index_cast %parallel_loop3A_252 : i32 to index
        %parallel_loop3A_254 = arith.constant 128 : index
        %parallel_loop3A_255 = tpu.vector_load %arg14[%parallel_loop3A_253, %parallel_loop3A_254] {strides = array<i32>} : memref<80x144xf32, #tpu.memory_space<vmem>>, vector<1x16xf32>,
        %parallel_loop3A_256 = vector.shape_cast %parallel_loop3A_255 : vector<1x16xf32> to vector<16xf32>
        %parallel_loop3A_257 = arith.index_cast %parallel_loop3A_252 : i32 to index
        %parallel_loop3A_258 = arith.constant 0 : index
        %parallel_loop3A_259 = tpu.vector_load %arg16[%parallel_loop3A_257, %parallel_loop3A_258] {strides = array<i32>} : memref<80x16xf32, #tpu.memory_space<vmem>>, vector<1x16xf32>,
        %parallel_loop3A_260 = vector.shape_cast %parallel_loop3A_259 : vector<1x16xf32> to vector<16xf32>
        %parallel_loop3A_261 = arith.addf %parallel_loop3A_256, %parallel_loop3A_260 : vector<16xf32>
        %parallel_loop3A_262 = arith.constant 2.000000e-01 : f32
        %parallel_loop3A_263 = vector.broadcast %parallel_loop3A_262 : f32 to vector<16xf32>
        %parallel_loop3A_264 = arith.mulf %parallel_loop3A_261, %parallel_loop3A_263 : vector<16xf32>
        %parallel_loop3A_265 = arith.maximumf %parallel_loop3A_261, %parallel_loop3A_264 : vector<16xf32>
        %parallel_loop3A_266 = math.exp %parallel_loop3A_265 : vector<16xf32>
        %parallel_loop3A_267 = arith.index_cast %parallel_loop3A_252 : i32 to index
        %parallel_loop3A_268 = arith.constant 128 : index
        %parallel_loop3A_269 = tpu.vector_load %arg14[%parallel_loop3A_267, %parallel_loop3A_268] {strides = array<i32>} : memref<80x144xf32, #tpu.memory_space<vmem>>, vector<1x16xf32>,
        %parallel_loop3A_270 = vector.shape_cast %parallel_loop3A_269 : vector<1x16xf32> to vector<16xf32>
        %parallel_loop3A_271 = vector.shape_cast %parallel_loop3A_266 : vector<16xf32> to vector<1x16xf32>
        tpu.vector_store %arg14[%parallel_loop3A_267, %parallel_loop3A_268], %parallel_loop3A_271 {strides = array<i32>} : memref<80x144xf32, #tpu.memory_space<vmem>>, vector<1x16xf32>,
        %parallel_loop3A_272 = vector.extract_strided_slice %parallel_loop3A_266 {offsets = [0], sizes = [1], strides = [1]} : vector<16xf32> to vector<1xf32>
        %parallel_loop3A_273 = vector.extract %parallel_loop3A_272[0] : f32 from vector<1xf32>
        %parallel_loop3A_274 = arith.index_cast %parallel_loop3A_252 : i32 to index
        %parallel_loop3A_275 = arith.constant 0 : index
        %parallel_loop3A_276 = tpu.vector_load %arg14[%parallel_loop3A_274, %parallel_loop3A_275] {strides = array<i32>} : memref<80x144xf32, #tpu.memory_space<vmem>>, vector<1x16xf32>,
        %parallel_loop3A_277 = vector.shape_cast %parallel_loop3A_276 : vector<1x16xf32> to vector<16xf32>
        %parallel_loop3A_278 = vector.broadcast %parallel_loop3A_273 : f32 to vector<16xf32>
        %parallel_loop3A_279 = arith.mulf %parallel_loop3A_277, %parallel_loop3A_278 : vector<16xf32>
        %parallel_loop3A_280 = arith.index_cast %parallel_loop3A_252 : i32 to index
        %parallel_loop3A_281 = arith.constant 0 : index
        %parallel_loop3A_282 = tpu.vector_load %arg14[%parallel_loop3A_280, %parallel_loop3A_281] {strides = array<i32>} : memref<80x144xf32, #tpu.memory_space<vmem>>, vector<1x16xf32>,
        %parallel_loop3A_283 = vector.shape_cast %parallel_loop3A_282 : vector<1x16xf32> to vector<16xf32>
        %parallel_loop3A_284 = vector.shape_cast %parallel_loop3A_279 : vector<16xf32> to vector<1x16xf32>
        tpu.vector_store %arg14[%parallel_loop3A_280, %parallel_loop3A_281], %parallel_loop3A_284 {strides = array<i32>} : memref<80x144xf32, #tpu.memory_space<vmem>>, vector<1x16xf32>,
        %parallel_loop3A_285 = vector.extract_strided_slice %parallel_loop3A_266 {offsets = [1], sizes = [1], strides = [1]} : vector<16xf32> to vector<1xf32>
        %parallel_loop3A_286 = vector.extract %parallel_loop3A_285[0] : f32 from vector<1xf32>
        %parallel_loop3A_287 = arith.index_cast %parallel_loop3A_252 : i32 to index
        %parallel_loop3A_288 = arith.constant 16 : index
        %parallel_loop3A_289 = tpu.vector_load %arg14[%parallel_loop3A_287, %parallel_loop3A_288] {strides = array<i32>} : memref<80x144xf32, #tpu.memory_space<vmem>>, vector<1x16xf32>,
        %parallel_loop3A_290 = vector.shape_cast %parallel_loop3A_289 : vector<1x16xf32> to vector<16xf32>
        %parallel_loop3A_291 = vector.broadcast %parallel_loop3A_286 : f32 to vector<16xf32>
        %parallel_loop3A_292 = arith.mulf %parallel_loop3A_290, %parallel_loop3A_291 : vector<16xf32>
        %parallel_loop3A_293 = arith.index_cast %parallel_loop3A_252 : i32 to index
        %parallel_loop3A_294 = arith.constant 16 : index
        %parallel_loop3A_295 = tpu.vector_load %arg14[%parallel_loop3A_293, %parallel_loop3A_294] {strides = array<i32>} : memref<80x144xf32, #tpu.memory_space<vmem>>, vector<1x16xf32>,
        %parallel_loop3A_296 = vector.shape_cast %parallel_loop3A_295 : vector<1x16xf32> to vector<16xf32>
        %parallel_loop3A_297 = vector.shape_cast %parallel_loop3A_292 : vector<16xf32> to vector<1x16xf32>
        tpu.vector_store %arg14[%parallel_loop3A_293, %parallel_loop3A_294], %parallel_loop3A_297 {strides = array<i32>} : memref<80x144xf32, #tpu.memory_space<vmem>>, vector<1x16xf32>,
        %parallel_loop3A_298 = vector.extract_strided_slice %parallel_loop3A_266 {offsets = [2], sizes = [1], strides = [1]} : vector<16xf32> to vector<1xf32>
        %parallel_loop3A_299 = vector.extract %parallel_loop3A_298[0] : f32 from vector<1xf32>
        %parallel_loop3A_300 = arith.index_cast %parallel_loop3A_252 : i32 to index
        %parallel_loop3A_301 = arith.constant 32 : index
        %parallel_loop3A_302 = tpu.vector_load %arg14[%parallel_loop3A_300, %parallel_loop3A_301] {strides = array<i32>} : memref<80x144xf32, #tpu.memory_space<vmem>>, vector<1x16xf32>,
        %parallel_loop3A_303 = vector.shape_cast %parallel_loop3A_302 : vector<1x16xf32> to vector<16xf32>
        %parallel_loop3A_304 = vector.broadcast %parallel_loop3A_299 : f32 to vector<16xf32>
        %parallel_loop3A_305 = arith.mulf %parallel_loop3A_303, %parallel_loop3A_304 : vector<16xf32>
        %parallel_loop3A_306 = arith.index_cast %parallel_loop3A_252 : i32 to index
        %parallel_loop3A_307 = arith.constant 32 : index
        %parallel_loop3A_308 = tpu.vector_load %arg14[%parallel_loop3A_306, %parallel_loop3A_307] {strides = array<i32>} : memref<80x144xf32, #tpu.memory_space<vmem>>, vector<1x16xf32>,
        %parallel_loop3A_309 = vector.shape_cast %parallel_loop3A_308 : vector<1x16xf32> to vector<16xf32>
        %parallel_loop3A_310 = vector.shape_cast %parallel_loop3A_305 : vector<16xf32> to vector<1x16xf32>
        tpu.vector_store %arg14[%parallel_loop3A_306, %parallel_loop3A_307], %parallel_loop3A_310 {strides = array<i32>} : memref<80x144xf32, #tpu.memory_space<vmem>>, vector<1x16xf32>,
        %parallel_loop3A_311 = vector.extract_strided_slice %parallel_loop3A_266 {offsets = [3], sizes = [1], strides = [1]} : vector<16xf32> to vector<1xf32>
        %parallel_loop3A_312 = vector.extract %parallel_loop3A_311[0] : f32 from vector<1xf32>
        %parallel_loop3A_313 = arith.index_cast %parallel_loop3A_252 : i32 to index
        %parallel_loop3A_314 = arith.constant 48 : index
        %parallel_loop3A_315 = tpu.vector_load %arg14[%parallel_loop3A_313, %parallel_loop3A_314] {strides = array<i32>} : memref<80x144xf32, #tpu.memory_space<vmem>>, vector<1x16xf32>,
        %parallel_loop3A_316 = vector.shape_cast %parallel_loop3A_315 : vector<1x16xf32> to vector<16xf32>
        %parallel_loop3A_317 = vector.broadcast %parallel_loop3A_312 : f32 to vector<16xf32>
        %parallel_loop3A_318 = arith.mulf %parallel_loop3A_316, %parallel_loop3A_317 : vector<16xf32>
        %parallel_loop3A_319 = arith.index_cast %parallel_loop3A_252 : i32 to index
        %parallel_loop3A_320 = arith.constant 48 : index
        %parallel_loop3A_321 = tpu.vector_load %arg14[%parallel_loop3A_319, %parallel_loop3A_320] {strides = array<i32>} : memref<80x144xf32, #tpu.memory_space<vmem>>, vector<1x16xf32>,
        %parallel_loop3A_322 = vector.shape_cast %parallel_loop3A_321 : vector<1x16xf32> to vector<16xf32>
        %parallel_loop3A_323 = vector.shape_cast %parallel_loop3A_318 : vector<16xf32> to vector<1x16xf32>
        tpu.vector_store %arg14[%parallel_loop3A_319, %parallel_loop3A_320], %parallel_loop3A_323 {strides = array<i32>} : memref<80x144xf32, #tpu.memory_space<vmem>>, vector<1x16xf32>,
        %parallel_loop3A_324 = vector.extract_strided_slice %parallel_loop3A_266 {offsets = [4], sizes = [1], strides = [1]} : vector<16xf32> to vector<1xf32>
        %parallel_loop3A_325 = vector.extract %parallel_loop3A_324[0] : f32 from vector<1xf32>
        %parallel_loop3A_326 = arith.index_cast %parallel_loop3A_252 : i32 to index
        %parallel_loop3A_327 = arith.constant 64 : index
        %parallel_loop3A_328 = tpu.vector_load %arg14[%parallel_loop3A_326, %parallel_loop3A_327] {strides = array<i32>} : memref<80x144xf32, #tpu.memory_space<vmem>>, vector<1x16xf32>,
        %parallel_loop3A_329 = vector.shape_cast %parallel_loop3A_328 : vector<1x16xf32> to vector<16xf32>
        %parallel_loop3A_330 = vector.broadcast %parallel_loop3A_325 : f32 to vector<16xf32>
        %parallel_loop3A_331 = arith.mulf %parallel_loop3A_329, %parallel_loop3A_330 : vector<16xf32>
        %parallel_loop3A_332 = arith.index_cast %parallel_loop3A_252 : i32 to index
        %parallel_loop3A_333 = arith.constant 64 : index
        %parallel_loop3A_334 = tpu.vector_load %arg14[%parallel_loop3A_332, %parallel_loop3A_333] {strides = array<i32>} : memref<80x144xf32, #tpu.memory_space<vmem>>, vector<1x16xf32>,
        %parallel_loop3A_335 = vector.shape_cast %parallel_loop3A_334 : vector<1x16xf32> to vector<16xf32>
        %parallel_loop3A_336 = vector.shape_cast %parallel_loop3A_331 : vector<16xf32> to vector<1x16xf32>
        tpu.vector_store %arg14[%parallel_loop3A_332, %parallel_loop3A_333], %parallel_loop3A_336 {strides = array<i32>} : memref<80x144xf32, #tpu.memory_space<vmem>>, vector<1x16xf32>,
        %parallel_loop3A_337 = vector.extract_strided_slice %parallel_loop3A_266 {offsets = [5], sizes = [1], strides = [1]} : vector<16xf32> to vector<1xf32>
        %parallel_loop3A_338 = vector.extract %parallel_loop3A_337[0] : f32 from vector<1xf32>
        %parallel_loop3A_339 = arith.index_cast %parallel_loop3A_252 : i32 to index
        %parallel_loop3A_340 = arith.constant 80 : index
        %parallel_loop3A_341 = tpu.vector_load %arg14[%parallel_loop3A_339, %parallel_loop3A_340] {strides = array<i32>} : memref<80x144xf32, #tpu.memory_space<vmem>>, vector<1x16xf32>,
        %parallel_loop3A_342 = vector.shape_cast %parallel_loop3A_341 : vector<1x16xf32> to vector<16xf32>
        %parallel_loop3A_343 = vector.broadcast %parallel_loop3A_338 : f32 to vector<16xf32>
        %parallel_loop3A_344 = arith.mulf %parallel_loop3A_342, %parallel_loop3A_343 : vector<16xf32>
        %parallel_loop3A_345 = arith.index_cast %parallel_loop3A_252 : i32 to index
        %parallel_loop3A_346 = arith.constant 80 : index
        %parallel_loop3A_347 = tpu.vector_load %arg14[%parallel_loop3A_345, %parallel_loop3A_346] {strides = array<i32>} : memref<80x144xf32, #tpu.memory_space<vmem>>, vector<1x16xf32>,
        %parallel_loop3A_348 = vector.shape_cast %parallel_loop3A_347 : vector<1x16xf32> to vector<16xf32>
        %parallel_loop3A_349 = vector.shape_cast %parallel_loop3A_344 : vector<16xf32> to vector<1x16xf32>
        tpu.vector_store %arg14[%parallel_loop3A_345, %parallel_loop3A_346], %parallel_loop3A_349 {strides = array<i32>} : memref<80x144xf32, #tpu.memory_space<vmem>>, vector<1x16xf32>,
        %parallel_loop3A_350 = vector.extract_strided_slice %parallel_loop3A_266 {offsets = [6], sizes = [1], strides = [1]} : vector<16xf32> to vector<1xf32>
        %parallel_loop3A_351 = vector.extract %parallel_loop3A_350[0] : f32 from vector<1xf32>
        %parallel_loop3A_352 = arith.index_cast %parallel_loop3A_252 : i32 to index
        %parallel_loop3A_353 = arith.constant 96 : index
        %parallel_loop3A_354 = tpu.vector_load %arg14[%parallel_loop3A_352, %parallel_loop3A_353] {strides = array<i32>} : memref<80x144xf32, #tpu.memory_space<vmem>>, vector<1x16xf32>,
        %parallel_loop3A_355 = vector.shape_cast %parallel_loop3A_354 : vector<1x16xf32> to vector<16xf32>
        %parallel_loop3A_356 = vector.broadcast %parallel_loop3A_351 : f32 to vector<16xf32>
        %parallel_loop3A_357 = arith.mulf %parallel_loop3A_355, %parallel_loop3A_356 : vector<16xf32>
        %parallel_loop3A_358 = arith.index_cast %parallel_loop3A_252 : i32 to index
        %parallel_loop3A_359 = arith.constant 96 : index
        %parallel_loop3A_360 = tpu.vector_load %arg14[%parallel_loop3A_358, %parallel_loop3A_359] {strides = array<i32>} : memref<80x144xf32, #tpu.memory_space<vmem>>, vector<1x16xf32>,
        %parallel_loop3A_361 = vector.shape_cast %parallel_loop3A_360 : vector<1x16xf32> to vector<16xf32>
        %parallel_loop3A_362 = vector.shape_cast %parallel_loop3A_357 : vector<16xf32> to vector<1x16xf32>
        tpu.vector_store %arg14[%parallel_loop3A_358, %parallel_loop3A_359], %parallel_loop3A_362 {strides = array<i32>} : memref<80x144xf32, #tpu.memory_space<vmem>>, vector<1x16xf32>,
        %parallel_loop3A_363 = vector.extract_strided_slice %parallel_loop3A_266 {offsets = [7], sizes = [1], strides = [1]} : vector<16xf32> to vector<1xf32>
        %parallel_loop3A_364 = vector.extract %parallel_loop3A_363[0] : f32 from vector<1xf32>
        %parallel_loop3A_365 = arith.index_cast %parallel_loop3A_252 : i32 to index
        %parallel_loop3A_366 = arith.constant 112 : index
        %parallel_loop3A_367 = tpu.vector_load %arg14[%parallel_loop3A_365, %parallel_loop3A_366] {strides = array<i32>} : memref<80x144xf32, #tpu.memory_space<vmem>>, vector<1x16xf32>,
        %parallel_loop3A_368 = vector.shape_cast %parallel_loop3A_367 : vector<1x16xf32> to vector<16xf32>
        %parallel_loop3A_369 = vector.broadcast %parallel_loop3A_364 : f32 to vector<16xf32>
        %parallel_loop3A_370 = arith.mulf %parallel_loop3A_368, %parallel_loop3A_369 : vector<16xf32>
        %parallel_loop3A_371 = arith.index_cast %parallel_loop3A_252 : i32 to index
        %parallel_loop3A_372 = arith.constant 112 : index
        %parallel_loop3A_373 = tpu.vector_load %arg14[%parallel_loop3A_371, %parallel_loop3A_372] {strides = array<i32>} : memref<80x144xf32, #tpu.memory_space<vmem>>, vector<1x16xf32>,
        %parallel_loop3A_374 = vector.shape_cast %parallel_loop3A_373 : vector<1x16xf32> to vector<16xf32>
        %parallel_loop3A_375 = vector.shape_cast %parallel_loop3A_370 : vector<16xf32> to vector<1x16xf32>
        tpu.vector_store %arg14[%parallel_loop3A_371, %parallel_loop3A_372], %parallel_loop3A_375 {strides = array<i32>} : memref<80x144xf32, #tpu.memory_space<vmem>>, vector<1x16xf32>,
      } {sc.loop_unroll_factor = 4 : i64, sc.parallel_access}
      %get3A_202 = arith.constant 0 : index
      %get3A_203 = tpu.vector_load %arg10[%get3A_202] {strides = array<i32>} : memref<80xi32, #tpu.memory_space<vmem>>, vector<16xi32>,
      %get3A_204 = vector.shape_cast %get3A_203 : vector<16xi32> to vector<16xi32>
      %swap3A_205 = arith.constant 0 : index
      %swap3A_206 = tpu.vector_load %arg12[%swap3A_205] {strides = array<i32>} : memref<80xi32, #tpu.memory_space<vmem>>, vector<16xi32>,
      %swap3A_207 = vector.shape_cast %swap3A_206 : vector<16xi32> to vector<16xi32>
      %swap3A_208 = vector.shape_cast %get3A_204 : vector<16xi32> to vector<16xi32>
      tpu.vector_store %arg12[%swap3A_205], %swap3A_208 {strides = array<i32>} : memref<80xi32, #tpu.memory_space<vmem>>, vector<16xi32>,
      %get3A_209 = arith.constant 16 : index
      %get3A_210 = tpu.vector_load %arg10[%get3A_209] {strides = array<i32>} : memref<80xi32, #tpu.memory_space<vmem>>, vector<16xi32>,
      %get3A_211 = vector.shape_cast %get3A_210 : vector<16xi32> to vector<16xi32>
      %swap3A_212 = arith.constant 16 : index
      %swap3A_213 = tpu.vector_load %arg12[%swap3A_212] {strides = array<i32>} : memref<80xi32, #tpu.memory_space<vmem>>, vector<16xi32>,
      %swap3A_214 = vector.shape_cast %swap3A_213 : vector<16xi32> to vector<16xi32>
      %swap3A_215 = vector.shape_cast %get3A_211 : vector<16xi32> to vector<16xi32>
      tpu.vector_store %arg12[%swap3A_212], %swap3A_215 {strides = array<i32>} : memref<80xi32, #tpu.memory_space<vmem>>, vector<16xi32>,
      %get3A_216 = arith.constant 32 : index
      %get3A_217 = tpu.vector_load %arg10[%get3A_216] {strides = array<i32>} : memref<80xi32, #tpu.memory_space<vmem>>, vector<16xi32>,
      %get3A_218 = vector.shape_cast %get3A_217 : vector<16xi32> to vector<16xi32>
      %swap3A_219 = arith.constant 32 : index
      %swap3A_220 = tpu.vector_load %arg12[%swap3A_219] {strides = array<i32>} : memref<80xi32, #tpu.memory_space<vmem>>, vector<16xi32>,
      %swap3A_221 = vector.shape_cast %swap3A_220 : vector<16xi32> to vector<16xi32>
      %swap3A_222 = vector.shape_cast %get3A_218 : vector<16xi32> to vector<16xi32>
      tpu.vector_store %arg12[%swap3A_219], %swap3A_222 {strides = array<i32>} : memref<80xi32, #tpu.memory_space<vmem>>, vector<16xi32>,
      %get3A_223 = arith.constant 48 : index
      %get3A_224 = tpu.vector_load %arg10[%get3A_223] {strides = array<i32>} : memref<80xi32, #tpu.memory_space<vmem>>, vector<16xi32>,
      %get3A_225 = vector.shape_cast %get3A_224 : vector<16xi32> to vector<16xi32>
      %swap3A_226 = arith.constant 48 : index
      %swap3A_227 = tpu.vector_load %arg12[%swap3A_226] {strides = array<i32>} : memref<80xi32, #tpu.memory_space<vmem>>, vector<16xi32>,
      %swap3A_228 = vector.shape_cast %swap3A_227 : vector<16xi32> to vector<16xi32>
      %swap3A_229 = vector.shape_cast %get3A_225 : vector<16xi32> to vector<16xi32>
      tpu.vector_store %arg12[%swap3A_226], %swap3A_229 {strides = array<i32>} : memref<80xi32, #tpu.memory_space<vmem>>, vector<16xi32>,
      %get3A_230 = arith.constant 64 : index
      %get3A_231 = tpu.vector_load %arg10[%get3A_230] {strides = array<i32>} : memref<80xi32, #tpu.memory_space<vmem>>, vector<16xi32>,
      %get3A_232 = vector.shape_cast %get3A_231 : vector<16xi32> to vector<16xi32>
      %swap3A_233 = arith.constant 64 : index
      %swap3A_234 = tpu.vector_load %arg12[%swap3A_233] {strides = array<i32>} : memref<80xi32, #tpu.memory_space<vmem>>, vector<16xi32>,
      %swap3A_235 = vector.shape_cast %swap3A_234 : vector<16xi32> to vector<16xi32>
      %swap3A_236 = vector.shape_cast %get3A_232 : vector<16xi32> to vector<16xi32>
      tpu.vector_store %arg12[%swap3A_233], %swap3A_236 {strides = array<i32>} : memref<80xi32, #tpu.memory_space<vmem>>, vector<16xi32>,
      %dma_start3A_237 = arith.constant 0 : i32
      %dma_start3A_238 = arith.constant 0 : i32
      %dma_start3A_239 = tpu.memref_slice %arg17[%dma_start3A_237, %dma_start3A_238] : memref<10000x144xf32, #tpu.memory_space<vmem_shared>> -> memref<10000x144xf32, #tpu.memory_space<vmem_shared>>
      tpu.enqueue_indirect_dma source(%arg14 : memref<80x144xf32, #tpu.memory_space<vmem>>) target(%dma_start3A_239 : memref<10000x144xf32, #tpu.memory_space<vmem_shared>>) offsets(%arg12 : memref<80xi32, #tpu.memory_space<vmem>>) semaphore(%arg23 : memref<!tpu.dma_semaphore, #tpu.memory_space<semaphore_mem>>) {add = true}
      %add3A_240 = arith.constant 3 : i32
      %add3A_241 = arith.addi %mul3A_108, %add3A_240 : i32
      %min3A_242 = arith.constant 124 : i32
      %min3A_243 = arith.minsi %add3A_241, %min3A_242 : i32
      %mul3A_244 = arith.constant 80 : i32
      %mul3A_245 = arith.muli %min3A_243, %mul3A_244 : i32
      %add3A_246 = arith.addi %mul3A_2, %mul3A_245 : i32
      %dma_start3A_247 = tpu.memref_slice %arg2[%add3A_246] : memref<320000xi32, #tpu.memory_space<hbm>> -> memref<80xi32, #tpu.memory_space<hbm>>
      %dma_start3A_248 = tpu.memref_slice %arg2[%add3A_246] : memref<320000xi32, #tpu.memory_space<hbm>> -> memref<80xi32, #tpu.memory_space<hbm>>
      tpu.enqueue_dma source(%dma_start3A_248 : memref<80xi32, #tpu.memory_space<hbm>>) target(%arg9 : memref<80xi32, #tpu.memory_space<vmem>>) target_semaphore(%arg21 : memref<!tpu.dma_semaphore, #tpu.memory_space<semaphore_mem>>)
      %dma_start3A_249 = tpu.memref_slice %arg3[%add3A_246] : memref<320000xi32, #tpu.memory_space<hbm>> -> memref<80xi32, #tpu.memory_space<hbm>>
      %dma_start3A_250 = tpu.memref_slice %arg3[%add3A_246] : memref<320000xi32, #tpu.memory_space<hbm>> -> memref<80xi32, #tpu.memory_space<hbm>>
      tpu.enqueue_dma source(%dma_start3A_250 : memref<80xi32, #tpu.memory_space<hbm>>) target(%arg10 : memref<80xi32, #tpu.memory_space<vmem>>) target_semaphore(%arg21 : memref<!tpu.dma_semaphore, #tpu.memory_space<semaphore_mem>>)
      %scan3A_251 = arith.constant 0 : i32
      scf.yield %scan3A_251 : i32
    }
    %scan3A_83 = arith.constant 62 : i32
    %dma_wait3A = arith.constant 0 : i32
    %dma_wait3A_84 = arith.constant 0 : i32
    %dma_wait3A_85 = tpu.memref_slice %arg4[%dma_wait3A, %dma_wait3A_84] : memref<10000x144xf32, #tpu.memory_space<hbm>> -> memref<10000x144xf32, #tpu.memory_space<hbm>>
    tpu.wait_indirect_dma semaphore(%arg18 : memref<!tpu.dma_semaphore, #tpu.memory_space<semaphore_mem>>) src(%dma_wait3A_85 : memref<10000x144xf32, #tpu.memory_space<hbm>>) dst(%arg13 : memref<80x144xf32, #tpu.memory_space<vmem>>)
    %dma_wait3A_86 = arith.constant 0 : i32
    %dma_wait3A_87 = arith.constant 0 : i32
    %dma_wait3A_88 = tpu.memref_slice %arg5[%dma_wait3A_86, %dma_wait3A_87] : memref<10000x16xf32, #tpu.memory_space<hbm>> -> memref<10000x16xf32, #tpu.memory_space<hbm>>
    tpu.wait_indirect_dma semaphore(%arg18 : memref<!tpu.dma_semaphore, #tpu.memory_space<semaphore_mem>>) src(%dma_wait3A_88 : memref<10000x16xf32, #tpu.memory_space<hbm>>) dst(%arg15 : memref<80x16xf32, #tpu.memory_space<vmem>>)
    %dma_wait3A_89 = tpu.memref_slice %arg2[%mul3A_2] : memref<320000xi32, #tpu.memory_space<hbm>> -> memref<80xi32, #tpu.memory_space<hbm>>
    %dma_wait3A_90 = tpu.memref_slice %arg2[%mul3A_2] : memref<320000xi32, #tpu.memory_space<hbm>> -> memref<80xi32, #tpu.memory_space<hbm>>
    tpu.wait_dma2 semaphore(%arg21 : memref<!tpu.dma_semaphore, #tpu.memory_space<semaphore_mem>>) src(%dma_wait3A_90 : memref<80xi32, #tpu.memory_space<hbm>>) dst(%arg9 : memref<80xi32, #tpu.memory_space<vmem>>)
    %dma_wait3A_91 = tpu.memref_slice %arg3[%mul3A_2] : memref<320000xi32, #tpu.memory_space<hbm>> -> memref<80xi32, #tpu.memory_space<hbm>>
    %dma_wait3A_92 = tpu.memref_slice %arg3[%mul3A_2] : memref<320000xi32, #tpu.memory_space<hbm>> -> memref<80xi32, #tpu.memory_space<hbm>>
    tpu.wait_dma2 semaphore(%arg21 : memref<!tpu.dma_semaphore, #tpu.memory_space<semaphore_mem>>) src(%dma_wait3A_92 : memref<80xi32, #tpu.memory_space<hbm>>) dst(%arg10 : memref<80xi32, #tpu.memory_space<vmem>>)
    %dma_wait3A_93 = arith.constant 0 : i32
    %dma_wait3A_94 = arith.constant 0 : i32
    %dma_wait3A_95 = tpu.memref_slice %arg17[%dma_wait3A_93, %dma_wait3A_94] : memref<10000x144xf32, #tpu.memory_space<vmem_shared>> -> memref<10000x144xf32, #tpu.memory_space<vmem_shared>>
    tpu.wait_indirect_dma semaphore(%arg23 : memref<!tpu.dma_semaphore, #tpu.memory_space<semaphore_mem>>) src(%arg14 : memref<80x144xf32, #tpu.memory_space<vmem>>) dst(%dma_wait3A_95 : memref<10000x144xf32, #tpu.memory_space<vmem_shared>>)
    %parallel_loop3A_96 = arith.constant 0 : i32
    %parallel_loop3A_97 = arith.constant 80 : i32
    %parallel_loop3A_98 = arith.constant 1 : i32
    scf.for %parallel_loop3A_105 = %parallel_loop3A_96 to %parallel_loop3A_97 step %parallel_loop3A_98  : i32 {
      %parallel_loop3A_106 = arith.index_cast %parallel_loop3A_105 : i32 to index
      %parallel_loop3A_107 = arith.constant 128 : index
      %parallel_loop3A_108 = tpu.vector_load %arg13[%parallel_loop3A_106, %parallel_loop3A_107] {strides = array<i32>} : memref<80x144xf32, #tpu.memory_space<vmem>>, vector<1x16xf32>,
      %parallel_loop3A_109 = vector.shape_cast %parallel_loop3A_108 : vector<1x16xf32> to vector<16xf32>
      %parallel_loop3A_110 = arith.index_cast %parallel_loop3A_105 : i32 to index
      %parallel_loop3A_111 = arith.constant 0 : index
      %parallel_loop3A_112 = tpu.vector_load %arg15[%parallel_loop3A_110, %parallel_loop3A_111] {strides = array<i32>} : memref<80x16xf32, #tpu.memory_space<vmem>>, vector<1x16xf32>,
      %parallel_loop3A_113 = vector.shape_cast %parallel_loop3A_112 : vector<1x16xf32> to vector<16xf32>
      %parallel_loop3A_114 = arith.addf %parallel_loop3A_109, %parallel_loop3A_113 : vector<16xf32>
      %parallel_loop3A_115 = arith.constant 2.000000e-01 : f32
      %parallel_loop3A_116 = vector.broadcast %parallel_loop3A_115 : f32 to vector<16xf32>
      %parallel_loop3A_117 = arith.mulf %parallel_loop3A_114, %parallel_loop3A_116 : vector<16xf32>
      %parallel_loop3A_118 = arith.maximumf %parallel_loop3A_114, %parallel_loop3A_117 : vector<16xf32>
      %parallel_loop3A_119 = math.exp %parallel_loop3A_118 : vector<16xf32>
      %parallel_loop3A_120 = arith.index_cast %parallel_loop3A_105 : i32 to index
      %parallel_loop3A_121 = arith.constant 128 : index
      %parallel_loop3A_122 = tpu.vector_load %arg13[%parallel_loop3A_120, %parallel_loop3A_121] {strides = array<i32>} : memref<80x144xf32, #tpu.memory_space<vmem>>, vector<1x16xf32>,
      %parallel_loop3A_123 = vector.shape_cast %parallel_loop3A_122 : vector<1x16xf32> to vector<16xf32>
      %parallel_loop3A_124 = vector.shape_cast %parallel_loop3A_119 : vector<16xf32> to vector<1x16xf32>
      tpu.vector_store %arg13[%parallel_loop3A_120, %parallel_loop3A_121], %parallel_loop3A_124 {strides = array<i32>} : memref<80x144xf32, #tpu.memory_space<vmem>>, vector<1x16xf32>,
      %parallel_loop3A_125 = vector.extract_strided_slice %parallel_loop3A_119 {offsets = [0], sizes = [1], strides = [1]} : vector<16xf32> to vector<1xf32>
      %parallel_loop3A_126 = vector.extract %parallel_loop3A_125[0] : f32 from vector<1xf32>
      %parallel_loop3A_127 = arith.index_cast %parallel_loop3A_105 : i32 to index
      %parallel_loop3A_128 = arith.constant 0 : index
      %parallel_loop3A_129 = tpu.vector_load %arg13[%parallel_loop3A_127, %parallel_loop3A_128] {strides = array<i32>} : memref<80x144xf32, #tpu.memory_space<vmem>>, vector<1x16xf32>,
      %parallel_loop3A_130 = vector.shape_cast %parallel_loop3A_129 : vector<1x16xf32> to vector<16xf32>
      %parallel_loop3A_131 = vector.broadcast %parallel_loop3A_126 : f32 to vector<16xf32>
      %parallel_loop3A_132 = arith.mulf %parallel_loop3A_130, %parallel_loop3A_131 : vector<16xf32>
      %parallel_loop3A_133 = arith.index_cast %parallel_loop3A_105 : i32 to index
      %parallel_loop3A_134 = arith.constant 0 : index
      %parallel_loop3A_135 = tpu.vector_load %arg13[%parallel_loop3A_133, %parallel_loop3A_134] {strides = array<i32>} : memref<80x144xf32, #tpu.memory_space<vmem>>, vector<1x16xf32>,
      %parallel_loop3A_136 = vector.shape_cast %parallel_loop3A_135 : vector<1x16xf32> to vector<16xf32>
      %parallel_loop3A_137 = vector.shape_cast %parallel_loop3A_132 : vector<16xf32> to vector<1x16xf32>
      tpu.vector_store %arg13[%parallel_loop3A_133, %parallel_loop3A_134], %parallel_loop3A_137 {strides = array<i32>} : memref<80x144xf32, #tpu.memory_space<vmem>>, vector<1x16xf32>,
      %parallel_loop3A_138 = vector.extract_strided_slice %parallel_loop3A_119 {offsets = [1], sizes = [1], strides = [1]} : vector<16xf32> to vector<1xf32>
      %parallel_loop3A_139 = vector.extract %parallel_loop3A_138[0] : f32 from vector<1xf32>
      %parallel_loop3A_140 = arith.index_cast %parallel_loop3A_105 : i32 to index
      %parallel_loop3A_141 = arith.constant 16 : index
      %parallel_loop3A_142 = tpu.vector_load %arg13[%parallel_loop3A_140, %parallel_loop3A_141] {strides = array<i32>} : memref<80x144xf32, #tpu.memory_space<vmem>>, vector<1x16xf32>,
      %parallel_loop3A_143 = vector.shape_cast %parallel_loop3A_142 : vector<1x16xf32> to vector<16xf32>
      %parallel_loop3A_144 = vector.broadcast %parallel_loop3A_139 : f32 to vector<16xf32>
      %parallel_loop3A_145 = arith.mulf %parallel_loop3A_143, %parallel_loop3A_144 : vector<16xf32>
      %parallel_loop3A_146 = arith.index_cast %parallel_loop3A_105 : i32 to index
      %parallel_loop3A_147 = arith.constant 16 : index
      %parallel_loop3A_148 = tpu.vector_load %arg13[%parallel_loop3A_146, %parallel_loop3A_147] {strides = array<i32>} : memref<80x144xf32, #tpu.memory_space<vmem>>, vector<1x16xf32>,
      %parallel_loop3A_149 = vector.shape_cast %parallel_loop3A_148 : vector<1x16xf32> to vector<16xf32>
      %parallel_loop3A_150 = vector.shape_cast %parallel_loop3A_145 : vector<16xf32> to vector<1x16xf32>
      tpu.vector_store %arg13[%parallel_loop3A_146, %parallel_loop3A_147], %parallel_loop3A_150 {strides = array<i32>} : memref<80x144xf32, #tpu.memory_space<vmem>>, vector<1x16xf32>,
      %parallel_loop3A_151 = vector.extract_strided_slice %parallel_loop3A_119 {offsets = [2], sizes = [1], strides = [1]} : vector<16xf32> to vector<1xf32>
      %parallel_loop3A_152 = vector.extract %parallel_loop3A_151[0] : f32 from vector<1xf32>
      %parallel_loop3A_153 = arith.index_cast %parallel_loop3A_105 : i32 to index
      %parallel_loop3A_154 = arith.constant 32 : index
      %parallel_loop3A_155 = tpu.vector_load %arg13[%parallel_loop3A_153, %parallel_loop3A_154] {strides = array<i32>} : memref<80x144xf32, #tpu.memory_space<vmem>>, vector<1x16xf32>,
      %parallel_loop3A_156 = vector.shape_cast %parallel_loop3A_155 : vector<1x16xf32> to vector<16xf32>
      %parallel_loop3A_157 = vector.broadcast %parallel_loop3A_152 : f32 to vector<16xf32>
      %parallel_loop3A_158 = arith.mulf %parallel_loop3A_156, %parallel_loop3A_157 : vector<16xf32>
      %parallel_loop3A_159 = arith.index_cast %parallel_loop3A_105 : i32 to index
      %parallel_loop3A_160 = arith.constant 32 : index
      %parallel_loop3A_161 = tpu.vector_load %arg13[%parallel_loop3A_159, %parallel_loop3A_160] {strides = array<i32>} : memref<80x144xf32, #tpu.memory_space<vmem>>, vector<1x16xf32>,
      %parallel_loop3A_162 = vector.shape_cast %parallel_loop3A_161 : vector<1x16xf32> to vector<16xf32>
      %parallel_loop3A_163 = vector.shape_cast %parallel_loop3A_158 : vector<16xf32> to vector<1x16xf32>
      tpu.vector_store %arg13[%parallel_loop3A_159, %parallel_loop3A_160], %parallel_loop3A_163 {strides = array<i32>} : memref<80x144xf32, #tpu.memory_space<vmem>>, vector<1x16xf32>,
      %parallel_loop3A_164 = vector.extract_strided_slice %parallel_loop3A_119 {offsets = [3], sizes = [1], strides = [1]} : vector<16xf32> to vector<1xf32>
      %parallel_loop3A_165 = vector.extract %parallel_loop3A_164[0] : f32 from vector<1xf32>
      %parallel_loop3A_166 = arith.index_cast %parallel_loop3A_105 : i32 to index
      %parallel_loop3A_167 = arith.constant 48 : index
      %parallel_loop3A_168 = tpu.vector_load %arg13[%parallel_loop3A_166, %parallel_loop3A_167] {strides = array<i32>} : memref<80x144xf32, #tpu.memory_space<vmem>>, vector<1x16xf32>,
      %parallel_loop3A_169 = vector.shape_cast %parallel_loop3A_168 : vector<1x16xf32> to vector<16xf32>
      %parallel_loop3A_170 = vector.broadcast %parallel_loop3A_165 : f32 to vector<16xf32>
      %parallel_loop3A_171 = arith.mulf %parallel_loop3A_169, %parallel_loop3A_170 : vector<16xf32>
      %parallel_loop3A_172 = arith.index_cast %parallel_loop3A_105 : i32 to index
      %parallel_loop3A_173 = arith.constant 48 : index
      %parallel_loop3A_174 = tpu.vector_load %arg13[%parallel_loop3A_172, %parallel_loop3A_173] {strides = array<i32>} : memref<80x144xf32, #tpu.memory_space<vmem>>, vector<1x16xf32>,
      %parallel_loop3A_175 = vector.shape_cast %parallel_loop3A_174 : vector<1x16xf32> to vector<16xf32>
      %parallel_loop3A_176 = vector.shape_cast %parallel_loop3A_171 : vector<16xf32> to vector<1x16xf32>
      tpu.vector_store %arg13[%parallel_loop3A_172, %parallel_loop3A_173], %parallel_loop3A_176 {strides = array<i32>} : memref<80x144xf32, #tpu.memory_space<vmem>>, vector<1x16xf32>,
      %parallel_loop3A_177 = vector.extract_strided_slice %parallel_loop3A_119 {offsets = [4], sizes = [1], strides = [1]} : vector<16xf32> to vector<1xf32>
      %parallel_loop3A_178 = vector.extract %parallel_loop3A_177[0] : f32 from vector<1xf32>
      %parallel_loop3A_179 = arith.index_cast %parallel_loop3A_105 : i32 to index
      %parallel_loop3A_180 = arith.constant 64 : index
      %parallel_loop3A_181 = tpu.vector_load %arg13[%parallel_loop3A_179, %parallel_loop3A_180] {strides = array<i32>} : memref<80x144xf32, #tpu.memory_space<vmem>>, vector<1x16xf32>,
      %parallel_loop3A_182 = vector.shape_cast %parallel_loop3A_181 : vector<1x16xf32> to vector<16xf32>
      %parallel_loop3A_183 = vector.broadcast %parallel_loop3A_178 : f32 to vector<16xf32>
      %parallel_loop3A_184 = arith.mulf %parallel_loop3A_182, %parallel_loop3A_183 : vector<16xf32>
      %parallel_loop3A_185 = arith.index_cast %parallel_loop3A_105 : i32 to index
      %parallel_loop3A_186 = arith.constant 64 : index
      %parallel_loop3A_187 = tpu.vector_load %arg13[%parallel_loop3A_185, %parallel_loop3A_186] {strides = array<i32>} : memref<80x144xf32, #tpu.memory_space<vmem>>, vector<1x16xf32>,
      %parallel_loop3A_188 = vector.shape_cast %parallel_loop3A_187 : vector<1x16xf32> to vector<16xf32>
      %parallel_loop3A_189 = vector.shape_cast %parallel_loop3A_184 : vector<16xf32> to vector<1x16xf32>
      tpu.vector_store %arg13[%parallel_loop3A_185, %parallel_loop3A_186], %parallel_loop3A_189 {strides = array<i32>} : memref<80x144xf32, #tpu.memory_space<vmem>>, vector<1x16xf32>,
      %parallel_loop3A_190 = vector.extract_strided_slice %parallel_loop3A_119 {offsets = [5], sizes = [1], strides = [1]} : vector<16xf32> to vector<1xf32>
      %parallel_loop3A_191 = vector.extract %parallel_loop3A_190[0] : f32 from vector<1xf32>
      %parallel_loop3A_192 = arith.index_cast %parallel_loop3A_105 : i32 to index
      %parallel_loop3A_193 = arith.constant 80 : index
      %parallel_loop3A_194 = tpu.vector_load %arg13[%parallel_loop3A_192, %parallel_loop3A_193] {strides = array<i32>} : memref<80x144xf32, #tpu.memory_space<vmem>>, vector<1x16xf32>,
      %parallel_loop3A_195 = vector.shape_cast %parallel_loop3A_194 : vector<1x16xf32> to vector<16xf32>
      %parallel_loop3A_196 = vector.broadcast %parallel_loop3A_191 : f32 to vector<16xf32>
      %parallel_loop3A_197 = arith.mulf %parallel_loop3A_195, %parallel_loop3A_196 : vector<16xf32>
      %parallel_loop3A_198 = arith.index_cast %parallel_loop3A_105 : i32 to index
      %parallel_loop3A_199 = arith.constant 80 : index
      %parallel_loop3A_200 = tpu.vector_load %arg13[%parallel_loop3A_198, %parallel_loop3A_199] {strides = array<i32>} : memref<80x144xf32, #tpu.memory_space<vmem>>, vector<1x16xf32>,
      %parallel_loop3A_201 = vector.shape_cast %parallel_loop3A_200 : vector<1x16xf32> to vector<16xf32>
      %parallel_loop3A_202 = vector.shape_cast %parallel_loop3A_197 : vector<16xf32> to vector<1x16xf32>
      tpu.vector_store %arg13[%parallel_loop3A_198, %parallel_loop3A_199], %parallel_loop3A_202 {strides = array<i32>} : memref<80x144xf32, #tpu.memory_space<vmem>>, vector<1x16xf32>,
      %parallel_loop3A_203 = vector.extract_strided_slice %parallel_loop3A_119 {offsets = [6], sizes = [1], strides = [1]} : vector<16xf32> to vector<1xf32>
      %parallel_loop3A_204 = vector.extract %parallel_loop3A_203[0] : f32 from vector<1xf32>
      %parallel_loop3A_205 = arith.index_cast %parallel_loop3A_105 : i32 to index
      %parallel_loop3A_206 = arith.constant 96 : index
      %parallel_loop3A_207 = tpu.vector_load %arg13[%parallel_loop3A_205, %parallel_loop3A_206] {strides = array<i32>} : memref<80x144xf32, #tpu.memory_space<vmem>>, vector<1x16xf32>,
      %parallel_loop3A_208 = vector.shape_cast %parallel_loop3A_207 : vector<1x16xf32> to vector<16xf32>
      %parallel_loop3A_209 = vector.broadcast %parallel_loop3A_204 : f32 to vector<16xf32>
      %parallel_loop3A_210 = arith.mulf %parallel_loop3A_208, %parallel_loop3A_209 : vector<16xf32>
      %parallel_loop3A_211 = arith.index_cast %parallel_loop3A_105 : i32 to index
      %parallel_loop3A_212 = arith.constant 96 : index
      %parallel_loop3A_213 = tpu.vector_load %arg13[%parallel_loop3A_211, %parallel_loop3A_212] {strides = array<i32>} : memref<80x144xf32, #tpu.memory_space<vmem>>, vector<1x16xf32>,
      %parallel_loop3A_214 = vector.shape_cast %parallel_loop3A_213 : vector<1x16xf32> to vector<16xf32>
      %parallel_loop3A_215 = vector.shape_cast %parallel_loop3A_210 : vector<16xf32> to vector<1x16xf32>
      tpu.vector_store %arg13[%parallel_loop3A_211, %parallel_loop3A_212], %parallel_loop3A_215 {strides = array<i32>} : memref<80x144xf32, #tpu.memory_space<vmem>>, vector<1x16xf32>,
      %parallel_loop3A_216 = vector.extract_strided_slice %parallel_loop3A_119 {offsets = [7], sizes = [1], strides = [1]} : vector<16xf32> to vector<1xf32>
      %parallel_loop3A_217 = vector.extract %parallel_loop3A_216[0] : f32 from vector<1xf32>
      %parallel_loop3A_218 = arith.index_cast %parallel_loop3A_105 : i32 to index
      %parallel_loop3A_219 = arith.constant 112 : index
      %parallel_loop3A_220 = tpu.vector_load %arg13[%parallel_loop3A_218, %parallel_loop3A_219] {strides = array<i32>} : memref<80x144xf32, #tpu.memory_space<vmem>>, vector<1x16xf32>,
      %parallel_loop3A_221 = vector.shape_cast %parallel_loop3A_220 : vector<1x16xf32> to vector<16xf32>
      %parallel_loop3A_222 = vector.broadcast %parallel_loop3A_217 : f32 to vector<16xf32>
      %parallel_loop3A_223 = arith.mulf %parallel_loop3A_221, %parallel_loop3A_222 : vector<16xf32>
      %parallel_loop3A_224 = arith.index_cast %parallel_loop3A_105 : i32 to index
      %parallel_loop3A_225 = arith.constant 112 : index
      %parallel_loop3A_226 = tpu.vector_load %arg13[%parallel_loop3A_224, %parallel_loop3A_225] {strides = array<i32>} : memref<80x144xf32, #tpu.memory_space<vmem>>, vector<1x16xf32>,
      %parallel_loop3A_227 = vector.shape_cast %parallel_loop3A_226 : vector<1x16xf32> to vector<16xf32>
      %parallel_loop3A_228 = vector.shape_cast %parallel_loop3A_223 : vector<16xf32> to vector<1x16xf32>
      tpu.vector_store %arg13[%parallel_loop3A_224, %parallel_loop3A_225], %parallel_loop3A_228 {strides = array<i32>} : memref<80x144xf32, #tpu.memory_space<vmem>>, vector<1x16xf32>,
    } {sc.loop_unroll_factor = 4 : i64, sc.parallel_access}
    "tpu.region"() ({
      %run_scoped3A = tpu.sem_alloc : memref<!tpu.dma_semaphore, #tpu.memory_space<semaphore_mem>>
      %dma_start3A_105 = arith.constant 0 : i32
      %dma_start3A_106 = arith.constant 0 : i32
      %dma_start3A_107 = tpu.memref_slice %arg17[%dma_start3A_105, %dma_start3A_106] : memref<10000x144xf32, #tpu.memory_space<vmem_shared>> -> memref<10000x144xf32, #tpu.memory_space<vmem_shared>>
      tpu.enqueue_indirect_dma source(%arg13 : memref<80x144xf32, #tpu.memory_space<vmem>>) target(%dma_start3A_107 : memref<10000x144xf32, #tpu.memory_space<vmem_shared>>) offsets(%arg8 : memref<80xi32, #tpu.memory_space<vmem>>) semaphore(%run_scoped3A : memref<!tpu.dma_semaphore, #tpu.memory_space<semaphore_mem>>) {add = true}
      %dma_wait3A_108 = arith.constant 0 : i32
      %dma_wait3A_109 = arith.constant 0 : i32
      %dma_wait3A_110 = tpu.memref_slice %arg17[%dma_wait3A_108, %dma_wait3A_109] : memref<10000x144xf32, #tpu.memory_space<vmem_shared>> -> memref<10000x144xf32, #tpu.memory_space<vmem_shared>>
      tpu.wait_indirect_dma semaphore(%run_scoped3A : memref<!tpu.dma_semaphore, #tpu.memory_space<semaphore_mem>>) src(%arg13 : memref<80x144xf32, #tpu.memory_space<vmem>>) dst(%dma_wait3A_110 : memref<10000x144xf32, #tpu.memory_space<vmem_shared>>)
      tpu.yield
    }) : () -> ()
    %barrier3A_99 = arith.constant 0 : index
    tpu.barrier barrier_id(%barrier3A_99)
    "tpu.region"() ({
      %run_scoped3A = tpu.sem_alloc : memref<!tpu.dma_semaphore, #tpu.memory_space<semaphore_mem>>
      %dma_start3A_105 = arith.constant 0 : i32
      %dma_start3A_106 = tpu.memref_slice %arg6[%arg0, %mul3A_23, %dma_start3A_105] : memref<2x10000x144xf32, #tpu.memory_space<hbm>> -> memref<1x624x144xf32, #tpu.memory_space<hbm>>
      %dma_start3A_107 = tpu.memref_squeeze %dma_start3A_106 : memref<1x624x144xf32, #tpu.memory_space<hbm>> -> memref<624x144xf32, #tpu.memory_space<hbm>>
      %dma_start3A_108 = arith.constant 0 : i32
      %dma_start3A_109 = tpu.memref_slice %arg17[%mul3A_23, %dma_start3A_108] : memref<10000x144xf32, #tpu.memory_space<vmem_shared>> -> memref<624x144xf32, #tpu.memory_space<vmem_shared>>
      tpu.enqueue_dma source(%dma_start3A_109 : memref<624x144xf32, #tpu.memory_space<vmem_shared>>) target(%dma_start3A_107 : memref<624x144xf32, #tpu.memory_space<hbm>>) target_semaphore(%run_scoped3A : memref<!tpu.dma_semaphore, #tpu.memory_space<semaphore_mem>>)
      %dma_wait3A_110 = arith.constant 0 : i32
      %dma_wait3A_111 = tpu.memref_slice %arg6[%arg0, %mul3A_23, %dma_wait3A_110] : memref<2x10000x144xf32, #tpu.memory_space<hbm>> -> memref<1x624x144xf32, #tpu.memory_space<hbm>>
      %dma_wait3A_112 = tpu.memref_squeeze %dma_wait3A_111 : memref<1x624x144xf32, #tpu.memory_space<hbm>> -> memref<624x144xf32, #tpu.memory_space<hbm>>
      %dma_wait3A_113 = arith.constant 0 : i32
      %dma_wait3A_114 = tpu.memref_slice %arg17[%mul3A_23, %dma_wait3A_113] : memref<10000x144xf32, #tpu.memory_space<vmem_shared>> -> memref<624x144xf32, #tpu.memory_space<vmem_shared>>
      tpu.wait_dma2 semaphore(%run_scoped3A : memref<!tpu.dma_semaphore, #tpu.memory_space<semaphore_mem>>) src(%dma_wait3A_114 : memref<624x144xf32, #tpu.memory_space<vmem_shared>>) dst(%dma_wait3A_112 : memref<624x144xf32, #tpu.memory_space<hbm>>)
      tpu.yield
    }) : () -> ()
    %eq3A_100 = arith.constant 15 : i32
    %eq3A_101 = arith.cmpi eq, %arg1, %eq3A_100 : i32
    %convert_element_type3A_102 = arith.extui %eq3A_101 : i1 to i32
    %cond3A_103 = arith.constant 0 : i32
    %cond3A_104 = arith.cmpi ne, %convert_element_type3A_102, %cond3A_103 : i32
    scf.if %cond3A_104 {
      "tpu.region"() ({
        %run_scoped3A = tpu.sem_alloc : memref<!tpu.dma_semaphore, #tpu.memory_space<semaphore_mem>>
        %dma_start3A_105 = arith.constant 9984 : i32
        %dma_start3A_106 = arith.constant 0 : i32
        %dma_start3A_107 = tpu.memref_slice %arg6[%arg0, %dma_start3A_105, %dma_start3A_106] : memref<2x10000x144xf32, #tpu.memory_space<hbm>> -> memref<1x16x144xf32, #tpu.memory_space<hbm>>
        %dma_start3A_108 = tpu.memref_squeeze %dma_start3A_107 : memref<1x16x144xf32, #tpu.memory_space<hbm>> -> memref<16x144xf32, #tpu.memory_space<hbm>>
        %dma_start3A_109 = arith.constant 9984 : i32
        %dma_start3A_110 = arith.constant 0 : i32
        %dma_start3A_111 = tpu.memref_slice %arg17[%dma_start3A_109, %dma_start3A_110] : memref<10000x144xf32, #tpu.memory_space<vmem_shared>> -> memref<16x144xf32, #tpu.memory_space<vmem_shared>>
        tpu.enqueue_dma source(%dma_start3A_111 : memref<16x144xf32, #tpu.memory_space<vmem_shared>>) target(%dma_start3A_108 : memref<16x144xf32, #tpu.memory_space<hbm>>) target_semaphore(%run_scoped3A : memref<!tpu.dma_semaphore, #tpu.memory_space<semaphore_mem>>)
        %dma_wait3A_112 = arith.constant 9984 : i32
        %dma_wait3A_113 = arith.constant 0 : i32
        %dma_wait3A_114 = tpu.memref_slice %arg6[%arg0, %dma_wait3A_112, %dma_wait3A_113] : memref<2x10000x144xf32, #tpu.memory_space<hbm>> -> memref<1x16x144xf32, #tpu.memory_space<hbm>>
        %dma_wait3A_115 = tpu.memref_squeeze %dma_wait3A_114 : memref<1x16x144xf32, #tpu.memory_space<hbm>> -> memref<16x144xf32, #tpu.memory_space<hbm>>
        %dma_wait3A_116 = arith.constant 9984 : i32
        %dma_wait3A_117 = arith.constant 0 : i32
        %dma_wait3A_118 = tpu.memref_slice %arg17[%dma_wait3A_116, %dma_wait3A_117] : memref<10000x144xf32, #tpu.memory_space<vmem_shared>> -> memref<16x144xf32, #tpu.memory_space<vmem_shared>>
        tpu.wait_dma2 semaphore(%run_scoped3A : memref<!tpu.dma_semaphore, #tpu.memory_space<semaphore_mem>>) src(%dma_wait3A_118 : memref<16x144xf32, #tpu.memory_space<vmem_shared>>) dst(%dma_wait3A_115 : memref<16x144xf32, #tpu.memory_space<hbm>>)
        tpu.yield
      }) : () -> ()
    } else {
    }
    return
  }
}

module attributes {stable_mosaic.version = 14 : i64} {
  func.func @_tc_pre_body(%arg0: i32, %arg1: memref<1000x128xf32, #tpu.memory_space<vmem>>, %arg2: memref<128x128xf32, #tpu.memory_space<vmem>>, %arg3: memref<1x128xf32, #tpu.memory_space<vmem>>, %arg4: memref<1x128xf32, #tpu.memory_space<vmem>>, %arg5: memref<128x16xf32, #tpu.memory_space<vmem>>, %arg6: memref<1000x144xf32, #tpu.memory_space<vmem>>, %arg7: memref<1000x16xf32, #tpu.memory_space<vmem>>) attributes {dimension_semantics = [#tpu.dimension_semantics<arbitrary>], iteration_bounds = array<i64: 10>, scalar_prefetch = 0 : i64, scratch_operands = 0 : i64, tpu.core_type = #tpu.core_type<tc>, window_params = [{transform_indices = @transform_0, window_bounds = array<i64: 1000, 128>}, {pipeline_mode = #tpu.pipeline_mode<synchronous>, transform_indices = @transform_1, window_bounds = array<i64: 128, 128>}, {pipeline_mode = #tpu.pipeline_mode<synchronous>, transform_indices = @transform_2, window_bounds = array<i64: 1, 128>}, {pipeline_mode = #tpu.pipeline_mode<synchronous>, transform_indices = @transform_3, window_bounds = array<i64: 1, 128>}, {pipeline_mode = #tpu.pipeline_mode<synchronous>, transform_indices = @transform_4, window_bounds = array<i64: 128, 16>}, {transform_indices = @transform_5, window_bounds = array<i64: 1000, 144>}, {transform_indices = @transform_6, window_bounds = array<i64: 1000, 16>}]} {
    %get3A = arith.constant 0 : index
    %get3A_0 = arith.constant 0 : index
    %get3A_1 = vector.load %arg1[%get3A, %get3A_0] : memref<1000x128xf32, #tpu.memory_space<vmem>>, vector<1000x128xf32>
    %get3A_2 = arith.constant 0 : index
    %get3A_3 = arith.constant 0 : index
    %get3A_4 = vector.load %arg2[%get3A_2, %get3A_3] : memref<128x128xf32, #tpu.memory_space<vmem>>, vector<128x128xf32>
    %dot_general3A = arith.constant dense<0.000000e+00> : vector<1000x128xf32>
    %dot_general3A_5 = tpu.matmul %get3A_1, %get3A_4, %dot_general3A {dimension_numbers = #tpu.dot_dimension_numbers<[1], [0], [0], [1], [0, 0, 1, 1], [], []>, precision = #tpu.contract_precision<fp32>, transpose_lhs_hint = false} : vector<1000x128xf32>, vector<128x128xf32>, vector<1000x128xf32> -> vector<1000x128xf32>
    %get3A_6 = arith.constant 0 : index
    %get3A_7 = arith.constant 0 : index
    %get3A_8 = vector.load %arg5[%get3A_6, %get3A_7] : memref<128x16xf32, #tpu.memory_space<vmem>>, vector<128x16xf32>
    %swap3A = arith.constant 0 : index
    %swap3A_9 = arith.constant 0 : index
    %swap3A_10 = vector.load %arg6[%swap3A, %swap3A_9] : memref<1000x144xf32, #tpu.memory_space<vmem>>, vector<1000x128xf32>
    tpu.vector_store %arg6[%swap3A, %swap3A_9], %dot_general3A_5 {strides = array<i32>} : memref<1000x144xf32, #tpu.memory_space<vmem>>, vector<1000x128xf32>,
    %get3A_11 = arith.constant 0 : index
    %get3A_12 = arith.constant 0 : index
    %get3A_13 = vector.load %arg3[%get3A_11, %get3A_12] : memref<1x128xf32, #tpu.memory_space<vmem>>, vector<1x128xf32>
    %mul3A = vector.broadcast %get3A_13 : vector<1x128xf32> to vector<1000x128xf32>
    %mul3A_14 = arith.mulf %dot_general3A_5, %mul3A : vector<1000x128xf32>
    %dot_general3A_15 = arith.constant dense<0.000000e+00> : vector<1000x16xf32>
    %dot_general3A_16 = tpu.matmul %mul3A_14, %get3A_8, %dot_general3A_15 {dimension_numbers = #tpu.dot_dimension_numbers<[1], [0], [0], [1], [0, 0, 1, 1], [], []>, precision = #tpu.contract_precision<fp32>, transpose_lhs_hint = false} : vector<1000x128xf32>, vector<128x16xf32>, vector<1000x16xf32> -> vector<1000x16xf32>
    %swap3A_17 = arith.constant 0 : index
    %swap3A_18 = arith.constant 128 : index
    %swap3A_19 = vector.load %arg6[%swap3A_17, %swap3A_18] : memref<1000x144xf32, #tpu.memory_space<vmem>>, vector<1000x16xf32>
    tpu.vector_store %arg6[%swap3A_17, %swap3A_18], %dot_general3A_16 {strides = array<i32>} : memref<1000x144xf32, #tpu.memory_space<vmem>>, vector<1000x16xf32>,
    %get3A_20 = arith.constant 0 : index
    %get3A_21 = arith.constant 0 : index
    %get3A_22 = vector.load %arg4[%get3A_20, %get3A_21] : memref<1x128xf32, #tpu.memory_space<vmem>>, vector<1x128xf32>
    %mul3A_23 = vector.broadcast %get3A_22 : vector<1x128xf32> to vector<1000x128xf32>
    %mul3A_24 = arith.mulf %dot_general3A_5, %mul3A_23 : vector<1000x128xf32>
    %dot_general3A_25 = arith.constant dense<0.000000e+00> : vector<1000x16xf32>
    %dot_general3A_26 = tpu.matmul %mul3A_24, %get3A_8, %dot_general3A_25 {dimension_numbers = #tpu.dot_dimension_numbers<[1], [0], [0], [1], [0, 0, 1, 1], [], []>, precision = #tpu.contract_precision<fp32>, transpose_lhs_hint = false} : vector<1000x128xf32>, vector<128x16xf32>, vector<1000x16xf32> -> vector<1000x16xf32>
    %swap3A_27 = arith.constant 0 : index
    %swap3A_28 = arith.constant 0 : index
    %swap3A_29 = vector.load %arg7[%swap3A_27, %swap3A_28] : memref<1000x16xf32, #tpu.memory_space<vmem>>, vector<1000x16xf32>
    tpu.vector_store %arg7[%swap3A_27, %swap3A_28], %dot_general3A_26 {strides = array<i32>} : memref<1000x16xf32, #tpu.memory_space<vmem>>, vector<1000x16xf32>,
    return
  }
  func.func @transform_0(%arg0: i32) -> (i32, i32) {
    %c0_i32 = arith.constant 0 : i32
    %c0_i32_0 = arith.constant 0 : i32
    return %arg0, %c0_i32 : i32, i32
  }
  func.func @transform_1(%arg0: i32) -> (i32, i32) {
    %c0_i32 = arith.constant 0 : i32
    %c0_i32_0 = arith.constant 0 : i32
    %c0_i32_1 = arith.constant 0 : i32
    return %c0_i32, %c0_i32_0 : i32, i32
  }
  func.func @transform_2(%arg0: i32) -> (i32, i32) {
    %c0_i32 = arith.constant 0 : i32
    %c0_i32_0 = arith.constant 0 : i32
    %c0_i32_1 = arith.constant 0 : i32
    return %c0_i32, %c0_i32_0 : i32, i32
  }
  func.func @transform_3(%arg0: i32) -> (i32, i32) {
    %c0_i32 = arith.constant 0 : i32
    %c0_i32_0 = arith.constant 0 : i32
    %c0_i32_1 = arith.constant 0 : i32
    return %c0_i32, %c0_i32_0 : i32, i32
  }
  func.func @transform_4(%arg0: i32) -> (i32, i32) {
    %c0_i32 = arith.constant 0 : i32
    %c0_i32_0 = arith.constant 0 : i32
    %c0_i32_1 = arith.constant 0 : i32
    return %c0_i32, %c0_i32_0 : i32, i32
  }
  func.func @transform_5(%arg0: i32) -> (i32, i32) {
    %c0_i32 = arith.constant 0 : i32
    %c0_i32_0 = arith.constant 0 : i32
    return %arg0, %c0_i32 : i32, i32
  }
  func.func @transform_6(%arg0: i32) -> (i32, i32) {
    %c0_i32 = arith.constant 0 : i32
    %c0_i32_0 = arith.constant 0 : i32
    return %arg0, %c0_i32 : i32, i32
  }
}

module attributes {stable_mosaic.version = 14 : i64} {
  func.func @_tc_mid_body(%arg0: i32, %arg1: memref<2x1000x144xf32, #tpu.memory_space<vmem>>, %arg2: memref<16x128xf32, #tpu.memory_space<vmem>>, %arg3: memref<128x128xf32, #tpu.memory_space<vmem>>, %arg4: memref<1x128xf32, #tpu.memory_space<vmem>>, %arg5: memref<1x128xf32, #tpu.memory_space<vmem>>, %arg6: memref<128x16xf32, #tpu.memory_space<vmem>>, %arg7: memref<1000x144xf32, #tpu.memory_space<vmem>>, %arg8: memref<1000x16xf32, #tpu.memory_space<vmem>>) attributes {dimension_semantics = [#tpu.dimension_semantics<arbitrary>], iteration_bounds = array<i64: 10>, scalar_prefetch = 0 : i64, scratch_operands = 0 : i64, tpu.core_type = #tpu.core_type<tc>, window_params = [{transform_indices = @transform_0, window_bounds = array<i64: 2, 1000, 144>}, {pipeline_mode = #tpu.pipeline_mode<synchronous>, transform_indices = @transform_1, window_bounds = array<i64: 16, 128>}, {pipeline_mode = #tpu.pipeline_mode<synchronous>, transform_indices = @transform_2, window_bounds = array<i64: 128, 128>}, {pipeline_mode = #tpu.pipeline_mode<synchronous>, transform_indices = @transform_3, window_bounds = array<i64: 1, 128>}, {pipeline_mode = #tpu.pipeline_mode<synchronous>, transform_indices = @transform_4, window_bounds = array<i64: 1, 128>}, {pipeline_mode = #tpu.pipeline_mode<synchronous>, transform_indices = @transform_5, window_bounds = array<i64: 128, 16>}, {transform_indices = @transform_6, window_bounds = array<i64: 1000, 144>}, {transform_indices = @transform_7, window_bounds = array<i64: 1000, 16>}]} {
    %get3A = arith.constant 0 : index
    %get3A_0 = arith.constant 0 : index
    %get3A_1 = arith.constant 0 : index
    %get3A_2 = vector.load %arg1[%get3A, %get3A_0, %get3A_1] : memref<2x1000x144xf32, #tpu.memory_space<vmem>>, vector<1x1000x128xf32>
    %get3A_3 = vector.shape_cast %get3A_2 : vector<1x1000x128xf32> to vector<1000x128xf32>
    %get3A_4 = arith.constant 1 : index
    %get3A_5 = arith.constant 0 : index
    %get3A_6 = arith.constant 0 : index
    %get3A_7 = vector.load %arg1[%get3A_4, %get3A_5, %get3A_6] : memref<2x1000x144xf32, #tpu.memory_space<vmem>>, vector<1x1000x128xf32>
    %get3A_8 = vector.shape_cast %get3A_7 : vector<1x1000x128xf32> to vector<1000x128xf32>
    %add3A = arith.addf %get3A_3, %get3A_8 : vector<1000x128xf32>
    %get3A_9 = arith.constant 0 : index
    %get3A_10 = arith.constant 0 : index
    %get3A_11 = arith.constant 128 : index
    %get3A_12 = vector.load %arg1[%get3A_9, %get3A_10, %get3A_11] : memref<2x1000x144xf32, #tpu.memory_space<vmem>>, vector<1x1000x16xf32>
    %get3A_13 = vector.shape_cast %get3A_12 : vector<1x1000x16xf32> to vector<1000x16xf32>
    %get3A_14 = arith.constant 1 : index
    %get3A_15 = arith.constant 0 : index
    %get3A_16 = arith.constant 128 : index
    %get3A_17 = vector.load %arg1[%get3A_14, %get3A_15, %get3A_16] : memref<2x1000x144xf32, #tpu.memory_space<vmem>>, vector<1x1000x16xf32>
    %get3A_18 = vector.shape_cast %get3A_17 : vector<1x1000x16xf32> to vector<1000x16xf32>
    %add3A_19 = arith.addf %get3A_13, %get3A_18 : vector<1000x16xf32>
    %get3A_20 = arith.constant 0 : index
    %get3A_21 = arith.constant 0 : index
    %get3A_22 = vector.load %arg2[%get3A_20, %get3A_21] : memref<16x128xf32, #tpu.memory_space<vmem>>, vector<16x128xf32>
    %dot_general3A = arith.constant dense<0.000000e+00> : vector<1000x128xf32>
    %dot_general3A_23 = tpu.matmul %add3A_19, %get3A_22, %dot_general3A {dimension_numbers = #tpu.dot_dimension_numbers<[1], [0], [0], [1], [0, 0, 1, 1], [], []>, precision = #tpu.contract_precision<fp32>, transpose_lhs_hint = false} : vector<1000x16xf32>, vector<16x128xf32>, vector<1000x128xf32> -> vector<1000x128xf32>
    %gt3A = arith.constant 0.000000e+00 : f32
    %gt3A_24 = vector.broadcast %gt3A : f32 to vector<1000x128xf32>
    %gt3A_25 = arith.cmpf ogt, %dot_general3A_23, %gt3A_24 : vector<1000x128xf32>
    %div3A = arith.divf %add3A, %dot_general3A_23 : vector<1000x128xf32>
    %jit3A = arith.constant 0.000000e+00 : f32
    %broadcast_in_dim3A = vector.broadcast %jit3A : f32 to vector<1000x128xf32>
    %select_n3A = arith.select %gt3A_25, %div3A, %broadcast_in_dim3A : vector<1000x128xi1>, vector<1000x128xf32>
    %gt3A_26 = arith.constant 0.000000e+00 : f32
    %gt3A_27 = vector.broadcast %gt3A_26 : f32 to vector<1000x128xf32>
    %gt3A_28 = arith.cmpf ogt, %select_n3A, %gt3A_27 : vector<1000x128xf32>
    %min3A = arith.constant 0.000000e+00 : f32
    %min3A_29 = vector.broadcast %min3A : f32 to vector<1000x128xf32>
    %min3A_30 = arith.minimumf %select_n3A, %min3A_29 : vector<1000x128xf32>
    %exp3A = math.exp %min3A_30 : vector<1000x128xf32>
    %sub3A = arith.constant 1.000000e+00 : f32
    %sub3A_31 = vector.broadcast %sub3A : f32 to vector<1000x128xf32>
    %sub3A_32 = arith.subf %exp3A, %sub3A_31 : vector<1000x128xf32>
    %select_n3A_33 = arith.select %gt3A_28, %select_n3A, %sub3A_32 : vector<1000x128xi1>, vector<1000x128xf32>
    %get3A_34 = arith.constant 0 : index
    %get3A_35 = arith.constant 0 : index
    %get3A_36 = vector.load %arg3[%get3A_34, %get3A_35] : memref<128x128xf32, #tpu.memory_space<vmem>>, vector<128x128xf32>
    %dot_general3A_37 = arith.constant dense<0.000000e+00> : vector<1000x128xf32>
    %dot_general3A_38 = tpu.matmul %select_n3A_33, %get3A_36, %dot_general3A_37 {dimension_numbers = #tpu.dot_dimension_numbers<[1], [0], [0], [1], [0, 0, 1, 1], [], []>, precision = #tpu.contract_precision<fp32>, transpose_lhs_hint = false} : vector<1000x128xf32>, vector<128x128xf32>, vector<1000x128xf32> -> vector<1000x128xf32>
    %get3A_39 = arith.constant 0 : index
    %get3A_40 = arith.constant 0 : index
    %get3A_41 = vector.load %arg6[%get3A_39, %get3A_40] : memref<128x16xf32, #tpu.memory_space<vmem>>, vector<128x16xf32>
    %swap3A = arith.constant 0 : index
    %swap3A_42 = arith.constant 0 : index
    %swap3A_43 = vector.load %arg7[%swap3A, %swap3A_42] : memref<1000x144xf32, #tpu.memory_space<vmem>>, vector<1000x128xf32>
    tpu.vector_store %arg7[%swap3A, %swap3A_42], %dot_general3A_38 {strides = array<i32>} : memref<1000x144xf32, #tpu.memory_space<vmem>>, vector<1000x128xf32>,
    %get3A_44 = arith.constant 0 : index
    %get3A_45 = arith.constant 0 : index
    %get3A_46 = vector.load %arg4[%get3A_44, %get3A_45] : memref<1x128xf32, #tpu.memory_space<vmem>>, vector<1x128xf32>
    %mul3A = vector.broadcast %get3A_46 : vector<1x128xf32> to vector<1000x128xf32>
    %mul3A_47 = arith.mulf %dot_general3A_38, %mul3A : vector<1000x128xf32>
    %dot_general3A_48 = arith.constant dense<0.000000e+00> : vector<1000x16xf32>
    %dot_general3A_49 = tpu.matmul %mul3A_47, %get3A_41, %dot_general3A_48 {dimension_numbers = #tpu.dot_dimension_numbers<[1], [0], [0], [1], [0, 0, 1, 1], [], []>, precision = #tpu.contract_precision<fp32>, transpose_lhs_hint = false} : vector<1000x128xf32>, vector<128x16xf32>, vector<1000x16xf32> -> vector<1000x16xf32>
    %swap3A_50 = arith.constant 0 : index
    %swap3A_51 = arith.constant 128 : index
    %swap3A_52 = vector.load %arg7[%swap3A_50, %swap3A_51] : memref<1000x144xf32, #tpu.memory_space<vmem>>, vector<1000x16xf32>
    tpu.vector_store %arg7[%swap3A_50, %swap3A_51], %dot_general3A_49 {strides = array<i32>} : memref<1000x144xf32, #tpu.memory_space<vmem>>, vector<1000x16xf32>,
    %get3A_53 = arith.constant 0 : index
    %get3A_54 = arith.constant 0 : index
    %get3A_55 = vector.load %arg5[%get3A_53, %get3A_54] : memref<1x128xf32, #tpu.memory_space<vmem>>, vector<1x128xf32>
    %mul3A_56 = vector.broadcast %get3A_55 : vector<1x128xf32> to vector<1000x128xf32>
    %mul3A_57 = arith.mulf %dot_general3A_38, %mul3A_56 : vector<1000x128xf32>
    %dot_general3A_58 = arith.constant dense<0.000000e+00> : vector<1000x16xf32>
    %dot_general3A_59 = tpu.matmul %mul3A_57, %get3A_41, %dot_general3A_58 {dimension_numbers = #tpu.dot_dimension_numbers<[1], [0], [0], [1], [0, 0, 1, 1], [], []>, precision = #tpu.contract_precision<fp32>, transpose_lhs_hint = false} : vector<1000x128xf32>, vector<128x16xf32>, vector<1000x16xf32> -> vector<1000x16xf32>
    %swap3A_60 = arith.constant 0 : index
    %swap3A_61 = arith.constant 0 : index
    %swap3A_62 = vector.load %arg8[%swap3A_60, %swap3A_61] : memref<1000x16xf32, #tpu.memory_space<vmem>>, vector<1000x16xf32>
    tpu.vector_store %arg8[%swap3A_60, %swap3A_61], %dot_general3A_59 {strides = array<i32>} : memref<1000x16xf32, #tpu.memory_space<vmem>>, vector<1000x16xf32>,
    return
  }
  func.func @transform_0(%arg0: i32) -> (i32, i32, i32) {
    %c0_i32 = arith.constant 0 : i32
    %c0_i32_0 = arith.constant 0 : i32
    %c0_i32_1 = arith.constant 0 : i32
    return %c0_i32, %arg0, %c0_i32_0 : i32, i32, i32
  }
  func.func @transform_1(%arg0: i32) -> (i32, i32) {
    %c0_i32 = arith.constant 0 : i32
    %c0_i32_0 = arith.constant 0 : i32
    %c0_i32_1 = arith.constant 0 : i32
    return %c0_i32, %c0_i32_0 : i32, i32
  }
  func.func @transform_2(%arg0: i32) -> (i32, i32) {
    %c0_i32 = arith.constant 0 : i32
    %c0_i32_0 = arith.constant 0 : i32
    %c0_i32_1 = arith.constant 0 : i32
    return %c0_i32, %c0_i32_0 : i32, i32
  }
  func.func @transform_3(%arg0: i32) -> (i32, i32) {
    %c0_i32 = arith.constant 0 : i32
    %c0_i32_0 = arith.constant 0 : i32
    %c0_i32_1 = arith.constant 0 : i32
    return %c0_i32, %c0_i32_0 : i32, i32
  }
  func.func @transform_4(%arg0: i32) -> (i32, i32) {
    %c0_i32 = arith.constant 0 : i32
    %c0_i32_0 = arith.constant 0 : i32
    %c0_i32_1 = arith.constant 0 : i32
    return %c0_i32, %c0_i32_0 : i32, i32
  }
  func.func @transform_5(%arg0: i32) -> (i32, i32) {
    %c0_i32 = arith.constant 0 : i32
    %c0_i32_0 = arith.constant 0 : i32
    %c0_i32_1 = arith.constant 0 : i32
    return %c0_i32, %c0_i32_0 : i32, i32
  }
  func.func @transform_6(%arg0: i32) -> (i32, i32) {
    %c0_i32 = arith.constant 0 : i32
    %c0_i32_0 = arith.constant 0 : i32
    return %arg0, %c0_i32 : i32, i32
  }
  func.func @transform_7(%arg0: i32) -> (i32, i32) {
    %c0_i32 = arith.constant 0 : i32
    %c0_i32_0 = arith.constant 0 : i32
    return %arg0, %c0_i32 : i32, i32
  }
}

module attributes {stable_mosaic.version = 14 : i64} {
  func.func @_tc_post_body(%arg0: i32, %arg1: memref<2x1000x144xf32, #tpu.memory_space<vmem>>, %arg2: memref<16x128xf32, #tpu.memory_space<vmem>>, %arg3: memref<128x64xf32, #tpu.memory_space<vmem>>, %arg4: memref<1x64xf32, #tpu.memory_space<vmem>>, %arg5: memref<64x64xf32, #tpu.memory_space<vmem>>, %arg6: memref<1x64xf32, #tpu.memory_space<vmem>>, %arg7: memref<64x2xf32, #tpu.memory_space<vmem>>, %arg8: memref<1x2xf32, #tpu.memory_space<vmem>>, %arg9: memref<1x2xf32, #tpu.memory_space<vmem>>, %arg10: memref<1x128xf32, #tpu.memory_space<vmem>>) attributes {dimension_semantics = [#tpu.dimension_semantics<arbitrary>], iteration_bounds = array<i64: 10>, scalar_prefetch = 0 : i64, scratch_operands = 1 : i64, tpu.core_type = #tpu.core_type<tc>, window_params = [{transform_indices = @transform_0, window_bounds = array<i64: 2, 1000, 144>}, {pipeline_mode = #tpu.pipeline_mode<synchronous>, transform_indices = @transform_1, window_bounds = array<i64: 16, 128>}, {pipeline_mode = #tpu.pipeline_mode<synchronous>, transform_indices = @transform_2, window_bounds = array<i64: 128, 64>}, {pipeline_mode = #tpu.pipeline_mode<synchronous>, transform_indices = @transform_3, window_bounds = array<i64: 1, 64>}, {pipeline_mode = #tpu.pipeline_mode<synchronous>, transform_indices = @transform_4, window_bounds = array<i64: 64, 64>}, {pipeline_mode = #tpu.pipeline_mode<synchronous>, transform_indices = @transform_5, window_bounds = array<i64: 1, 64>}, {pipeline_mode = #tpu.pipeline_mode<synchronous>, transform_indices = @transform_6, window_bounds = array<i64: 64, 2>}, {pipeline_mode = #tpu.pipeline_mode<synchronous>, transform_indices = @transform_7, window_bounds = array<i64: 1, 2>}, {pipeline_mode = #tpu.pipeline_mode<synchronous>, transform_indices = @transform_8, window_bounds = array<i64: 1, 2>}]} {
    %get3A = arith.constant 0 : index
    %get3A_0 = arith.constant 0 : index
    %get3A_1 = arith.constant 0 : index
    %get3A_2 = vector.load %arg1[%get3A, %get3A_0, %get3A_1] : memref<2x1000x144xf32, #tpu.memory_space<vmem>>, vector<1x1000x128xf32>
    %get3A_3 = vector.shape_cast %get3A_2 : vector<1x1000x128xf32> to vector<1000x128xf32>
    %get3A_4 = arith.constant 1 : index
    %get3A_5 = arith.constant 0 : index
    %get3A_6 = arith.constant 0 : index
    %get3A_7 = vector.load %arg1[%get3A_4, %get3A_5, %get3A_6] : memref<2x1000x144xf32, #tpu.memory_space<vmem>>, vector<1x1000x128xf32>
    %get3A_8 = vector.shape_cast %get3A_7 : vector<1x1000x128xf32> to vector<1000x128xf32>
    %add3A = arith.addf %get3A_3, %get3A_8 : vector<1000x128xf32>
    %get3A_9 = arith.constant 0 : index
    %get3A_10 = arith.constant 0 : index
    %get3A_11 = arith.constant 128 : index
    %get3A_12 = vector.load %arg1[%get3A_9, %get3A_10, %get3A_11] : memref<2x1000x144xf32, #tpu.memory_space<vmem>>, vector<1x1000x16xf32>
    %get3A_13 = vector.shape_cast %get3A_12 : vector<1x1000x16xf32> to vector<1000x16xf32>
    %get3A_14 = arith.constant 1 : index
    %get3A_15 = arith.constant 0 : index
    %get3A_16 = arith.constant 128 : index
    %get3A_17 = vector.load %arg1[%get3A_14, %get3A_15, %get3A_16] : memref<2x1000x144xf32, #tpu.memory_space<vmem>>, vector<1x1000x16xf32>
    %get3A_18 = vector.shape_cast %get3A_17 : vector<1x1000x16xf32> to vector<1000x16xf32>
    %add3A_19 = arith.addf %get3A_13, %get3A_18 : vector<1000x16xf32>
    %get3A_20 = arith.constant 0 : index
    %get3A_21 = arith.constant 0 : index
    %get3A_22 = vector.load %arg2[%get3A_20, %get3A_21] : memref<16x128xf32, #tpu.memory_space<vmem>>, vector<16x128xf32>
    %dot_general3A = arith.constant dense<0.000000e+00> : vector<1000x128xf32>
    %dot_general3A_23 = tpu.matmul %add3A_19, %get3A_22, %dot_general3A {dimension_numbers = #tpu.dot_dimension_numbers<[1], [0], [0], [1], [0, 0, 1, 1], [], []>, precision = #tpu.contract_precision<fp32>, transpose_lhs_hint = false} : vector<1000x16xf32>, vector<16x128xf32>, vector<1000x128xf32> -> vector<1000x128xf32>
    %gt3A = arith.constant 0.000000e+00 : f32
    %gt3A_24 = vector.broadcast %gt3A : f32 to vector<1000x128xf32>
    %gt3A_25 = arith.cmpf ogt, %dot_general3A_23, %gt3A_24 : vector<1000x128xf32>
    %div3A = arith.divf %add3A, %dot_general3A_23 : vector<1000x128xf32>
    %jit3A = arith.constant 0.000000e+00 : f32
    %broadcast_in_dim3A = vector.broadcast %jit3A : f32 to vector<1000x128xf32>
    %select_n3A = arith.select %gt3A_25, %div3A, %broadcast_in_dim3A : vector<1000x128xi1>, vector<1000x128xf32>
    %gt3A_26 = arith.constant 0.000000e+00 : f32
    %gt3A_27 = vector.broadcast %gt3A_26 : f32 to vector<1000x128xf32>
    %gt3A_28 = arith.cmpf ogt, %select_n3A, %gt3A_27 : vector<1000x128xf32>
    %min3A = arith.constant 0.000000e+00 : f32
    %min3A_29 = vector.broadcast %min3A : f32 to vector<1000x128xf32>
    %min3A_30 = arith.minimumf %select_n3A, %min3A_29 : vector<1000x128xf32>
    %exp3A = math.exp %min3A_30 : vector<1000x128xf32>
    %sub3A = arith.constant 1.000000e+00 : f32
    %sub3A_31 = vector.broadcast %sub3A : f32 to vector<1000x128xf32>
    %sub3A_32 = arith.subf %exp3A, %sub3A_31 : vector<1000x128xf32>
    %select_n3A_33 = arith.select %gt3A_28, %select_n3A, %sub3A_32 : vector<1000x128xi1>, vector<1000x128xf32>
    %reduce_sum3A = arith.constant dense<0.000000e+00> : vector<128xf32>
    %reduce_sum3A_34 = vector.multi_reduction <add>, %select_n3A_33, %reduce_sum3A [0] : vector<1000x128xf32> to vector<128xf32>
    %broadcast_in_dim3A_35 = vector.shape_cast %reduce_sum3A_34 : vector<128xf32> to vector<1x128xf32>
    %eq3A = arith.constant 0 : i32
    %eq3A_36 = arith.cmpi eq, %arg0, %eq3A : i32
    %convert_element_type3A = arith.extui %eq3A_36 : i1 to i32
    %cond3A = arith.constant 0 : i32
    %cond3A_37 = arith.cmpi ne, %convert_element_type3A, %cond3A : i32
    scf.if %cond3A_37 {
      %swap3A = arith.constant 0 : index
      %swap3A_48 = arith.constant 0 : index
      %swap3A_49 = vector.load %arg10[%swap3A, %swap3A_48] : memref<1x128xf32, #tpu.memory_space<vmem>>, vector<1x128xf32>
      tpu.vector_store %arg10[%swap3A, %swap3A_48], %broadcast_in_dim3A_35 {strides = array<i32>} : memref<1x128xf32, #tpu.memory_space<vmem>>, vector<1x128xf32>,
    } else {
    }
    %gt3A_38 = arith.constant 0 : i32
    %gt3A_39 = arith.cmpi sgt, %arg0, %gt3A_38 : i32
    %convert_element_type3A_40 = arith.extui %gt3A_39 : i1 to i32
    %cond3A_41 = arith.constant 0 : i32
    %cond3A_42 = arith.cmpi ne, %convert_element_type3A_40, %cond3A_41 : i32
    scf.if %cond3A_42 {
      %get3A_48 = arith.constant 0 : index
      %get3A_49 = arith.constant 0 : index
      %get3A_50 = vector.load %arg10[%get3A_48, %get3A_49] : memref<1x128xf32, #tpu.memory_space<vmem>>, vector<1x128xf32>
      %add3A_51 = arith.addf %get3A_50, %broadcast_in_dim3A_35 : vector<1x128xf32>
      %swap3A = arith.constant 0 : index
      %swap3A_52 = arith.constant 0 : index
      %swap3A_53 = vector.load %arg10[%swap3A, %swap3A_52] : memref<1x128xf32, #tpu.memory_space<vmem>>, vector<1x128xf32>
      tpu.vector_store %arg10[%swap3A, %swap3A_52], %add3A_51 {strides = array<i32>} : memref<1x128xf32, #tpu.memory_space<vmem>>, vector<1x128xf32>,
    } else {
    }
    %eq3A_43 = arith.constant 9 : i32
    %eq3A_44 = arith.cmpi eq, %arg0, %eq3A_43 : i32
    %convert_element_type3A_45 = arith.extui %eq3A_44 : i1 to i32
    %cond3A_46 = arith.constant 0 : i32
    %cond3A_47 = arith.cmpi ne, %convert_element_type3A_45, %cond3A_46 : i32
    scf.if %cond3A_47 {
      %get3A_48 = arith.constant 0 : index
      %get3A_49 = arith.constant 0 : index
      %get3A_50 = vector.load %arg10[%get3A_48, %get3A_49] : memref<1x128xf32, #tpu.memory_space<vmem>>, vector<1x128xf32>
      %mul3A = arith.constant 9.99999974E-5 : f32
      %mul3A_51 = vector.broadcast %mul3A : f32 to vector<1x128xf32>
      %mul3A_52 = arith.mulf %get3A_50, %mul3A_51 : vector<1x128xf32>
      %get3A_53 = arith.constant 0 : index
      %get3A_54 = arith.constant 0 : index
      %get3A_55 = vector.load %arg3[%get3A_53, %get3A_54] : memref<128x64xf32, #tpu.memory_space<vmem>>, vector<128x64xf32>
      %dot_general3A_56 = arith.constant dense<0.000000e+00> : vector<1x64xf32>
      %dot_general3A_57 = tpu.matmul %mul3A_52, %get3A_55, %dot_general3A_56 {dimension_numbers = #tpu.dot_dimension_numbers<[1], [0], [0], [1], [0, 0, 1, 1], [], []>, precision = #tpu.contract_precision<fp32>, transpose_lhs_hint = false} : vector<1x128xf32>, vector<128x64xf32>, vector<1x64xf32> -> vector<1x64xf32>
      %get3A_58 = arith.constant 0 : index
      %get3A_59 = arith.constant 0 : index
      %get3A_60 = vector.load %arg4[%get3A_58, %get3A_59] : memref<1x64xf32, #tpu.memory_space<vmem>>, vector<1x64xf32>
      %add3A_61 = arith.addf %dot_general3A_57, %get3A_60 : vector<1x64xf32>
      %max3A = arith.constant 0.000000e+00 : f32
      %max3A_62 = vector.broadcast %max3A : f32 to vector<1x64xf32>
      %max3A_63 = arith.maximumf %add3A_61, %max3A_62 : vector<1x64xf32>
      %get3A_64 = arith.constant 0 : index
      %get3A_65 = arith.constant 0 : index
      %get3A_66 = vector.load %arg5[%get3A_64, %get3A_65] : memref<64x64xf32, #tpu.memory_space<vmem>>, vector<64x64xf32>
      %dot_general3A_67 = arith.constant dense<0.000000e+00> : vector<1x64xf32>
      %dot_general3A_68 = tpu.matmul %max3A_63, %get3A_66, %dot_general3A_67 {dimension_numbers = #tpu.dot_dimension_numbers<[1], [0], [0], [1], [0, 0, 1, 1], [], []>, precision = #tpu.contract_precision<fp32>, transpose_lhs_hint = false} : vector<1x64xf32>, vector<64x64xf32>, vector<1x64xf32> -> vector<1x64xf32>
      %get3A_69 = arith.constant 0 : index
      %get3A_70 = arith.constant 0 : index
      %get3A_71 = vector.load %arg6[%get3A_69, %get3A_70] : memref<1x64xf32, #tpu.memory_space<vmem>>, vector<1x64xf32>
      %add3A_72 = arith.addf %dot_general3A_68, %get3A_71 : vector<1x64xf32>
      %max3A_73 = arith.constant 0.000000e+00 : f32
      %max3A_74 = vector.broadcast %max3A_73 : f32 to vector<1x64xf32>
      %max3A_75 = arith.maximumf %add3A_72, %max3A_74 : vector<1x64xf32>
      %get3A_76 = arith.constant 0 : index
      %get3A_77 = arith.constant 0 : index
      %get3A_78 = vector.load %arg7[%get3A_76, %get3A_77] : memref<64x2xf32, #tpu.memory_space<vmem>>, vector<64x2xf32>
      %dot_general3A_79 = arith.constant dense<0.000000e+00> : vector<1x2xf32>
      %dot_general3A_80 = tpu.matmul %max3A_75, %get3A_78, %dot_general3A_79 {dimension_numbers = #tpu.dot_dimension_numbers<[1], [0], [0], [1], [0, 0, 1, 1], [], []>, precision = #tpu.contract_precision<fp32>, transpose_lhs_hint = false} : vector<1x64xf32>, vector<64x2xf32>, vector<1x2xf32> -> vector<1x2xf32>
      %get3A_81 = arith.constant 0 : index
      %get3A_82 = arith.constant 0 : index
      %get3A_83 = vector.load %arg8[%get3A_81, %get3A_82] : memref<1x2xf32, #tpu.memory_space<vmem>>, vector<1x2xf32>
      %add3A_84 = arith.addf %dot_general3A_80, %get3A_83 : vector<1x2xf32>
      %swap3A = arith.constant 0 : index
      %swap3A_85 = arith.constant 0 : index
      %swap3A_86 = vector.load %arg9[%swap3A, %swap3A_85] : memref<1x2xf32, #tpu.memory_space<vmem>>, vector<1x2xf32>
      tpu.vector_store %arg9[%swap3A, %swap3A_85], %add3A_84 {strides = array<i32>} : memref<1x2xf32, #tpu.memory_space<vmem>>, vector<1x2xf32>,
    } else {
    }
    return
  }
  func.func @transform_0(%arg0: i32) -> (i32, i32, i32) {
    %c0_i32 = arith.constant 0 : i32
    %c0_i32_0 = arith.constant 0 : i32
    %c0_i32_1 = arith.constant 0 : i32
    return %c0_i32, %arg0, %c0_i32_0 : i32, i32, i32
  }
  func.func @transform_1(%arg0: i32) -> (i32, i32) {
    %c0_i32 = arith.constant 0 : i32
    %c0_i32_0 = arith.constant 0 : i32
    %c0_i32_1 = arith.constant 0 : i32
    return %c0_i32, %c0_i32_0 : i32, i32
  }
  func.func @transform_2(%arg0: i32) -> (i32, i32) {
    %c0_i32 = arith.constant 0 : i32
    %c0_i32_0 = arith.constant 0 : i32
    %c0_i32_1 = arith.constant 0 : i32
    return %c0_i32, %c0_i32_0 : i32, i32
  }
  func.func @transform_3(%arg0: i32) -> (i32, i32) {
    %c0_i32 = arith.constant 0 : i32
    %c0_i32_0 = arith.constant 0 : i32
    %c0_i32_1 = arith.constant 0 : i32
    return %c0_i32, %c0_i32_0 : i32, i32
  }
  func.func @transform_4(%arg0: i32) -> (i32, i32) {
    %c0_i32 = arith.constant 0 : i32
    %c0_i32_0 = arith.constant 0 : i32
    %c0_i32_1 = arith.constant 0 : i32
    return %c0_i32, %c0_i32_0 : i32, i32
  }
  func.func @transform_5(%arg0: i32) -> (i32, i32) {
    %c0_i32 = arith.constant 0 : i32
    %c0_i32_0 = arith.constant 0 : i32
    %c0_i32_1 = arith.constant 0 : i32
    return %c0_i32, %c0_i32_0 : i32, i32
  }
  func.func @transform_6(%arg0: i32) -> (i32, i32) {
    %c0_i32 = arith.constant 0 : i32
    %c0_i32_0 = arith.constant 0 : i32
    %c0_i32_1 = arith.constant 0 : i32
    return %c0_i32, %c0_i32_0 : i32, i32
  }
  func.func @transform_7(%arg0: i32) -> (i32, i32) {
    %c0_i32 = arith.constant 0 : i32
    %c0_i32_0 = arith.constant 0 : i32
    %c0_i32_1 = arith.constant 0 : i32
    return %c0_i32, %c0_i32_0 : i32, i32
  }
  func.func @transform_8(%arg0: i32) -> (i32, i32) {
    %c0_i32 = arith.constant 0 : i32
    %c0_i32_0 = arith.constant 0 : i32
    %c0_i32_1 = arith.constant 0 : i32
    return %c0_i32, %c0_i32_0 : i32, i32
  }
}

</mosaic_0001>

<sc_bundles>
// kernel: kernel.10.cloned.1.call-start
scs
__scs_entry_jumppad:
0x0: {  	(pc) =	sbr.rel $0x88, $3  }
0x1: {  	(tag) =	ssettag $0x0;
	lr =	simm.s32 $0x1  }
0x2: {  	[smem:$0x3F93] =	sst lr;
	_ =	strace $0xD0000000  }
0x3: {  	_ = 	snop  }
0x4: {  	_ = 	snop  }
0x5: {  	_ = 	snop  }
0x6: {  	_ = 	snop  }
0x7: {  	_ = 	snop  }
__scs_overlays_trampoline_lowered:
0x8: {  	[smem:$0x3FA2] =	sst s0  }
0x9: {  	[smem:$0x3FA3] =	sst s1  }
0xa: {  	[smem:$0x3FA4] =	sst s2  }
0xb: {  	[smem:$0x3FA5] =	sst s3  }
0xc: {  	[smem:$0x3FA6] =	sst s4  }
0xd: {  	[smem:$0x3FA7] =	sst s5  }
0xe: {  	[smem:$0x3FA8] =	sst s6  }
0xf: {  	[smem:$0x3FA9] =	sst s7  }
0x10: {  	[smem:$0x3FAA] =	sst s8  }
0x11: {  	[smem:$0x3FAB] =	sst s9;
	s0 =	simm.s32 @!p0 $0x0  }
0x12: {  	s1 =	sld [smem:$0x3F91];
	s0 =	simm.s32 @p0 $0x1  }
0x13: {  	[smem:$0x3FAC] =	sst s0;
	s0 =	simm.s32 @!p1 $0x0  }
0x14: {  	s2 =	sld [smem:$0x3F90];
	s0 =	simm.s32 @p1 $0x1  }
0x15: {  	[smem:$0x3FAD] =	sst s0;
	s0 =	simm.s32 @!p2 $0x0  }
0x16: {  	s3 =	sld [smem:$0x3FDB];
	s0 =	simm.s32 @p2 $0x1  }
0x17: {  	s4 =	simm.s32 $0x1BF5;
	[smem:$0x3FAF] =	sst s0  }
0x18: {  	s0 =	sld [smem:$0x3F92];
	_ =	swait.ge [sflag:s4], $0x0  }
0x19: {  	s7 =	sld [smem:$0x3F93]  }
0x1a: {  	s8 =	sadd.s32 $0xFFFFE003, lr  }
0x1b: {  	s9 =	sadd.s32 $0xFFFFFEF7, lr;
	s5 =	simm.s32 $0xFFFFFFFF;
	p2 =	slt.u32 s8, $0xFFFFF086  }
0x1c: {  	p1 =	slt.u32 s9, $0xF7A;
	s5 =	simm.s32 @!p2 $0x0  }
0x1d: {  	s5 =	simm.s32 @p1 $0x1;
	p0 =	seq.s32 s7, s2  }
0x1e: {  	s7 =	smul.u32 @!p0 $0xF7A, s2;
	p2 =	seq.s32 @!p0 s5, $0x0  }
0x1f: {  	s9 =	smul.u32 $0xF7A, s1;
	s8 =	simm.s32 @!p0 $0x1BF5;
	p2 =	por !p2, p0  }
0x20: {  	[sflag:s8] =	ssyncset.s32 @!p0 $0xFFFFF086;
	s6 =	sadd.s32 @!p0 s3, s7;
	s7 =	simm.s32 @!p0 $0x108  }
0x21: {  	s3 =	sadd.s32 s3, s9;
	s6 =	sadd.s32 @!p0 $0x88, s6;
	s7 =	simm.s32 @p2 $0x1082  }
0x22: {  	[simem:s7], [sflag:s8] =	dma.local @!p0 [hbm:s6], $0xF7A  }
0x23: {  	s9 =	sor.u32 $0xD0000000, s2;
	s6 =	simm.s32 $0x108;
	_ =	swait.ge @!p0 [sflag:s8], $0x0  }
0x24: {  	s3 =	sadd.s32 $0x88, s3;
	s6 =	simm.s32 @!p1 $0x1082;
	[sflag:s4] =	ssyncset.s32 $0xFFFFF086  }
0x25: {  	[simem:s6], [sflag:s4] =	dma.local [hbm:s3], $0xF7A  }
0x26: {  	[smem:$0x3F93] =	sst s1;
	(tag) =	ssettag s2;
	_ =	strace s9  }
0x27: {  	s1 =	sld [smem:$0x3FA3]  }
0x28: {  	s2 =	sld [smem:$0x3FA4]  }
0x29: {  	s4 =	sld [smem:$0x3FA6]  }
0x2a: {  	p0 =	seq.s32 s5, $0x0;
	s5 =	sld [smem:$0x3FA7]  }
0x2b: {  	s6 =	sld [smem:$0x3FA8]  }
0x2c: {  	s7 =	sld [smem:$0x3FA9]  }
0x2d: {  	s3 =	simm.s32 $0x108;
	s8 =	sld [smem:$0x3FAA]  }
0x2e: {  	s3 =	simm.s32 @!p0 $0x1082;
	s9 =	sld [smem:$0x3FAB]  }
0x2f: {  	lr =	sadd.s32 s0, s3;
	s0 =	sld [smem:$0x3FA2]  }
0x30: {  	s3 =	sld [smem:$0x3FA5]  }
0x31: {  	[smem:$0x3FAE] =	sst s10  }
0x32: {  	s10 =	sld [smem:$0x3FAC];
	_ =	sdelay $0x3  }
0x33: {  	p0 =	seq.s32 s10, $0x1;
	s10 =	sld [smem:$0x3FAE];
	_ =	sdelay $0x3  }
0x34: {  	[smem:$0x3FAE] =	sst s10  }
0x35: {  	s10 =	sld [smem:$0x3FAD];
	_ =	sdelay $0x3  }
0x36: {  	p1 =	seq.s32 s10, $0x1;
	s10 =	sld [smem:$0x3FAE];
	_ =	sdelay $0x3  }
0x37: {  	[smem:$0x3FAE] =	sst s10  }
0x38: {  	s10 =	sld [smem:$0x3FAF]  }
0x39: {  	_ = 	snop;
	(pc) =	sbr.ind lr, $3  }
0x3a: {  	_ = 	snop  }
0x3b: {  	_ = 	snop  }
0x3c: {  	p2 =	seq.s32 s10, $0x1;
	s10 =	sld [smem:$0x3FAE]  }
0x3d: {  	_ =	shalt  }
0x3e: {  	_ =	shalt  }
0x3f: {  	_ =	shalt  }
0x40: {  	_ =	shalt  }
0x41: {  	_ =	shalt  }
0x42: {  	_ =	shalt  }
0x43: {  	_ =	shalt  }
0x44: {  	_ =	shalt  }
0x45: {  	_ =	shalt  }
0x46: {  	_ =	shalt  }
0x47: {  	_ =	shalt  }
0x48: {  	_ =	shalt  }
0x49: {  	_ =	shalt  }
0x4a: {  	_ =	shalt  }
0x4b: {  	_ =	shalt  }
0x4c: {  	_ =	shalt  }
0x4d: {  	_ =	shalt  }
0x4e: {  	_ =	shalt  }
0x4f: {  	_ =	shalt  }
0x50: {  	_ =	shalt  }
0x51: {  	_ =	shalt  }
0x52: {  	_ =	shalt  }
0x53: {  	_ =	shalt  }
0x54: {  	_ =	shalt  }
0x55: {  	_ =	shalt  }
0x56: {  	_ =	shalt  }
0x57: {  	_ =	shalt  }
0x58: {  	_ =	shalt  }
0x59: {  	_ =	shalt  }
0x5a: {  	_ =	shalt  }
0x5b: {  	_ =	shalt  }
0x5c: {  	_ =	shalt  }
0x5d: {  	_ =	shalt  }
0x5e: {  	_ =	shalt  }
0x5f: {  	_ =	shalt  }
0x60: {  	_ =	shalt  }
0x61: {  	_ =	shalt  }
0x62: {  	_ =	shalt  }
0x63: {  	_ =	shalt  }
0x64: {  	_ =	shalt  }
0x65: {  	_ =	shalt  }
0x66: {  	_ =	shalt  }
0x67: {  	_ =	shalt  }
0x68: {  	_ =	shalt  }
0x69: {  	_ =	shalt  }
0x6a: {  	_ =	shalt  }
0x6b: {  	_ =	shalt  }
0x6c: {  	_ =	shalt  }
0x6d: {  	_ =	shalt  }
0x6e: {  	_ =	shalt  }
0x6f: {  	_ =	shalt  }
0x70: {  	_ =	shalt  }
0x71: {  	_ =	shalt  }
0x72: {  	_ =	shalt  }
0x73: {  	_ =	shalt  }
0x74: {  	_ =	shalt  }
0x75: {  	_ =	shalt  }
0x76: {  	_ =	shalt  }
0x77: {  	_ =	shalt  }
0x78: {  	_ =	shalt  }
0x79: {  	_ =	shalt  }
0x7a: {  	_ =	shalt  }
0x7b: {  	_ =	shalt  }
0x7c: {  	_ =	shalt  }
0x7d: {  	_ =	shalt  }
0x7e: {  	_ =	shalt  }
0x7f: {  	_ =	shalt  }
0x80: {  	_ =	shalt  }
0x81: {  	_ =	shalt  }
0x82: {  	_ =	shalt  }
0x83: {  	_ =	shalt  }
0x84: {  	_ =	shalt  }
0x85: {  	_ =	shalt  }
0x86: {  	_ =	shalt  }
0x87: {  	_ =	shalt  }
.Lfunc_end0:
.L_simem_size_0:
called_computation.1_lowered:
.L_overlay_start_0:
0x88: {  	s2 =	sld [smem:$0x3FD9]  }
0x89: {  	s3 =	sld [smem:$0x3FFE];
	_ =	sdelay $0x1  }
0x8a: {  	s1 =	srdreg.scid  }
0x8b: {  	s0 =	sand.u32 $0x1, s1  }
0x8c: {  	s16 =	sshll.u32 s0, $0xA;
	s2 =	sadd.s32 s3, s2  }
0x8d: {  	s2 =	sadd.s32 s2, s16  }
0x8e: {  	[smem:$0x3FBA] =	sst s2  }
0x8f: {  	_ = 	snop  }
0x90: {  	(tm) =	ssettm $0x1  }
0x91: {  	s17 =	sld [smem:$0x3FFB];
	_ =	sdelay $0x3  }
0x92: {  	_ =	strace s17  }
0x93: {  	s2 =	sld [smem:$0x3FFC];
	_ =	sdelay $0x3  }
0x94: {  	_ =	strace s2  }
0x95: {  	s2 =	sld [smem:$0x3FFD];
	_ =	sdelay $0x3  }
0x96: {  	_ =	strace s2  }
0x97: {  	_ =	strace $0x8FFFFFFF  }
0x98: {  	s18 =	sld [smem:$0x3FDB];
	_ =	sdelay $0x1  }
0x99: {  	s19 =	simm.s32 $_scs_section_size  }
0x9a: {  	s4 =	simm.s32 $_size__tile_overlayer_lowered;
	s5 =	simm.s32 $_tile_overlayer_lowered  }
0x9b: {  	s22 =	simm.s32 $0x1BFF;
	s21 =	sshll.u32 s5, $0x1;
	s2 =	sadd.s32 s19, s18  }
0x9c: {  	s6 =	simm.s32 $0x0;
	s20 =	sshll.u32 s4, $0x1;
	s4 =	sadd.s32 s21, s2  }
0x9d: {  	[timem:s6], [sflag:s22] =	dma.local [hbm:s4], s20  }
0x9e: {  	_ =	swait.ge [sflag:s22], s20  }
0x9f: {  	s3 =	ssub.s32 $0x0, s20;
	[sflag:s22] =	ssyncset.done $0x0  }
0xa0: {  	[sflag:s22] =	ssyncadd.s32 s3;
	_ =	sdelay $0x1  }
0xa1: {  	s23 =	simm.s32 $0x1B8B  }
0xa2: {  	_ =	swait.ge [sflag:s23], $0x1  }
0xa3: {  	[sflag:s23] =	ssyncset.done $0x0  }
0xa4: {  	s25 =	simm.s32 $0x1B8E;
	s24 =	sld [smem:$0x3FFE];
	[sflag:s23] =	ssyncadd.s32 $0xFFFFFFFF  }
0xa5: {  	s26 =	simm.s32 $execute0_lowered;
	[smem:$0x3FD2] =	sst s25  }
0xa6: {  	s4 =	sshll.u32 s26, $0x1;
	_ =	strace $0x80000049;
	[dreg:$0x1] =	wrdreg $0xFFFFFFFF  }
0xa7: {  	s28 =	simm.s32 $_size_execute0_lowered;
	s2 =	sadd.s32 s2, s4;
	[dreg:$0x0] =	wrdreg $0x0  }
0xa8: {  	s4 =	sshll.u32 s28, $0x1;
	[dreg:$0x2] =	wrdreg s2  }
0xa9: {  	[dreg:$0x3] =	wrdreg s4  }
0xaa: {  	[dreg:$0x4] =	wrdreg $0xC0  }
0xab: {  	_ =	task [dreg:s6], $0x5FFFF  }
0xac: {  	[dreg:$0x1] =	wrdreg $0xFFFFFFFF  }
0xad: {  	[dreg:$0x0] =	wrdreg $0x60  }
0xae: {  	[dreg:$0x2] =	wrdreg s24  }
0xaf: {  	[dreg:$0x3] =	wrdreg $0x65E00  }
0xb0: {  	[dreg:$0x4] =	wrdreg $0x9  }
0xb1: {  	_ =	task.clear_ibuf [dreg:s6], $0x5FFFF;
	_ =	strace $0x90000049  }
0xb2: {  	s29 =	simm.s32 $0x9;
	_ =	strace $0x8000004B  }
0xb3: {  	_ =	swait.ge [sflag:s29], $0x1  }
0xb4: {  	[sflag:s29] =	ssyncadd.s32 $0xFFFFFFFF  }
0xb5: {  	_ =	strace $0x9000004B  }
0xb6: {  	_ =	sfence  }
0xb7: {  	s30 =	sld [smem:$0x0];
	_ =	sdelay $0x2  }
0xb8: {  	s31 =	sshll.u32 s1, $0xD;
	s1 =	sshrl.u32 s1, $0x2  }
0xb9: {  	s3 =	sand.u32 $0x4000, s31;
	s1 =	sadd.s32 s1, s30  }
0xba: {  	s0 =	sor.u32 s3, s0;
	s1 =	sshll.u32 s1, $0x11  }
0xbb: {  	s0 =	sor.u32 s1, s0  }
0xbc: {  	s0 =	sadd.s32 $0x8F2B, s0  }
0xbd: {  	[sflag:s0] =	ssyncadd.remote.s32 $0x1  }
0xbe: {  	_ =	sfence.sel $0xFFFF  }
0xbf: {  	[dreg:$0x0] =	wrdreg $0xFFFFFFFF;
	(pc) =	sbr.abs _section_cstart, $3  }
0xc0: {  	[dreg:$0x1] =	wrdreg $0xFFFFFFFF  }
0xc1: {  	_ =	task.clear_ibuf [dreg:s6], $0x2FFFF;
	_ =	strace $0x9FFFFFFF  }
0xc2: {  	(tm) =	ssettm $0x7FFFFFFF  }
0xc3: {  	_ =	shalt  }
tec
execute0_lowered:
.L_overlay_start_1:
0x0: {  	(tag) =	ssettag $0x1  }
0x1: {  	s0 =	rddreg [dreg:$0x0]  }
0x2: {  	s1 =	rddreg [dreg:$0x1];
	s2 =	simm.s32 $0x0  }
0x3: {  	s3 =	srdreg.scid;
	s14 =	stileid.u32;
	s28 =	simm.s32 $0x50  }
0x4: {  	s29 =	simm.s32 $0x1E0;
	s30 =	simm.s32 $0x5BE0;
	s31 =	simm.s32 $0xA0  }
0x5: {  	[smem:$0x7FF] =	sst s2;
	s3 =	sand.u32 $0x1, s3;
	s11 =	smul.u32 $0x57C00, s14  }
0x6: {  	s4 =	sadd.s32 $0xC200, s0;
	s5 =	sadd.s32 $0x2400, s0;
	s13 =	smul.u32 $0x15F00, s14  }
0x7: {  	p0 =	sne.s32 s14, $0xF;
	_ =	strace $0x8000004A;
	s6 =	sshll.u32 s3, $0x4  }
0x8: {  	s8 =	ssub.s32 $0x2, s3;
	s3 =	smul.u32 $0x15F900, s3;
	s7 =	sor.u32 s14, s6  }
0x9: {  	s6 =	sadd.s32 $0x16000, s0;
	s10 =	sshrl.u32 s8, $0x1;
	s9 =	smul.u32 $0x2710, s7  }
0xa: {  	s16 =	sshrl.u32 s11, $0x2;
	s21 =	sadd.s32 s13, s1;
	s11 =	simm.s32 $0x6  }
0xb: {  	s14 =	simm.s32 $0x140;
	s7 =	sadd.s32 $0x42000, s0;
	s25 =	sshrl.u32 s9, $0x3  }
0xc: {  	s8 =	ssub.s32 s8, s10;
	[dreg:$0xe] =	wrdreg s21;
	s12 =	sadd.s32 s4, s25  }
0xd: {  	s26 =	sadd.s32 $0xA, s25;
	s10 =	sadd.s32 s5, s25;
	[dreg:$0x3] =	wrdreg s12  }
0xe: {  	s0 =	sadd.s32 $0x47000, s0;
	[dreg:$0x4] =	wrdreg s10;
	s15 =	sadd.s32 s4, s26  }
0xf: {  	s25 =	sadd.s32 s13, s3;
	s17 =	sadd.s32 s5, s26;
	[dreg:$0x5] =	wrdreg s15  }
0x10: {  	s10 =	sadd.s32 s16, s1;
	s26 =	smax.u32 s8, $0x1;
	[dreg:$0x6] =	wrdreg s17  }
0x11: {  	s3 =	sshrl.u32 s3, $0x3;
	s18 =	sadd.s32 $0x2D00, s10;
	[dreg:$0x11] =	wrdreg s26  }
0x12: {  	s13 =	simm.s32 $0x60E0;
	s19 =	sadd.s32 $0x5A00, s10;
	[dreg:$0x7] =	wrdreg s18  }
0x13: {  	s8 =	simm.s32 $0x190;
	s20 =	sadd.s32 $0x8700, s10;
	[dreg:$0x8] =	wrdreg s19  }
0x14: {  	s16 =	simm.s32 $0x3;
	s22 =	sadd.s32 $0xB400, s10;
	[dreg:$0x9] =	wrdreg s20  }
0x15: {  	s23 =	sadd.s32 $0xE100, s10;
	s24 =	sadd.s32 $0x10E00, s10;
	[dreg:$0xa] =	wrdreg s22  }
0x16: {  	s10 =	sadd.s32 $0x13B00, s10;
	s26 =	simm.s32 $0x7;
	[dreg:$0xb] =	wrdreg s23  }
0x17: {  	s15 =	simm.s32 $0x2;
	s17 =	simm.s32 $0x5;
	[dreg:$0xc] =	wrdreg s24  }
0x18: {  	[dreg:$0xd] =	wrdreg s10;
	s24 =	sadd.s32 $0x15F000, s1;
	s10 =	sshrl.u32 s25, $0x3  }
0x19: {  	s22 =	sadd.s32 $0xA0, s9;
	s23 =	sadd.s32 $0xF0, s9;
	s9 =	simm.s32 $0x1  }
0x1a: {  	s18 =	simm.s32 $0x0;
	s10 =	sadd.s32 s0, s10;
	s0 =	sadd.s32 s0, s3  }
0x1b: {  	s3 =	simm.s32 $0x2EE0;
	[dreg:$0xf] =	wrdreg s10;
	s0 =	sadd.s32 $0x2BE00, s0  }
0x1c: {  	v0 =	vimm.f32 $0.0e+00;
	s10 =	simm.s32 $0x4;
	[dreg:$0x10] =	wrdreg s0;
	s0 =	simm.s32 $0xF0  }
.LBB2_1:
0x1d: {  	s12 =	rddreg [dreg:$0x3]  }
0x1e: {  	[tilespmem:s2], [sflag:$0x7] =	stream.linear.gather [hbm4b:s12+s2], $0x50, $0x38;
	[tilespmem:$0x1C570] =	vst v63  }
0x1f: {  	_ =	swait.ge [sflag:s26], $0x50  }
0x20: {  	[sflag:s26] =	ssyncset.done $0x0  }
0x21: {  	s19 =	rddreg [dreg:$0x4];
	[sflag:s26] =	ssyncadd.s32 $0xFFFFFFB0  }
0x22: {  	[tilespmem:s28], [sflag:$0x7] =	stream.linear.gather [hbm4b:s19+s2], $0x50, $0x38;
	[tilespmem:$0x1C570] =	vst v63  }
0x23: {  	_ =	swait.ge [sflag:s26], $0x50  }
0x24: {  	[sflag:s26] =	ssyncset.done $0x0  }
0x25: {  	[sflag:s26] =	ssyncadd.s32 $0xFFFFFFB0  }
0x26: {  	[tilespmem:s29], [sflag:$0x1] =	stream.indirect.gather [hbm4b:s6+s28], $0x90, s2, s28, $0xb8;
	[tilespmem:$0x1C570] =	vst v63  }
0x27: {  	_ = 	snop  }
0x28: {  	[tilespmem:s30], [sflag:$0x1] =	stream.indirect.gather [hbm4b:s7+s28], $0x10, s28, s28, $0xb8;
	[tilespmem:$0x1C570] =	vst v63  }
0x29: {  	s20 =	rddreg [dreg:$0x5]  }
0x2a: {  	[tilespmem:s31], [sflag:$0x4] =	stream.linear.gather [hbm4b:s20+s2], $0x50, $0x38;
	[tilespmem:$0x1C570] =	vst v63  }
0x2b: {  	s12 =	simm.s32 $0x3000;
	s25 =	rddreg [dreg:$0x6]  }
0x2c: {  	[tilespmem:s0], [sflag:$0x4] =	stream.linear.gather [hbm4b:s25+s2], $0x50, $0x38;
	[tilespmem:$0x1C570] =	vst v63  }
0x2d: {  	[tilespmem:s12+$0xFFFFFEE0] =	vst v0  }
0x2e: {  	[tilespmem:s12+$0x110] =	vst v0  }
0x2f: {  	[tilespmem:s12+$0x100] =	vst v0  }
0x30: {  	[tilespmem:s12+$0xF0] =	vst v0  }
0x31: {  	[tilespmem:s12+$0xE0] =	vst v0  }
0x32: {  	[tilespmem:s12+$0xD0] =	vst v0  }
0x33: {  	[tilespmem:s12+$0xC0] =	vst v0  }
0x34: {  	[tilespmem:s12+$0xB0] =	vst v0  }
0x35: {  	[tilespmem:s12+$0xA0] =	vst v0  }
0x36: {  	[tilespmem:s12+$0x90] =	vst v0  }
0x37: {  	[tilespmem:s12+$0x80] =	vst v0  }
0x38: {  	[tilespmem:s12+$0x70] =	vst v0  }
0x39: {  	[tilespmem:s12+$0x60] =	vst v0  }
0x3a: {  	[tilespmem:s12+$0x50] =	vst v0  }
0x3b: {  	[tilespmem:s12+$0x40] =	vst v0  }
0x3c: {  	[tilespmem:s12+$0x30] =	vst v0  }
0x3d: {  	[tilespmem:s12+$0x20] =	vst v0  }
0x3e: {  	[tilespmem:s12+$0x10] =	vst v0  }
0x3f: {  	[tilespmem:s12+$0x0] =	vst v0  }
0x40: {  	[tilespmem:s12+$0xFFFFFFF0] =	vst v0  }
0x41: {  	[tilespmem:s12+$0xFFFFFFE0] =	vst v0  }
0x42: {  	[tilespmem:s12+$0xFFFFFFD0] =	vst v0  }
0x43: {  	[tilespmem:s12+$0xFFFFFFC0] =	vst v0  }
0x44: {  	[tilespmem:s12+$0xFFFFFFB0] =	vst v0  }
0x45: {  	[tilespmem:s12+$0xFFFFFFA0] =	vst v0  }
0x46: {  	[tilespmem:s12+$0xFFFFFF90] =	vst v0  }
0x47: {  	[tilespmem:s12+$0xFFFFFF80] =	vst v0  }
0x48: {  	[tilespmem:s12+$0xFFFFFF70] =	vst v0  }
0x49: {  	[tilespmem:s12+$0xFFFFFF60] =	vst v0  }
0x4a: {  	[tilespmem:s12+$0xFFFFFF50] =	vst v0  }
0x4b: {  	[tilespmem:s12+$0xFFFFFF40] =	vst v0  }
0x4c: {  	[tilespmem:s12+$0xFFFFFF30] =	vst v0  }
0x4d: {  	[tilespmem:s12+$0xFFFFFF20] =	vst v0  }
0x4e: {  	[tilespmem:s12+$0xFFFFFF10] =	vst v0  }
0x4f: {  	s19 =	simm.s32 $0x0;
	[tilespmem:s12+$0xFFFFFF00] =	vst v0  }
.LBB2_2:
0x50: {  	s19 =	sadd.s32 $0x4, s19;
	[tilespmem:s12+$0xFFFFFEF0] =	vst v0;
	s12 =	sadd.s32 $0x240, s12  }
0x51: {  	[tilespmem:s12+$0xFFFFFEE0] =	vst v0;
	p1 =	slt.u32 s19, $0x4C  }
0x52: {  	[tilespmem:s12+$0x110] =	vst v0  }
0x53: {  	[tilespmem:s12+$0x100] =	vst v0  }
0x54: {  	[tilespmem:s12+$0xF0] =	vst v0  }
0x55: {  	[tilespmem:s12+$0xE0] =	vst v0  }
0x56: {  	[tilespmem:s12+$0xD0] =	vst v0  }
0x57: {  	[tilespmem:s12+$0xC0] =	vst v0  }
0x58: {  	[tilespmem:s12+$0xB0] =	vst v0  }
0x59: {  	[tilespmem:s12+$0xA0] =	vst v0  }
0x5a: {  	[tilespmem:s12+$0x90] =	vst v0  }
0x5b: {  	[tilespmem:s12+$0x80] =	vst v0  }
0x5c: {  	[tilespmem:s12+$0x70] =	vst v0  }
0x5d: {  	[tilespmem:s12+$0x60] =	vst v0  }
0x5e: {  	[tilespmem:s12+$0x50] =	vst v0  }
0x5f: {  	[tilespmem:s12+$0x40] =	vst v0  }
0x60: {  	[tilespmem:s12+$0x30] =	vst v0  }
0x61: {  	[tilespmem:s12+$0x20] =	vst v0  }
0x62: {  	[tilespmem:s12+$0x10] =	vst v0  }
0x63: {  	[tilespmem:s12+$0x0] =	vst v0  }
0x64: {  	[tilespmem:s12+$0xFFFFFFF0] =	vst v0  }
0x65: {  	[tilespmem:s12+$0xFFFFFFE0] =	vst v0  }
0x66: {  	[tilespmem:s12+$0xFFFFFFD0] =	vst v0  }
0x67: {  	[tilespmem:s12+$0xFFFFFFC0] =	vst v0  }
0x68: {  	[tilespmem:s12+$0xFFFFFFB0] =	vst v0  }
0x69: {  	[tilespmem:s12+$0xFFFFFFA0] =	vst v0  }
0x6a: {  	[tilespmem:s12+$0xFFFFFF90] =	vst v0  }
0x6b: {  	[tilespmem:s12+$0xFFFFFF80] =	vst v0  }
0x6c: {  	[tilespmem:s12+$0xFFFFFF70] =	vst v0  }
0x6d: {  	[tilespmem:s12+$0xFFFFFF60] =	vst v0  }
0x6e: {  	[tilespmem:s12+$0xFFFFFF50] =	vst v0  }
.Ltmp0:
0x6f: {  	[tilespmem:s12+$0xFFFFFF40] =	vst v0;
	(pc) =	sbr.rel @p1 .LBB2_2-.Ltmp0, $4  }
0x70: {  	[tilespmem:s12+$0xFFFFFF30] =	vst v0  }
0x71: {  	[tilespmem:s12+$0xFFFFFF20] =	vst v0  }
0x72: {  	[tilespmem:s12+$0xFFFFFF10] =	vst v0  }
0x73: {  	[tilespmem:s12+$0xFFFFFF00] =	vst v0  }
0x74: {  	[tilespmem:s12+$0xFFFFFEF0] =	vst v0  }
0x75: {  	[spmem:s21] =	stream.linear.scatter [tilespmem:s3], [sflag:$0x7], $0x2D00, $0x38;
	[tilespmem:$0x1C570] =	vst v63  }
0x76: {  	_ =	swait.ge [sflag:s26], $0x2D00  }
0x77: {  	[sflag:s26] =	ssyncset.done $0x0  }
0x78: {  	s20 =	rddreg [dreg:$0x7];
	[sflag:s26] =	ssyncadd.s32 $0xFFFFD300  }
0x79: {  	[spmem:s20] =	stream.linear.scatter [tilespmem:s3], [sflag:$0x7], $0x2D00, $0x38;
	[tilespmem:$0x1C570] =	vst v63  }
0x7a: {  	_ =	swait.ge [sflag:s26], $0x2D00  }
0x7b: {  	[sflag:s26] =	ssyncset.done $0x0  }
0x7c: {  	s21 =	rddreg [dreg:$0x8];
	[sflag:s26] =	ssyncadd.s32 $0xFFFFD300  }
0x7d: {  	[spmem:s21] =	stream.linear.scatter [tilespmem:s3], [sflag:$0x7], $0x2D00, $0x38;
	[tilespmem:$0x1C570] =	vst v63  }
0x7e: {  	_ =	swait.ge [sflag:s26], $0x2D00  }
0x7f: {  	[sflag:s26] =	ssyncset.done $0x0  }
0x80: {  	s25 =	rddreg [dreg:$0x9];
	[sflag:s26] =	ssyncadd.s32 $0xFFFFD300  }
0x81: {  	[spmem:s25] =	stream.linear.scatter [tilespmem:s3], [sflag:$0x7], $0x2D00, $0x38;
	[tilespmem:$0x1C570] =	vst v63  }
0x82: {  	_ =	swait.ge [sflag:s26], $0x2D00  }
0x83: {  	[sflag:s26] =	ssyncset.done $0x0  }
0x84: {  	s19 =	rddreg [dreg:$0xa];
	[sflag:s26] =	ssyncadd.s32 $0xFFFFD300  }
0x85: {  	[spmem:s19] =	stream.linear.scatter [tilespmem:s3], [sflag:$0x7], $0x2D00, $0x38;
	[tilespmem:$0x1C570] =	vst v63  }
0x86: {  	_ =	swait.ge [sflag:s26], $0x2D00  }
0x87: {  	[sflag:s26] =	ssyncset.done $0x0  }
0x88: {  	s20 =	rddreg [dreg:$0xb];
	[sflag:s26] =	ssyncadd.s32 $0xFFFFD300  }
0x89: {  	[spmem:s20] =	stream.linear.scatter [tilespmem:s3], [sflag:$0x7], $0x2D00, $0x38;
	[tilespmem:$0x1C570] =	vst v63  }
0x8a: {  	_ =	swait.ge [sflag:s26], $0x2D00  }
0x8b: {  	[sflag:s26] =	ssyncset.done $0x0  }
0x8c: {  	s21 =	rddreg [dreg:$0xc];
	[sflag:s26] =	ssyncadd.s32 $0xFFFFD300  }
0x8d: {  	[spmem:s21] =	stream.linear.scatter [tilespmem:s3], [sflag:$0x7], $0x2D00, $0x38;
	[tilespmem:$0x1C570] =	vst v63  }
0x8e: {  	_ =	swait.ge [sflag:s26], $0x2D00  }
0x8f: {  	[sflag:s26] =	ssyncset.done $0x0  }
0x90: {  	s25 =	rddreg [dreg:$0xd];
	[sflag:s26] =	ssyncadd.s32 $0xFFFFD300  }
0x91: {  	[spmem:s25] =	stream.linear.scatter [tilespmem:s3], [sflag:$0x7], $0x2400, $0x38;
	[tilespmem:$0x1C570] =	vst v63  }
0x92: {  	_ =	swait.ge [sflag:s26], $0x2400  }
0x93: {  	[sflag:s26] =	ssyncset.done $0x0  }
0x94: {  	s12 =	simm.s32 @!p0 $0x2EE0;
	[sflag:s26] =	ssyncadd.s32 $0xFFFFDC00  }
0x95: {  	[spmem:s24] =	stream.linear.scatter @!p0 [tilespmem:s12], [sflag:$0x7], $0x900, $0x38;
	[tilespmem:$0x1C570] =	vst v63  }
0x96: {  	s12 =	simm.s32 @!p0 $0x7  }
0x97: {  	_ =	swait.ge @!p0 [sflag:s12], $0x900  }
0x98: {  	[sflag:s12] =	ssyncset.done @!p0 $0x0  }
0x99: {  	[sflag:s12] =	ssyncadd.s32 @!p0 $0xFFFFF700  }
0x9a: {  	[bflag:$0x0] =	sbarrier.arrive $0xFFFF  }
0x9b: {  	v1 =	vld [tilespmem:$0x50]  }
0x9c: {  	v2 =	vld [tilespmem:$0x60]  }
0x9d: {  	v3 =	vld [tilespmem:$0x70]  }
0x9e: {  	v4 =	vld [tilespmem:$0x80]  }
0x9f: {  	v5 =	vld [tilespmem:$0x90]  }
0xa0: {  	[tilespmem:$0x190] =	vst v1  }
0xa1: {  	[tilespmem:$0x1A0] =	vst v2  }
0xa2: {  	[tilespmem:$0x1B0] =	vst v3  }
0xa3: {  	[tilespmem:$0x1C0] =	vst v4  }
0xa4: {  	s19 =	simm.s32 $0x0;
	s20 =	smov.u32 s24;
	[tilespmem:$0x1D0] =	vst v5  }
0xa5: {  	[spmem:s1] =	stream.indirect.scatter.add.f32 [tilespmem:s3], [sflag:$0x6], $0x90, s8, s28, $0xb8;
	[tilespmem:$0x1C570] =	vst v63  }
.LBB2_4:
0xa6: {  	_ =	swait.ge [sflag:s9], $0x2D00  }
0xa7: {  	[sflag:s9] =	ssyncset.done $0x0  }
0xa8: {  	[sflag:s9] =	ssyncadd.s32 $0xFFFFD300  }
0xa9: {  	_ =	swait.ge [sflag:s9], $0x500  }
0xaa: {  	[sflag:s9] =	ssyncset.done $0x0  }
0xab: {  	[sflag:s9] =	ssyncadd.s32 $0xFFFFFB00  }
0xac: {  	_ =	swait.ge [sflag:s10], $0x50  }
0xad: {  	[sflag:s10] =	ssyncset.done $0x0  }
0xae: {  	[sflag:s10] =	ssyncadd.s32 $0xFFFFFFB0  }
0xaf: {  	_ =	swait.ge [sflag:s10], $0x50  }
0xb0: {  	[sflag:s10] =	ssyncset.done $0x0  }
0xb1: {  	[sflag:s10] =	ssyncadd.s32 $0xFFFFFFB0  }
0xb2: {  	_ =	swait.ge [sflag:s11], $0x2D00  }
0xb3: {  	[sflag:s11] =	ssyncset.done $0x0  }
0xb4: {  	[sflag:s11] =	ssyncadd.s32 $0xFFFFD300  }
0xb5: {  	[tilespmem:s3], [sflag:$0x2] =	stream.indirect.gather [hbm4b:s6+s28], $0x90, s31, s28, $0xb8;
	[tilespmem:$0x1C570] =	vst v63  }
0xb6: {  	s21 =	simm.s32 $0x300  }
0xb7: {  	[tilespmem:s13], [sflag:$0x2] =	stream.indirect.gather [hbm4b:s7+s28], $0x10, s0, s28, $0xb8;
	[tilespmem:$0x1C570] =	vst v63  }
0xb8: {  	s24 =	simm.s32 $0x5C00;
	v1 =	vld [tilespmem:s21+$0x110]  }
0xb9: {  	v2 =	vld [tilespmem:s24+$0x10]  }
0xba: {  	v3 =	vld [tilespmem:s24+$0xFFFFFFE0]  }
0xbb: {  	v4 =	vld [tilespmem:s21+$0xFFFFFFF0]  }
0xbc: {  	v6 =	vld [tilespmem:s24+$0xFFFFFFF0]  }
0xbd: {  	v8 =	vld [tilespmem:s21+$0x80]  }
0xbe: {  	v9 =	vld [tilespmem:s24+$0x0];
	v1 =	vadd.f32 v2, v1  }
0xbf: {  	v35 =	vld [tilespmem:s21+$0xFFFFFEE0]  }
0xc0: {  	v5 =	vld [tilespmem:s21+$0xFFFFFEF0];
	v7 =	vmul.f32 $2.000000030e-01, v1  }
0xc1: {  	v2 =	vld [tilespmem:s21+$0xFFFFFF60]  }
0xc2: {  	v11 =	vld [tilespmem:s21+$0xFFFFFF50];
	v4 =	vadd.f32 v6, v4;
	v1 =	vmax.f32 v1, v7  }
0xc3: {  	v13 =	vld [tilespmem:s21+$0xFFFFFF80];
	v1 =	vmul.f32 $1.442695020e+00, v1  }
0xc4: {  	v14 =	vld [tilespmem:s21+$0xFFFFFF90];
	v10 =	vmul.f32 $2.000000030e-01, v4  }
0xc5: {  	v15 =	vld [tilespmem:s21+$0xFFFFFFA0];
	(erf) = vpow2.f32 v1  }
0xc6: {  	v21 =	vld [tilespmem:s21+$0x100];
	v12 =	vadd.f32 v9, v8;
	v2 =	vadd.f32 v3, v2;
	v3 =	vmax.f32 v4, v10  }
0xc7: {  	v17 =	vld [tilespmem:s21+$0xFFFFFFB0];
	v3 =	vmul.f32 $1.442695020e+00, v3  }
0xc8: {  	v16 =	vld [tilespmem:s21+$0xFFFFFFC0];
	v4 =	vmul.f32 $2.000000030e-01, v12  }
0xc9: {  	v18 =	vld [tilespmem:s21+$0xFFFFFFD0];
	v1 =	vmul.f32 $2.000000030e-01, v2;
	(erf) = vpow2.f32 v3  }
0xca: {  	v19 =	vld [tilespmem:s21+$0xFFFFFFE0];
	v4 =	vmax.f32 v12, v4  }
0xcb: {  	v20 =	vld [tilespmem:s21+$0x0];
	v1 =	vmax.f32 v2, v1;
	v2 =	vmul.f32 $1.442695020e+00, v4  }
0xcc: {  	v25 =	vld [tilespmem:s21+$0x30];
	v1 =	vmul.f32 $1.442695020e+00, v1  }
0xcd: {  	v26 =	vld [tilespmem:s21+$0x40];
	(erf) = vpow2.f32 v2  }
0xce: {  	v33 =	vld [tilespmem:s21+$0x50];
	(erf) = vpow2.f32 v1;
	v36 =	vpop (erf)  }
0xcf: {  	v29 =	vld [tilespmem:s21+$0x60];
	v3 =	vbroadcast v36, $0x0;
	v22 =	vbroadcast v36, $0x7  }
0xd0: {  	v27 =	vld [tilespmem:s21+$0xA0];
	v4 =	vbroadcast v36, $0x1;
	v2 =	vbroadcast v36, $0x2  }
0xd1: {  	v24 =	vld [tilespmem:s21+$0xB0];
	v1 =	vbroadcast v36, $0x3;
	v34 =	vbroadcast v36, $0x4  }
0xd2: {  	v37 =	vld [tilespmem:s21+$0x70];
	v31 =	vpop (erf);
	[tilespmem:s21+$0x110] =	vst v36;
	v32 =	vbroadcast v36, $0x5;
	v36 =	vbroadcast v36, $0x6  }
0xd3: {  	v28 =	vld [tilespmem:s21+$0xC0];
	v43 =	vbroadcast v31, $0x0;
	v40 =	vbroadcast v31, $0x1  }
0xd4: {  	v6 =	vld [tilespmem:s21+$0xFFFFFF00];
	v42 =	vbroadcast v31, $0x2;
	v38 =	vbroadcast v31, $0x3  }
0xd5: {  	v9 =	vld [tilespmem:s21+$0xFFFFFF20];
	v44 =	vbroadcast v31, $0x4;
	v39 =	vbroadcast v31, $0x5  }
0xd6: {  	v8 =	vld [tilespmem:s21+$0xFFFFFF30];
	v54 =	vbroadcast v31, $0x6;
	v52 =	vbroadcast v31, $0x7;
	v41 =	vpop (erf)  }
0xd7: {  	v7 =	vld [tilespmem:s21+$0xFFFFFF10];
	v23 =	vmul.f32 v21, v22;
	v53 =	vbroadcast v41, $0x0  }
0xd8: {  	v10 =	vld [tilespmem:s21+$0xFFFFFF40];
	v50 =	vbroadcast v41, $0x1;
	v51 =	vbroadcast v41, $0x2  }
0xd9: {  	v12 =	vld [tilespmem:s21+$0xFFFFFF70];
	v49 =	vbroadcast v41, $0x3;
	v48 =	vbroadcast v41, $0x4  }
0xda: {  	[tilespmem:s21+$0xFFFFFFF0] =	vst v31;
	v31 =	vld [tilespmem:s21+$0xE0];
	v30 =	vpop (erf);
	v47 =	vbroadcast v41, $0x5;
	v46 =	vbroadcast v41, $0x6  }
0xdb: {  	v21 =	vld [tilespmem:s21+$0x10];
	v62 =	vbroadcast v30, $0x0;
	v58 =	vbroadcast v30, $0x1  }
0xdc: {  	v22 =	vld [tilespmem:s21+$0x20];
	v61 =	vbroadcast v30, $0x2;
	v57 =	vbroadcast v30, $0x3  }
0xdd: {  	[tilespmem:s21+$0x100] =	vst v23;
	v23 =	vld [tilespmem:s21+$0x90];
	v60 =	vbroadcast v30, $0x4;
	v56 =	vbroadcast v30, $0x5  }
0xde: {  	v59 =	vbroadcast v30, $0x6;
	v55 =	vbroadcast v30, $0x7;
	[tilespmem:s21+$0xFFFFFF60] =	vst v30;
	v30 =	vld [tilespmem:s21+$0xD0]  }
0xdf: {  	s25 =	simm.s32 $0x0;
	s12 =	simm.s32 $0x540;
	v45 =	vbroadcast v41, $0x7;
	[tilespmem:s21+$0x80] =	vst v41;
	v41 =	vmul.f32 v62, v35;
	v35 =	vld [tilespmem:s21+$0xF0]  }
.LBB2_5:
0xe0: {  	v62 =	vld [tilespmem:s12+$0x110];
	v5 =	vmul.f32 v58, v5;
	v6 =	vmul.f32 v61, v6;
	s24 =	sadd.s32 $0x40, s24  }
0xe1: {  	s25 =	sadd.s32 $0x4, s25;
	v7 =	vmul.f32 v7, v57;
	v9 =	vmul.f32 v9, v60;
	v58 =	vld [tilespmem:s24+$0x10];
	[tilespmem:s21+$0xFFFFFEE0] =	vst v41  }
0xe2: {  	p1 =	slt.u32 s25, $0x4C;
	v57 =	vld [tilespmem:s24+$0xFFFFFFE0];
	[tilespmem:s21+$0xFFFFFEF0] =	vst v5;
	v5 =	vmul.f32 v8, v56;
	v8 =	vmul.f32 v10, v59  }
0xe3: {  	v10 =	vld [tilespmem:s12+$0xFFFFFFF0];
	[tilespmem:s21+$0xFFFFFF00] =	vst v6;
	v6 =	vmul.f32 v11, v55;
	v11 =	vmul.f32 v43, v12  }
0xe4: {  	v12 =	vld [tilespmem:s24+$0xFFFFFFF0];
	[tilespmem:s21+$0xFFFFFF10] =	vst v7;
	v7 =	vmul.f32 v40, v13;
	v13 =	vmul.f32 v42, v14  }
0xe5: {  	v15 =	vmul.f32 v15, v38;
	v17 =	vmul.f32 v17, v44;
	v14 =	vld [tilespmem:s12+$0x80];
	[tilespmem:s21+$0xFFFFFF20] =	vst v9  }
0xe6: {  	v16 =	vmul.f32 v16, v39;
	v18 =	vmul.f32 v18, v54;
	v9 =	vld [tilespmem:s24+$0x0];
	v38 =	vadd.f32 v58, v62;
	[tilespmem:s21+$0xFFFFFF30] =	vst v5  }
0xe7: {  	v19 =	vmul.f32 v19, v52;
	v20 =	vmul.f32 v53, v20;
	v39 =	vld [tilespmem:s12+$0xFFFFFF60];
	[tilespmem:s21+$0xFFFFFF40] =	vst v8  }
0xe8: {  	v21 =	vmul.f32 v50, v21;
	v41 =	vld [tilespmem:s12+$0xFFFFFEE0];
	v8 =	vmul.f32 $2.000000030e-01, v38;
	[tilespmem:s21+$0xFFFFFF50] =	vst v6  }
0xe9: {  	v22 =	vmul.f32 v51, v22;
	v25 =	vmul.f32 v25, v49;
	v5 =	vld [tilespmem:s12+$0xFFFFFEF0];
	v10 =	vadd.f32 v12, v10;
	[tilespmem:s21+$0xFFFFFF70] =	vst v11  }
0xea: {  	v26 =	vmul.f32 v26, v48;
	v33 =	vmul.f32 v33, v47;
	v6 =	vld [tilespmem:s12+$0xFFFFFF00];
	v8 =	vmax.f32 v38, v8;
	[tilespmem:s21+$0xFFFFFF80] =	vst v7  }
0xeb: {  	v7 =	vld [tilespmem:s12+$0xFFFFFF10];
	v11 =	vmul.f32 $2.000000030e-01, v10;
	v12 =	vadd.f32 v9, v14;
	v14 =	vmul.f32 $1.442695020e+00, v8;
	[tilespmem:s21+$0xFFFFFF90] =	vst v13  }
0xec: {  	v29 =	vmul.f32 v29, v46;
	v37 =	vmul.f32 v37, v45;
	v13 =	vadd.f32 v57, v39;
	v9 =	vld [tilespmem:s12+$0xFFFFFF20];
	[tilespmem:s21+$0xFFFFFFA0] =	vst v15  }
0xed: {  	v8 =	vld [tilespmem:s12+$0xFFFFFF30];
	v11 =	vmax.f32 v10, v11;
	v15 =	vmul.f32 $2.000000030e-01, v12;
	(erf) = vpow2.f32 v14;
	[tilespmem:s21+$0xFFFFFFB0] =	vst v17  }
0xee: {  	v14 =	vmul.f32 $2.000000030e-01, v13;
	v10 =	vld [tilespmem:s12+$0xFFFFFF40];
	v17 =	vmul.f32 $1.442695020e+00, v11;
	[tilespmem:s21+$0xFFFFFFC0] =	vst v16  }
0xef: {  	v23 =	vmul.f32 v3, v23;
	v27 =	vmul.f32 v4, v27;
	v11 =	vld [tilespmem:s12+$0xFFFFFF50];
	v15 =	vmax.f32 v12, v15;
	[tilespmem:s21+$0xFFFFFFD0] =	vst v18  }
0xf0: {  	v3 =	vmax.f32 v13, v14;
	v12 =	vld [tilespmem:s12+$0xFFFFFF70];
	v4 =	vmul.f32 $1.442695020e+00, v15;
	(erf) = vpow2.f32 v17;
	[tilespmem:s21+$0xFFFFFFE0] =	vst v19  }
0xf1: {  	v24 =	vmul.f32 v2, v24;
	v3 =	vmul.f32 $1.442695020e+00, v3;
	v13 =	vld [tilespmem:s12+$0xFFFFFF80];
	[tilespmem:s21+$0x0] =	vst v20  }
0xf2: {  	v28 =	vmul.f32 v28, v1;
	v14 =	vld [tilespmem:s12+$0xFFFFFF90];
	(erf) = vpow2.f32 v4;
	[tilespmem:s21+$0x10] =	vst v21  }
0xf3: {  	v30 =	vmul.f32 v30, v34;
	v15 =	vld [tilespmem:s12+$0xFFFFFFA0];
	(erf) = vpow2.f32 v3;
	[tilespmem:s21+$0x20] =	vst v22  }
0xf4: {  	v31 =	vmul.f32 v31, v32;
	v32 =	vmul.f32 v35, v36;
	v21 =	vld [tilespmem:s12+$0x100];
	[tilespmem:s21+$0x30] =	vst v25  }
0xf5: {  	v17 =	vld [tilespmem:s12+$0xFFFFFFB0];
	[tilespmem:s21+$0x40] =	vst v26  }
0xf6: {  	v16 =	vld [tilespmem:s12+$0xFFFFFFC0];
	v36 =	vpop (erf);
	[tilespmem:s21+$0x50] =	vst v33  }
0xf7: {  	v18 =	vld [tilespmem:s12+$0xFFFFFFD0];
	v3 =	vbroadcast v36, $0x0;
	v22 =	vbroadcast v36, $0x7;
	[tilespmem:s21+$0x60] =	vst v29  }
0xf8: {  	v4 =	vbroadcast v36, $0x1;
	v2 =	vbroadcast v36, $0x2;
	v19 =	vld [tilespmem:s12+$0xFFFFFFE0];
	[tilespmem:s21+$0x70] =	vst v37  }
0xf9: {  	v1 =	vbroadcast v36, $0x3;
	v20 =	vld [tilespmem:s12+$0x0];
	v25 =	vmul.f32 v21, v22;
	v34 =	vpop (erf);
	[tilespmem:s21+$0x90] =	vst v23  }
0xfa: {  	v43 =	vbroadcast v34, $0x0;
	v40 =	vbroadcast v34, $0x1;
	v21 =	vld [tilespmem:s12+$0x10];
	[tilespmem:s21+$0xA0] =	vst v27  }
0xfb: {  	v42 =	vbroadcast v34, $0x2;
	v38 =	vbroadcast v34, $0x3;
	v22 =	vld [tilespmem:s12+$0x20];
	[tilespmem:s12+$0x100] =	vst v25;
	v35 =	vpop (erf)  }
0xfc: {  	v44 =	vbroadcast v34, $0x4;
	v39 =	vbroadcast v34, $0x5;
	v25 =	vld [tilespmem:s12+$0x30];
	v23 =	vpop (erf);
	[tilespmem:s21+$0xB0] =	vst v24  }
0xfd: {  	v62 =	vbroadcast v23, $0x0;
	v58 =	vbroadcast v23, $0x1;
	v26 =	vld [tilespmem:s12+$0x40];
	[tilespmem:s21+$0xC0] =	vst v28  }
0xfe: {  	v61 =	vbroadcast v23, $0x2;
	v57 =	vbroadcast v23, $0x3;
	v33 =	vld [tilespmem:s12+$0x50];
	[tilespmem:s21+$0xD0] =	vst v30  }
0xff: {  	v60 =	vbroadcast v23, $0x4;
	v56 =	vbroadcast v23, $0x5;
	v29 =	vld [tilespmem:s12+$0x60];
	[tilespmem:s21+$0xE0] =	vst v31  }
0x100: {  	v59 =	vbroadcast v23, $0x6;
	v55 =	vbroadcast v23, $0x7;
	v37 =	vld [tilespmem:s12+$0x70];
	[tilespmem:s21+$0xF0] =	vst v32;
	s21 =	smov.u32 s12  }
0x101: {  	v54 =	vbroadcast v34, $0x6;
	v52 =	vbroadcast v34, $0x7;
	[tilespmem:s12+$0xFFFFFF60] =	vst v23;
	v23 =	vld [tilespmem:s12+$0x90]  }
0x102: {  	v53 =	vbroadcast v35, $0x0;
	v50 =	vbroadcast v35, $0x1;
	[tilespmem:s12+$0xFFFFFFF0] =	vst v34;
	v27 =	vld [tilespmem:s12+$0xA0]  }
.Ltmp1:
0x103: {  	v51 =	vbroadcast v35, $0x2;
	v49 =	vbroadcast v35, $0x3;
	[tilespmem:s12+$0x80] =	vst v35;
	v24 =	vld [tilespmem:s12+$0xB0];
	(pc) =	sbr.rel @p1 .LBB2_5-.Ltmp1, $4  }
0x104: {  	v48 =	vbroadcast v35, $0x4;
	v47 =	vbroadcast v35, $0x5;
	[tilespmem:s12+$0x110] =	vst v36;
	v28 =	vld [tilespmem:s12+$0xC0]  }
0x105: {  	v46 =	vbroadcast v35, $0x6;
	v45 =	vbroadcast v35, $0x7;
	v30 =	vld [tilespmem:s12+$0xD0]  }
0x106: {  	v32 =	vbroadcast v36, $0x5;
	v34 =	vbroadcast v36, $0x4;
	v31 =	vld [tilespmem:s12+$0xE0]  }
0x107: {  	v41 =	vmul.f32 v62, v41;
	v36 =	vbroadcast v36, $0x6;
	s12 =	sadd.s32 $0x240, s12;
	v35 =	vld [tilespmem:s21+$0xF0]  }
0x108: {  	v5 =	vmul.f32 v58, v5  }
0x109: {  	v6 =	vmul.f32 v61, v6;
	[tilespmem:s21+$0xFFFFFEE0] =	vst v41  }
0x10a: {  	v7 =	vmul.f32 v7, v57;
	[tilespmem:s21+$0xFFFFFEF0] =	vst v5  }
0x10b: {  	v3 =	vmul.f32 v3, v23;
	[tilespmem:s21+$0xFFFFFF00] =	vst v6  }
0x10c: {  	v4 =	vmul.f32 v4, v27;
	[tilespmem:s21+$0xFFFFFF10] =	vst v7  }
0x10d: {  	v2 =	vmul.f32 v2, v24;
	[tilespmem:s21+$0x90] =	vst v3  }
0x10e: {  	v1 =	vmul.f32 v28, v1;
	[tilespmem:s21+$0xA0] =	vst v4  }
0x10f: {  	v5 =	vmul.f32 v9, v60;
	[tilespmem:s21+$0xB0] =	vst v2  }
0x110: {  	v6 =	vmul.f32 v8, v56;
	[tilespmem:s21+$0xC0] =	vst v1  }
0x111: {  	v7 =	vmul.f32 v10, v59;
	[tilespmem:s21+$0xFFFFFF20] =	vst v5  }
0x112: {  	v3 =	vmul.f32 v30, v34;
	[tilespmem:s21+$0xFFFFFF30] =	vst v6  }
0x113: {  	v2 =	vmul.f32 v31, v32;
	[tilespmem:s21+$0xFFFFFF40] =	vst v7  }
0x114: {  	v5 =	vmul.f32 v11, v55;
	[tilespmem:s21+$0xD0] =	vst v3  }
0x115: {  	v6 =	vmul.f32 v43, v12;
	[tilespmem:s21+$0xE0] =	vst v2  }
0x116: {  	v7 =	vmul.f32 v40, v13;
	[tilespmem:s21+$0xFFFFFF50] =	vst v5  }
0x117: {  	v1 =	vmul.f32 v35, v36;
	[tilespmem:s21+$0xFFFFFF70] =	vst v6  }
0x118: {  	v5 =	vmul.f32 v42, v14;
	[tilespmem:s21+$0xFFFFFF80] =	vst v7  }
0x119: {  	v6 =	vmul.f32 v15, v38;
	[tilespmem:s21+$0xF0] =	vst v1  }
0x11a: {  	v7 =	vmul.f32 v17, v44;
	[tilespmem:s21+$0xFFFFFF90] =	vst v5  }
0x11b: {  	v5 =	vmul.f32 v16, v39;
	[tilespmem:s21+$0xFFFFFFA0] =	vst v6  }
0x11c: {  	v6 =	vmul.f32 v18, v54;
	[tilespmem:s21+$0xFFFFFFB0] =	vst v7  }
0x11d: {  	v7 =	vmul.f32 v19, v52;
	[tilespmem:s21+$0xFFFFFFC0] =	vst v5  }
0x11e: {  	v5 =	vmul.f32 v53, v20;
	[tilespmem:s21+$0xFFFFFFD0] =	vst v6  }
0x11f: {  	v6 =	vmul.f32 v50, v21;
	[tilespmem:s21+$0xFFFFFFE0] =	vst v7  }
0x120: {  	v7 =	vmul.f32 v51, v22;
	[tilespmem:s21+$0x0] =	vst v5  }
0x121: {  	v5 =	vmul.f32 v25, v49;
	[tilespmem:s21+$0x10] =	vst v6  }
0x122: {  	v6 =	vmul.f32 v26, v48;
	[tilespmem:s21+$0x20] =	vst v7  }
0x123: {  	v7 =	vmul.f32 v33, v47;
	[tilespmem:s21+$0x30] =	vst v5  }
0x124: {  	v5 =	vmul.f32 v29, v46;
	[tilespmem:s21+$0x40] =	vst v6  }
0x125: {  	v6 =	vmul.f32 v37, v45;
	[tilespmem:s21+$0x50] =	vst v7  }
0x126: {  	[tilespmem:s21+$0x60] =	vst v5  }
0x127: {  	[tilespmem:s21+$0x70] =	vst v6  }
0x128: {  	v1 =	vld [tilespmem:$0x50]  }
0x129: {  	v2 =	vld [tilespmem:$0x60]  }
0x12a: {  	v3 =	vld [tilespmem:$0x70]  }
0x12b: {  	v4 =	vld [tilespmem:$0x80]  }
0x12c: {  	v5 =	vld [tilespmem:$0x90]  }
0x12d: {  	[tilespmem:$0x140] =	vst v1  }
0x12e: {  	s12 =	smul.u32 $0xA0, s19;
	[tilespmem:$0x150] =	vst v2  }
0x12f: {  	[tilespmem:$0x160] =	vst v3  }
0x130: {  	s12 =	sadd.s32 s12, s22;
	[tilespmem:$0x170] =	vst v4  }
0x131: {  	s12 =	sshrl.u32 s12, $0x3;
	[tilespmem:$0x180] =	vst v5  }
0x132: {  	[spmem:s1] =	stream.indirect.scatter.add.f32 [tilespmem:s29], [sflag:$0x5], $0x90, s14, s28, $0xb8;
	[tilespmem:$0x1C570] =	vst v63  }
0x133: {  	s25 =	sadd.s32 s4, s12  }
0x134: {  	[tilespmem:s2], [sflag:$0x3] =	stream.linear.gather [hbm4b:s25+s2], $0x50, $0x38;
	[tilespmem:$0x1C570] =	vst v63  }
0x135: {  	s12 =	sadd.s32 s5, s12  }
0x136: {  	[tilespmem:s28], [sflag:$0x3] =	stream.linear.gather [hbm4b:s12+s2], $0x50, $0x38;
	[tilespmem:$0x1C570] =	vst v63  }
0x137: {  	_ =	swait.ge [sflag:s15], $0x2D00  }
0x138: {  	[sflag:s15] =	ssyncset.done $0x0  }
0x139: {  	[sflag:s15] =	ssyncadd.s32 $0xFFFFD300  }
0x13a: {  	_ =	swait.ge [sflag:s15], $0x500  }
0x13b: {  	[sflag:s15] =	ssyncset.done $0x0  }
0x13c: {  	[sflag:s15] =	ssyncadd.s32 $0xFFFFFB00  }
0x13d: {  	_ =	swait.ge [sflag:s16], $0x50  }
0x13e: {  	[sflag:s16] =	ssyncset.done $0x0  }
0x13f: {  	[sflag:s16] =	ssyncadd.s32 $0xFFFFFFB0  }
0x140: {  	_ =	swait.ge [sflag:s16], $0x50  }
0x141: {  	[sflag:s16] =	ssyncset.done $0x0  }
0x142: {  	[sflag:s16] =	ssyncadd.s32 $0xFFFFFFB0  }
0x143: {  	_ =	swait.ge [sflag:s17], $0x2D00  }
0x144: {  	[sflag:s17] =	ssyncset.done $0x0  }
0x145: {  	[sflag:s17] =	ssyncadd.s32 $0xFFFFD300  }
0x146: {  	[tilespmem:s29], [sflag:$0x1] =	stream.indirect.gather [hbm4b:s6+s28], $0x90, s2, s28, $0xb8;
	[tilespmem:$0x1C570] =	vst v63  }
0x147: {  	s21 =	simm.s32 $0x3000  }
0x148: {  	[tilespmem:s30], [sflag:$0x1] =	stream.indirect.gather [hbm4b:s7+s28], $0x10, s28, s28, $0xb8;
	[tilespmem:$0x1C570] =	vst v63  }
0x149: {  	s24 =	simm.s32 $0x6100;
	v1 =	vld [tilespmem:s21+$0x110]  }
0x14a: {  	v2 =	vld [tilespmem:s24+$0x10]  }
0x14b: {  	v3 =	vld [tilespmem:s24+$0xFFFFFFE0]  }
0x14c: {  	v4 =	vld [tilespmem:s21+$0xFFFFFFF0]  }
0x14d: {  	v6 =	vld [tilespmem:s24+$0xFFFFFFF0]  }
0x14e: {  	v8 =	vld [tilespmem:s21+$0x80]  }
0x14f: {  	v9 =	vld [tilespmem:s24+$0x0];
	v1 =	vadd.f32 v2, v1  }
0x150: {  	v35 =	vld [tilespmem:s21+$0xFFFFFEE0]  }
0x151: {  	v5 =	vld [tilespmem:s21+$0xFFFFFEF0];
	v7 =	vmul.f32 $2.000000030e-01, v1  }
0x152: {  	v2 =	vld [tilespmem:s21+$0xFFFFFF60]  }
0x153: {  	v11 =	vld [tilespmem:s21+$0xFFFFFF50];
	v4 =	vadd.f32 v6, v4;
	v1 =	vmax.f32 v1, v7  }
0x154: {  	v13 =	vld [tilespmem:s21+$0xFFFFFF80];
	v1 =	vmul.f32 $1.442695020e+00, v1  }
0x155: {  	v14 =	vld [tilespmem:s21+$0xFFFFFF90];
	v10 =	vmul.f32 $2.000000030e-01, v4  }
0x156: {  	v15 =	vld [tilespmem:s21+$0xFFFFFFA0];
	(erf) = vpow2.f32 v1  }
0x157: {  	v21 =	vld [tilespmem:s21+$0x100];
	v12 =	vadd.f32 v9, v8;
	v2 =	vadd.f32 v3, v2;
	v3 =	vmax.f32 v4, v10  }
0x158: {  	v17 =	vld [tilespmem:s21+$0xFFFFFFB0];
	v3 =	vmul.f32 $1.442695020e+00, v3  }
0x159: {  	v16 =	vld [tilespmem:s21+$0xFFFFFFC0];
	v4 =	vmul.f32 $2.000000030e-01, v12  }
0x15a: {  	v18 =	vld [tilespmem:s21+$0xFFFFFFD0];
	v1 =	vmul.f32 $2.000000030e-01, v2;
	(erf) = vpow2.f32 v3  }
0x15b: {  	v19 =	vld [tilespmem:s21+$0xFFFFFFE0];
	v4 =	vmax.f32 v12, v4  }
0x15c: {  	v20 =	vld [tilespmem:s21+$0x0];
	v1 =	vmax.f32 v2, v1;
	v2 =	vmul.f32 $1.442695020e+00, v4  }
0x15d: {  	v25 =	vld [tilespmem:s21+$0x30];
	v1 =	vmul.f32 $1.442695020e+00, v1  }
0x15e: {  	v26 =	vld [tilespmem:s21+$0x40];
	(erf) = vpow2.f32 v2  }
0x15f: {  	v33 =	vld [tilespmem:s21+$0x50];
	(erf) = vpow2.f32 v1;
	v36 =	vpop (erf)  }
0x160: {  	v29 =	vld [tilespmem:s21+$0x60];
	v3 =	vbroadcast v36, $0x0;
	v22 =	vbroadcast v36, $0x7  }
0x161: {  	v27 =	vld [tilespmem:s21+$0xA0];
	v4 =	vbroadcast v36, $0x1;
	v2 =	vbroadcast v36, $0x2  }
0x162: {  	v24 =	vld [tilespmem:s21+$0xB0];
	v1 =	vbroadcast v36, $0x3;
	v34 =	vbroadcast v36, $0x4  }
0x163: {  	v37 =	vld [tilespmem:s21+$0x70];
	v31 =	vpop (erf);
	[tilespmem:s21+$0x110] =	vst v36;
	v32 =	vbroadcast v36, $0x5;
	v36 =	vbroadcast v36, $0x6  }
0x164: {  	v28 =	vld [tilespmem:s21+$0xC0];
	v43 =	vbroadcast v31, $0x0;
	v40 =	vbroadcast v31, $0x1  }
0x165: {  	v6 =	vld [tilespmem:s21+$0xFFFFFF00];
	v42 =	vbroadcast v31, $0x2;
	v38 =	vbroadcast v31, $0x3  }
0x166: {  	v9 =	vld [tilespmem:s21+$0xFFFFFF20];
	v44 =	vbroadcast v31, $0x4;
	v39 =	vbroadcast v31, $0x5  }
0x167: {  	v8 =	vld [tilespmem:s21+$0xFFFFFF30];
	v54 =	vbroadcast v31, $0x6;
	v52 =	vbroadcast v31, $0x7;
	v41 =	vpop (erf)  }
0x168: {  	v7 =	vld [tilespmem:s21+$0xFFFFFF10];
	v23 =	vmul.f32 v21, v22;
	v53 =	vbroadcast v41, $0x0  }
0x169: {  	v10 =	vld [tilespmem:s21+$0xFFFFFF40];
	v50 =	vbroadcast v41, $0x1;
	v51 =	vbroadcast v41, $0x2  }
0x16a: {  	v12 =	vld [tilespmem:s21+$0xFFFFFF70];
	v49 =	vbroadcast v41, $0x3;
	v48 =	vbroadcast v41, $0x4  }
0x16b: {  	[tilespmem:s21+$0xFFFFFFF0] =	vst v31;
	v31 =	vld [tilespmem:s21+$0xE0];
	v30 =	vpop (erf);
	v47 =	vbroadcast v41, $0x5;
	v46 =	vbroadcast v41, $0x6  }
0x16c: {  	v21 =	vld [tilespmem:s21+$0x10];
	v62 =	vbroadcast v30, $0x0;
	v58 =	vbroadcast v30, $0x1  }
0x16d: {  	v22 =	vld [tilespmem:s21+$0x20];
	v61 =	vbroadcast v30, $0x2;
	v57 =	vbroadcast v30, $0x3  }
0x16e: {  	[tilespmem:s21+$0x100] =	vst v23;
	v23 =	vld [tilespmem:s21+$0x90];
	v60 =	vbroadcast v30, $0x4;
	v56 =	vbroadcast v30, $0x5  }
0x16f: {  	v59 =	vbroadcast v30, $0x6;
	v55 =	vbroadcast v30, $0x7;
	[tilespmem:s21+$0xFFFFFF60] =	vst v30;
	v30 =	vld [tilespmem:s21+$0xD0]  }
0x170: {  	s25 =	simm.s32 $0x0;
	s12 =	simm.s32 $0x3240;
	v45 =	vbroadcast v41, $0x7;
	[tilespmem:s21+$0x80] =	vst v41;
	v41 =	vmul.f32 v62, v35;
	v35 =	vld [tilespmem:s21+$0xF0]  }
.LBB2_7:
0x171: {  	v62 =	vld [tilespmem:s12+$0x110];
	v5 =	vmul.f32 v58, v5;
	v6 =	vmul.f32 v61, v6;
	s24 =	sadd.s32 $0x40, s24  }
0x172: {  	s25 =	sadd.s32 $0x4, s25;
	v7 =	vmul.f32 v7, v57;
	v9 =	vmul.f32 v9, v60;
	v58 =	vld [tilespmem:s24+$0x10];
	[tilespmem:s21+$0xFFFFFEE0] =	vst v41  }
0x173: {  	p1 =	slt.u32 s25, $0x4C;
	v57 =	vld [tilespmem:s24+$0xFFFFFFE0];
	[tilespmem:s21+$0xFFFFFEF0] =	vst v5;
	v5 =	vmul.f32 v8, v56;
	v8 =	vmul.f32 v10, v59  }
0x174: {  	v10 =	vld [tilespmem:s12+$0xFFFFFFF0];
	[tilespmem:s21+$0xFFFFFF00] =	vst v6;
	v6 =	vmul.f32 v11, v55;
	v11 =	vmul.f32 v43, v12  }
0x175: {  	v12 =	vld [tilespmem:s24+$0xFFFFFFF0];
	[tilespmem:s21+$0xFFFFFF10] =	vst v7;
	v7 =	vmul.f32 v40, v13;
	v13 =	vmul.f32 v42, v14  }
0x176: {  	v15 =	vmul.f32 v15, v38;
	v17 =	vmul.f32 v17, v44;
	v14 =	vld [tilespmem:s12+$0x80];
	[tilespmem:s21+$0xFFFFFF20] =	vst v9  }
0x177: {  	v16 =	vmul.f32 v16, v39;
	v18 =	vmul.f32 v18, v54;
	v9 =	vld [tilespmem:s24+$0x0];
	v38 =	vadd.f32 v58, v62;
	[tilespmem:s21+$0xFFFFFF30] =	vst v5  }
0x178: {  	v19 =	vmul.f32 v19, v52;
	v20 =	vmul.f32 v53, v20;
	v39 =	vld [tilespmem:s12+$0xFFFFFF60];
	[tilespmem:s21+$0xFFFFFF40] =	vst v8  }
0x179: {  	v21 =	vmul.f32 v50, v21;
	v41 =	vld [tilespmem:s12+$0xFFFFFEE0];
	v8 =	vmul.f32 $2.000000030e-01, v38;
	[tilespmem:s21+$0xFFFFFF50] =	vst v6  }
0x17a: {  	v22 =	vmul.f32 v51, v22;
	v25 =	vmul.f32 v25, v49;
	v5 =	vld [tilespmem:s12+$0xFFFFFEF0];
	v10 =	vadd.f32 v12, v10;
	[tilespmem:s21+$0xFFFFFF70] =	vst v11  }
0x17b: {  	v26 =	vmul.f32 v26, v48;
	v33 =	vmul.f32 v33, v47;
	v6 =	vld [tilespmem:s12+$0xFFFFFF00];
	v8 =	vmax.f32 v38, v8;
	[tilespmem:s21+$0xFFFFFF80] =	vst v7  }
0x17c: {  	v7 =	vld [tilespmem:s12+$0xFFFFFF10];
	v11 =	vmul.f32 $2.000000030e-01, v10;
	v12 =	vadd.f32 v9, v14;
	v14 =	vmul.f32 $1.442695020e+00, v8;
	[tilespmem:s21+$0xFFFFFF90] =	vst v13  }
0x17d: {  	v29 =	vmul.f32 v29, v46;
	v37 =	vmul.f32 v37, v45;
	v13 =	vadd.f32 v57, v39;
	v9 =	vld [tilespmem:s12+$0xFFFFFF20];
	[tilespmem:s21+$0xFFFFFFA0] =	vst v15  }
0x17e: {  	v8 =	vld [tilespmem:s12+$0xFFFFFF30];
	v11 =	vmax.f32 v10, v11;
	v15 =	vmul.f32 $2.000000030e-01, v12;
	(erf) = vpow2.f32 v14;
	[tilespmem:s21+$0xFFFFFFB0] =	vst v17  }
0x17f: {  	v14 =	vmul.f32 $2.000000030e-01, v13;
	v10 =	vld [tilespmem:s12+$0xFFFFFF40];
	v17 =	vmul.f32 $1.442695020e+00, v11;
	[tilespmem:s21+$0xFFFFFFC0] =	vst v16  }
0x180: {  	v23 =	vmul.f32 v3, v23;
	v27 =	vmul.f32 v4, v27;
	v11 =	vld [tilespmem:s12+$0xFFFFFF50];
	v15 =	vmax.f32 v12, v15;
	[tilespmem:s21+$0xFFFFFFD0] =	vst v18  }
0x181: {  	v3 =	vmax.f32 v13, v14;
	v12 =	vld [tilespmem:s12+$0xFFFFFF70];
	v4 =	vmul.f32 $1.442695020e+00, v15;
	(erf) = vpow2.f32 v17;
	[tilespmem:s21+$0xFFFFFFE0] =	vst v19  }
0x182: {  	v24 =	vmul.f32 v2, v24;
	v3 =	vmul.f32 $1.442695020e+00, v3;
	v13 =	vld [tilespmem:s12+$0xFFFFFF80];
	[tilespmem:s21+$0x0] =	vst v20  }
0x183: {  	v28 =	vmul.f32 v28, v1;
	v14 =	vld [tilespmem:s12+$0xFFFFFF90];
	(erf) = vpow2.f32 v4;
	[tilespmem:s21+$0x10] =	vst v21  }
0x184: {  	v30 =	vmul.f32 v30, v34;
	v15 =	vld [tilespmem:s12+$0xFFFFFFA0];
	(erf) = vpow2.f32 v3;
	[tilespmem:s21+$0x20] =	vst v22  }
0x185: {  	v31 =	vmul.f32 v31, v32;
	v32 =	vmul.f32 v35, v36;
	v21 =	vld [tilespmem:s12+$0x100];
	[tilespmem:s21+$0x30] =	vst v25  }
0x186: {  	v17 =	vld [tilespmem:s12+$0xFFFFFFB0];
	[tilespmem:s21+$0x40] =	vst v26  }
0x187: {  	v16 =	vld [tilespmem:s12+$0xFFFFFFC0];
	v36 =	vpop (erf);
	[tilespmem:s21+$0x50] =	vst v33  }
0x188: {  	v18 =	vld [tilespmem:s12+$0xFFFFFFD0];
	v3 =	vbroadcast v36, $0x0;
	v22 =	vbroadcast v36, $0x7;
	[tilespmem:s21+$0x60] =	vst v29  }
0x189: {  	v4 =	vbroadcast v36, $0x1;
	v2 =	vbroadcast v36, $0x2;
	v19 =	vld [tilespmem:s12+$0xFFFFFFE0];
	[tilespmem:s21+$0x70] =	vst v37  }
0x18a: {  	v1 =	vbroadcast v36, $0x3;
	v20 =	vld [tilespmem:s12+$0x0];
	v25 =	vmul.f32 v21, v22;
	v34 =	vpop (erf);
	[tilespmem:s21+$0x90] =	vst v23  }
0x18b: {  	v43 =	vbroadcast v34, $0x0;
	v40 =	vbroadcast v34, $0x1;
	v21 =	vld [tilespmem:s12+$0x10];
	[tilespmem:s21+$0xA0] =	vst v27  }
0x18c: {  	v42 =	vbroadcast v34, $0x2;
	v38 =	vbroadcast v34, $0x3;
	v22 =	vld [tilespmem:s12+$0x20];
	[tilespmem:s12+$0x100] =	vst v25;
	v35 =	vpop (erf)  }
0x18d: {  	v44 =	vbroadcast v34, $0x4;
	v39 =	vbroadcast v34, $0x5;
	v25 =	vld [tilespmem:s12+$0x30];
	v23 =	vpop (erf);
	[tilespmem:s21+$0xB0] =	vst v24  }
0x18e: {  	v62 =	vbroadcast v23, $0x0;
	v58 =	vbroadcast v23, $0x1;
	v26 =	vld [tilespmem:s12+$0x40];
	[tilespmem:s21+$0xC0] =	vst v28  }
0x18f: {  	v61 =	vbroadcast v23, $0x2;
	v57 =	vbroadcast v23, $0x3;
	v33 =	vld [tilespmem:s12+$0x50];
	[tilespmem:s21+$0xD0] =	vst v30  }
0x190: {  	v60 =	vbroadcast v23, $0x4;
	v56 =	vbroadcast v23, $0x5;
	v29 =	vld [tilespmem:s12+$0x60];
	[tilespmem:s21+$0xE0] =	vst v31  }
0x191: {  	v59 =	vbroadcast v23, $0x6;
	v55 =	vbroadcast v23, $0x7;
	v37 =	vld [tilespmem:s12+$0x70];
	[tilespmem:s21+$0xF0] =	vst v32;
	s21 =	smov.u32 s12  }
0x192: {  	v54 =	vbroadcast v34, $0x6;
	v52 =	vbroadcast v34, $0x7;
	[tilespmem:s12+$0xFFFFFF60] =	vst v23;
	v23 =	vld [tilespmem:s12+$0x90]  }
0x193: {  	v53 =	vbroadcast v35, $0x0;
	v50 =	vbroadcast v35, $0x1;
	[tilespmem:s12+$0xFFFFFFF0] =	vst v34;
	v27 =	vld [tilespmem:s12+$0xA0]  }
.Ltmp2:
0x194: {  	v51 =	vbroadcast v35, $0x2;
	v49 =	vbroadcast v35, $0x3;
	[tilespmem:s12+$0x80] =	vst v35;
	v24 =	vld [tilespmem:s12+$0xB0];
	(pc) =	sbr.rel @p1 .LBB2_7-.Ltmp2, $4  }
0x195: {  	v48 =	vbroadcast v35, $0x4;
	v47 =	vbroadcast v35, $0x5;
	[tilespmem:s12+$0x110] =	vst v36;
	v28 =	vld [tilespmem:s12+$0xC0]  }
0x196: {  	v46 =	vbroadcast v35, $0x6;
	v45 =	vbroadcast v35, $0x7;
	v30 =	vld [tilespmem:s12+$0xD0]  }
0x197: {  	v32 =	vbroadcast v36, $0x5;
	v34 =	vbroadcast v36, $0x4;
	v31 =	vld [tilespmem:s12+$0xE0]  }
0x198: {  	v41 =	vmul.f32 v62, v41;
	v36 =	vbroadcast v36, $0x6;
	s12 =	sadd.s32 $0x240, s12;
	v35 =	vld [tilespmem:s21+$0xF0]  }
0x199: {  	v5 =	vmul.f32 v58, v5  }
0x19a: {  	v6 =	vmul.f32 v61, v6;
	[tilespmem:s21+$0xFFFFFEE0] =	vst v41  }
0x19b: {  	v7 =	vmul.f32 v7, v57;
	[tilespmem:s21+$0xFFFFFEF0] =	vst v5  }
0x19c: {  	v63 =	vmul.f32 v9, v60;
	[tilespmem:s21+$0xFFFFFF00] =	vst v6  }
0x19d: {  	v9 =	vmul.f32 v8, v56;
	[tilespmem:s21+$0xFFFFFF10] =	vst v7  }
0x19e: {  	v10 =	vmul.f32 v10, v59;
	[tilespmem:s21+$0xFFFFFF20] =	vst v63  }
0x19f: {  	v11 =	vmul.f32 v11, v55;
	[tilespmem:s21+$0xFFFFFF30] =	vst v9  }
0x1a0: {  	v12 =	vmul.f32 v43, v12;
	[tilespmem:s21+$0xFFFFFF40] =	vst v10  }
0x1a1: {  	v40 =	vmul.f32 v40, v13;
	[tilespmem:s21+$0xFFFFFF50] =	vst v11  }
0x1a2: {  	v43 =	vmul.f32 v17, v44;
	[tilespmem:s21+$0xFFFFFF70] =	vst v12  }
0x1a3: {  	v44 =	vmul.f32 v16, v39;
	[tilespmem:s21+$0xFFFFFF80] =	vst v40  }
0x1a4: {  	v54 =	vmul.f32 v18, v54;
	[tilespmem:s21+$0xFFFFFFB0] =	vst v43  }
0x1a5: {  	v55 =	vmul.f32 v19, v52;
	[tilespmem:s21+$0xFFFFFFC0] =	vst v44  }
0x1a6: {  	v56 =	vmul.f32 v53, v20;
	[tilespmem:s21+$0xFFFFFFD0] =	vst v54  }
0x1a7: {  	v57 =	vmul.f32 v50, v21;
	[tilespmem:s21+$0xFFFFFFE0] =	vst v55  }
0x1a8: {  	v58 =	vmul.f32 v51, v22;
	[tilespmem:s21+$0x0] =	vst v56  }
0x1a9: {  	v59 =	vmul.f32 v25, v49;
	[tilespmem:s21+$0x10] =	vst v57  }
0x1aa: {  	v60 =	vmul.f32 v26, v48;
	[tilespmem:s21+$0x20] =	vst v58  }
0x1ab: {  	v61 =	vmul.f32 v33, v47;
	[tilespmem:s21+$0x30] =	vst v59  }
0x1ac: {  	v62 =	vmul.f32 v29, v46;
	[tilespmem:s21+$0x40] =	vst v60  }
0x1ad: {  	v3 =	vmul.f32 v3, v23;
	[tilespmem:s21+$0x50] =	vst v61  }
0x1ae: {  	v4 =	vmul.f32 v4, v27;
	[tilespmem:s21+$0x60] =	vst v62  }
0x1af: {  	v2 =	vmul.f32 v2, v24;
	[tilespmem:s21+$0x90] =	vst v3  }
0x1b0: {  	v41 =	vmul.f32 v42, v14;
	[tilespmem:s21+$0xA0] =	vst v4  }
0x1b1: {  	v42 =	vmul.f32 v15, v38;
	[tilespmem:s21+$0xB0] =	vst v2  }
0x1b2: {  	v1 =	vmul.f32 v28, v1;
	[tilespmem:s21+$0xFFFFFF90] =	vst v41  }
0x1b3: {  	v63 =	vmul.f32 v37, v45;
	[tilespmem:s21+$0xFFFFFFA0] =	vst v42  }
0x1b4: {  	v3 =	vmul.f32 v30, v34;
	[tilespmem:s21+$0xC0] =	vst v1  }
0x1b5: {  	v2 =	vmul.f32 v31, v32;
	[tilespmem:s21+$0x70] =	vst v63  }
0x1b6: {  	v1 =	vmul.f32 v35, v36;
	[tilespmem:s21+$0xD0] =	vst v3  }
0x1b7: {  	[tilespmem:s21+$0xE0] =	vst v2  }
0x1b8: {  	[tilespmem:s21+$0xF0] =	vst v1  }
0x1b9: {  	v1 =	vld [tilespmem:$0xF0]  }
0x1ba: {  	v2 =	vld [tilespmem:$0x100]  }
0x1bb: {  	v3 =	vld [tilespmem:$0x110]  }
0x1bc: {  	v4 =	vld [tilespmem:$0x120]  }
0x1bd: {  	v5 =	vld [tilespmem:$0x130]  }
0x1be: {  	s12 =	sshll.u32 s19, $0x1;
	[tilespmem:$0x190] =	vst v1  }
0x1bf: {  	s12 =	smin.u32 s12, $0x79;
	[tilespmem:$0x1A0] =	vst v2  }
0x1c0: {  	s12 =	smul.u32 $0x50, s12;
	[tilespmem:$0x1B0] =	vst v3  }
0x1c1: {  	s19 =	sadd.s32 $0x1, s19;
	[tilespmem:$0x1C0] =	vst v4  }
0x1c2: {  	p1 =	sne.s32 s19, $0x3E;
	s12 =	sadd.s32 s12, s23;
	[tilespmem:$0x1D0] =	vst v5  }
0x1c3: {  	[spmem:s1] =	stream.indirect.scatter.add.f32 [tilespmem:s3], [sflag:$0x6], $0x90, s8, s28, $0xb8;
	[tilespmem:$0x1C570] =	vst v63  }
.Ltmp3:
0x1c4: {  	s12 =	sshrl.u32 s12, $0x3;
	(pc) =	sbr.rel @p1 .LBB2_4-.Ltmp3, $4  }
0x1c5: {  	s25 =	sadd.s32 s4, s12  }
0x1c6: {  	[tilespmem:s31], [sflag:$0x4] =	stream.linear.gather [hbm4b:s25+s2], $0x50, $0x38;
	[tilespmem:$0x1C570] =	vst v63  }
0x1c7: {  	s12 =	sadd.s32 s5, s12  }
0x1c8: {  	[tilespmem:s0], [sflag:$0x4] =	stream.linear.gather [hbm4b:s12+s2], $0x50, $0x38;
	[tilespmem:$0x1C570] =	vst v63  }
0x1c9: {  	_ =	swait.ge [sflag:s9], $0x2D00  }
0x1ca: {  	[sflag:s9] =	ssyncset.done $0x0  }
0x1cb: {  	[sflag:s9] =	ssyncadd.s32 $0xFFFFD300  }
0x1cc: {  	_ =	swait.ge [sflag:s9], $0x500  }
0x1cd: {  	[sflag:s9] =	ssyncset.done $0x0  }
0x1ce: {  	[sflag:s9] =	ssyncadd.s32 $0xFFFFFB00  }
0x1cf: {  	_ =	swait.ge [sflag:s10], $0x50  }
0x1d0: {  	[sflag:s10] =	ssyncset.done $0x0  }
0x1d1: {  	[sflag:s10] =	ssyncadd.s32 $0xFFFFFFB0  }
0x1d2: {  	_ =	swait.ge [sflag:s10], $0x50  }
0x1d3: {  	[sflag:s10] =	ssyncset.done $0x0  }
0x1d4: {  	[sflag:s10] =	ssyncadd.s32 $0xFFFFFFB0  }
0x1d5: {  	_ =	swait.ge [sflag:s11], $0x2D00  }
0x1d6: {  	[sflag:s11] =	ssyncset.done $0x0  }
0x1d7: {  	s19 =	simm.s32 $0x300;
	[sflag:s11] =	ssyncadd.s32 $0xFFFFD300  }
0x1d8: {  	s21 =	simm.s32 $0x5C00;
	v1 =	vld [tilespmem:s19+$0x110]  }
0x1d9: {  	v2 =	vld [tilespmem:s21+$0x10]  }
0x1da: {  	v3 =	vld [tilespmem:s21+$0xFFFFFFE0]  }
0x1db: {  	v4 =	vld [tilespmem:s19+$0xFFFFFFF0]  }
0x1dc: {  	v6 =	vld [tilespmem:s21+$0xFFFFFFF0]  }
0x1dd: {  	v8 =	vld [tilespmem:s19+$0x80]  }
0x1de: {  	v9 =	vld [tilespmem:s21+$0x0];
	v1 =	vadd.f32 v2, v1  }
0x1df: {  	v35 =	vld [tilespmem:s19+$0xFFFFFEE0]  }
0x1e0: {  	v5 =	vld [tilespmem:s19+$0xFFFFFEF0];
	v7 =	vmul.f32 $2.000000030e-01, v1  }
0x1e1: {  	v2 =	vld [tilespmem:s19+$0xFFFFFF60]  }
0x1e2: {  	v11 =	vld [tilespmem:s19+$0xFFFFFF50];
	v4 =	vadd.f32 v6, v4;
	v1 =	vmax.f32 v1, v7  }
0x1e3: {  	v13 =	vld [tilespmem:s19+$0xFFFFFF80];
	v1 =	vmul.f32 $1.442695020e+00, v1  }
0x1e4: {  	v14 =	vld [tilespmem:s19+$0xFFFFFF90];
	v10 =	vmul.f32 $2.000000030e-01, v4  }
0x1e5: {  	v15 =	vld [tilespmem:s19+$0xFFFFFFA0];
	(erf) = vpow2.f32 v1  }
0x1e6: {  	v21 =	vld [tilespmem:s19+$0x100];
	v12 =	vadd.f32 v9, v8;
	v2 =	vadd.f32 v3, v2;
	v3 =	vmax.f32 v4, v10  }
0x1e7: {  	v17 =	vld [tilespmem:s19+$0xFFFFFFB0];
	v3 =	vmul.f32 $1.442695020e+00, v3  }
0x1e8: {  	v16 =	vld [tilespmem:s19+$0xFFFFFFC0];
	v4 =	vmul.f32 $2.000000030e-01, v12  }
0x1e9: {  	v18 =	vld [tilespmem:s19+$0xFFFFFFD0];
	v1 =	vmul.f32 $2.000000030e-01, v2;
	(erf) = vpow2.f32 v3  }
0x1ea: {  	v19 =	vld [tilespmem:s19+$0xFFFFFFE0];
	v4 =	vmax.f32 v12, v4  }
0x1eb: {  	v20 =	vld [tilespmem:s19+$0x0];
	v1 =	vmax.f32 v2, v1;
	v2 =	vmul.f32 $1.442695020e+00, v4  }
0x1ec: {  	v25 =	vld [tilespmem:s19+$0x30];
	v1 =	vmul.f32 $1.442695020e+00, v1  }
0x1ed: {  	v26 =	vld [tilespmem:s19+$0x40];
	(erf) = vpow2.f32 v2  }
0x1ee: {  	v33 =	vld [tilespmem:s19+$0x50];
	(erf) = vpow2.f32 v1;
	v36 =	vpop (erf)  }
0x1ef: {  	v29 =	vld [tilespmem:s19+$0x60];
	v3 =	vbroadcast v36, $0x0;
	v22 =	vbroadcast v36, $0x7  }
0x1f0: {  	v27 =	vld [tilespmem:s19+$0xA0];
	v4 =	vbroadcast v36, $0x1;
	v2 =	vbroadcast v36, $0x2  }
0x1f1: {  	v24 =	vld [tilespmem:s19+$0xB0];
	v1 =	vbroadcast v36, $0x3;
	v34 =	vbroadcast v36, $0x4  }
0x1f2: {  	v37 =	vld [tilespmem:s19+$0x70];
	v31 =	vpop (erf);
	[tilespmem:s19+$0x110] =	vst v36;
	v32 =	vbroadcast v36, $0x5;
	v36 =	vbroadcast v36, $0x6  }
0x1f3: {  	v28 =	vld [tilespmem:s19+$0xC0];
	v43 =	vbroadcast v31, $0x0;
	v40 =	vbroadcast v31, $0x1  }
0x1f4: {  	v6 =	vld [tilespmem:s19+$0xFFFFFF00];
	v42 =	vbroadcast v31, $0x2;
	v38 =	vbroadcast v31, $0x3  }
0x1f5: {  	v9 =	vld [tilespmem:s19+$0xFFFFFF20];
	v44 =	vbroadcast v31, $0x4;
	v39 =	vbroadcast v31, $0x5  }
0x1f6: {  	v8 =	vld [tilespmem:s19+$0xFFFFFF30];
	v54 =	vbroadcast v31, $0x6;
	v52 =	vbroadcast v31, $0x7;
	v41 =	vpop (erf)  }
0x1f7: {  	v7 =	vld [tilespmem:s19+$0xFFFFFF10];
	v23 =	vmul.f32 v21, v22;
	v53 =	vbroadcast v41, $0x0  }
0x1f8: {  	v10 =	vld [tilespmem:s19+$0xFFFFFF40];
	v50 =	vbroadcast v41, $0x1;
	v51 =	vbroadcast v41, $0x2  }
0x1f9: {  	v12 =	vld [tilespmem:s19+$0xFFFFFF70];
	v49 =	vbroadcast v41, $0x3;
	v48 =	vbroadcast v41, $0x4  }
0x1fa: {  	[tilespmem:s19+$0xFFFFFFF0] =	vst v31;
	v31 =	vld [tilespmem:s19+$0xE0];
	v30 =	vpop (erf);
	v47 =	vbroadcast v41, $0x5;
	v46 =	vbroadcast v41, $0x6  }
0x1fb: {  	v21 =	vld [tilespmem:s19+$0x10];
	v62 =	vbroadcast v30, $0x0;
	v58 =	vbroadcast v30, $0x1  }
0x1fc: {  	v22 =	vld [tilespmem:s19+$0x20];
	v61 =	vbroadcast v30, $0x2;
	v57 =	vbroadcast v30, $0x3  }
0x1fd: {  	[tilespmem:s19+$0x100] =	vst v23;
	v23 =	vld [tilespmem:s19+$0x90];
	v60 =	vbroadcast v30, $0x4;
	v56 =	vbroadcast v30, $0x5  }
0x1fe: {  	v59 =	vbroadcast v30, $0x6;
	v55 =	vbroadcast v30, $0x7;
	[tilespmem:s19+$0xFFFFFF60] =	vst v30;
	v30 =	vld [tilespmem:s19+$0xD0]  }
0x1ff: {  	s24 =	simm.s32 $0x0;
	s12 =	simm.s32 $0x540;
	v45 =	vbroadcast v41, $0x7;
	[tilespmem:s19+$0x80] =	vst v41;
	v41 =	vmul.f32 v62, v35;
	v35 =	vld [tilespmem:s19+$0xF0]  }
.LBB2_10:
0x200: {  	v62 =	vld [tilespmem:s12+$0x110];
	v5 =	vmul.f32 v58, v5;
	v6 =	vmul.f32 v61, v6;
	s21 =	sadd.s32 $0x40, s21  }
0x201: {  	s24 =	sadd.s32 $0x4, s24;
	v7 =	vmul.f32 v7, v57;
	v9 =	vmul.f32 v9, v60;
	v58 =	vld [tilespmem:s21+$0x10];
	[tilespmem:s19+$0xFFFFFEE0] =	vst v41  }
0x202: {  	p1 =	slt.u32 s24, $0x4C;
	v57 =	vld [tilespmem:s21+$0xFFFFFFE0];
	[tilespmem:s19+$0xFFFFFEF0] =	vst v5;
	v5 =	vmul.f32 v8, v56;
	v8 =	vmul.f32 v10, v59  }
0x203: {  	v10 =	vld [tilespmem:s12+$0xFFFFFFF0];
	[tilespmem:s19+$0xFFFFFF00] =	vst v6;
	v6 =	vmul.f32 v11, v55;
	v11 =	vmul.f32 v43, v12  }
0x204: {  	v12 =	vld [tilespmem:s21+$0xFFFFFFF0];
	[tilespmem:s19+$0xFFFFFF10] =	vst v7;
	v7 =	vmul.f32 v40, v13;
	v13 =	vmul.f32 v42, v14  }
0x205: {  	v15 =	vmul.f32 v15, v38;
	v17 =	vmul.f32 v17, v44;
	v14 =	vld [tilespmem:s12+$0x80];
	[tilespmem:s19+$0xFFFFFF20] =	vst v9  }
0x206: {  	v16 =	vmul.f32 v16, v39;
	v18 =	vmul.f32 v18, v54;
	v9 =	vld [tilespmem:s21+$0x0];
	v38 =	vadd.f32 v58, v62;
	[tilespmem:s19+$0xFFFFFF30] =	vst v5  }
0x207: {  	v19 =	vmul.f32 v19, v52;
	v20 =	vmul.f32 v53, v20;
	v39 =	vld [tilespmem:s12+$0xFFFFFF60];
	[tilespmem:s19+$0xFFFFFF40] =	vst v8  }
0x208: {  	v21 =	vmul.f32 v50, v21;
	v41 =	vld [tilespmem:s12+$0xFFFFFEE0];
	v8 =	vmul.f32 $2.000000030e-01, v38;
	[tilespmem:s19+$0xFFFFFF50] =	vst v6  }
0x209: {  	v22 =	vmul.f32 v51, v22;
	v25 =	vmul.f32 v25, v49;
	v5 =	vld [tilespmem:s12+$0xFFFFFEF0];
	v10 =	vadd.f32 v12, v10;
	[tilespmem:s19+$0xFFFFFF70] =	vst v11  }
0x20a: {  	v26 =	vmul.f32 v26, v48;
	v33 =	vmul.f32 v33, v47;
	v6 =	vld [tilespmem:s12+$0xFFFFFF00];
	v8 =	vmax.f32 v38, v8;
	[tilespmem:s19+$0xFFFFFF80] =	vst v7  }
0x20b: {  	v7 =	vld [tilespmem:s12+$0xFFFFFF10];
	v11 =	vmul.f32 $2.000000030e-01, v10;
	v12 =	vadd.f32 v9, v14;
	v14 =	vmul.f32 $1.442695020e+00, v8;
	[tilespmem:s19+$0xFFFFFF90] =	vst v13  }
0x20c: {  	v29 =	vmul.f32 v29, v46;
	v37 =	vmul.f32 v37, v45;
	v13 =	vadd.f32 v57, v39;
	v9 =	vld [tilespmem:s12+$0xFFFFFF20];
	[tilespmem:s19+$0xFFFFFFA0] =	vst v15  }
0x20d: {  	v8 =	vld [tilespmem:s12+$0xFFFFFF30];
	v11 =	vmax.f32 v10, v11;
	v15 =	vmul.f32 $2.000000030e-01, v12;
	(erf) = vpow2.f32 v14;
	[tilespmem:s19+$0xFFFFFFB0] =	vst v17  }
0x20e: {  	v14 =	vmul.f32 $2.000000030e-01, v13;
	v10 =	vld [tilespmem:s12+$0xFFFFFF40];
	v17 =	vmul.f32 $1.442695020e+00, v11;
	[tilespmem:s19+$0xFFFFFFC0] =	vst v16  }
0x20f: {  	v23 =	vmul.f32 v3, v23;
	v27 =	vmul.f32 v4, v27;
	v11 =	vld [tilespmem:s12+$0xFFFFFF50];
	v15 =	vmax.f32 v12, v15;
	[tilespmem:s19+$0xFFFFFFD0] =	vst v18  }
0x210: {  	v3 =	vmax.f32 v13, v14;
	v12 =	vld [tilespmem:s12+$0xFFFFFF70];
	v4 =	vmul.f32 $1.442695020e+00, v15;
	(erf) = vpow2.f32 v17;
	[tilespmem:s19+$0xFFFFFFE0] =	vst v19  }
0x211: {  	v24 =	vmul.f32 v2, v24;
	v3 =	vmul.f32 $1.442695020e+00, v3;
	v13 =	vld [tilespmem:s12+$0xFFFFFF80];
	[tilespmem:s19+$0x0] =	vst v20  }
0x212: {  	v28 =	vmul.f32 v28, v1;
	v14 =	vld [tilespmem:s12+$0xFFFFFF90];
	(erf) = vpow2.f32 v4;
	[tilespmem:s19+$0x10] =	vst v21  }
0x213: {  	v30 =	vmul.f32 v30, v34;
	v15 =	vld [tilespmem:s12+$0xFFFFFFA0];
	(erf) = vpow2.f32 v3;
	[tilespmem:s19+$0x20] =	vst v22  }
0x214: {  	v31 =	vmul.f32 v31, v32;
	v32 =	vmul.f32 v35, v36;
	v21 =	vld [tilespmem:s12+$0x100];
	[tilespmem:s19+$0x30] =	vst v25  }
0x215: {  	v17 =	vld [tilespmem:s12+$0xFFFFFFB0];
	[tilespmem:s19+$0x40] =	vst v26  }
0x216: {  	v16 =	vld [tilespmem:s12+$0xFFFFFFC0];
	v36 =	vpop (erf);
	[tilespmem:s19+$0x50] =	vst v33  }
0x217: {  	v18 =	vld [tilespmem:s12+$0xFFFFFFD0];
	v3 =	vbroadcast v36, $0x0;
	v22 =	vbroadcast v36, $0x7;
	[tilespmem:s19+$0x60] =	vst v29  }
0x218: {  	v4 =	vbroadcast v36, $0x1;
	v2 =	vbroadcast v36, $0x2;
	v19 =	vld [tilespmem:s12+$0xFFFFFFE0];
	[tilespmem:s19+$0x70] =	vst v37  }
0x219: {  	v1 =	vbroadcast v36, $0x3;
	v20 =	vld [tilespmem:s12+$0x0];
	v25 =	vmul.f32 v21, v22;
	v34 =	vpop (erf);
	[tilespmem:s19+$0x90] =	vst v23  }
0x21a: {  	v43 =	vbroadcast v34, $0x0;
	v40 =	vbroadcast v34, $0x1;
	v21 =	vld [tilespmem:s12+$0x10];
	[tilespmem:s19+$0xA0] =	vst v27  }
0x21b: {  	v42 =	vbroadcast v34, $0x2;
	v38 =	vbroadcast v34, $0x3;
	v22 =	vld [tilespmem:s12+$0x20];
	[tilespmem:s12+$0x100] =	vst v25;
	v35 =	vpop (erf)  }
0x21c: {  	v44 =	vbroadcast v34, $0x4;
	v39 =	vbroadcast v34, $0x5;
	v25 =	vld [tilespmem:s12+$0x30];
	v23 =	vpop (erf);
	[tilespmem:s19+$0xB0] =	vst v24  }
0x21d: {  	v62 =	vbroadcast v23, $0x0;
	v58 =	vbroadcast v23, $0x1;
	v26 =	vld [tilespmem:s12+$0x40];
	[tilespmem:s19+$0xC0] =	vst v28  }
0x21e: {  	v61 =	vbroadcast v23, $0x2;
	v57 =	vbroadcast v23, $0x3;
	v33 =	vld [tilespmem:s12+$0x50];
	[tilespmem:s19+$0xD0] =	vst v30  }
0x21f: {  	v60 =	vbroadcast v23, $0x4;
	v56 =	vbroadcast v23, $0x5;
	v29 =	vld [tilespmem:s12+$0x60];
	[tilespmem:s19+$0xE0] =	vst v31  }
0x220: {  	v59 =	vbroadcast v23, $0x6;
	v55 =	vbroadcast v23, $0x7;
	v37 =	vld [tilespmem:s12+$0x70];
	[tilespmem:s19+$0xF0] =	vst v32;
	s19 =	smov.u32 s12  }
0x221: {  	v54 =	vbroadcast v34, $0x6;
	v52 =	vbroadcast v34, $0x7;
	[tilespmem:s12+$0xFFFFFF60] =	vst v23;
	v23 =	vld [tilespmem:s12+$0x90]  }
0x222: {  	v53 =	vbroadcast v35, $0x0;
	v50 =	vbroadcast v35, $0x1;
	[tilespmem:s12+$0xFFFFFFF0] =	vst v34;
	v27 =	vld [tilespmem:s12+$0xA0]  }
.Ltmp4:
0x223: {  	v51 =	vbroadcast v35, $0x2;
	v49 =	vbroadcast v35, $0x3;
	[tilespmem:s12+$0x80] =	vst v35;
	v24 =	vld [tilespmem:s12+$0xB0];
	(pc) =	sbr.rel @p1 .LBB2_10-.Ltmp4, $4  }
0x224: {  	v48 =	vbroadcast v35, $0x4;
	v47 =	vbroadcast v35, $0x5;
	[tilespmem:s12+$0x110] =	vst v36;
	v28 =	vld [tilespmem:s12+$0xC0]  }
0x225: {  	v46 =	vbroadcast v35, $0x6;
	v45 =	vbroadcast v35, $0x7;
	v30 =	vld [tilespmem:s12+$0xD0]  }
0x226: {  	v32 =	vbroadcast v36, $0x5;
	v34 =	vbroadcast v36, $0x4;
	v31 =	vld [tilespmem:s12+$0xE0]  }
0x227: {  	v41 =	vmul.f32 v62, v41;
	v36 =	vbroadcast v36, $0x6;
	s12 =	sadd.s32 $0x240, s12;
	v35 =	vld [tilespmem:s19+$0xF0]  }
0x228: {  	v5 =	vmul.f32 v58, v5  }
0x229: {  	v6 =	vmul.f32 v61, v6;
	[tilespmem:s19+$0xFFFFFEE0] =	vst v41  }
0x22a: {  	v7 =	vmul.f32 v7, v57;
	[tilespmem:s19+$0xFFFFFEF0] =	vst v5  }
0x22b: {  	v63 =	vmul.f32 v9, v60;
	[tilespmem:s19+$0xFFFFFF00] =	vst v6  }
0x22c: {  	v9 =	vmul.f32 v8, v56;
	[tilespmem:s19+$0xFFFFFF10] =	vst v7  }
0x22d: {  	v10 =	vmul.f32 v10, v59;
	[tilespmem:s19+$0xFFFFFF20] =	vst v63  }
0x22e: {  	v11 =	vmul.f32 v11, v55;
	[tilespmem:s19+$0xFFFFFF30] =	vst v9  }
0x22f: {  	v12 =	vmul.f32 v43, v12;
	[tilespmem:s19+$0xFFFFFF40] =	vst v10  }
0x230: {  	v40 =	vmul.f32 v40, v13;
	[tilespmem:s19+$0xFFFFFF50] =	vst v11  }
0x231: {  	v43 =	vmul.f32 v17, v44;
	[tilespmem:s19+$0xFFFFFF70] =	vst v12  }
0x232: {  	v44 =	vmul.f32 v16, v39;
	[tilespmem:s19+$0xFFFFFF80] =	vst v40  }
0x233: {  	v54 =	vmul.f32 v18, v54;
	[tilespmem:s19+$0xFFFFFFB0] =	vst v43  }
0x234: {  	v55 =	vmul.f32 v19, v52;
	[tilespmem:s19+$0xFFFFFFC0] =	vst v44  }
0x235: {  	v56 =	vmul.f32 v53, v20;
	[tilespmem:s19+$0xFFFFFFD0] =	vst v54  }
0x236: {  	v57 =	vmul.f32 v50, v21;
	[tilespmem:s19+$0xFFFFFFE0] =	vst v55  }
0x237: {  	v58 =	vmul.f32 v51, v22;
	[tilespmem:s19+$0x0] =	vst v56  }
0x238: {  	v59 =	vmul.f32 v25, v49;
	[tilespmem:s19+$0x10] =	vst v57  }
0x239: {  	v60 =	vmul.f32 v26, v48;
	[tilespmem:s19+$0x20] =	vst v58  }
0x23a: {  	v61 =	vmul.f32 v33, v47;
	[tilespmem:s19+$0x30] =	vst v59  }
0x23b: {  	v62 =	vmul.f32 v29, v46;
	[tilespmem:s19+$0x40] =	vst v60  }
0x23c: {  	v3 =	vmul.f32 v3, v23;
	[tilespmem:s19+$0x50] =	vst v61  }
0x23d: {  	v4 =	vmul.f32 v4, v27;
	[tilespmem:s19+$0x60] =	vst v62  }
0x23e: {  	v2 =	vmul.f32 v2, v24;
	[tilespmem:s19+$0x90] =	vst v3  }
0x23f: {  	v41 =	vmul.f32 v42, v14;
	[tilespmem:s19+$0xA0] =	vst v4  }
0x240: {  	v42 =	vmul.f32 v15, v38;
	[tilespmem:s19+$0xB0] =	vst v2  }
0x241: {  	v1 =	vmul.f32 v28, v1;
	[tilespmem:s19+$0xFFFFFF90] =	vst v41  }
0x242: {  	v63 =	vmul.f32 v37, v45;
	[tilespmem:s19+$0xFFFFFFA0] =	vst v42  }
0x243: {  	v3 =	vmul.f32 v30, v34;
	[tilespmem:s19+$0xC0] =	vst v1  }
0x244: {  	v2 =	vmul.f32 v31, v32;
	[tilespmem:s19+$0x70] =	vst v63  }
0x245: {  	v1 =	vmul.f32 v35, v36;
	[tilespmem:s19+$0xD0] =	vst v3  }
0x246: {  	[tilespmem:s19+$0xE0] =	vst v2  }
0x247: {  	[tilespmem:s19+$0xF0] =	vst v1  }
0x248: {  	[spmem:s1] =	stream.indirect.scatter.add.f32 [tilespmem:s29], [sflag:$0x7], $0x90, s28, s28, $0xb8;
	[tilespmem:$0x1C570] =	vst v63  }
0x249: {  	_ =	swait.ge [sflag:s26], $0x2D00  }
0x24a: {  	[sflag:s26] =	ssyncset.done $0x0  }
0x24b: {  	[sflag:s26] =	ssyncadd.s32 $0xFFFFD300  }
0x24c: {  	s12 =	stileid.u32;
	[bflag:$0x0] =	sbarrier.arrive $0xFFFF  }
0x24d: {  	s12 =	sshll.u32 s12, $0x6;
	s21 =	rddreg [dreg:$0xe]  }
0x24e: {  	s12 =	sor.u32 $0x1C07, s12;
	s24 =	rddreg [dreg:$0xf];
	s25 =	sshrl.u32 s21, $0x3  }
0x24f: {  	[hbm:s24], [sflag:s12] =	dma.local [spmem:s25], $0x2BE0  }
0x250: {  	_ =	swait.ge [sflag:s26], $0x2BE0  }
0x251: {  	s19 =	sshrl.u32 @!p0 s20, $0x3;
	[sflag:s26] =	ssyncset.done $0x0  }
0x252: {  	s24 =	smov.u32 s20;
	s20 =	rddreg [dreg:$0x10];
	[sflag:s26] =	ssyncadd.s32 $0xFFFFD420  }
0x253: {  	[hbm:s20], [sflag:s12] =	dma.local @!p0 [spmem:s19], $0x120  }
0x254: {  	s12 =	simm.s32 @!p0 $0x7  }
0x255: {  	_ =	swait.ge @!p0 [sflag:s12], $0x120  }
0x256: {  	s18 =	sadd.s32 $0x1, s18;
	s25 =	rddreg [dreg:$0x11]  }
0x257: {  	p1 =	sne.s32 s18, s25  }
.Ltmp5:
0x258: {  	_ = 	snop;
	(pc) =	sbr.rel @p1 .LBB2_1-.Ltmp5, $3  }
0x259: {  	_ =	sdelay $0x1  }
0x25a: {  	[sflag:s12] =	ssyncset.done @!p0 $0x0  }
0x25b: {  	[sflag:s12] =	ssyncadd.s32 @!p0 $0xFFFFFEE0  }
0x25c: {  	_ =	sfence.sel $0x180000  }
0x25d: {  	[bflag:$0x0] =	sbarrier.arrive $0xFFFF  }
0x25e: {  	_ =	strace $0x9000004A  }
0x25f: {  	s0 =	stileid.u32;
	[bflag:$0x2] =	sbarrier.arrive $0xFFFF  }
0x260: {  	p0 =	sne.s32 s0, $0x0;
	s0 =	rddreg [dreg:$0x2]  }
0x261: {  	s0 =	sadd.s32 @!p0 $0x100000, s0  }
0x262: {  	[sflag:s0] =	ssyncadd.tile.s32 @!p0 $0x1;
	_ =	shalt  }
.Lfunc_end2:
_tile_overlayer_lowered:
.L_overlay_start_2:
0x263: {  	(tag) =	ssettag $0x2  }
0x264: {  	s0 =	rddreg [dreg:$0x0];
	s2 =	stileid.u32  }
0x265: {  	s1 =	rddreg [dreg:$0x1];
	p0 =	sne.s32 s2, $0x0  }
0x266: {  	s3 =	rddreg [dreg:$0x2];
	[bflag:$0x3] =	sbarrier.arrive $0xFFFF;
	s2 =	simm.s32 @!p0 $0x1C07  }
0x267: {  	[timem:s3], [sflag:s2] =	dma.local @!p0 [hbm:s0], s1  }
0x268: {  	s0 =	simm.s32 @!p0 $0x7  }
0x269: {  	_ =	swait.ge @!p0 [sflag:s0], s1  }
0x26a: {  	s1 =	ssub.s32 @!p0 $0x0, s1;
	[sflag:s0] =	ssyncset.done @!p0 $0x0  }
0x26b: {  	[sflag:s0] =	ssyncadd.s32 @!p0 s1  }
0x26c: {  	[bflag:$0x3] =	sbarrier.arrive $0xFFFF  }
0x26d: {  	_ =	shalt  }

// kernel: kernel.7.cloned.1.call-start
scs
__scs_entry_jumppad:
0x0: {  	(pc) =	sbr.rel $0x88, $3  }
0x1: {  	(tag) =	ssettag $0x0;
	lr =	simm.s32 $0x1  }
0x2: {  	[smem:$0x3F93] =	sst lr;
	_ =	strace $0xD0000000  }
0x3: {  	_ = 	snop  }
0x4: {  	_ = 	snop  }
0x5: {  	_ = 	snop  }
0x6: {  	_ = 	snop  }
0x7: {  	_ = 	snop  }
__scs_overlays_trampoline_lowered:
0x8: {  	[smem:$0x3FA2] =	sst s0  }
0x9: {  	[smem:$0x3FA3] =	sst s1  }
0xa: {  	[smem:$0x3FA4] =	sst s2  }
0xb: {  	[smem:$0x3FA5] =	sst s3  }
0xc: {  	[smem:$0x3FA6] =	sst s4  }
0xd: {  	[smem:$0x3FA7] =	sst s5  }
0xe: {  	[smem:$0x3FA8] =	sst s6  }
0xf: {  	[smem:$0x3FA9] =	sst s7  }
0x10: {  	[smem:$0x3FAA] =	sst s8  }
0x11: {  	[smem:$0x3FAB] =	sst s9;
	s0 =	simm.s32 @!p0 $0x0  }
0x12: {  	s1 =	sld [smem:$0x3F91];
	s0 =	simm.s32 @p0 $0x1  }
0x13: {  	[smem:$0x3FAC] =	sst s0;
	s0 =	simm.s32 @!p1 $0x0  }
0x14: {  	s2 =	sld [smem:$0x3F90];
	s0 =	simm.s32 @p1 $0x1  }
0x15: {  	[smem:$0x3FAD] =	sst s0;
	s0 =	simm.s32 @!p2 $0x0  }
0x16: {  	s3 =	sld [smem:$0x3FDB];
	s0 =	simm.s32 @p2 $0x1  }
0x17: {  	s4 =	simm.s32 $0x1BF5;
	[smem:$0x3FAF] =	sst s0  }
0x18: {  	s0 =	sld [smem:$0x3F92];
	_ =	swait.ge [sflag:s4], $0x0  }
0x19: {  	s7 =	sld [smem:$0x3F93]  }
0x1a: {  	s8 =	sadd.s32 $0xFFFFE003, lr  }
0x1b: {  	s9 =	sadd.s32 $0xFFFFFEF7, lr;
	s5 =	simm.s32 $0xFFFFFFFF;
	p2 =	slt.u32 s8, $0xFFFFF086  }
0x1c: {  	p1 =	slt.u32 s9, $0xF7A;
	s5 =	simm.s32 @!p2 $0x0  }
0x1d: {  	s5 =	simm.s32 @p1 $0x1;
	p0 =	seq.s32 s7, s2  }
0x1e: {  	s7 =	smul.u32 @!p0 $0xF7A, s2;
	p2 =	seq.s32 @!p0 s5, $0x0  }
0x1f: {  	s9 =	smul.u32 $0xF7A, s1;
	s8 =	simm.s32 @!p0 $0x1BF5;
	p2 =	por !p2, p0  }
0x20: {  	[sflag:s8] =	ssyncset.s32 @!p0 $0xFFFFF086;
	s6 =	sadd.s32 @!p0 s3, s7;
	s7 =	simm.s32 @!p0 $0x108  }
0x21: {  	s3 =	sadd.s32 s3, s9;
	s6 =	sadd.s32 @!p0 $0x88, s6;
	s7 =	simm.s32 @p2 $0x1082  }
0x22: {  	[simem:s7], [sflag:s8] =	dma.local @!p0 [hbm:s6], $0xF7A  }
0x23: {  	s9 =	sor.u32 $0xD0000000, s2;
	s6 =	simm.s32 $0x108;
	_ =	swait.ge @!p0 [sflag:s8], $0x0  }
0x24: {  	s3 =	sadd.s32 $0x88, s3;
	s6 =	simm.s32 @!p1 $0x1082;
	[sflag:s4] =	ssyncset.s32 $0xFFFFF086  }
0x25: {  	[simem:s6], [sflag:s4] =	dma.local [hbm:s3], $0xF7A  }
0x26: {  	[smem:$0x3F93] =	sst s1;
	(tag) =	ssettag s2;
	_ =	strace s9  }
0x27: {  	s1 =	sld [smem:$0x3FA3]  }
0x28: {  	s2 =	sld [smem:$0x3FA4]  }
0x29: {  	s4 =	sld [smem:$0x3FA6]  }
0x2a: {  	p0 =	seq.s32 s5, $0x0;
	s5 =	sld [smem:$0x3FA7]  }
0x2b: {  	s6 =	sld [smem:$0x3FA8]  }
0x2c: {  	s7 =	sld [smem:$0x3FA9]  }
0x2d: {  	s3 =	simm.s32 $0x108;
	s8 =	sld [smem:$0x3FAA]  }
0x2e: {  	s3 =	simm.s32 @!p0 $0x1082;
	s9 =	sld [smem:$0x3FAB]  }
0x2f: {  	lr =	sadd.s32 s0, s3;
	s0 =	sld [smem:$0x3FA2]  }
0x30: {  	s3 =	sld [smem:$0x3FA5]  }
0x31: {  	[smem:$0x3FAE] =	sst s10  }
0x32: {  	s10 =	sld [smem:$0x3FAC];
	_ =	sdelay $0x3  }
0x33: {  	p0 =	seq.s32 s10, $0x1;
	s10 =	sld [smem:$0x3FAE];
	_ =	sdelay $0x3  }
0x34: {  	[smem:$0x3FAE] =	sst s10  }
0x35: {  	s10 =	sld [smem:$0x3FAD];
	_ =	sdelay $0x3  }
0x36: {  	p1 =	seq.s32 s10, $0x1;
	s10 =	sld [smem:$0x3FAE];
	_ =	sdelay $0x3  }
0x37: {  	[smem:$0x3FAE] =	sst s10  }
0x38: {  	s10 =	sld [smem:$0x3FAF]  }
0x39: {  	_ = 	snop;
	(pc) =	sbr.ind lr, $3  }
0x3a: {  	_ = 	snop  }
0x3b: {  	_ = 	snop  }
0x3c: {  	p2 =	seq.s32 s10, $0x1;
	s10 =	sld [smem:$0x3FAE]  }
0x3d: {  	_ =	shalt  }
0x3e: {  	_ =	shalt  }
0x3f: {  	_ =	shalt  }
0x40: {  	_ =	shalt  }
0x41: {  	_ =	shalt  }
0x42: {  	_ =	shalt  }
0x43: {  	_ =	shalt  }
0x44: {  	_ =	shalt  }
0x45: {  	_ =	shalt  }
0x46: {  	_ =	shalt  }
0x47: {  	_ =	shalt  }
0x48: {  	_ =	shalt  }
0x49: {  	_ =	shalt  }
0x4a: {  	_ =	shalt  }
0x4b: {  	_ =	shalt  }
0x4c: {  	_ =	shalt  }
0x4d: {  	_ =	shalt  }
0x4e: {  	_ =	shalt  }
0x4f: {  	_ =	shalt  }
0x50: {  	_ =	shalt  }
0x51: {  	_ =	shalt  }
0x52: {  	_ =	shalt  }
0x53: {  	_ =	shalt  }
0x54: {  	_ =	shalt  }
0x55: {  	_ =	shalt  }
0x56: {  	_ =	shalt  }
0x57: {  	_ =	shalt  }
0x58: {  	_ =	shalt  }
0x59: {  	_ =	shalt  }
0x5a: {  	_ =	shalt  }
0x5b: {  	_ =	shalt  }
0x5c: {  	_ =	shalt  }
0x5d: {  	_ =	shalt  }
0x5e: {  	_ =	shalt  }
0x5f: {  	_ =	shalt  }
0x60: {  	_ =	shalt  }
0x61: {  	_ =	shalt  }
0x62: {  	_ =	shalt  }
0x63: {  	_ =	shalt  }
0x64: {  	_ =	shalt  }
0x65: {  	_ =	shalt  }
0x66: {  	_ =	shalt  }
0x67: {  	_ =	shalt  }
0x68: {  	_ =	shalt  }
0x69: {  	_ =	shalt  }
0x6a: {  	_ =	shalt  }
0x6b: {  	_ =	shalt  }
0x6c: {  	_ =	shalt  }
0x6d: {  	_ =	shalt  }
0x6e: {  	_ =	shalt  }
0x6f: {  	_ =	shalt  }
0x70: {  	_ =	shalt  }
0x71: {  	_ =	shalt  }
0x72: {  	_ =	shalt  }
0x73: {  	_ =	shalt  }
0x74: {  	_ =	shalt  }
0x75: {  	_ =	shalt  }
0x76: {  	_ =	shalt  }
0x77: {  	_ =	shalt  }
0x78: {  	_ =	shalt  }
0x79: {  	_ =	shalt  }
0x7a: {  	_ =	shalt  }
0x7b: {  	_ =	shalt  }
0x7c: {  	_ =	shalt  }
0x7d: {  	_ =	shalt  }
0x7e: {  	_ =	shalt  }
0x7f: {  	_ =	shalt  }
0x80: {  	_ =	shalt  }
0x81: {  	_ =	shalt  }
0x82: {  	_ =	shalt  }
0x83: {  	_ =	shalt  }
0x84: {  	_ =	shalt  }
0x85: {  	_ =	shalt  }
0x86: {  	_ =	shalt  }
0x87: {  	_ =	shalt  }
.Lfunc_end0:
.L_simem_size_0:
called_computation_lowered:
.L_overlay_start_0:
0x88: {  	s2 =	sld [smem:$0x3FD9]  }
0x89: {  	s3 =	sld [smem:$0x3FFE];
	_ =	sdelay $0x1  }
0x8a: {  	s1 =	srdreg.scid  }
0x8b: {  	s0 =	sand.u32 $0x1, s1  }
0x8c: {  	s16 =	sshll.u32 s0, $0xA;
	s2 =	sadd.s32 s3, s2  }
0x8d: {  	s2 =	sadd.s32 s2, s16  }
0x8e: {  	[smem:$0x3FBA] =	sst s2  }
0x8f: {  	_ = 	snop  }
0x90: {  	(tm) =	ssettm $0x1  }
0x91: {  	s17 =	sld [smem:$0x3FFB];
	_ =	sdelay $0x3  }
0x92: {  	_ =	strace s17  }
0x93: {  	s2 =	sld [smem:$0x3FFC];
	_ =	sdelay $0x3  }
0x94: {  	_ =	strace s2  }
0x95: {  	s2 =	sld [smem:$0x3FFD];
	_ =	sdelay $0x3  }
0x96: {  	_ =	strace s2  }
0x97: {  	_ =	strace $0x8FFFFFFF  }
0x98: {  	s18 =	sld [smem:$0x3FDB];
	_ =	sdelay $0x1  }
0x99: {  	s19 =	simm.s32 $_scs_section_size  }
0x9a: {  	s4 =	simm.s32 $_size__tile_overlayer_lowered;
	s5 =	simm.s32 $_tile_overlayer_lowered  }
0x9b: {  	s22 =	simm.s32 $0x1BFF;
	s21 =	sshll.u32 s5, $0x1;
	s2 =	sadd.s32 s19, s18  }
0x9c: {  	s6 =	simm.s32 $0x0;
	s20 =	sshll.u32 s4, $0x1;
	s4 =	sadd.s32 s21, s2  }
0x9d: {  	[timem:s6], [sflag:s22] =	dma.local [hbm:s4], s20  }
0x9e: {  	_ =	swait.ge [sflag:s22], s20  }
0x9f: {  	s3 =	ssub.s32 $0x0, s20;
	[sflag:s22] =	ssyncset.done $0x0  }
0xa0: {  	[sflag:s22] =	ssyncadd.s32 s3;
	_ =	sdelay $0x1  }
0xa1: {  	s23 =	simm.s32 $0x1B8B  }
0xa2: {  	_ =	swait.ge [sflag:s23], $0x1  }
0xa3: {  	[sflag:s23] =	ssyncset.done $0x0  }
0xa4: {  	s25 =	simm.s32 $0x1B8E;
	s24 =	sld [smem:$0x3FFE];
	[sflag:s23] =	ssyncadd.s32 $0xFFFFFFFF  }
0xa5: {  	s26 =	simm.s32 $execute0_lowered;
	[smem:$0x3FD2] =	sst s25  }
0xa6: {  	s4 =	sshll.u32 s26, $0x1;
	_ =	strace $0x80000046;
	[dreg:$0x1] =	wrdreg $0xFFFFFFFF  }
0xa7: {  	s28 =	simm.s32 $_size_execute0_lowered;
	s2 =	sadd.s32 s2, s4;
	[dreg:$0x0] =	wrdreg $0x0  }
0xa8: {  	s4 =	sshll.u32 s28, $0x1;
	[dreg:$0x2] =	wrdreg s2  }
0xa9: {  	[dreg:$0x3] =	wrdreg s4  }
0xaa: {  	[dreg:$0x4] =	wrdreg $0xC0  }
0xab: {  	_ =	task [dreg:s6], $0x5FFFF  }
0xac: {  	[dreg:$0x1] =	wrdreg $0xFFFFFFFF  }
0xad: {  	[dreg:$0x0] =	wrdreg $0x60  }
0xae: {  	[dreg:$0x2] =	wrdreg s24  }
0xaf: {  	[dreg:$0x3] =	wrdreg $0x65E00  }
0xb0: {  	[dreg:$0x4] =	wrdreg $0x9  }
0xb1: {  	_ =	task.clear_ibuf [dreg:s6], $0x5FFFF;
	_ =	strace $0x90000046  }
0xb2: {  	s29 =	simm.s32 $0x9;
	_ =	strace $0x80000048  }
0xb3: {  	_ =	swait.ge [sflag:s29], $0x1  }
0xb4: {  	[sflag:s29] =	ssyncadd.s32 $0xFFFFFFFF  }
0xb5: {  	_ =	strace $0x90000048  }
0xb6: {  	_ =	sfence  }
0xb7: {  	s30 =	sld [smem:$0x0];
	_ =	sdelay $0x2  }
0xb8: {  	s31 =	sshll.u32 s1, $0xD;
	s1 =	sshrl.u32 s1, $0x2  }
0xb9: {  	s3 =	sand.u32 $0x4000, s31;
	s1 =	sadd.s32 s1, s30  }
0xba: {  	s0 =	sor.u32 s3, s0;
	s1 =	sshll.u32 s1, $0x11  }
0xbb: {  	s0 =	sor.u32 s1, s0  }
0xbc: {  	s0 =	sadd.s32 $0x8F2B, s0  }
0xbd: {  	[sflag:s0] =	ssyncadd.remote.s32 $0x1  }
0xbe: {  	_ =	sfence.sel $0xFFFF  }
0xbf: {  	[dreg:$0x0] =	wrdreg $0xFFFFFFFF;
	(pc) =	sbr.abs _section_cstart, $3  }
0xc0: {  	[dreg:$0x1] =	wrdreg $0xFFFFFFFF  }
0xc1: {  	_ =	task.clear_ibuf [dreg:s6], $0x2FFFF;
	_ =	strace $0x9FFFFFFF  }
0xc2: {  	(tm) =	ssettm $0x7FFFFFFF  }
0xc3: {  	_ =	shalt  }
tec
execute0_lowered:
.L_overlay_start_1:
0x0: {  	(tag) =	ssettag $0x1  }
0x1: {  	s0 =	rddreg [dreg:$0x0]  }
0x2: {  	s1 =	rddreg [dreg:$0x1];
	s2 =	simm.s32 $0x0  }
0x3: {  	s3 =	srdreg.scid;
	s14 =	stileid.u32;
	s28 =	simm.s32 $0x50  }
0x4: {  	s29 =	simm.s32 $0x1E0;
	s30 =	simm.s32 $0x5BE0;
	s31 =	simm.s32 $0xA0  }
0x5: {  	[smem:$0x7FF] =	sst s2;
	s3 =	sand.u32 $0x1, s3;
	s11 =	smul.u32 $0x57C00, s14  }
0x6: {  	s4 =	sadd.s32 $0xC200, s0;
	s5 =	sadd.s32 $0x2400, s0;
	s13 =	smul.u32 $0x15F00, s14  }
0x7: {  	p0 =	sne.s32 s14, $0xF;
	_ =	strace $0x80000047;
	s6 =	sshll.u32 s3, $0x4  }
0x8: {  	s8 =	ssub.s32 $0x2, s3;
	s3 =	smul.u32 $0x15F900, s3;
	s7 =	sor.u32 s14, s6  }
0x9: {  	s6 =	sadd.s32 $0x16000, s0;
	s10 =	sshrl.u32 s8, $0x1;
	s9 =	smul.u32 $0x2710, s7  }
0xa: {  	s16 =	sshrl.u32 s11, $0x2;
	s21 =	sadd.s32 s13, s1;
	s11 =	simm.s32 $0x6  }
0xb: {  	s14 =	simm.s32 $0x140;
	s7 =	sadd.s32 $0x42000, s0;
	s25 =	sshrl.u32 s9, $0x3  }
0xc: {  	s8 =	ssub.s32 s8, s10;
	[dreg:$0xe] =	wrdreg s21;
	s12 =	sadd.s32 s4, s25  }
0xd: {  	s26 =	sadd.s32 $0xA, s25;
	s10 =	sadd.s32 s5, s25;
	[dreg:$0x3] =	wrdreg s12  }
0xe: {  	s0 =	sadd.s32 $0x47000, s0;
	[dreg:$0x4] =	wrdreg s10;
	s15 =	sadd.s32 s4, s26  }
0xf: {  	s25 =	sadd.s32 s13, s3;
	s17 =	sadd.s32 s5, s26;
	[dreg:$0x5] =	wrdreg s15  }
0x10: {  	s10 =	sadd.s32 s16, s1;
	s26 =	smax.u32 s8, $0x1;
	[dreg:$0x6] =	wrdreg s17  }
0x11: {  	s3 =	sshrl.u32 s3, $0x3;
	s18 =	sadd.s32 $0x2D00, s10;
	[dreg:$0x11] =	wrdreg s26  }
0x12: {  	s13 =	simm.s32 $0x60E0;
	s19 =	sadd.s32 $0x5A00, s10;
	[dreg:$0x7] =	wrdreg s18  }
0x13: {  	s8 =	simm.s32 $0x190;
	s20 =	sadd.s32 $0x8700, s10;
	[dreg:$0x8] =	wrdreg s19  }
0x14: {  	s16 =	simm.s32 $0x3;
	s22 =	sadd.s32 $0xB400, s10;
	[dreg:$0x9] =	wrdreg s20  }
0x15: {  	s23 =	sadd.s32 $0xE100, s10;
	s24 =	sadd.s32 $0x10E00, s10;
	[dreg:$0xa] =	wrdreg s22  }
0x16: {  	s10 =	sadd.s32 $0x13B00, s10;
	s26 =	simm.s32 $0x7;
	[dreg:$0xb] =	wrdreg s23  }
0x17: {  	s15 =	simm.s32 $0x2;
	s17 =	simm.s32 $0x5;
	[dreg:$0xc] =	wrdreg s24  }
0x18: {  	[dreg:$0xd] =	wrdreg s10;
	s24 =	sadd.s32 $0x15F000, s1;
	s10 =	sshrl.u32 s25, $0x3  }
0x19: {  	s22 =	sadd.s32 $0xA0, s9;
	s23 =	sadd.s32 $0xF0, s9;
	s9 =	simm.s32 $0x1  }
0x1a: {  	s18 =	simm.s32 $0x0;
	s10 =	sadd.s32 s0, s10;
	s0 =	sadd.s32 s0, s3  }
0x1b: {  	s3 =	simm.s32 $0x2EE0;
	[dreg:$0xf] =	wrdreg s10;
	s0 =	sadd.s32 $0x2BE00, s0  }
0x1c: {  	v0 =	vimm.f32 $0.0e+00;
	s10 =	simm.s32 $0x4;
	[dreg:$0x10] =	wrdreg s0;
	s0 =	simm.s32 $0xF0  }
.LBB2_1:
0x1d: {  	s12 =	rddreg [dreg:$0x3]  }
0x1e: {  	[tilespmem:s2], [sflag:$0x7] =	stream.linear.gather [hbm4b:s12+s2], $0x50, $0x38;
	[tilespmem:$0x1C570] =	vst v63  }
0x1f: {  	_ =	swait.ge [sflag:s26], $0x50  }
0x20: {  	[sflag:s26] =	ssyncset.done $0x0  }
0x21: {  	s19 =	rddreg [dreg:$0x4];
	[sflag:s26] =	ssyncadd.s32 $0xFFFFFFB0  }
0x22: {  	[tilespmem:s28], [sflag:$0x7] =	stream.linear.gather [hbm4b:s19+s2], $0x50, $0x38;
	[tilespmem:$0x1C570] =	vst v63  }
0x23: {  	_ =	swait.ge [sflag:s26], $0x50  }
0x24: {  	[sflag:s26] =	ssyncset.done $0x0  }
0x25: {  	[sflag:s26] =	ssyncadd.s32 $0xFFFFFFB0  }
0x26: {  	[tilespmem:s29], [sflag:$0x1] =	stream.indirect.gather [hbm4b:s6+s28], $0x90, s2, s28, $0xb8;
	[tilespmem:$0x1C570] =	vst v63  }
0x27: {  	_ = 	snop  }
0x28: {  	[tilespmem:s30], [sflag:$0x1] =	stream.indirect.gather [hbm4b:s7+s28], $0x10, s28, s28, $0xb8;
	[tilespmem:$0x1C570] =	vst v63  }
0x29: {  	s20 =	rddreg [dreg:$0x5]  }
0x2a: {  	[tilespmem:s31], [sflag:$0x4] =	stream.linear.gather [hbm4b:s20+s2], $0x50, $0x38;
	[tilespmem:$0x1C570] =	vst v63  }
0x2b: {  	s12 =	simm.s32 $0x3000;
	s25 =	rddreg [dreg:$0x6]  }
0x2c: {  	[tilespmem:s0], [sflag:$0x4] =	stream.linear.gather [hbm4b:s25+s2], $0x50, $0x38;
	[tilespmem:$0x1C570] =	vst v63  }
0x2d: {  	[tilespmem:s12+$0xFFFFFEE0] =	vst v0  }
0x2e: {  	[tilespmem:s12+$0x110] =	vst v0  }
0x2f: {  	[tilespmem:s12+$0x100] =	vst v0  }
0x30: {  	[tilespmem:s12+$0xF0] =	vst v0  }
0x31: {  	[tilespmem:s12+$0xE0] =	vst v0  }
0x32: {  	[tilespmem:s12+$0xD0] =	vst v0  }
0x33: {  	[tilespmem:s12+$0xC0] =	vst v0  }
0x34: {  	[tilespmem:s12+$0xB0] =	vst v0  }
0x35: {  	[tilespmem:s12+$0xA0] =	vst v0  }
0x36: {  	[tilespmem:s12+$0x90] =	vst v0  }
0x37: {  	[tilespmem:s12+$0x80] =	vst v0  }
0x38: {  	[tilespmem:s12+$0x70] =	vst v0  }
0x39: {  	[tilespmem:s12+$0x60] =	vst v0  }
0x3a: {  	[tilespmem:s12+$0x50] =	vst v0  }
0x3b: {  	[tilespmem:s12+$0x40] =	vst v0  }
0x3c: {  	[tilespmem:s12+$0x30] =	vst v0  }
0x3d: {  	[tilespmem:s12+$0x20] =	vst v0  }
0x3e: {  	[tilespmem:s12+$0x10] =	vst v0  }
0x3f: {  	[tilespmem:s12+$0x0] =	vst v0  }
0x40: {  	[tilespmem:s12+$0xFFFFFFF0] =	vst v0  }
0x41: {  	[tilespmem:s12+$0xFFFFFFE0] =	vst v0  }
0x42: {  	[tilespmem:s12+$0xFFFFFFD0] =	vst v0  }
0x43: {  	[tilespmem:s12+$0xFFFFFFC0] =	vst v0  }
0x44: {  	[tilespmem:s12+$0xFFFFFFB0] =	vst v0  }
0x45: {  	[tilespmem:s12+$0xFFFFFFA0] =	vst v0  }
0x46: {  	[tilespmem:s12+$0xFFFFFF90] =	vst v0  }
0x47: {  	[tilespmem:s12+$0xFFFFFF80] =	vst v0  }
0x48: {  	[tilespmem:s12+$0xFFFFFF70] =	vst v0  }
0x49: {  	[tilespmem:s12+$0xFFFFFF60] =	vst v0  }
0x4a: {  	[tilespmem:s12+$0xFFFFFF50] =	vst v0  }
0x4b: {  	[tilespmem:s12+$0xFFFFFF40] =	vst v0  }
0x4c: {  	[tilespmem:s12+$0xFFFFFF30] =	vst v0  }
0x4d: {  	[tilespmem:s12+$0xFFFFFF20] =	vst v0  }
0x4e: {  	[tilespmem:s12+$0xFFFFFF10] =	vst v0  }
0x4f: {  	s19 =	simm.s32 $0x0;
	[tilespmem:s12+$0xFFFFFF00] =	vst v0  }
.LBB2_2:
0x50: {  	s19 =	sadd.s32 $0x4, s19;
	[tilespmem:s12+$0xFFFFFEF0] =	vst v0;
	s12 =	sadd.s32 $0x240, s12  }
0x51: {  	[tilespmem:s12+$0xFFFFFEE0] =	vst v0;
	p1 =	slt.u32 s19, $0x4C  }
0x52: {  	[tilespmem:s12+$0x110] =	vst v0  }
0x53: {  	[tilespmem:s12+$0x100] =	vst v0  }
0x54: {  	[tilespmem:s12+$0xF0] =	vst v0  }
0x55: {  	[tilespmem:s12+$0xE0] =	vst v0  }
0x56: {  	[tilespmem:s12+$0xD0] =	vst v0  }
0x57: {  	[tilespmem:s12+$0xC0] =	vst v0  }
0x58: {  	[tilespmem:s12+$0xB0] =	vst v0  }
0x59: {  	[tilespmem:s12+$0xA0] =	vst v0  }
0x5a: {  	[tilespmem:s12+$0x90] =	vst v0  }
0x5b: {  	[tilespmem:s12+$0x80] =	vst v0  }
0x5c: {  	[tilespmem:s12+$0x70] =	vst v0  }
0x5d: {  	[tilespmem:s12+$0x60] =	vst v0  }
0x5e: {  	[tilespmem:s12+$0x50] =	vst v0  }
0x5f: {  	[tilespmem:s12+$0x40] =	vst v0  }
0x60: {  	[tilespmem:s12+$0x30] =	vst v0  }
0x61: {  	[tilespmem:s12+$0x20] =	vst v0  }
0x62: {  	[tilespmem:s12+$0x10] =	vst v0  }
0x63: {  	[tilespmem:s12+$0x0] =	vst v0  }
0x64: {  	[tilespmem:s12+$0xFFFFFFF0] =	vst v0  }
0x65: {  	[tilespmem:s12+$0xFFFFFFE0] =	vst v0  }
0x66: {  	[tilespmem:s12+$0xFFFFFFD0] =	vst v0  }
0x67: {  	[tilespmem:s12+$0xFFFFFFC0] =	vst v0  }
0x68: {  	[tilespmem:s12+$0xFFFFFFB0] =	vst v0  }
0x69: {  	[tilespmem:s12+$0xFFFFFFA0] =	vst v0  }
0x6a: {  	[tilespmem:s12+$0xFFFFFF90] =	vst v0  }
0x6b: {  	[tilespmem:s12+$0xFFFFFF80] =	vst v0  }
0x6c: {  	[tilespmem:s12+$0xFFFFFF70] =	vst v0  }
0x6d: {  	[tilespmem:s12+$0xFFFFFF60] =	vst v0  }
0x6e: {  	[tilespmem:s12+$0xFFFFFF50] =	vst v0  }
.Ltmp0:
0x6f: {  	[tilespmem:s12+$0xFFFFFF40] =	vst v0;
	(pc) =	sbr.rel @p1 .LBB2_2-.Ltmp0, $4  }
0x70: {  	[tilespmem:s12+$0xFFFFFF30] =	vst v0  }
0x71: {  	[tilespmem:s12+$0xFFFFFF20] =	vst v0  }
0x72: {  	[tilespmem:s12+$0xFFFFFF10] =	vst v0  }
0x73: {  	[tilespmem:s12+$0xFFFFFF00] =	vst v0  }
0x74: {  	[tilespmem:s12+$0xFFFFFEF0] =	vst v0  }
0x75: {  	[spmem:s21] =	stream.linear.scatter [tilespmem:s3], [sflag:$0x7], $0x2D00, $0x38;
	[tilespmem:$0x1C570] =	vst v63  }
0x76: {  	_ =	swait.ge [sflag:s26], $0x2D00  }
0x77: {  	[sflag:s26] =	ssyncset.done $0x0  }
0x78: {  	s20 =	rddreg [dreg:$0x7];
	[sflag:s26] =	ssyncadd.s32 $0xFFFFD300  }
0x79: {  	[spmem:s20] =	stream.linear.scatter [tilespmem:s3], [sflag:$0x7], $0x2D00, $0x38;
	[tilespmem:$0x1C570] =	vst v63  }
0x7a: {  	_ =	swait.ge [sflag:s26], $0x2D00  }
0x7b: {  	[sflag:s26] =	ssyncset.done $0x0  }
0x7c: {  	s21 =	rddreg [dreg:$0x8];
	[sflag:s26] =	ssyncadd.s32 $0xFFFFD300  }
0x7d: {  	[spmem:s21] =	stream.linear.scatter [tilespmem:s3], [sflag:$0x7], $0x2D00, $0x38;
	[tilespmem:$0x1C570] =	vst v63  }
0x7e: {  	_ =	swait.ge [sflag:s26], $0x2D00  }
0x7f: {  	[sflag:s26] =	ssyncset.done $0x0  }
0x80: {  	s25 =	rddreg [dreg:$0x9];
	[sflag:s26] =	ssyncadd.s32 $0xFFFFD300  }
0x81: {  	[spmem:s25] =	stream.linear.scatter [tilespmem:s3], [sflag:$0x7], $0x2D00, $0x38;
	[tilespmem:$0x1C570] =	vst v63  }
0x82: {  	_ =	swait.ge [sflag:s26], $0x2D00  }
0x83: {  	[sflag:s26] =	ssyncset.done $0x0  }
0x84: {  	s19 =	rddreg [dreg:$0xa];
	[sflag:s26] =	ssyncadd.s32 $0xFFFFD300  }
0x85: {  	[spmem:s19] =	stream.linear.scatter [tilespmem:s3], [sflag:$0x7], $0x2D00, $0x38;
	[tilespmem:$0x1C570] =	vst v63  }
0x86: {  	_ =	swait.ge [sflag:s26], $0x2D00  }
0x87: {  	[sflag:s26] =	ssyncset.done $0x0  }
0x88: {  	s20 =	rddreg [dreg:$0xb];
	[sflag:s26] =	ssyncadd.s32 $0xFFFFD300  }
0x89: {  	[spmem:s20] =	stream.linear.scatter [tilespmem:s3], [sflag:$0x7], $0x2D00, $0x38;
	[tilespmem:$0x1C570] =	vst v63  }
0x8a: {  	_ =	swait.ge [sflag:s26], $0x2D00  }
0x8b: {  	[sflag:s26] =	ssyncset.done $0x0  }
0x8c: {  	s21 =	rddreg [dreg:$0xc];
	[sflag:s26] =	ssyncadd.s32 $0xFFFFD300  }
0x8d: {  	[spmem:s21] =	stream.linear.scatter [tilespmem:s3], [sflag:$0x7], $0x2D00, $0x38;
	[tilespmem:$0x1C570] =	vst v63  }
0x8e: {  	_ =	swait.ge [sflag:s26], $0x2D00  }
0x8f: {  	[sflag:s26] =	ssyncset.done $0x0  }
0x90: {  	s25 =	rddreg [dreg:$0xd];
	[sflag:s26] =	ssyncadd.s32 $0xFFFFD300  }
0x91: {  	[spmem:s25] =	stream.linear.scatter [tilespmem:s3], [sflag:$0x7], $0x2400, $0x38;
	[tilespmem:$0x1C570] =	vst v63  }
0x92: {  	_ =	swait.ge [sflag:s26], $0x2400  }
0x93: {  	[sflag:s26] =	ssyncset.done $0x0  }
0x94: {  	s12 =	simm.s32 @!p0 $0x2EE0;
	[sflag:s26] =	ssyncadd.s32 $0xFFFFDC00  }
0x95: {  	[spmem:s24] =	stream.linear.scatter @!p0 [tilespmem:s12], [sflag:$0x7], $0x900, $0x38;
	[tilespmem:$0x1C570] =	vst v63  }
0x96: {  	s12 =	simm.s32 @!p0 $0x7  }
0x97: {  	_ =	swait.ge @!p0 [sflag:s12], $0x900  }
0x98: {  	[sflag:s12] =	ssyncset.done @!p0 $0x0  }
0x99: {  	[sflag:s12] =	ssyncadd.s32 @!p0 $0xFFFFF700  }
0x9a: {  	[bflag:$0x0] =	sbarrier.arrive $0xFFFF  }
0x9b: {  	v1 =	vld [tilespmem:$0x50]  }
0x9c: {  	v2 =	vld [tilespmem:$0x60]  }
0x9d: {  	v3 =	vld [tilespmem:$0x70]  }
0x9e: {  	v4 =	vld [tilespmem:$0x80]  }
0x9f: {  	v5 =	vld [tilespmem:$0x90]  }
0xa0: {  	[tilespmem:$0x190] =	vst v1  }
0xa1: {  	[tilespmem:$0x1A0] =	vst v2  }
0xa2: {  	[tilespmem:$0x1B0] =	vst v3  }
0xa3: {  	[tilespmem:$0x1C0] =	vst v4  }
0xa4: {  	s19 =	simm.s32 $0x0;
	s20 =	smov.u32 s24;
	[tilespmem:$0x1D0] =	vst v5  }
0xa5: {  	[spmem:s1] =	stream.indirect.scatter.add.f32 [tilespmem:s3], [sflag:$0x6], $0x90, s8, s28, $0xb8;
	[tilespmem:$0x1C570] =	vst v63  }
.LBB2_4:
0xa6: {  	_ =	swait.ge [sflag:s9], $0x2D00  }
0xa7: {  	[sflag:s9] =	ssyncset.done $0x0  }
0xa8: {  	[sflag:s9] =	ssyncadd.s32 $0xFFFFD300  }
0xa9: {  	_ =	swait.ge [sflag:s9], $0x500  }
0xaa: {  	[sflag:s9] =	ssyncset.done $0x0  }
0xab: {  	[sflag:s9] =	ssyncadd.s32 $0xFFFFFB00  }
0xac: {  	_ =	swait.ge [sflag:s10], $0x50  }
0xad: {  	[sflag:s10] =	ssyncset.done $0x0  }
0xae: {  	[sflag:s10] =	ssyncadd.s32 $0xFFFFFFB0  }
0xaf: {  	_ =	swait.ge [sflag:s10], $0x50  }
0xb0: {  	[sflag:s10] =	ssyncset.done $0x0  }
0xb1: {  	[sflag:s10] =	ssyncadd.s32 $0xFFFFFFB0  }
0xb2: {  	_ =	swait.ge [sflag:s11], $0x2D00  }
0xb3: {  	[sflag:s11] =	ssyncset.done $0x0  }
0xb4: {  	[sflag:s11] =	ssyncadd.s32 $0xFFFFD300  }
0xb5: {  	[tilespmem:s3], [sflag:$0x2] =	stream.indirect.gather [hbm4b:s6+s28], $0x90, s31, s28, $0xb8;
	[tilespmem:$0x1C570] =	vst v63  }
0xb6: {  	s21 =	simm.s32 $0x300  }
0xb7: {  	[tilespmem:s13], [sflag:$0x2] =	stream.indirect.gather [hbm4b:s7+s28], $0x10, s0, s28, $0xb8;
	[tilespmem:$0x1C570] =	vst v63  }
0xb8: {  	s24 =	simm.s32 $0x5C00;
	v1 =	vld [tilespmem:s21+$0x110]  }
0xb9: {  	v2 =	vld [tilespmem:s24+$0x10]  }
0xba: {  	v3 =	vld [tilespmem:s24+$0xFFFFFFE0]  }
0xbb: {  	v4 =	vld [tilespmem:s21+$0xFFFFFFF0]  }
0xbc: {  	v6 =	vld [tilespmem:s24+$0xFFFFFFF0]  }
0xbd: {  	v8 =	vld [tilespmem:s21+$0x80]  }
0xbe: {  	v9 =	vld [tilespmem:s24+$0x0];
	v1 =	vadd.f32 v2, v1  }
0xbf: {  	v35 =	vld [tilespmem:s21+$0xFFFFFEE0]  }
0xc0: {  	v5 =	vld [tilespmem:s21+$0xFFFFFEF0];
	v7 =	vmul.f32 $2.000000030e-01, v1  }
0xc1: {  	v2 =	vld [tilespmem:s21+$0xFFFFFF60]  }
0xc2: {  	v11 =	vld [tilespmem:s21+$0xFFFFFF50];
	v4 =	vadd.f32 v6, v4;
	v1 =	vmax.f32 v1, v7  }
0xc3: {  	v13 =	vld [tilespmem:s21+$0xFFFFFF80];
	v1 =	vmul.f32 $1.442695020e+00, v1  }
0xc4: {  	v14 =	vld [tilespmem:s21+$0xFFFFFF90];
	v10 =	vmul.f32 $2.000000030e-01, v4  }
0xc5: {  	v15 =	vld [tilespmem:s21+$0xFFFFFFA0];
	(erf) = vpow2.f32 v1  }
0xc6: {  	v21 =	vld [tilespmem:s21+$0x100];
	v12 =	vadd.f32 v9, v8;
	v2 =	vadd.f32 v3, v2;
	v3 =	vmax.f32 v4, v10  }
0xc7: {  	v17 =	vld [tilespmem:s21+$0xFFFFFFB0];
	v3 =	vmul.f32 $1.442695020e+00, v3  }
0xc8: {  	v16 =	vld [tilespmem:s21+$0xFFFFFFC0];
	v4 =	vmul.f32 $2.000000030e-01, v12  }
0xc9: {  	v18 =	vld [tilespmem:s21+$0xFFFFFFD0];
	v1 =	vmul.f32 $2.000000030e-01, v2;
	(erf) = vpow2.f32 v3  }
0xca: {  	v19 =	vld [tilespmem:s21+$0xFFFFFFE0];
	v4 =	vmax.f32 v12, v4  }
0xcb: {  	v20 =	vld [tilespmem:s21+$0x0];
	v1 =	vmax.f32 v2, v1;
	v2 =	vmul.f32 $1.442695020e+00, v4  }
0xcc: {  	v25 =	vld [tilespmem:s21+$0x30];
	v1 =	vmul.f32 $1.442695020e+00, v1  }
0xcd: {  	v26 =	vld [tilespmem:s21+$0x40];
	(erf) = vpow2.f32 v2  }
0xce: {  	v33 =	vld [tilespmem:s21+$0x50];
	(erf) = vpow2.f32 v1;
	v36 =	vpop (erf)  }
0xcf: {  	v29 =	vld [tilespmem:s21+$0x60];
	v3 =	vbroadcast v36, $0x0;
	v22 =	vbroadcast v36, $0x7  }
0xd0: {  	v27 =	vld [tilespmem:s21+$0xA0];
	v4 =	vbroadcast v36, $0x1;
	v2 =	vbroadcast v36, $0x2  }
0xd1: {  	v24 =	vld [tilespmem:s21+$0xB0];
	v1 =	vbroadcast v36, $0x3;
	v34 =	vbroadcast v36, $0x4  }
0xd2: {  	v37 =	vld [tilespmem:s21+$0x70];
	v31 =	vpop (erf);
	[tilespmem:s21+$0x110] =	vst v36;
	v32 =	vbroadcast v36, $0x5;
	v36 =	vbroadcast v36, $0x6  }
0xd3: {  	v28 =	vld [tilespmem:s21+$0xC0];
	v43 =	vbroadcast v31, $0x0;
	v40 =	vbroadcast v31, $0x1  }
0xd4: {  	v6 =	vld [tilespmem:s21+$0xFFFFFF00];
	v42 =	vbroadcast v31, $0x2;
	v38 =	vbroadcast v31, $0x3  }
0xd5: {  	v9 =	vld [tilespmem:s21+$0xFFFFFF20];
	v44 =	vbroadcast v31, $0x4;
	v39 =	vbroadcast v31, $0x5  }
0xd6: {  	v8 =	vld [tilespmem:s21+$0xFFFFFF30];
	v54 =	vbroadcast v31, $0x6;
	v52 =	vbroadcast v31, $0x7;
	v41 =	vpop (erf)  }
0xd7: {  	v7 =	vld [tilespmem:s21+$0xFFFFFF10];
	v23 =	vmul.f32 v21, v22;
	v53 =	vbroadcast v41, $0x0  }
0xd8: {  	v10 =	vld [tilespmem:s21+$0xFFFFFF40];
	v50 =	vbroadcast v41, $0x1;
	v51 =	vbroadcast v41, $0x2  }
0xd9: {  	v12 =	vld [tilespmem:s21+$0xFFFFFF70];
	v49 =	vbroadcast v41, $0x3;
	v48 =	vbroadcast v41, $0x4  }
0xda: {  	[tilespmem:s21+$0xFFFFFFF0] =	vst v31;
	v31 =	vld [tilespmem:s21+$0xE0];
	v30 =	vpop (erf);
	v47 =	vbroadcast v41, $0x5;
	v46 =	vbroadcast v41, $0x6  }
0xdb: {  	v21 =	vld [tilespmem:s21+$0x10];
	v62 =	vbroadcast v30, $0x0;
	v58 =	vbroadcast v30, $0x1  }
0xdc: {  	v22 =	vld [tilespmem:s21+$0x20];
	v61 =	vbroadcast v30, $0x2;
	v57 =	vbroadcast v30, $0x3  }
0xdd: {  	[tilespmem:s21+$0x100] =	vst v23;
	v23 =	vld [tilespmem:s21+$0x90];
	v60 =	vbroadcast v30, $0x4;
	v56 =	vbroadcast v30, $0x5  }
0xde: {  	v59 =	vbroadcast v30, $0x6;
	v55 =	vbroadcast v30, $0x7;
	[tilespmem:s21+$0xFFFFFF60] =	vst v30;
	v30 =	vld [tilespmem:s21+$0xD0]  }
0xdf: {  	s25 =	simm.s32 $0x0;
	s12 =	simm.s32 $0x540;
	v45 =	vbroadcast v41, $0x7;
	[tilespmem:s21+$0x80] =	vst v41;
	v41 =	vmul.f32 v62, v35;
	v35 =	vld [tilespmem:s21+$0xF0]  }
.LBB2_5:
0xe0: {  	v62 =	vld [tilespmem:s12+$0x110];
	v5 =	vmul.f32 v58, v5;
	v6 =	vmul.f32 v61, v6;
	s24 =	sadd.s32 $0x40, s24  }
0xe1: {  	s25 =	sadd.s32 $0x4, s25;
	v7 =	vmul.f32 v7, v57;
	v9 =	vmul.f32 v9, v60;
	v58 =	vld [tilespmem:s24+$0x10];
	[tilespmem:s21+$0xFFFFFEE0] =	vst v41  }
0xe2: {  	p1 =	slt.u32 s25, $0x4C;
	v57 =	vld [tilespmem:s24+$0xFFFFFFE0];
	[tilespmem:s21+$0xFFFFFEF0] =	vst v5;
	v5 =	vmul.f32 v8, v56;
	v8 =	vmul.f32 v10, v59  }
0xe3: {  	v10 =	vld [tilespmem:s12+$0xFFFFFFF0];
	[tilespmem:s21+$0xFFFFFF00] =	vst v6;
	v6 =	vmul.f32 v11, v55;
	v11 =	vmul.f32 v43, v12  }
0xe4: {  	v12 =	vld [tilespmem:s24+$0xFFFFFFF0];
	[tilespmem:s21+$0xFFFFFF10] =	vst v7;
	v7 =	vmul.f32 v40, v13;
	v13 =	vmul.f32 v42, v14  }
0xe5: {  	v15 =	vmul.f32 v15, v38;
	v17 =	vmul.f32 v17, v44;
	v14 =	vld [tilespmem:s12+$0x80];
	[tilespmem:s21+$0xFFFFFF20] =	vst v9  }
0xe6: {  	v16 =	vmul.f32 v16, v39;
	v18 =	vmul.f32 v18, v54;
	v9 =	vld [tilespmem:s24+$0x0];
	v38 =	vadd.f32 v58, v62;
	[tilespmem:s21+$0xFFFFFF30] =	vst v5  }
0xe7: {  	v19 =	vmul.f32 v19, v52;
	v20 =	vmul.f32 v53, v20;
	v39 =	vld [tilespmem:s12+$0xFFFFFF60];
	[tilespmem:s21+$0xFFFFFF40] =	vst v8  }
0xe8: {  	v21 =	vmul.f32 v50, v21;
	v41 =	vld [tilespmem:s12+$0xFFFFFEE0];
	v8 =	vmul.f32 $2.000000030e-01, v38;
	[tilespmem:s21+$0xFFFFFF50] =	vst v6  }
0xe9: {  	v22 =	vmul.f32 v51, v22;
	v25 =	vmul.f32 v25, v49;
	v5 =	vld [tilespmem:s12+$0xFFFFFEF0];
	v10 =	vadd.f32 v12, v10;
	[tilespmem:s21+$0xFFFFFF70] =	vst v11  }
0xea: {  	v26 =	vmul.f32 v26, v48;
	v33 =	vmul.f32 v33, v47;
	v6 =	vld [tilespmem:s12+$0xFFFFFF00];
	v8 =	vmax.f32 v38, v8;
	[tilespmem:s21+$0xFFFFFF80] =	vst v7  }
0xeb: {  	v7 =	vld [tilespmem:s12+$0xFFFFFF10];
	v11 =	vmul.f32 $2.000000030e-01, v10;
	v12 =	vadd.f32 v9, v14;
	v14 =	vmul.f32 $1.442695020e+00, v8;
	[tilespmem:s21+$0xFFFFFF90] =	vst v13  }
0xec: {  	v29 =	vmul.f32 v29, v46;
	v37 =	vmul.f32 v37, v45;
	v13 =	vadd.f32 v57, v39;
	v9 =	vld [tilespmem:s12+$0xFFFFFF20];
	[tilespmem:s21+$0xFFFFFFA0] =	vst v15  }
0xed: {  	v8 =	vld [tilespmem:s12+$0xFFFFFF30];
	v11 =	vmax.f32 v10, v11;
	v15 =	vmul.f32 $2.000000030e-01, v12;
	(erf) = vpow2.f32 v14;
	[tilespmem:s21+$0xFFFFFFB0] =	vst v17  }
0xee: {  	v14 =	vmul.f32 $2.000000030e-01, v13;
	v10 =	vld [tilespmem:s12+$0xFFFFFF40];
	v17 =	vmul.f32 $1.442695020e+00, v11;
	[tilespmem:s21+$0xFFFFFFC0] =	vst v16  }
0xef: {  	v23 =	vmul.f32 v3, v23;
	v27 =	vmul.f32 v4, v27;
	v11 =	vld [tilespmem:s12+$0xFFFFFF50];
	v15 =	vmax.f32 v12, v15;
	[tilespmem:s21+$0xFFFFFFD0] =	vst v18  }
0xf0: {  	v3 =	vmax.f32 v13, v14;
	v12 =	vld [tilespmem:s12+$0xFFFFFF70];
	v4 =	vmul.f32 $1.442695020e+00, v15;
	(erf) = vpow2.f32 v17;
	[tilespmem:s21+$0xFFFFFFE0] =	vst v19  }
0xf1: {  	v24 =	vmul.f32 v2, v24;
	v3 =	vmul.f32 $1.442695020e+00, v3;
	v13 =	vld [tilespmem:s12+$0xFFFFFF80];
	[tilespmem:s21+$0x0] =	vst v20  }
0xf2: {  	v28 =	vmul.f32 v28, v1;
	v14 =	vld [tilespmem:s12+$0xFFFFFF90];
	(erf) = vpow2.f32 v4;
	[tilespmem:s21+$0x10] =	vst v21  }
0xf3: {  	v30 =	vmul.f32 v30, v34;
	v15 =	vld [tilespmem:s12+$0xFFFFFFA0];
	(erf) = vpow2.f32 v3;
	[tilespmem:s21+$0x20] =	vst v22  }
0xf4: {  	v31 =	vmul.f32 v31, v32;
	v32 =	vmul.f32 v35, v36;
	v21 =	vld [tilespmem:s12+$0x100];
	[tilespmem:s21+$0x30] =	vst v25  }
0xf5: {  	v17 =	vld [tilespmem:s12+$0xFFFFFFB0];
	[tilespmem:s21+$0x40] =	vst v26  }
0xf6: {  	v16 =	vld [tilespmem:s12+$0xFFFFFFC0];
	v36 =	vpop (erf);
	[tilespmem:s21+$0x50] =	vst v33  }
0xf7: {  	v18 =	vld [tilespmem:s12+$0xFFFFFFD0];
	v3 =	vbroadcast v36, $0x0;
	v22 =	vbroadcast v36, $0x7;
	[tilespmem:s21+$0x60] =	vst v29  }
0xf8: {  	v4 =	vbroadcast v36, $0x1;
	v2 =	vbroadcast v36, $0x2;
	v19 =	vld [tilespmem:s12+$0xFFFFFFE0];
	[tilespmem:s21+$0x70] =	vst v37  }
0xf9: {  	v1 =	vbroadcast v36, $0x3;
	v20 =	vld [tilespmem:s12+$0x0];
	v25 =	vmul.f32 v21, v22;
	v34 =	vpop (erf);
	[tilespmem:s21+$0x90] =	vst v23  }
0xfa: {  	v43 =	vbroadcast v34, $0x0;
	v40 =	vbroadcast v34, $0x1;
	v21 =	vld [tilespmem:s12+$0x10];
	[tilespmem:s21+$0xA0] =	vst v27  }
0xfb: {  	v42 =	vbroadcast v34, $0x2;
	v38 =	vbroadcast v34, $0x3;
	v22 =	vld [tilespmem:s12+$0x20];
	[tilespmem:s12+$0x100] =	vst v25;
	v35 =	vpop (erf)  }
0xfc: {  	v44 =	vbroadcast v34, $0x4;
	v39 =	vbroadcast v34, $0x5;
	v25 =	vld [tilespmem:s12+$0x30];
	v23 =	vpop (erf);
	[tilespmem:s21+$0xB0] =	vst v24  }
0xfd: {  	v62 =	vbroadcast v23, $0x0;
	v58 =	vbroadcast v23, $0x1;
	v26 =	vld [tilespmem:s12+$0x40];
	[tilespmem:s21+$0xC0] =	vst v28  }
0xfe: {  	v61 =	vbroadcast v23, $0x2;
	v57 =	vbroadcast v23, $0x3;
	v33 =	vld [tilespmem:s12+$0x50];
	[tilespmem:s21+$0xD0] =	vst v30  }
0xff: {  	v60 =	vbroadcast v23, $0x4;
	v56 =	vbroadcast v23, $0x5;
	v29 =	vld [tilespmem:s12+$0x60];
	[tilespmem:s21+$0xE0] =	vst v31  }
0x100: {  	v59 =	vbroadcast v23, $0x6;
	v55 =	vbroadcast v23, $0x7;
	v37 =	vld [tilespmem:s12+$0x70];
	[tilespmem:s21+$0xF0] =	vst v32;
	s21 =	smov.u32 s12  }
0x101: {  	v54 =	vbroadcast v34, $0x6;
	v52 =	vbroadcast v34, $0x7;
	[tilespmem:s12+$0xFFFFFF60] =	vst v23;
	v23 =	vld [tilespmem:s12+$0x90]  }
0x102: {  	v53 =	vbroadcast v35, $0x0;
	v50 =	vbroadcast v35, $0x1;
	[tilespmem:s12+$0xFFFFFFF0] =	vst v34;
	v27 =	vld [tilespmem:s12+$0xA0]  }
.Ltmp1:
0x103: {  	v51 =	vbroadcast v35, $0x2;
	v49 =	vbroadcast v35, $0x3;
	[tilespmem:s12+$0x80] =	vst v35;
	v24 =	vld [tilespmem:s12+$0xB0];
	(pc) =	sbr.rel @p1 .LBB2_5-.Ltmp1, $4  }
0x104: {  	v48 =	vbroadcast v35, $0x4;
	v47 =	vbroadcast v35, $0x5;
	[tilespmem:s12+$0x110] =	vst v36;
	v28 =	vld [tilespmem:s12+$0xC0]  }
0x105: {  	v46 =	vbroadcast v35, $0x6;
	v45 =	vbroadcast v35, $0x7;
	v30 =	vld [tilespmem:s12+$0xD0]  }
0x106: {  	v32 =	vbroadcast v36, $0x5;
	v34 =	vbroadcast v36, $0x4;
	v31 =	vld [tilespmem:s12+$0xE0]  }
0x107: {  	v41 =	vmul.f32 v62, v41;
	v36 =	vbroadcast v36, $0x6;
	s12 =	sadd.s32 $0x240, s12;
	v35 =	vld [tilespmem:s21+$0xF0]  }
0x108: {  	v5 =	vmul.f32 v58, v5  }
0x109: {  	v6 =	vmul.f32 v61, v6;
	[tilespmem:s21+$0xFFFFFEE0] =	vst v41  }
0x10a: {  	v7 =	vmul.f32 v7, v57;
	[tilespmem:s21+$0xFFFFFEF0] =	vst v5  }
0x10b: {  	v3 =	vmul.f32 v3, v23;
	[tilespmem:s21+$0xFFFFFF00] =	vst v6  }
0x10c: {  	v4 =	vmul.f32 v4, v27;
	[tilespmem:s21+$0xFFFFFF10] =	vst v7  }
0x10d: {  	v2 =	vmul.f32 v2, v24;
	[tilespmem:s21+$0x90] =	vst v3  }
0x10e: {  	v1 =	vmul.f32 v28, v1;
	[tilespmem:s21+$0xA0] =	vst v4  }
0x10f: {  	v5 =	vmul.f32 v9, v60;
	[tilespmem:s21+$0xB0] =	vst v2  }
0x110: {  	v6 =	vmul.f32 v8, v56;
	[tilespmem:s21+$0xC0] =	vst v1  }
0x111: {  	v7 =	vmul.f32 v10, v59;
	[tilespmem:s21+$0xFFFFFF20] =	vst v5  }
0x112: {  	v3 =	vmul.f32 v30, v34;
	[tilespmem:s21+$0xFFFFFF30] =	vst v6  }
0x113: {  	v2 =	vmul.f32 v31, v32;
	[tilespmem:s21+$0xFFFFFF40] =	vst v7  }
0x114: {  	v5 =	vmul.f32 v11, v55;
	[tilespmem:s21+$0xD0] =	vst v3  }
0x115: {  	v6 =	vmul.f32 v43, v12;
	[tilespmem:s21+$0xE0] =	vst v2  }
0x116: {  	v7 =	vmul.f32 v40, v13;
	[tilespmem:s21+$0xFFFFFF50] =	vst v5  }
0x117: {  	v1 =	vmul.f32 v35, v36;
	[tilespmem:s21+$0xFFFFFF70] =	vst v6  }
0x118: {  	v5 =	vmul.f32 v42, v14;
	[tilespmem:s21+$0xFFFFFF80] =	vst v7  }
0x119: {  	v6 =	vmul.f32 v15, v38;
	[tilespmem:s21+$0xF0] =	vst v1  }
0x11a: {  	v7 =	vmul.f32 v17, v44;
	[tilespmem:s21+$0xFFFFFF90] =	vst v5  }
0x11b: {  	v5 =	vmul.f32 v16, v39;
	[tilespmem:s21+$0xFFFFFFA0] =	vst v6  }
0x11c: {  	v6 =	vmul.f32 v18, v54;
	[tilespmem:s21+$0xFFFFFFB0] =	vst v7  }
0x11d: {  	v7 =	vmul.f32 v19, v52;
	[tilespmem:s21+$0xFFFFFFC0] =	vst v5  }
0x11e: {  	v5 =	vmul.f32 v53, v20;
	[tilespmem:s21+$0xFFFFFFD0] =	vst v6  }
0x11f: {  	v6 =	vmul.f32 v50, v21;
	[tilespmem:s21+$0xFFFFFFE0] =	vst v7  }
0x120: {  	v7 =	vmul.f32 v51, v22;
	[tilespmem:s21+$0x0] =	vst v5  }
0x121: {  	v5 =	vmul.f32 v25, v49;
	[tilespmem:s21+$0x10] =	vst v6  }
0x122: {  	v6 =	vmul.f32 v26, v48;
	[tilespmem:s21+$0x20] =	vst v7  }
0x123: {  	v7 =	vmul.f32 v33, v47;
	[tilespmem:s21+$0x30] =	vst v5  }
0x124: {  	v5 =	vmul.f32 v29, v46;
	[tilespmem:s21+$0x40] =	vst v6  }
0x125: {  	v6 =	vmul.f32 v37, v45;
	[tilespmem:s21+$0x50] =	vst v7  }
0x126: {  	[tilespmem:s21+$0x60] =	vst v5  }
0x127: {  	[tilespmem:s21+$0x70] =	vst v6  }
0x128: {  	v1 =	vld [tilespmem:$0x50]  }
0x129: {  	v2 =	vld [tilespmem:$0x60]  }
0x12a: {  	v3 =	vld [tilespmem:$0x70]  }
0x12b: {  	v4 =	vld [tilespmem:$0x80]  }
0x12c: {  	v5 =	vld [tilespmem:$0x90]  }
0x12d: {  	[tilespmem:$0x140] =	vst v1  }
0x12e: {  	s12 =	smul.u32 $0xA0, s19;
	[tilespmem:$0x150] =	vst v2  }
0x12f: {  	[tilespmem:$0x160] =	vst v3  }
0x130: {  	s12 =	sadd.s32 s12, s22;
	[tilespmem:$0x170] =	vst v4  }
0x131: {  	s12 =	sshrl.u32 s12, $0x3;
	[tilespmem:$0x180] =	vst v5  }
0x132: {  	[spmem:s1] =	stream.indirect.scatter.add.f32 [tilespmem:s29], [sflag:$0x5], $0x90, s14, s28, $0xb8;
	[tilespmem:$0x1C570] =	vst v63  }
0x133: {  	s25 =	sadd.s32 s4, s12  }
0x134: {  	[tilespmem:s2], [sflag:$0x3] =	stream.linear.gather [hbm4b:s25+s2], $0x50, $0x38;
	[tilespmem:$0x1C570] =	vst v63  }
0x135: {  	s12 =	sadd.s32 s5, s12  }
0x136: {  	[tilespmem:s28], [sflag:$0x3] =	stream.linear.gather [hbm4b:s12+s2], $0x50, $0x38;
	[tilespmem:$0x1C570] =	vst v63  }
0x137: {  	_ =	swait.ge [sflag:s15], $0x2D00  }
0x138: {  	[sflag:s15] =	ssyncset.done $0x0  }
0x139: {  	[sflag:s15] =	ssyncadd.s32 $0xFFFFD300  }
0x13a: {  	_ =	swait.ge [sflag:s15], $0x500  }
0x13b: {  	[sflag:s15] =	ssyncset.done $0x0  }
0x13c: {  	[sflag:s15] =	ssyncadd.s32 $0xFFFFFB00  }
0x13d: {  	_ =	swait.ge [sflag:s16], $0x50  }
0x13e: {  	[sflag:s16] =	ssyncset.done $0x0  }
0x13f: {  	[sflag:s16] =	ssyncadd.s32 $0xFFFFFFB0  }
0x140: {  	_ =	swait.ge [sflag:s16], $0x50  }
0x141: {  	[sflag:s16] =	ssyncset.done $0x0  }
0x142: {  	[sflag:s16] =	ssyncadd.s32 $0xFFFFFFB0  }
0x143: {  	_ =	swait.ge [sflag:s17], $0x2D00  }
0x144: {  	[sflag:s17] =	ssyncset.done $0x0  }
0x145: {  	[sflag:s17] =	ssyncadd.s32 $0xFFFFD300  }
0x146: {  	[tilespmem:s29], [sflag:$0x1] =	stream.indirect.gather [hbm4b:s6+s28], $0x90, s2, s28, $0xb8;
	[tilespmem:$0x1C570] =	vst v63  }
0x147: {  	s21 =	simm.s32 $0x3000  }
0x148: {  	[tilespmem:s30], [sflag:$0x1] =	stream.indirect.gather [hbm4b:s7+s28], $0x10, s28, s28, $0xb8;
	[tilespmem:$0x1C570] =	vst v63  }
0x149: {  	s24 =	simm.s32 $0x6100;
	v1 =	vld [tilespmem:s21+$0x110]  }
0x14a: {  	v2 =	vld [tilespmem:s24+$0x10]  }
0x14b: {  	v3 =	vld [tilespmem:s24+$0xFFFFFFE0]  }
0x14c: {  	v4 =	vld [tilespmem:s21+$0xFFFFFFF0]  }
0x14d: {  	v6 =	vld [tilespmem:s24+$0xFFFFFFF0]  }
0x14e: {  	v8 =	vld [tilespmem:s21+$0x80]  }
0x14f: {  	v9 =	vld [tilespmem:s24+$0x0];
	v1 =	vadd.f32 v2, v1  }
0x150: {  	v35 =	vld [tilespmem:s21+$0xFFFFFEE0]  }
0x151: {  	v5 =	vld [tilespmem:s21+$0xFFFFFEF0];
	v7 =	vmul.f32 $2.000000030e-01, v1  }
0x152: {  	v2 =	vld [tilespmem:s21+$0xFFFFFF60]  }
0x153: {  	v11 =	vld [tilespmem:s21+$0xFFFFFF50];
	v4 =	vadd.f32 v6, v4;
	v1 =	vmax.f32 v1, v7  }
0x154: {  	v13 =	vld [tilespmem:s21+$0xFFFFFF80];
	v1 =	vmul.f32 $1.442695020e+00, v1  }
0x155: {  	v14 =	vld [tilespmem:s21+$0xFFFFFF90];
	v10 =	vmul.f32 $2.000000030e-01, v4  }
0x156: {  	v15 =	vld [tilespmem:s21+$0xFFFFFFA0];
	(erf) = vpow2.f32 v1  }
0x157: {  	v21 =	vld [tilespmem:s21+$0x100];
	v12 =	vadd.f32 v9, v8;
	v2 =	vadd.f32 v3, v2;
	v3 =	vmax.f32 v4, v10  }
0x158: {  	v17 =	vld [tilespmem:s21+$0xFFFFFFB0];
	v3 =	vmul.f32 $1.442695020e+00, v3  }
0x159: {  	v16 =	vld [tilespmem:s21+$0xFFFFFFC0];
	v4 =	vmul.f32 $2.000000030e-01, v12  }
0x15a: {  	v18 =	vld [tilespmem:s21+$0xFFFFFFD0];
	v1 =	vmul.f32 $2.000000030e-01, v2;
	(erf) = vpow2.f32 v3  }
0x15b: {  	v19 =	vld [tilespmem:s21+$0xFFFFFFE0];
	v4 =	vmax.f32 v12, v4  }
0x15c: {  	v20 =	vld [tilespmem:s21+$0x0];
	v1 =	vmax.f32 v2, v1;
	v2 =	vmul.f32 $1.442695020e+00, v4  }
0x15d: {  	v25 =	vld [tilespmem:s21+$0x30];
	v1 =	vmul.f32 $1.442695020e+00, v1  }
0x15e: {  	v26 =	vld [tilespmem:s21+$0x40];
	(erf) = vpow2.f32 v2  }
0x15f: {  	v33 =	vld [tilespmem:s21+$0x50];
	(erf) = vpow2.f32 v1;
	v36 =	vpop (erf)  }
0x160: {  	v29 =	vld [tilespmem:s21+$0x60];
	v3 =	vbroadcast v36, $0x0;
	v22 =	vbroadcast v36, $0x7  }
0x161: {  	v27 =	vld [tilespmem:s21+$0xA0];
	v4 =	vbroadcast v36, $0x1;
	v2 =	vbroadcast v36, $0x2  }
0x162: {  	v24 =	vld [tilespmem:s21+$0xB0];
	v1 =	vbroadcast v36, $0x3;
	v34 =	vbroadcast v36, $0x4  }
0x163: {  	v37 =	vld [tilespmem:s21+$0x70];
	v31 =	vpop (erf);
	[tilespmem:s21+$0x110] =	vst v36;
	v32 =	vbroadcast v36, $0x5;
	v36 =	vbroadcast v36, $0x6  }
0x164: {  	v28 =	vld [tilespmem:s21+$0xC0];
	v43 =	vbroadcast v31, $0x0;
	v40 =	vbroadcast v31, $0x1  }
0x165: {  	v6 =	vld [tilespmem:s21+$0xFFFFFF00];
	v42 =	vbroadcast v31, $0x2;
	v38 =	vbroadcast v31, $0x3  }
0x166: {  	v9 =	vld [tilespmem:s21+$0xFFFFFF20];
	v44 =	vbroadcast v31, $0x4;
	v39 =	vbroadcast v31, $0x5  }
0x167: {  	v8 =	vld [tilespmem:s21+$0xFFFFFF30];
	v54 =	vbroadcast v31, $0x6;
	v52 =	vbroadcast v31, $0x7;
	v41 =	vpop (erf)  }
0x168: {  	v7 =	vld [tilespmem:s21+$0xFFFFFF10];
	v23 =	vmul.f32 v21, v22;
	v53 =	vbroadcast v41, $0x0  }
0x169: {  	v10 =	vld [tilespmem:s21+$0xFFFFFF40];
	v50 =	vbroadcast v41, $0x1;
	v51 =	vbroadcast v41, $0x2  }
0x16a: {  	v12 =	vld [tilespmem:s21+$0xFFFFFF70];
	v49 =	vbroadcast v41, $0x3;
	v48 =	vbroadcast v41, $0x4  }
0x16b: {  	[tilespmem:s21+$0xFFFFFFF0] =	vst v31;
	v31 =	vld [tilespmem:s21+$0xE0];
	v30 =	vpop (erf);
	v47 =	vbroadcast v41, $0x5;
	v46 =	vbroadcast v41, $0x6  }
0x16c: {  	v21 =	vld [tilespmem:s21+$0x10];
	v62 =	vbroadcast v30, $0x0;
	v58 =	vbroadcast v30, $0x1  }
0x16d: {  	v22 =	vld [tilespmem:s21+$0x20];
	v61 =	vbroadcast v30, $0x2;
	v57 =	vbroadcast v30, $0x3  }
0x16e: {  	[tilespmem:s21+$0x100] =	vst v23;
	v23 =	vld [tilespmem:s21+$0x90];
	v60 =	vbroadcast v30, $0x4;
	v56 =	vbroadcast v30, $0x5  }
0x16f: {  	v59 =	vbroadcast v30, $0x6;
	v55 =	vbroadcast v30, $0x7;
	[tilespmem:s21+$0xFFFFFF60] =	vst v30;
	v30 =	vld [tilespmem:s21+$0xD0]  }
0x170: {  	s25 =	simm.s32 $0x0;
	s12 =	simm.s32 $0x3240;
	v45 =	vbroadcast v41, $0x7;
	[tilespmem:s21+$0x80] =	vst v41;
	v41 =	vmul.f32 v62, v35;
	v35 =	vld [tilespmem:s21+$0xF0]  }
.LBB2_7:
0x171: {  	v62 =	vld [tilespmem:s12+$0x110];
	v5 =	vmul.f32 v58, v5;
	v6 =	vmul.f32 v61, v6;
	s24 =	sadd.s32 $0x40, s24  }
0x172: {  	s25 =	sadd.s32 $0x4, s25;
	v7 =	vmul.f32 v7, v57;
	v9 =	vmul.f32 v9, v60;
	v58 =	vld [tilespmem:s24+$0x10];
	[tilespmem:s21+$0xFFFFFEE0] =	vst v41  }
0x173: {  	p1 =	slt.u32 s25, $0x4C;
	v57 =	vld [tilespmem:s24+$0xFFFFFFE0];
	[tilespmem:s21+$0xFFFFFEF0] =	vst v5;
	v5 =	vmul.f32 v8, v56;
	v8 =	vmul.f32 v10, v59  }
0x174: {  	v10 =	vld [tilespmem:s12+$0xFFFFFFF0];
	[tilespmem:s21+$0xFFFFFF00] =	vst v6;
	v6 =	vmul.f32 v11, v55;
	v11 =	vmul.f32 v43, v12  }
0x175: {  	v12 =	vld [tilespmem:s24+$0xFFFFFFF0];
	[tilespmem:s21+$0xFFFFFF10] =	vst v7;
	v7 =	vmul.f32 v40, v13;
	v13 =	vmul.f32 v42, v14  }
0x176: {  	v15 =	vmul.f32 v15, v38;
	v17 =	vmul.f32 v17, v44;
	v14 =	vld [tilespmem:s12+$0x80];
	[tilespmem:s21+$0xFFFFFF20] =	vst v9  }
0x177: {  	v16 =	vmul.f32 v16, v39;
	v18 =	vmul.f32 v18, v54;
	v9 =	vld [tilespmem:s24+$0x0];
	v38 =	vadd.f32 v58, v62;
	[tilespmem:s21+$0xFFFFFF30] =	vst v5  }
0x178: {  	v19 =	vmul.f32 v19, v52;
	v20 =	vmul.f32 v53, v20;
	v39 =	vld [tilespmem:s12+$0xFFFFFF60];
	[tilespmem:s21+$0xFFFFFF40] =	vst v8  }
0x179: {  	v21 =	vmul.f32 v50, v21;
	v41 =	vld [tilespmem:s12+$0xFFFFFEE0];
	v8 =	vmul.f32 $2.000000030e-01, v38;
	[tilespmem:s21+$0xFFFFFF50] =	vst v6  }
0x17a: {  	v22 =	vmul.f32 v51, v22;
	v25 =	vmul.f32 v25, v49;
	v5 =	vld [tilespmem:s12+$0xFFFFFEF0];
	v10 =	vadd.f32 v12, v10;
	[tilespmem:s21+$0xFFFFFF70] =	vst v11  }
0x17b: {  	v26 =	vmul.f32 v26, v48;
	v33 =	vmul.f32 v33, v47;
	v6 =	vld [tilespmem:s12+$0xFFFFFF00];
	v8 =	vmax.f32 v38, v8;
	[tilespmem:s21+$0xFFFFFF80] =	vst v7  }
0x17c: {  	v7 =	vld [tilespmem:s12+$0xFFFFFF10];
	v11 =	vmul.f32 $2.000000030e-01, v10;
	v12 =	vadd.f32 v9, v14;
	v14 =	vmul.f32 $1.442695020e+00, v8;
	[tilespmem:s21+$0xFFFFFF90] =	vst v13  }
0x17d: {  	v29 =	vmul.f32 v29, v46;
	v37 =	vmul.f32 v37, v45;
	v13 =	vadd.f32 v57, v39;
	v9 =	vld [tilespmem:s12+$0xFFFFFF20];
	[tilespmem:s21+$0xFFFFFFA0] =	vst v15  }
0x17e: {  	v8 =	vld [tilespmem:s12+$0xFFFFFF30];
	v11 =	vmax.f32 v10, v11;
	v15 =	vmul.f32 $2.000000030e-01, v12;
	(erf) = vpow2.f32 v14;
	[tilespmem:s21+$0xFFFFFFB0] =	vst v17  }
0x17f: {  	v14 =	vmul.f32 $2.000000030e-01, v13;
	v10 =	vld [tilespmem:s12+$0xFFFFFF40];
	v17 =	vmul.f32 $1.442695020e+00, v11;
	[tilespmem:s21+$0xFFFFFFC0] =	vst v16  }
0x180: {  	v23 =	vmul.f32 v3, v23;
	v27 =	vmul.f32 v4, v27;
	v11 =	vld [tilespmem:s12+$0xFFFFFF50];
	v15 =	vmax.f32 v12, v15;
	[tilespmem:s21+$0xFFFFFFD0] =	vst v18  }
0x181: {  	v3 =	vmax.f32 v13, v14;
	v12 =	vld [tilespmem:s12+$0xFFFFFF70];
	v4 =	vmul.f32 $1.442695020e+00, v15;
	(erf) = vpow2.f32 v17;
	[tilespmem:s21+$0xFFFFFFE0] =	vst v19  }
0x182: {  	v24 =	vmul.f32 v2, v24;
	v3 =	vmul.f32 $1.442695020e+00, v3;
	v13 =	vld [tilespmem:s12+$0xFFFFFF80];
	[tilespmem:s21+$0x0] =	vst v20  }
0x183: {  	v28 =	vmul.f32 v28, v1;
	v14 =	vld [tilespmem:s12+$0xFFFFFF90];
	(erf) = vpow2.f32 v4;
	[tilespmem:s21+$0x10] =	vst v21  }
0x184: {  	v30 =	vmul.f32 v30, v34;
	v15 =	vld [tilespmem:s12+$0xFFFFFFA0];
	(erf) = vpow2.f32 v3;
	[tilespmem:s21+$0x20] =	vst v22  }
0x185: {  	v31 =	vmul.f32 v31, v32;
	v32 =	vmul.f32 v35, v36;
	v21 =	vld [tilespmem:s12+$0x100];
	[tilespmem:s21+$0x30] =	vst v25  }
0x186: {  	v17 =	vld [tilespmem:s12+$0xFFFFFFB0];
	[tilespmem:s21+$0x40] =	vst v26  }
0x187: {  	v16 =	vld [tilespmem:s12+$0xFFFFFFC0];
	v36 =	vpop (erf);
	[tilespmem:s21+$0x50] =	vst v33  }
0x188: {  	v18 =	vld [tilespmem:s12+$0xFFFFFFD0];
	v3 =	vbroadcast v36, $0x0;
	v22 =	vbroadcast v36, $0x7;
	[tilespmem:s21+$0x60] =	vst v29  }
0x189: {  	v4 =	vbroadcast v36, $0x1;
	v2 =	vbroadcast v36, $0x2;
	v19 =	vld [tilespmem:s12+$0xFFFFFFE0];
	[tilespmem:s21+$0x70] =	vst v37  }
0x18a: {  	v1 =	vbroadcast v36, $0x3;
	v20 =	vld [tilespmem:s12+$0x0];
	v25 =	vmul.f32 v21, v22;
	v34 =	vpop (erf);
	[tilespmem:s21+$0x90] =	vst v23  }
0x18b: {  	v43 =	vbroadcast v34, $0x0;
	v40 =	vbroadcast v34, $0x1;
	v21 =	vld [tilespmem:s12+$0x10];
	[tilespmem:s21+$0xA0] =	vst v27  }
0x18c: {  	v42 =	vbroadcast v34, $0x2;
	v38 =	vbroadcast v34, $0x3;
	v22 =	vld [tilespmem:s12+$0x20];
	[tilespmem:s12+$0x100] =	vst v25;
	v35 =	vpop (erf)  }
0x18d: {  	v44 =	vbroadcast v34, $0x4;
	v39 =	vbroadcast v34, $0x5;
	v25 =	vld [tilespmem:s12+$0x30];
	v23 =	vpop (erf);
	[tilespmem:s21+$0xB0] =	vst v24  }
0x18e: {  	v62 =	vbroadcast v23, $0x0;
	v58 =	vbroadcast v23, $0x1;
	v26 =	vld [tilespmem:s12+$0x40];
	[tilespmem:s21+$0xC0] =	vst v28  }
0x18f: {  	v61 =	vbroadcast v23, $0x2;
	v57 =	vbroadcast v23, $0x3;
	v33 =	vld [tilespmem:s12+$0x50];
	[tilespmem:s21+$0xD0] =	vst v30  }
0x190: {  	v60 =	vbroadcast v23, $0x4;
	v56 =	vbroadcast v23, $0x5;
	v29 =	vld [tilespmem:s12+$0x60];
	[tilespmem:s21+$0xE0] =	vst v31  }
0x191: {  	v59 =	vbroadcast v23, $0x6;
	v55 =	vbroadcast v23, $0x7;
	v37 =	vld [tilespmem:s12+$0x70];
	[tilespmem:s21+$0xF0] =	vst v32;
	s21 =	smov.u32 s12  }
0x192: {  	v54 =	vbroadcast v34, $0x6;
	v52 =	vbroadcast v34, $0x7;
	[tilespmem:s12+$0xFFFFFF60] =	vst v23;
	v23 =	vld [tilespmem:s12+$0x90]  }
0x193: {  	v53 =	vbroadcast v35, $0x0;
	v50 =	vbroadcast v35, $0x1;
	[tilespmem:s12+$0xFFFFFFF0] =	vst v34;
	v27 =	vld [tilespmem:s12+$0xA0]  }
.Ltmp2:
0x194: {  	v51 =	vbroadcast v35, $0x2;
	v49 =	vbroadcast v35, $0x3;
	[tilespmem:s12+$0x80] =	vst v35;
	v24 =	vld [tilespmem:s12+$0xB0];
	(pc) =	sbr.rel @p1 .LBB2_7-.Ltmp2, $4  }
0x195: {  	v48 =	vbroadcast v35, $0x4;
	v47 =	vbroadcast v35, $0x5;
	[tilespmem:s12+$0x110] =	vst v36;
	v28 =	vld [tilespmem:s12+$0xC0]  }
0x196: {  	v46 =	vbroadcast v35, $0x6;
	v45 =	vbroadcast v35, $0x7;
	v30 =	vld [tilespmem:s12+$0xD0]  }
0x197: {  	v32 =	vbroadcast v36, $0x5;
	v34 =	vbroadcast v36, $0x4;
	v31 =	vld [tilespmem:s12+$0xE0]  }
0x198: {  	v41 =	vmul.f32 v62, v41;
	v36 =	vbroadcast v36, $0x6;
	s12 =	sadd.s32 $0x240, s12;
	v35 =	vld [tilespmem:s21+$0xF0]  }
0x199: {  	v5 =	vmul.f32 v58, v5  }
0x19a: {  	v6 =	vmul.f32 v61, v6;
	[tilespmem:s21+$0xFFFFFEE0] =	vst v41  }
0x19b: {  	v7 =	vmul.f32 v7, v57;
	[tilespmem:s21+$0xFFFFFEF0] =	vst v5  }
0x19c: {  	v63 =	vmul.f32 v9, v60;
	[tilespmem:s21+$0xFFFFFF00] =	vst v6  }
0x19d: {  	v9 =	vmul.f32 v8, v56;
	[tilespmem:s21+$0xFFFFFF10] =	vst v7  }
0x19e: {  	v10 =	vmul.f32 v10, v59;
	[tilespmem:s21+$0xFFFFFF20] =	vst v63  }
0x19f: {  	v11 =	vmul.f32 v11, v55;
	[tilespmem:s21+$0xFFFFFF30] =	vst v9  }
0x1a0: {  	v12 =	vmul.f32 v43, v12;
	[tilespmem:s21+$0xFFFFFF40] =	vst v10  }
0x1a1: {  	v40 =	vmul.f32 v40, v13;
	[tilespmem:s21+$0xFFFFFF50] =	vst v11  }
0x1a2: {  	v43 =	vmul.f32 v17, v44;
	[tilespmem:s21+$0xFFFFFF70] =	vst v12  }
0x1a3: {  	v44 =	vmul.f32 v16, v39;
	[tilespmem:s21+$0xFFFFFF80] =	vst v40  }
0x1a4: {  	v54 =	vmul.f32 v18, v54;
	[tilespmem:s21+$0xFFFFFFB0] =	vst v43  }
0x1a5: {  	v55 =	vmul.f32 v19, v52;
	[tilespmem:s21+$0xFFFFFFC0] =	vst v44  }
0x1a6: {  	v56 =	vmul.f32 v53, v20;
	[tilespmem:s21+$0xFFFFFFD0] =	vst v54  }
0x1a7: {  	v57 =	vmul.f32 v50, v21;
	[tilespmem:s21+$0xFFFFFFE0] =	vst v55  }
0x1a8: {  	v58 =	vmul.f32 v51, v22;
	[tilespmem:s21+$0x0] =	vst v56  }
0x1a9: {  	v59 =	vmul.f32 v25, v49;
	[tilespmem:s21+$0x10] =	vst v57  }
0x1aa: {  	v60 =	vmul.f32 v26, v48;
	[tilespmem:s21+$0x20] =	vst v58  }
0x1ab: {  	v61 =	vmul.f32 v33, v47;
	[tilespmem:s21+$0x30] =	vst v59  }
0x1ac: {  	v62 =	vmul.f32 v29, v46;
	[tilespmem:s21+$0x40] =	vst v60  }
0x1ad: {  	v3 =	vmul.f32 v3, v23;
	[tilespmem:s21+$0x50] =	vst v61  }
0x1ae: {  	v4 =	vmul.f32 v4, v27;
	[tilespmem:s21+$0x60] =	vst v62  }
0x1af: {  	v2 =	vmul.f32 v2, v24;
	[tilespmem:s21+$0x90] =	vst v3  }
0x1b0: {  	v41 =	vmul.f32 v42, v14;
	[tilespmem:s21+$0xA0] =	vst v4  }
0x1b1: {  	v42 =	vmul.f32 v15, v38;
	[tilespmem:s21+$0xB0] =	vst v2  }
0x1b2: {  	v1 =	vmul.f32 v28, v1;
	[tilespmem:s21+$0xFFFFFF90] =	vst v41  }
0x1b3: {  	v63 =	vmul.f32 v37, v45;
	[tilespmem:s21+$0xFFFFFFA0] =	vst v42  }
0x1b4: {  	v3 =	vmul.f32 v30, v34;
	[tilespmem:s21+$0xC0] =	vst v1  }
0x1b5: {  	v2 =	vmul.f32 v31, v32;
	[tilespmem:s21+$0x70] =	vst v63  }
0x1b6: {  	v1 =	vmul.f32 v35, v36;
	[tilespmem:s21+$0xD0] =	vst v3  }
0x1b7: {  	[tilespmem:s21+$0xE0] =	vst v2  }
0x1b8: {  	[tilespmem:s21+$0xF0] =	vst v1  }
0x1b9: {  	v1 =	vld [tilespmem:$0xF0]  }
0x1ba: {  	v2 =	vld [tilespmem:$0x100]  }
0x1bb: {  	v3 =	vld [tilespmem:$0x110]  }
0x1bc: {  	v4 =	vld [tilespmem:$0x120]  }
0x1bd: {  	v5 =	vld [tilespmem:$0x130]  }
0x1be: {  	s12 =	sshll.u32 s19, $0x1;
	[tilespmem:$0x190] =	vst v1  }
0x1bf: {  	s12 =	smin.u32 s12, $0x79;
	[tilespmem:$0x1A0] =	vst v2  }
0x1c0: {  	s12 =	smul.u32 $0x50, s12;
	[tilespmem:$0x1B0] =	vst v3  }
0x1c1: {  	s19 =	sadd.s32 $0x1, s19;
	[tilespmem:$0x1C0] =	vst v4  }
0x1c2: {  	p1 =	sne.s32 s19, $0x3E;
	s12 =	sadd.s32 s12, s23;
	[tilespmem:$0x1D0] =	vst v5  }
0x1c3: {  	[spmem:s1] =	stream.indirect.scatter.add.f32 [tilespmem:s3], [sflag:$0x6], $0x90, s8, s28, $0xb8;
	[tilespmem:$0x1C570] =	vst v63  }
.Ltmp3:
0x1c4: {  	s12 =	sshrl.u32 s12, $0x3;
	(pc) =	sbr.rel @p1 .LBB2_4-.Ltmp3, $4  }
0x1c5: {  	s25 =	sadd.s32 s4, s12  }
0x1c6: {  	[tilespmem:s31], [sflag:$0x4] =	stream.linear.gather [hbm4b:s25+s2], $0x50, $0x38;
	[tilespmem:$0x1C570] =	vst v63  }
0x1c7: {  	s12 =	sadd.s32 s5, s12  }
0x1c8: {  	[tilespmem:s0], [sflag:$0x4] =	stream.linear.gather [hbm4b:s12+s2], $0x50, $0x38;
	[tilespmem:$0x1C570] =	vst v63  }
0x1c9: {  	_ =	swait.ge [sflag:s9], $0x2D00  }
0x1ca: {  	[sflag:s9] =	ssyncset.done $0x0  }
0x1cb: {  	[sflag:s9] =	ssyncadd.s32 $0xFFFFD300  }
0x1cc: {  	_ =	swait.ge [sflag:s9], $0x500  }
0x1cd: {  	[sflag:s9] =	ssyncset.done $0x0  }
0x1ce: {  	[sflag:s9] =	ssyncadd.s32 $0xFFFFFB00  }
0x1cf: {  	_ =	swait.ge [sflag:s10], $0x50  }
0x1d0: {  	[sflag:s10] =	ssyncset.done $0x0  }
0x1d1: {  	[sflag:s10] =	ssyncadd.s32 $0xFFFFFFB0  }
0x1d2: {  	_ =	swait.ge [sflag:s10], $0x50  }
0x1d3: {  	[sflag:s10] =	ssyncset.done $0x0  }
0x1d4: {  	[sflag:s10] =	ssyncadd.s32 $0xFFFFFFB0  }
0x1d5: {  	_ =	swait.ge [sflag:s11], $0x2D00  }
0x1d6: {  	[sflag:s11] =	ssyncset.done $0x0  }
0x1d7: {  	s19 =	simm.s32 $0x300;
	[sflag:s11] =	ssyncadd.s32 $0xFFFFD300  }
0x1d8: {  	s21 =	simm.s32 $0x5C00;
	v1 =	vld [tilespmem:s19+$0x110]  }
0x1d9: {  	v2 =	vld [tilespmem:s21+$0x10]  }
0x1da: {  	v3 =	vld [tilespmem:s21+$0xFFFFFFE0]  }
0x1db: {  	v4 =	vld [tilespmem:s19+$0xFFFFFFF0]  }
0x1dc: {  	v6 =	vld [tilespmem:s21+$0xFFFFFFF0]  }
0x1dd: {  	v8 =	vld [tilespmem:s19+$0x80]  }
0x1de: {  	v9 =	vld [tilespmem:s21+$0x0];
	v1 =	vadd.f32 v2, v1  }
0x1df: {  	v35 =	vld [tilespmem:s19+$0xFFFFFEE0]  }
0x1e0: {  	v5 =	vld [tilespmem:s19+$0xFFFFFEF0];
	v7 =	vmul.f32 $2.000000030e-01, v1  }
0x1e1: {  	v2 =	vld [tilespmem:s19+$0xFFFFFF60]  }
0x1e2: {  	v11 =	vld [tilespmem:s19+$0xFFFFFF50];
	v4 =	vadd.f32 v6, v4;
	v1 =	vmax.f32 v1, v7  }
0x1e3: {  	v13 =	vld [tilespmem:s19+$0xFFFFFF80];
	v1 =	vmul.f32 $1.442695020e+00, v1  }
0x1e4: {  	v14 =	vld [tilespmem:s19+$0xFFFFFF90];
	v10 =	vmul.f32 $2.000000030e-01, v4  }
0x1e5: {  	v15 =	vld [tilespmem:s19+$0xFFFFFFA0];
	(erf) = vpow2.f32 v1  }
0x1e6: {  	v21 =	vld [tilespmem:s19+$0x100];
	v12 =	vadd.f32 v9, v8;
	v2 =	vadd.f32 v3, v2;
	v3 =	vmax.f32 v4, v10  }
0x1e7: {  	v17 =	vld [tilespmem:s19+$0xFFFFFFB0];
	v3 =	vmul.f32 $1.442695020e+00, v3  }
0x1e8: {  	v16 =	vld [tilespmem:s19+$0xFFFFFFC0];
	v4 =	vmul.f32 $2.000000030e-01, v12  }
0x1e9: {  	v18 =	vld [tilespmem:s19+$0xFFFFFFD0];
	v1 =	vmul.f32 $2.000000030e-01, v2;
	(erf) = vpow2.f32 v3  }
0x1ea: {  	v19 =	vld [tilespmem:s19+$0xFFFFFFE0];
	v4 =	vmax.f32 v12, v4  }
0x1eb: {  	v20 =	vld [tilespmem:s19+$0x0];
	v1 =	vmax.f32 v2, v1;
	v2 =	vmul.f32 $1.442695020e+00, v4  }
0x1ec: {  	v25 =	vld [tilespmem:s19+$0x30];
	v1 =	vmul.f32 $1.442695020e+00, v1  }
0x1ed: {  	v26 =	vld [tilespmem:s19+$0x40];
	(erf) = vpow2.f32 v2  }
0x1ee: {  	v33 =	vld [tilespmem:s19+$0x50];
	(erf) = vpow2.f32 v1;
	v36 =	vpop (erf)  }
0x1ef: {  	v29 =	vld [tilespmem:s19+$0x60];
	v3 =	vbroadcast v36, $0x0;
	v22 =	vbroadcast v36, $0x7  }
0x1f0: {  	v27 =	vld [tilespmem:s19+$0xA0];
	v4 =	vbroadcast v36, $0x1;
	v2 =	vbroadcast v36, $0x2  }
0x1f1: {  	v24 =	vld [tilespmem:s19+$0xB0];
	v1 =	vbroadcast v36, $0x3;
	v34 =	vbroadcast v36, $0x4  }
0x1f2: {  	v37 =	vld [tilespmem:s19+$0x70];
	v31 =	vpop (erf);
	[tilespmem:s19+$0x110] =	vst v36;
	v32 =	vbroadcast v36, $0x5;
	v36 =	vbroadcast v36, $0x6  }
0x1f3: {  	v28 =	vld [tilespmem:s19+$0xC0];
	v43 =	vbroadcast v31, $0x0;
	v40 =	vbroadcast v31, $0x1  }
0x1f4: {  	v6 =	vld [tilespmem:s19+$0xFFFFFF00];
	v42 =	vbroadcast v31, $0x2;
	v38 =	vbroadcast v31, $0x3  }
0x1f5: {  	v9 =	vld [tilespmem:s19+$0xFFFFFF20];
	v44 =	vbroadcast v31, $0x4;
	v39 =	vbroadcast v31, $0x5  }
0x1f6: {  	v8 =	vld [tilespmem:s19+$0xFFFFFF30];
	v54 =	vbroadcast v31, $0x6;
	v52 =	vbroadcast v31, $0x7;
	v41 =	vpop (erf)  }
0x1f7: {  	v7 =	vld [tilespmem:s19+$0xFFFFFF10];
	v23 =	vmul.f32 v21, v22;
	v53 =	vbroadcast v41, $0x0  }
0x1f8: {  	v10 =	vld [tilespmem:s19+$0xFFFFFF40];
	v50 =	vbroadcast v41, $0x1;
	v51 =	vbroadcast v41, $0x2  }
0x1f9: {  	v12 =	vld [tilespmem:s19+$0xFFFFFF70];
	v49 =	vbroadcast v41, $0x3;
	v48 =	vbroadcast v41, $0x4  }
0x1fa: {  	[tilespmem:s19+$0xFFFFFFF0] =	vst v31;
	v31 =	vld [tilespmem:s19+$0xE0];
	v30 =	vpop (erf);
	v47 =	vbroadcast v41, $0x5;
	v46 =	vbroadcast v41, $0x6  }
0x1fb: {  	v21 =	vld [tilespmem:s19+$0x10];
	v62 =	vbroadcast v30, $0x0;
	v58 =	vbroadcast v30, $0x1  }
0x1fc: {  	v22 =	vld [tilespmem:s19+$0x20];
	v61 =	vbroadcast v30, $0x2;
	v57 =	vbroadcast v30, $0x3  }
0x1fd: {  	[tilespmem:s19+$0x100] =	vst v23;
	v23 =	vld [tilespmem:s19+$0x90];
	v60 =	vbroadcast v30, $0x4;
	v56 =	vbroadcast v30, $0x5  }
0x1fe: {  	v59 =	vbroadcast v30, $0x6;
	v55 =	vbroadcast v30, $0x7;
	[tilespmem:s19+$0xFFFFFF60] =	vst v30;
	v30 =	vld [tilespmem:s19+$0xD0]  }
0x1ff: {  	s24 =	simm.s32 $0x0;
	s12 =	simm.s32 $0x540;
	v45 =	vbroadcast v41, $0x7;
	[tilespmem:s19+$0x80] =	vst v41;
	v41 =	vmul.f32 v62, v35;
	v35 =	vld [tilespmem:s19+$0xF0]  }
.LBB2_10:
0x200: {  	v62 =	vld [tilespmem:s12+$0x110];
	v5 =	vmul.f32 v58, v5;
	v6 =	vmul.f32 v61, v6;
	s21 =	sadd.s32 $0x40, s21  }
0x201: {  	s24 =	sadd.s32 $0x4, s24;
	v7 =	vmul.f32 v7, v57;
	v9 =	vmul.f32 v9, v60;
	v58 =	vld [tilespmem:s21+$0x10];
	[tilespmem:s19+$0xFFFFFEE0] =	vst v41  }
0x202: {  	p1 =	slt.u32 s24, $0x4C;
	v57 =	vld [tilespmem:s21+$0xFFFFFFE0];
	[tilespmem:s19+$0xFFFFFEF0] =	vst v5;
	v5 =	vmul.f32 v8, v56;
	v8 =	vmul.f32 v10, v59  }
0x203: {  	v10 =	vld [tilespmem:s12+$0xFFFFFFF0];
	[tilespmem:s19+$0xFFFFFF00] =	vst v6;
	v6 =	vmul.f32 v11, v55;
	v11 =	vmul.f32 v43, v12  }
0x204: {  	v12 =	vld [tilespmem:s21+$0xFFFFFFF0];
	[tilespmem:s19+$0xFFFFFF10] =	vst v7;
	v7 =	vmul.f32 v40, v13;
	v13 =	vmul.f32 v42, v14  }
0x205: {  	v15 =	vmul.f32 v15, v38;
	v17 =	vmul.f32 v17, v44;
	v14 =	vld [tilespmem:s12+$0x80];
	[tilespmem:s19+$0xFFFFFF20] =	vst v9  }
0x206: {  	v16 =	vmul.f32 v16, v39;
	v18 =	vmul.f32 v18, v54;
	v9 =	vld [tilespmem:s21+$0x0];
	v38 =	vadd.f32 v58, v62;
	[tilespmem:s19+$0xFFFFFF30] =	vst v5  }
0x207: {  	v19 =	vmul.f32 v19, v52;
	v20 =	vmul.f32 v53, v20;
	v39 =	vld [tilespmem:s12+$0xFFFFFF60];
	[tilespmem:s19+$0xFFFFFF40] =	vst v8  }
0x208: {  	v21 =	vmul.f32 v50, v21;
	v41 =	vld [tilespmem:s12+$0xFFFFFEE0];
	v8 =	vmul.f32 $2.000000030e-01, v38;
	[tilespmem:s19+$0xFFFFFF50] =	vst v6  }
0x209: {  	v22 =	vmul.f32 v51, v22;
	v25 =	vmul.f32 v25, v49;
	v5 =	vld [tilespmem:s12+$0xFFFFFEF0];
	v10 =	vadd.f32 v12, v10;
	[tilespmem:s19+$0xFFFFFF70] =	vst v11  }
0x20a: {  	v26 =	vmul.f32 v26, v48;
	v33 =	vmul.f32 v33, v47;
	v6 =	vld [tilespmem:s12+$0xFFFFFF00];
	v8 =	vmax.f32 v38, v8;
	[tilespmem:s19+$0xFFFFFF80] =	vst v7  }
0x20b: {  	v7 =	vld [tilespmem:s12+$0xFFFFFF10];
	v11 =	vmul.f32 $2.000000030e-01, v10;
	v12 =	vadd.f32 v9, v14;
	v14 =	vmul.f32 $1.442695020e+00, v8;
	[tilespmem:s19+$0xFFFFFF90] =	vst v13  }
0x20c: {  	v29 =	vmul.f32 v29, v46;
	v37 =	vmul.f32 v37, v45;
	v13 =	vadd.f32 v57, v39;
	v9 =	vld [tilespmem:s12+$0xFFFFFF20];
	[tilespmem:s19+$0xFFFFFFA0] =	vst v15  }
0x20d: {  	v8 =	vld [tilespmem:s12+$0xFFFFFF30];
	v11 =	vmax.f32 v10, v11;
	v15 =	vmul.f32 $2.000000030e-01, v12;
	(erf) = vpow2.f32 v14;
	[tilespmem:s19+$0xFFFFFFB0] =	vst v17  }
0x20e: {  	v14 =	vmul.f32 $2.000000030e-01, v13;
	v10 =	vld [tilespmem:s12+$0xFFFFFF40];
	v17 =	vmul.f32 $1.442695020e+00, v11;
	[tilespmem:s19+$0xFFFFFFC0] =	vst v16  }
0x20f: {  	v23 =	vmul.f32 v3, v23;
	v27 =	vmul.f32 v4, v27;
	v11 =	vld [tilespmem:s12+$0xFFFFFF50];
	v15 =	vmax.f32 v12, v15;
	[tilespmem:s19+$0xFFFFFFD0] =	vst v18  }
0x210: {  	v3 =	vmax.f32 v13, v14;
	v12 =	vld [tilespmem:s12+$0xFFFFFF70];
	v4 =	vmul.f32 $1.442695020e+00, v15;
	(erf) = vpow2.f32 v17;
	[tilespmem:s19+$0xFFFFFFE0] =	vst v19  }
0x211: {  	v24 =	vmul.f32 v2, v24;
	v3 =	vmul.f32 $1.442695020e+00, v3;
	v13 =	vld [tilespmem:s12+$0xFFFFFF80];
	[tilespmem:s19+$0x0] =	vst v20  }
0x212: {  	v28 =	vmul.f32 v28, v1;
	v14 =	vld [tilespmem:s12+$0xFFFFFF90];
	(erf) = vpow2.f32 v4;
	[tilespmem:s19+$0x10] =	vst v21  }
0x213: {  	v30 =	vmul.f32 v30, v34;
	v15 =	vld [tilespmem:s12+$0xFFFFFFA0];
	(erf) = vpow2.f32 v3;
	[tilespmem:s19+$0x20] =	vst v22  }
0x214: {  	v31 =	vmul.f32 v31, v32;
	v32 =	vmul.f32 v35, v36;
	v21 =	vld [tilespmem:s12+$0x100];
	[tilespmem:s19+$0x30] =	vst v25  }
0x215: {  	v17 =	vld [tilespmem:s12+$0xFFFFFFB0];
	[tilespmem:s19+$0x40] =	vst v26  }
0x216: {  	v16 =	vld [tilespmem:s12+$0xFFFFFFC0];
	v36 =	vpop (erf);
	[tilespmem:s19+$0x50] =	vst v33  }
0x217: {  	v18 =	vld [tilespmem:s12+$0xFFFFFFD0];
	v3 =	vbroadcast v36, $0x0;
	v22 =	vbroadcast v36, $0x7;
	[tilespmem:s19+$0x60] =	vst v29  }
0x218: {  	v4 =	vbroadcast v36, $0x1;
	v2 =	vbroadcast v36, $0x2;
	v19 =	vld [tilespmem:s12+$0xFFFFFFE0];
	[tilespmem:s19+$0x70] =	vst v37  }
0x219: {  	v1 =	vbroadcast v36, $0x3;
	v20 =	vld [tilespmem:s12+$0x0];
	v25 =	vmul.f32 v21, v22;
	v34 =	vpop (erf);
	[tilespmem:s19+$0x90] =	vst v23  }
0x21a: {  	v43 =	vbroadcast v34, $0x0;
	v40 =	vbroadcast v34, $0x1;
	v21 =	vld [tilespmem:s12+$0x10];
	[tilespmem:s19+$0xA0] =	vst v27  }
0x21b: {  	v42 =	vbroadcast v34, $0x2;
	v38 =	vbroadcast v34, $0x3;
	v22 =	vld [tilespmem:s12+$0x20];
	[tilespmem:s12+$0x100] =	vst v25;
	v35 =	vpop (erf)  }
0x21c: {  	v44 =	vbroadcast v34, $0x4;
	v39 =	vbroadcast v34, $0x5;
	v25 =	vld [tilespmem:s12+$0x30];
	v23 =	vpop (erf);
	[tilespmem:s19+$0xB0] =	vst v24  }
0x21d: {  	v62 =	vbroadcast v23, $0x0;
	v58 =	vbroadcast v23, $0x1;
	v26 =	vld [tilespmem:s12+$0x40];
	[tilespmem:s19+$0xC0] =	vst v28  }
0x21e: {  	v61 =	vbroadcast v23, $0x2;
	v57 =	vbroadcast v23, $0x3;
	v33 =	vld [tilespmem:s12+$0x50];
	[tilespmem:s19+$0xD0] =	vst v30  }
0x21f: {  	v60 =	vbroadcast v23, $0x4;
	v56 =	vbroadcast v23, $0x5;
	v29 =	vld [tilespmem:s12+$0x60];
	[tilespmem:s19+$0xE0] =	vst v31  }
0x220: {  	v59 =	vbroadcast v23, $0x6;
	v55 =	vbroadcast v23, $0x7;
	v37 =	vld [tilespmem:s12+$0x70];
	[tilespmem:s19+$0xF0] =	vst v32;
	s19 =	smov.u32 s12  }
0x221: {  	v54 =	vbroadcast v34, $0x6;
	v52 =	vbroadcast v34, $0x7;
	[tilespmem:s12+$0xFFFFFF60] =	vst v23;
	v23 =	vld [tilespmem:s12+$0x90]  }
0x222: {  	v53 =	vbroadcast v35, $0x0;
	v50 =	vbroadcast v35, $0x1;
	[tilespmem:s12+$0xFFFFFFF0] =	vst v34;
	v27 =	vld [tilespmem:s12+$0xA0]  }
.Ltmp4:
0x223: {  	v51 =	vbroadcast v35, $0x2;
	v49 =	vbroadcast v35, $0x3;
	[tilespmem:s12+$0x80] =	vst v35;
	v24 =	vld [tilespmem:s12+$0xB0];
	(pc) =	sbr.rel @p1 .LBB2_10-.Ltmp4, $4  }
0x224: {  	v48 =	vbroadcast v35, $0x4;
	v47 =	vbroadcast v35, $0x5;
	[tilespmem:s12+$0x110] =	vst v36;
	v28 =	vld [tilespmem:s12+$0xC0]  }
0x225: {  	v46 =	vbroadcast v35, $0x6;
	v45 =	vbroadcast v35, $0x7;
	v30 =	vld [tilespmem:s12+$0xD0]  }
0x226: {  	v32 =	vbroadcast v36, $0x5;
	v34 =	vbroadcast v36, $0x4;
	v31 =	vld [tilespmem:s12+$0xE0]  }
0x227: {  	v41 =	vmul.f32 v62, v41;
	v36 =	vbroadcast v36, $0x6;
	s12 =	sadd.s32 $0x240, s12;
	v35 =	vld [tilespmem:s19+$0xF0]  }
0x228: {  	v5 =	vmul.f32 v58, v5  }
0x229: {  	v6 =	vmul.f32 v61, v6;
	[tilespmem:s19+$0xFFFFFEE0] =	vst v41  }
0x22a: {  	v7 =	vmul.f32 v7, v57;
	[tilespmem:s19+$0xFFFFFEF0] =	vst v5  }
0x22b: {  	v63 =	vmul.f32 v9, v60;
	[tilespmem:s19+$0xFFFFFF00] =	vst v6  }
0x22c: {  	v9 =	vmul.f32 v8, v56;
	[tilespmem:s19+$0xFFFFFF10] =	vst v7  }
0x22d: {  	v10 =	vmul.f32 v10, v59;
	[tilespmem:s19+$0xFFFFFF20] =	vst v63  }
0x22e: {  	v11 =	vmul.f32 v11, v55;
	[tilespmem:s19+$0xFFFFFF30] =	vst v9  }
0x22f: {  	v12 =	vmul.f32 v43, v12;
	[tilespmem:s19+$0xFFFFFF40] =	vst v10  }
0x230: {  	v40 =	vmul.f32 v40, v13;
	[tilespmem:s19+$0xFFFFFF50] =	vst v11  }
0x231: {  	v43 =	vmul.f32 v17, v44;
	[tilespmem:s19+$0xFFFFFF70] =	vst v12  }
0x232: {  	v44 =	vmul.f32 v16, v39;
	[tilespmem:s19+$0xFFFFFF80] =	vst v40  }
0x233: {  	v54 =	vmul.f32 v18, v54;
	[tilespmem:s19+$0xFFFFFFB0] =	vst v43  }
0x234: {  	v55 =	vmul.f32 v19, v52;
	[tilespmem:s19+$0xFFFFFFC0] =	vst v44  }
0x235: {  	v56 =	vmul.f32 v53, v20;
	[tilespmem:s19+$0xFFFFFFD0] =	vst v54  }
0x236: {  	v57 =	vmul.f32 v50, v21;
	[tilespmem:s19+$0xFFFFFFE0] =	vst v55  }
0x237: {  	v58 =	vmul.f32 v51, v22;
	[tilespmem:s19+$0x0] =	vst v56  }
0x238: {  	v59 =	vmul.f32 v25, v49;
	[tilespmem:s19+$0x10] =	vst v57  }
0x239: {  	v60 =	vmul.f32 v26, v48;
	[tilespmem:s19+$0x20] =	vst v58  }
0x23a: {  	v61 =	vmul.f32 v33, v47;
	[tilespmem:s19+$0x30] =	vst v59  }
0x23b: {  	v62 =	vmul.f32 v29, v46;
	[tilespmem:s19+$0x40] =	vst v60  }
0x23c: {  	v3 =	vmul.f32 v3, v23;
	[tilespmem:s19+$0x50] =	vst v61  }
0x23d: {  	v4 =	vmul.f32 v4, v27;
	[tilespmem:s19+$0x60] =	vst v62  }
0x23e: {  	v2 =	vmul.f32 v2, v24;
	[tilespmem:s19+$0x90] =	vst v3  }
0x23f: {  	v41 =	vmul.f32 v42, v14;
	[tilespmem:s19+$0xA0] =	vst v4  }
0x240: {  	v42 =	vmul.f32 v15, v38;
	[tilespmem:s19+$0xB0] =	vst v2  }
0x241: {  	v1 =	vmul.f32 v28, v1;
	[tilespmem:s19+$0xFFFFFF90] =	vst v41  }
0x242: {  	v63 =	vmul.f32 v37, v45;
	[tilespmem:s19+$0xFFFFFFA0] =	vst v42  }
0x243: {  	v3 =	vmul.f32 v30, v34;
	[tilespmem:s19+$0xC0] =	vst v1  }
0x244: {  	v2 =	vmul.f32 v31, v32;
	[tilespmem:s19+$0x70] =	vst v63  }
0x245: {  	v1 =	vmul.f32 v35, v36;
	[tilespmem:s19+$0xD0] =	vst v3  }
0x246: {  	[tilespmem:s19+$0xE0] =	vst v2  }
0x247: {  	[tilespmem:s19+$0xF0] =	vst v1  }
0x248: {  	[spmem:s1] =	stream.indirect.scatter.add.f32 [tilespmem:s29], [sflag:$0x7], $0x90, s28, s28, $0xb8;
	[tilespmem:$0x1C570] =	vst v63  }
0x249: {  	_ =	swait.ge [sflag:s26], $0x2D00  }
0x24a: {  	[sflag:s26] =	ssyncset.done $0x0  }
0x24b: {  	[sflag:s26] =	ssyncadd.s32 $0xFFFFD300  }
0x24c: {  	s12 =	stileid.u32;
	[bflag:$0x0] =	sbarrier.arrive $0xFFFF  }
0x24d: {  	s12 =	sshll.u32 s12, $0x6;
	s21 =	rddreg [dreg:$0xe]  }
0x24e: {  	s12 =	sor.u32 $0x1C07, s12;
	s24 =	rddreg [dreg:$0xf];
	s25 =	sshrl.u32 s21, $0x3  }
0x24f: {  	[hbm:s24], [sflag:s12] =	dma.local [spmem:s25], $0x2BE0  }
0x250: {  	_ =	swait.ge [sflag:s26], $0x2BE0  }
0x251: {  	s19 =	sshrl.u32 @!p0 s20, $0x3;
	[sflag:s26] =	ssyncset.done $0x0  }
0x252: {  	s24 =	smov.u32 s20;
	s20 =	rddreg [dreg:$0x10];
	[sflag:s26] =	ssyncadd.s32 $0xFFFFD420  }
0x253: {  	[hbm:s20], [sflag:s12] =	dma.local @!p0 [spmem:s19], $0x120  }
0x254: {  	s12 =	simm.s32 @!p0 $0x7  }
0x255: {  	_ =	swait.ge @!p0 [sflag:s12], $0x120  }
0x256: {  	s18 =	sadd.s32 $0x1, s18;
	s25 =	rddreg [dreg:$0x11]  }
0x257: {  	p1 =	sne.s32 s18, s25  }
.Ltmp5:
0x258: {  	_ = 	snop;
	(pc) =	sbr.rel @p1 .LBB2_1-.Ltmp5, $3  }
0x259: {  	_ =	sdelay $0x1  }
0x25a: {  	[sflag:s12] =	ssyncset.done @!p0 $0x0  }
0x25b: {  	[sflag:s12] =	ssyncadd.s32 @!p0 $0xFFFFFEE0  }
0x25c: {  	_ =	sfence.sel $0x180000  }
0x25d: {  	[bflag:$0x0] =	sbarrier.arrive $0xFFFF  }
0x25e: {  	_ =	strace $0x90000047  }
0x25f: {  	s0 =	stileid.u32;
	[bflag:$0x2] =	sbarrier.arrive $0xFFFF  }
0x260: {  	p0 =	sne.s32 s0, $0x0;
	s0 =	rddreg [dreg:$0x2]  }
0x261: {  	s0 =	sadd.s32 @!p0 $0x100000, s0  }
0x262: {  	[sflag:s0] =	ssyncadd.tile.s32 @!p0 $0x1;
	_ =	shalt  }
.Lfunc_end2:
_tile_overlayer_lowered:
.L_overlay_start_2:
0x263: {  	(tag) =	ssettag $0x2  }
0x264: {  	s0 =	rddreg [dreg:$0x0];
	s2 =	stileid.u32  }
0x265: {  	s1 =	rddreg [dreg:$0x1];
	p0 =	sne.s32 s2, $0x0  }
0x266: {  	s3 =	rddreg [dreg:$0x2];
	[bflag:$0x3] =	sbarrier.arrive $0xFFFF;
	s2 =	simm.s32 @!p0 $0x1C07  }
0x267: {  	[timem:s3], [sflag:s2] =	dma.local @!p0 [hbm:s0], s1  }
0x268: {  	s0 =	simm.s32 @!p0 $0x7  }
0x269: {  	_ =	swait.ge @!p0 [sflag:s0], s1  }
0x26a: {  	s1 =	ssub.s32 @!p0 $0x0, s1;
	[sflag:s0] =	ssyncset.done @!p0 $0x0  }
0x26b: {  	[sflag:s0] =	ssyncadd.s32 @!p0 s1  }
0x26c: {  	[bflag:$0x3] =	sbarrier.arrive $0xFFFF  }
0x26d: {  	_ =	shalt  }

</sc_bundles>
